<compile_context>
chip_gen: v7x
topology: tpu7x:2x2x1
jax: 0.10.2.dev20260603
libtpu: 0.0.44.dev20260713+nightly
codegen_flags: <defaults>
</compile_context>

<pallas_src>
import jax
import jax.numpy as jnp
from jax import lax
from jax.experimental import pallas as pl
from jax.experimental.pallas import tpu as pltpu
from jax.experimental.pallas import tpu_sc as plsc

H = 16
DU = 512
D = 1024
B = 128
NB = D // B
K = 8
_PREC = lax.Precision.HIGHEST



def _bmm(x, y):
    return lax.dot_general(
        x, y, (((2,), (1,)), ((0,), (0,))), precision=_PREC,
        preferred_element_type=jnp.float32)


W = 32
NIB = B // W


def _diag_factor_body(a_ref, tinv_ref, a_s, rt_s):
    a_s[...] = a_ref[...]

    iota_r = lax.broadcasted_iota(jnp.int32, (1, B, 1), 1)
    iota_c = lax.broadcasted_iota(jnp.int32, (1, 1, B), 2)
    iota_w = lax.broadcasted_iota(jnp.int32, (1, W, 1), 1)

    for ib in range(NIB):
        sd = B - (ib + 1) * W
        rt_s[:, sd:sd + W, :] = jnp.where(
            iota_c < sd + W, a_s[:, sd:sd + W, :], 0.0)

        def inner(jj, _, sd=sd):
            pan = rt_s[:, sd:sd + W, :]
            j = W - 1 - jj
            g = sd + j
            colsel = iota_c == g
            subsel = iota_w == j
            colv = jnp.sum(jnp.where(subsel, pan, 0.0), axis=1, keepdims=True)
            d = jnp.sum(jnp.where(colsel, colv, 0.0), axis=2, keepdims=True)
            rs = lax.rsqrt(d)
            urow = jnp.where(iota_c <= g, colv * rs, 0.0)
            usubraw = jnp.sum(jnp.where(colsel, pan, 0.0), axis=2,
                              keepdims=True)
            usub = jnp.where(iota_w < j, usubraw * rs, 0.0)
            upd = pan - usub * urow
            rt_s[:, sd:sd + W, :] = jnp.where(subsel, urow, upd)
            return 0

        lax.fori_loop(0, W, inner, 0)

        if sd > 0:
            panf = rt_s[:, sd:sd + W, :]
            a_s[:, :, :sd] = a_s[:, :, :sd] - lax.dot_general(
                panf, panf[:, :, :sd], (((1,), (1,)), ((0,), (0,))),
                precision=_PREC, preferred_element_type=jnp.float32)

    rt = rt_s[...]
    eye = jnp.where(iota_r == iota_c, 1.0, 0.0)
    diag = jnp.sum(jnp.where(iota_r == iota_c, rt, 0.0), axis=2)
    n = rt / diag[:, :, None] - eye
    p = eye - n
    m = n
    for _ in range(6):
        m = _bmm(m, m)
        p = _bmm(p, eye + m)
    tinv_ref[...] = p / diag[:, None, :]


def _panel_update_body(t_ref, tinv_ref, p_ref, tout_ref):
    mm = t_ref.shape[1]
    pr = t_ref[0, :mm - B, mm - B:]
    g = tinv_ref[0]
    p = lax.dot_general(
        pr, g, (((1,), (0,)), ((), ())), precision=_PREC,
        preferred_element_type=jnp.float32)
    p_ref[0] = p
    tout_ref[0] = t_ref[0, :mm - B, :mm - B] - lax.dot_general(
        p, p, (((1,), (1,)), ((), ())), precision=_PREC,
        preferred_element_type=jnp.float32)


def _solve_logits_body(*refs):
    panel_refs = refs[:NB - 1]
    tinv_refs = refs[NB - 1:2 * NB - 1]
    z_ref, mean_ref, phi_ref = refs[2 * NB - 1:2 * NB + 2]
    out_ref = refs[2 * NB + 2]

    y = {}
    for k in range(NB):
        acc = z_ref[0, :, k * B:(k + 1) * B]
        for j in range(k):
            ujk = panel_refs[k - 1][0, j * B:(j + 1) * B, :]
            acc = acc - lax.dot_general(
                y[j], ujk, (((1,), (0,)), ((), ())), precision=_PREC,
                preferred_element_type=jnp.float32)
        y[k] = lax.dot_general(
            acc, tinv_refs[k][0], (((1,), (1,)), ((), ())), precision=_PREC,
            preferred_element_type=jnp.float32)

    logit = jnp.sum(phi_ref[0] * mean_ref[0])
    for k in range(NB):
        logit = logit + jnp.sum(phi_ref[0, :, k * B:(k + 1) * B] * y[k])
    pclick = 1.0 / (1.0 + jnp.exp(-logit))
    out_ref[...] = jnp.full((1, 1, B), pclick, jnp.float32)



def _sc_topk_body(p_hbm, out_hbm, p_v, o_v):
    cid = lax.axis_index("c")
    sid = lax.axis_index("s")

    @pl.when(jnp.logical_and(cid == 0, sid == 0))
    def _():
        pltpu.sync_copy(p_hbm, p_v)
        p = p_v[...]
        io = lax.iota(jnp.int32, 16)
        rank = jnp.zeros((16,), jnp.int32)
        for j in range(H):
            pj = jnp.sum(jnp.where(io == j, p, 0.0))
            beats = jnp.logical_or(
                pj > p, jnp.logical_and(pj == p, io > j))
            rank = rank + jnp.where(beats, 1, 0)
        o_v[...] = jnp.where(rank < K, 1.0, 0.0).astype(jnp.float32)
        pltpu.sync_copy(o_v, out_hbm)


def _topk_mask_sc(pclick):
    mesh = plsc.VectorSubcoreMesh(core_axis_name="c", subcore_axis_name="s")
    f = pl.kernel(
        _sc_topk_body, mesh=mesh,
        out_type=jax.ShapeDtypeStruct((H,), jnp.float32),
        scratch_types=[pltpu.VMEM((16,), jnp.float32),
                       pltpu.VMEM((16,), jnp.float32)],
        compiler_params=pltpu.CompilerParams(needs_layout_passes=False))
    return f(pclick)



def _factorize(t):
    panels = [None] * NB
    tinvs = [None] * NB
    for k in range(NB - 1, -1, -1):
        m = (k + 1) * B
        tinvs[k] = pl.pallas_call(
            _diag_factor_body,
            grid=(1,),
            in_specs=[pl.BlockSpec((H, B, B), lambda i, k=k: (0, k, k))],
            out_specs=pl.BlockSpec((H, B, B), lambda i: (0, 0, 0)),
            out_shape=jax.ShapeDtypeStruct((H, B, B), jnp.float32),
            scratch_shapes=[pltpu.VMEM((H, B, B), jnp.float32),
                            pltpu.VMEM((H, B, B), jnp.float32)],
        )(t)
        if k > 0:
            panels[k], t = pl.pallas_call(
                _panel_update_body,
                grid=(H,),
                in_specs=[pl.BlockSpec((1, m, m), lambda h: (h, 0, 0)),
                          pl.BlockSpec((1, B, B), lambda h: (h, 0, 0))],
                out_specs=[
                    pl.BlockSpec((1, m - B, B), lambda h: (h, 0, 0)),
                    pl.BlockSpec((1, m - B, m - B), lambda h: (h, 0, 0)),
                ],
                out_shape=[
                    jax.ShapeDtypeStruct((H, m - B, B), jnp.float32),
                    jax.ShapeDtypeStruct((H, m - B, m - B), jnp.float32),
                ],
            )(t, tinvs[k])
    return panels, tinvs


def _solve_and_logits(panels, tinvs, z3, mean, phi):
    in_specs = []
    for k in range(1, NB):
        in_specs.append(
            pl.BlockSpec((1, k * B, B), lambda h: (h, 0, 0)))
    for _ in range(NB):
        in_specs.append(pl.BlockSpec((1, B, B), lambda h: (h, 0, 0)))
    for _ in range(3):
        in_specs.append(pl.BlockSpec((1, 1, D), lambda h: (h, 0, 0)))
    out = pl.pallas_call(
        _solve_logits_body,
        grid=(H,),
        in_specs=in_specs,
        out_specs=pl.BlockSpec((1, 1, B), lambda h: (h, 0, 0)),
        out_shape=jax.ShapeDtypeStruct((H, 1, B), jnp.float32),
    )(*panels[1:], *tinvs, z3, mean, phi)
    return out[:, 0, 0]


def kernel(mean, va, xt, action):
    mean = mean.astype(jnp.float32)
    va = va.astype(jnp.float32)
    xt = xt.astype(jnp.float32)
    action = action.astype(jnp.float32)

    z = jax.random.normal(jax.random.key(42), (H, D), dtype=jnp.float32)
    z3 = z.reshape(H, 1, D)

    phi = jnp.concatenate(
        [jnp.broadcast_to(xt[None, :], (H, DU)), action], axis=1)
    phi3 = phi.reshape(H, 1, D)
    mean3 = mean.reshape(H, 1, D)

    panels, tinvs = _factorize(va)
    pclick = _solve_and_logits(panels, tinvs, z3, mean3, phi3)
    return _topk_mask_sc(pclick)

# --- scband reference (transcript-rebuilt; emitter-appended) ---
"""Pipeline reference for scband-clickp-67345087201386 (READ-ONLY COPY).

The authoritative reference and input builder live on the scoring server;
editing this copy changes nothing except your own understanding.
"""

import jax, jax.numpy as jnp
import numpy as np

DUSER = 512
DACTION = 512
HEADS = 16
K = 8
D = DUSER + DACTION


def setup_inputs(seed: int = 0) -> dict:
    key = jax.random.key(seed)
    k1, k2, k3, k4 = jax.random.split(key, 4)
    mean = jax.random.normal(k1, (HEADS, D), dtype=jnp.float32)
    # va must be symmetric positive definite (it is inverted and used as a
    # precision matrix for multivariate_normal with check 'raise' in torch/np).
    A = jax.random.normal(k2, (HEADS, D, D), dtype=jnp.float32)
    va = jnp.matmul(A, jnp.swapaxes(A, -1, -2)) / D + jnp.eye(D, dtype=jnp.float32)[None, :, :]
    xt = jax.random.normal(k3, (DUSER,), dtype=jnp.float32)
    # learned per-head action embeddings (self.action in the torch module)
    action = jax.random.normal(k4, (HEADS, DACTION), dtype=jnp.float32)
    return {"mean": mean, "va": va, "xt": xt, "action": action}


def reference(mean, va, xt, action):
    # phi[i] = concat(xt, action[i])  -> [HEADS, D]
    phi = jnp.concatenate(
        [jnp.broadcast_to(xt[None, :], (HEADS, DUSER)), action], axis=1
    )
    # w[i] ~ N(mean[i], inv(va[i]))  (Thompson sample of per-head weights)
    cov = jnp.linalg.inv(va)
    cov = 0.5 * (cov + jnp.swapaxes(cov, -1, -2))  # symmetrize for cholesky
    w = jax.random.multivariate_normal(jax.random.key(42), mean, cov, dtype=jnp.float32)
    # pclick[i] = sigmoid(phi[i] . w[i])
    logits = jnp.sum(phi * w, axis=1)
    pclick = 1.0 / (1.0 + jnp.exp(-logits))
    # mindex: indices of the top-K pclick values; encoder: binary mask over heads
    _, idx = jax.lax.top_k(pclick, K)
    subset = jnp.zeros((HEADS,), dtype=jnp.float32).at[idx].set(1.0)
    return subset

if __name__ == "__main__":
    import jax
    _d = setup_inputs()
    print(jax.jit(kernel)(*tuple(_d.values())))

</pallas_src>

<mosaic_0001>
#map = affine_map<(d0, d1) -> (0)>
module attributes {stable_mosaic.version = 14 : i64} {
  func.func @_sc_topk_body(%arg0: i32, %arg1: i32, %arg2: memref<16xf32, #tpu.memory_space<hbm>>, %arg3: memref<16xf32, #tpu.memory_space<hbm>>, %arg4: memref<16xf32, #tpu.memory_space<vmem>>, %arg5: memref<16xf32, #tpu.memory_space<vmem>>) attributes {dimension_semantics = [#tpu.dimension_semantics<core_parallel>, #tpu.dimension_semantics<subcore_parallel>], iteration_bounds = array<i64: 2, 16>, scalar_prefetch = 0 : i64, scratch_operands = 2 : i64, tpu.core_type = #tpu.core_type<sc_vector_subcore>, window_params = [{transform_indices = #map}, {transform_indices = #map}]} {
    %eq3A = arith.constant 0 : i32
    %eq3A_0 = arith.cmpi eq, %arg0, %eq3A : i32
    %eq3A_1 = arith.constant 0 : i32
    %eq3A_2 = arith.cmpi eq, %arg1, %eq3A_1 : i32
    %and3A = arith.andi %eq3A_0, %eq3A_2 : i1
    %convert_element_type3A = arith.extui %and3A : i1 to i32
    %cond3A = arith.constant 0 : i32
    %cond3A_3 = arith.cmpi ne, %convert_element_type3A, %cond3A : i32
    scf.if %cond3A_3 {
      "tpu.region"() ({
        %run_scoped3A = tpu.sem_alloc : memref<!tpu.dma_semaphore, #tpu.memory_space<semaphore_mem>>
        tpu.enqueue_dma source(%arg2 : memref<16xf32, #tpu.memory_space<hbm>>) target(%arg4 : memref<16xf32, #tpu.memory_space<vmem>>) target_semaphore(%run_scoped3A : memref<!tpu.dma_semaphore, #tpu.memory_space<semaphore_mem>>)
        tpu.wait_dma2 semaphore(%run_scoped3A : memref<!tpu.dma_semaphore, #tpu.memory_space<semaphore_mem>>) src(%arg2 : memref<16xf32, #tpu.memory_space<hbm>>) dst(%arg4 : memref<16xf32, #tpu.memory_space<vmem>>)
        tpu.yield
      }) : () -> ()
      %get3A = arith.constant 0 : index
      %get3A_4 = tpu.vector_load %arg4[%get3A] {strides = array<i32>} : memref<16xf32, #tpu.memory_space<vmem>>, vector<16xf32>,
      %iota3A = tpu.iota {dimensions = array<i32: 0>} : vector<16xi32>
      %broadcast_in_dim3A = arith.constant 0 : i32
      %broadcast_in_dim3A_5 = vector.broadcast %broadcast_in_dim3A : i32 to vector<16xi32>
      %eq3A_6 = arith.constant 0 : i32
      %eq3A_7 = vector.broadcast %eq3A_6 : i32 to vector<16xi32>
      %eq3A_8 = arith.cmpi eq, %iota3A, %eq3A_7 : vector<16xi32>
      %jit3A = arith.constant 0.000000e+00 : f32
      %broadcast_in_dim3A_9 = vector.broadcast %jit3A : f32 to vector<16xf32>
      %select_n3A = arith.select %eq3A_8, %get3A_4, %broadcast_in_dim3A_9 : vector<16xi1>, vector<16xf32>
      %reduce_sum3A = arith.constant true
      %reduce_sum3A_10 = vector.broadcast %reduce_sum3A : i1 to vector<16xi1>
      %reduce_sum3A_11 = tpu.scan <sum>, %select_n3A masked %reduce_sum3A_10 : vector<16xf32>, vector<16xi1> -> vector<16xf32>
      %reduce_sum3A_12 = vector.extract %reduce_sum3A_11[15] : f32 from vector<16xf32>
      %gt3A = vector.broadcast %reduce_sum3A_12 : f32 to vector<16xf32>
      %gt3A_13 = arith.cmpf ogt, %gt3A, %get3A_4 : vector<16xf32>
      %eq3A_14 = vector.broadcast %reduce_sum3A_12 : f32 to vector<16xf32>
      %eq3A_15 = arith.cmpf oeq, %eq3A_14, %get3A_4 : vector<16xf32>
      %gt3A_16 = arith.constant 0 : i32
      %gt3A_17 = vector.broadcast %gt3A_16 : i32 to vector<16xi32>
      %gt3A_18 = arith.cmpi sgt, %iota3A, %gt3A_17 : vector<16xi32>
      %and3A_19 = arith.andi %eq3A_15, %gt3A_18 : vector<16xi1>
      %or3A = arith.ori %gt3A_13, %and3A_19 : vector<16xi1>
      %jit3A_20 = arith.constant 1 : i32
      %jit3A_21 = arith.constant 0 : i32
      %broadcast_in_dim3A_22 = vector.broadcast %jit3A_20 : i32 to vector<16xi32>
      %broadcast_in_dim3A_23 = vector.broadcast %jit3A_21 : i32 to vector<16xi32>
      %select_n3A_24 = arith.select %or3A, %broadcast_in_dim3A_22, %broadcast_in_dim3A_23 : vector<16xi1>, vector<16xi32>
      %add3A = arith.addi %broadcast_in_dim3A_5, %select_n3A_24 : vector<16xi32>
      %eq3A_25 = arith.constant 1 : i32
      %eq3A_26 = vector.broadcast %eq3A_25 : i32 to vector<16xi32>
      %eq3A_27 = arith.cmpi eq, %iota3A, %eq3A_26 : vector<16xi32>
      %jit3A_28 = arith.constant 0.000000e+00 : f32
      %broadcast_in_dim3A_29 = vector.broadcast %jit3A_28 : f32 to vector<16xf32>
      %select_n3A_30 = arith.select %eq3A_27, %get3A_4, %broadcast_in_dim3A_29 : vector<16xi1>, vector<16xf32>
      %reduce_sum3A_31 = arith.constant true
      %reduce_sum3A_32 = vector.broadcast %reduce_sum3A_31 : i1 to vector<16xi1>
      %reduce_sum3A_33 = tpu.scan <sum>, %select_n3A_30 masked %reduce_sum3A_32 : vector<16xf32>, vector<16xi1> -> vector<16xf32>
      %reduce_sum3A_34 = vector.extract %reduce_sum3A_33[15] : f32 from vector<16xf32>
      %gt3A_35 = vector.broadcast %reduce_sum3A_34 : f32 to vector<16xf32>
      %gt3A_36 = arith.cmpf ogt, %gt3A_35, %get3A_4 : vector<16xf32>
      %eq3A_37 = vector.broadcast %reduce_sum3A_34 : f32 to vector<16xf32>
      %eq3A_38 = arith.cmpf oeq, %eq3A_37, %get3A_4 : vector<16xf32>
      %gt3A_39 = arith.constant 1 : i32
      %gt3A_40 = vector.broadcast %gt3A_39 : i32 to vector<16xi32>
      %gt3A_41 = arith.cmpi sgt, %iota3A, %gt3A_40 : vector<16xi32>
      %and3A_42 = arith.andi %eq3A_38, %gt3A_41 : vector<16xi1>
      %or3A_43 = arith.ori %gt3A_36, %and3A_42 : vector<16xi1>
      %jit3A_44 = arith.constant 1 : i32
      %jit3A_45 = arith.constant 0 : i32
      %broadcast_in_dim3A_46 = vector.broadcast %jit3A_44 : i32 to vector<16xi32>
      %broadcast_in_dim3A_47 = vector.broadcast %jit3A_45 : i32 to vector<16xi32>
      %select_n3A_48 = arith.select %or3A_43, %broadcast_in_dim3A_46, %broadcast_in_dim3A_47 : vector<16xi1>, vector<16xi32>
      %add3A_49 = arith.addi %add3A, %select_n3A_48 : vector<16xi32>
      %eq3A_50 = arith.constant 2 : i32
      %eq3A_51 = vector.broadcast %eq3A_50 : i32 to vector<16xi32>
      %eq3A_52 = arith.cmpi eq, %iota3A, %eq3A_51 : vector<16xi32>
      %jit3A_53 = arith.constant 0.000000e+00 : f32
      %broadcast_in_dim3A_54 = vector.broadcast %jit3A_53 : f32 to vector<16xf32>
      %select_n3A_55 = arith.select %eq3A_52, %get3A_4, %broadcast_in_dim3A_54 : vector<16xi1>, vector<16xf32>
      %reduce_sum3A_56 = arith.constant true
      %reduce_sum3A_57 = vector.broadcast %reduce_sum3A_56 : i1 to vector<16xi1>
      %reduce_sum3A_58 = tpu.scan <sum>, %select_n3A_55 masked %reduce_sum3A_57 : vector<16xf32>, vector<16xi1> -> vector<16xf32>
      %reduce_sum3A_59 = vector.extract %reduce_sum3A_58[15] : f32 from vector<16xf32>
      %gt3A_60 = vector.broadcast %reduce_sum3A_59 : f32 to vector<16xf32>
      %gt3A_61 = arith.cmpf ogt, %gt3A_60, %get3A_4 : vector<16xf32>
      %eq3A_62 = vector.broadcast %reduce_sum3A_59 : f32 to vector<16xf32>
      %eq3A_63 = arith.cmpf oeq, %eq3A_62, %get3A_4 : vector<16xf32>
      %gt3A_64 = arith.constant 2 : i32
      %gt3A_65 = vector.broadcast %gt3A_64 : i32 to vector<16xi32>
      %gt3A_66 = arith.cmpi sgt, %iota3A, %gt3A_65 : vector<16xi32>
      %and3A_67 = arith.andi %eq3A_63, %gt3A_66 : vector<16xi1>
      %or3A_68 = arith.ori %gt3A_61, %and3A_67 : vector<16xi1>
      %jit3A_69 = arith.constant 1 : i32
      %jit3A_70 = arith.constant 0 : i32
      %broadcast_in_dim3A_71 = vector.broadcast %jit3A_69 : i32 to vector<16xi32>
      %broadcast_in_dim3A_72 = vector.broadcast %jit3A_70 : i32 to vector<16xi32>
      %select_n3A_73 = arith.select %or3A_68, %broadcast_in_dim3A_71, %broadcast_in_dim3A_72 : vector<16xi1>, vector<16xi32>
      %add3A_74 = arith.addi %add3A_49, %select_n3A_73 : vector<16xi32>
      %eq3A_75 = arith.constant 3 : i32
      %eq3A_76 = vector.broadcast %eq3A_75 : i32 to vector<16xi32>
      %eq3A_77 = arith.cmpi eq, %iota3A, %eq3A_76 : vector<16xi32>
      %jit3A_78 = arith.constant 0.000000e+00 : f32
      %broadcast_in_dim3A_79 = vector.broadcast %jit3A_78 : f32 to vector<16xf32>
      %select_n3A_80 = arith.select %eq3A_77, %get3A_4, %broadcast_in_dim3A_79 : vector<16xi1>, vector<16xf32>
      %reduce_sum3A_81 = arith.constant true
      %reduce_sum3A_82 = vector.broadcast %reduce_sum3A_81 : i1 to vector<16xi1>
      %reduce_sum3A_83 = tpu.scan <sum>, %select_n3A_80 masked %reduce_sum3A_82 : vector<16xf32>, vector<16xi1> -> vector<16xf32>
      %reduce_sum3A_84 = vector.extract %reduce_sum3A_83[15] : f32 from vector<16xf32>
      %gt3A_85 = vector.broadcast %reduce_sum3A_84 : f32 to vector<16xf32>
      %gt3A_86 = arith.cmpf ogt, %gt3A_85, %get3A_4 : vector<16xf32>
      %eq3A_87 = vector.broadcast %reduce_sum3A_84 : f32 to vector<16xf32>
      %eq3A_88 = arith.cmpf oeq, %eq3A_87, %get3A_4 : vector<16xf32>
      %gt3A_89 = arith.constant 3 : i32
      %gt3A_90 = vector.broadcast %gt3A_89 : i32 to vector<16xi32>
      %gt3A_91 = arith.cmpi sgt, %iota3A, %gt3A_90 : vector<16xi32>
      %and3A_92 = arith.andi %eq3A_88, %gt3A_91 : vector<16xi1>
      %or3A_93 = arith.ori %gt3A_86, %and3A_92 : vector<16xi1>
      %jit3A_94 = arith.constant 1 : i32
      %jit3A_95 = arith.constant 0 : i32
      %broadcast_in_dim3A_96 = vector.broadcast %jit3A_94 : i32 to vector<16xi32>
      %broadcast_in_dim3A_97 = vector.broadcast %jit3A_95 : i32 to vector<16xi32>
      %select_n3A_98 = arith.select %or3A_93, %broadcast_in_dim3A_96, %broadcast_in_dim3A_97 : vector<16xi1>, vector<16xi32>
      %add3A_99 = arith.addi %add3A_74, %select_n3A_98 : vector<16xi32>
      %eq3A_100 = arith.constant 4 : i32
      %eq3A_101 = vector.broadcast %eq3A_100 : i32 to vector<16xi32>
      %eq3A_102 = arith.cmpi eq, %iota3A, %eq3A_101 : vector<16xi32>
      %jit3A_103 = arith.constant 0.000000e+00 : f32
      %broadcast_in_dim3A_104 = vector.broadcast %jit3A_103 : f32 to vector<16xf32>
      %select_n3A_105 = arith.select %eq3A_102, %get3A_4, %broadcast_in_dim3A_104 : vector<16xi1>, vector<16xf32>
      %reduce_sum3A_106 = arith.constant true
      %reduce_sum3A_107 = vector.broadcast %reduce_sum3A_106 : i1 to vector<16xi1>
      %reduce_sum3A_108 = tpu.scan <sum>, %select_n3A_105 masked %reduce_sum3A_107 : vector<16xf32>, vector<16xi1> -> vector<16xf32>
      %reduce_sum3A_109 = vector.extract %reduce_sum3A_108[15] : f32 from vector<16xf32>
      %gt3A_110 = vector.broadcast %reduce_sum3A_109 : f32 to vector<16xf32>
      %gt3A_111 = arith.cmpf ogt, %gt3A_110, %get3A_4 : vector<16xf32>
      %eq3A_112 = vector.broadcast %reduce_sum3A_109 : f32 to vector<16xf32>
      %eq3A_113 = arith.cmpf oeq, %eq3A_112, %get3A_4 : vector<16xf32>
      %gt3A_114 = arith.constant 4 : i32
      %gt3A_115 = vector.broadcast %gt3A_114 : i32 to vector<16xi32>
      %gt3A_116 = arith.cmpi sgt, %iota3A, %gt3A_115 : vector<16xi32>
      %and3A_117 = arith.andi %eq3A_113, %gt3A_116 : vector<16xi1>
      %or3A_118 = arith.ori %gt3A_111, %and3A_117 : vector<16xi1>
      %jit3A_119 = arith.constant 1 : i32
      %jit3A_120 = arith.constant 0 : i32
      %broadcast_in_dim3A_121 = vector.broadcast %jit3A_119 : i32 to vector<16xi32>
      %broadcast_in_dim3A_122 = vector.broadcast %jit3A_120 : i32 to vector<16xi32>
      %select_n3A_123 = arith.select %or3A_118, %broadcast_in_dim3A_121, %broadcast_in_dim3A_122 : vector<16xi1>, vector<16xi32>
      %add3A_124 = arith.addi %add3A_99, %select_n3A_123 : vector<16xi32>
      %eq3A_125 = arith.constant 5 : i32
      %eq3A_126 = vector.broadcast %eq3A_125 : i32 to vector<16xi32>
      %eq3A_127 = arith.cmpi eq, %iota3A, %eq3A_126 : vector<16xi32>
      %jit3A_128 = arith.constant 0.000000e+00 : f32
      %broadcast_in_dim3A_129 = vector.broadcast %jit3A_128 : f32 to vector<16xf32>
      %select_n3A_130 = arith.select %eq3A_127, %get3A_4, %broadcast_in_dim3A_129 : vector<16xi1>, vector<16xf32>
      %reduce_sum3A_131 = arith.constant true
      %reduce_sum3A_132 = vector.broadcast %reduce_sum3A_131 : i1 to vector<16xi1>
      %reduce_sum3A_133 = tpu.scan <sum>, %select_n3A_130 masked %reduce_sum3A_132 : vector<16xf32>, vector<16xi1> -> vector<16xf32>
      %reduce_sum3A_134 = vector.extract %reduce_sum3A_133[15] : f32 from vector<16xf32>
      %gt3A_135 = vector.broadcast %reduce_sum3A_134 : f32 to vector<16xf32>
      %gt3A_136 = arith.cmpf ogt, %gt3A_135, %get3A_4 : vector<16xf32>
      %eq3A_137 = vector.broadcast %reduce_sum3A_134 : f32 to vector<16xf32>
      %eq3A_138 = arith.cmpf oeq, %eq3A_137, %get3A_4 : vector<16xf32>
      %gt3A_139 = arith.constant 5 : i32
      %gt3A_140 = vector.broadcast %gt3A_139 : i32 to vector<16xi32>
      %gt3A_141 = arith.cmpi sgt, %iota3A, %gt3A_140 : vector<16xi32>
      %and3A_142 = arith.andi %eq3A_138, %gt3A_141 : vector<16xi1>
      %or3A_143 = arith.ori %gt3A_136, %and3A_142 : vector<16xi1>
      %jit3A_144 = arith.constant 1 : i32
      %jit3A_145 = arith.constant 0 : i32
      %broadcast_in_dim3A_146 = vector.broadcast %jit3A_144 : i32 to vector<16xi32>
      %broadcast_in_dim3A_147 = vector.broadcast %jit3A_145 : i32 to vector<16xi32>
      %select_n3A_148 = arith.select %or3A_143, %broadcast_in_dim3A_146, %broadcast_in_dim3A_147 : vector<16xi1>, vector<16xi32>
      %add3A_149 = arith.addi %add3A_124, %select_n3A_148 : vector<16xi32>
      %eq3A_150 = arith.constant 6 : i32
      %eq3A_151 = vector.broadcast %eq3A_150 : i32 to vector<16xi32>
      %eq3A_152 = arith.cmpi eq, %iota3A, %eq3A_151 : vector<16xi32>
      %jit3A_153 = arith.constant 0.000000e+00 : f32
      %broadcast_in_dim3A_154 = vector.broadcast %jit3A_153 : f32 to vector<16xf32>
      %select_n3A_155 = arith.select %eq3A_152, %get3A_4, %broadcast_in_dim3A_154 : vector<16xi1>, vector<16xf32>
      %reduce_sum3A_156 = arith.constant true
      %reduce_sum3A_157 = vector.broadcast %reduce_sum3A_156 : i1 to vector<16xi1>
      %reduce_sum3A_158 = tpu.scan <sum>, %select_n3A_155 masked %reduce_sum3A_157 : vector<16xf32>, vector<16xi1> -> vector<16xf32>
      %reduce_sum3A_159 = vector.extract %reduce_sum3A_158[15] : f32 from vector<16xf32>
      %gt3A_160 = vector.broadcast %reduce_sum3A_159 : f32 to vector<16xf32>
      %gt3A_161 = arith.cmpf ogt, %gt3A_160, %get3A_4 : vector<16xf32>
      %eq3A_162 = vector.broadcast %reduce_sum3A_159 : f32 to vector<16xf32>
      %eq3A_163 = arith.cmpf oeq, %eq3A_162, %get3A_4 : vector<16xf32>
      %gt3A_164 = arith.constant 6 : i32
      %gt3A_165 = vector.broadcast %gt3A_164 : i32 to vector<16xi32>
      %gt3A_166 = arith.cmpi sgt, %iota3A, %gt3A_165 : vector<16xi32>
      %and3A_167 = arith.andi %eq3A_163, %gt3A_166 : vector<16xi1>
      %or3A_168 = arith.ori %gt3A_161, %and3A_167 : vector<16xi1>
      %jit3A_169 = arith.constant 1 : i32
      %jit3A_170 = arith.constant 0 : i32
      %broadcast_in_dim3A_171 = vector.broadcast %jit3A_169 : i32 to vector<16xi32>
      %broadcast_in_dim3A_172 = vector.broadcast %jit3A_170 : i32 to vector<16xi32>
      %select_n3A_173 = arith.select %or3A_168, %broadcast_in_dim3A_171, %broadcast_in_dim3A_172 : vector<16xi1>, vector<16xi32>
      %add3A_174 = arith.addi %add3A_149, %select_n3A_173 : vector<16xi32>
      %eq3A_175 = arith.constant 7 : i32
      %eq3A_176 = vector.broadcast %eq3A_175 : i32 to vector<16xi32>
      %eq3A_177 = arith.cmpi eq, %iota3A, %eq3A_176 : vector<16xi32>
      %jit3A_178 = arith.constant 0.000000e+00 : f32
      %broadcast_in_dim3A_179 = vector.broadcast %jit3A_178 : f32 to vector<16xf32>
      %select_n3A_180 = arith.select %eq3A_177, %get3A_4, %broadcast_in_dim3A_179 : vector<16xi1>, vector<16xf32>
      %reduce_sum3A_181 = arith.constant true
      %reduce_sum3A_182 = vector.broadcast %reduce_sum3A_181 : i1 to vector<16xi1>
      %reduce_sum3A_183 = tpu.scan <sum>, %select_n3A_180 masked %reduce_sum3A_182 : vector<16xf32>, vector<16xi1> -> vector<16xf32>
      %reduce_sum3A_184 = vector.extract %reduce_sum3A_183[15] : f32 from vector<16xf32>
      %gt3A_185 = vector.broadcast %reduce_sum3A_184 : f32 to vector<16xf32>
      %gt3A_186 = arith.cmpf ogt, %gt3A_185, %get3A_4 : vector<16xf32>
      %eq3A_187 = vector.broadcast %reduce_sum3A_184 : f32 to vector<16xf32>
      %eq3A_188 = arith.cmpf oeq, %eq3A_187, %get3A_4 : vector<16xf32>
      %gt3A_189 = arith.constant 7 : i32
      %gt3A_190 = vector.broadcast %gt3A_189 : i32 to vector<16xi32>
      %gt3A_191 = arith.cmpi sgt, %iota3A, %gt3A_190 : vector<16xi32>
      %and3A_192 = arith.andi %eq3A_188, %gt3A_191 : vector<16xi1>
      %or3A_193 = arith.ori %gt3A_186, %and3A_192 : vector<16xi1>
      %jit3A_194 = arith.constant 1 : i32
      %jit3A_195 = arith.constant 0 : i32
      %broadcast_in_dim3A_196 = vector.broadcast %jit3A_194 : i32 to vector<16xi32>
      %broadcast_in_dim3A_197 = vector.broadcast %jit3A_195 : i32 to vector<16xi32>
      %select_n3A_198 = arith.select %or3A_193, %broadcast_in_dim3A_196, %broadcast_in_dim3A_197 : vector<16xi1>, vector<16xi32>
      %add3A_199 = arith.addi %add3A_174, %select_n3A_198 : vector<16xi32>
      %eq3A_200 = arith.constant 8 : i32
      %eq3A_201 = vector.broadcast %eq3A_200 : i32 to vector<16xi32>
      %eq3A_202 = arith.cmpi eq, %iota3A, %eq3A_201 : vector<16xi32>
      %jit3A_203 = arith.constant 0.000000e+00 : f32
      %broadcast_in_dim3A_204 = vector.broadcast %jit3A_203 : f32 to vector<16xf32>
      %select_n3A_205 = arith.select %eq3A_202, %get3A_4, %broadcast_in_dim3A_204 : vector<16xi1>, vector<16xf32>
      %reduce_sum3A_206 = arith.constant true
      %reduce_sum3A_207 = vector.broadcast %reduce_sum3A_206 : i1 to vector<16xi1>
      %reduce_sum3A_208 = tpu.scan <sum>, %select_n3A_205 masked %reduce_sum3A_207 : vector<16xf32>, vector<16xi1> -> vector<16xf32>
      %reduce_sum3A_209 = vector.extract %reduce_sum3A_208[15] : f32 from vector<16xf32>
      %gt3A_210 = vector.broadcast %reduce_sum3A_209 : f32 to vector<16xf32>
      %gt3A_211 = arith.cmpf ogt, %gt3A_210, %get3A_4 : vector<16xf32>
      %eq3A_212 = vector.broadcast %reduce_sum3A_209 : f32 to vector<16xf32>
      %eq3A_213 = arith.cmpf oeq, %eq3A_212, %get3A_4 : vector<16xf32>
      %gt3A_214 = arith.constant 8 : i32
      %gt3A_215 = vector.broadcast %gt3A_214 : i32 to vector<16xi32>
      %gt3A_216 = arith.cmpi sgt, %iota3A, %gt3A_215 : vector<16xi32>
      %and3A_217 = arith.andi %eq3A_213, %gt3A_216 : vector<16xi1>
      %or3A_218 = arith.ori %gt3A_211, %and3A_217 : vector<16xi1>
      %jit3A_219 = arith.constant 1 : i32
      %jit3A_220 = arith.constant 0 : i32
      %broadcast_in_dim3A_221 = vector.broadcast %jit3A_219 : i32 to vector<16xi32>
      %broadcast_in_dim3A_222 = vector.broadcast %jit3A_220 : i32 to vector<16xi32>
      %select_n3A_223 = arith.select %or3A_218, %broadcast_in_dim3A_221, %broadcast_in_dim3A_222 : vector<16xi1>, vector<16xi32>
      %add3A_224 = arith.addi %add3A_199, %select_n3A_223 : vector<16xi32>
      %eq3A_225 = arith.constant 9 : i32
      %eq3A_226 = vector.broadcast %eq3A_225 : i32 to vector<16xi32>
      %eq3A_227 = arith.cmpi eq, %iota3A, %eq3A_226 : vector<16xi32>
      %jit3A_228 = arith.constant 0.000000e+00 : f32
      %broadcast_in_dim3A_229 = vector.broadcast %jit3A_228 : f32 to vector<16xf32>
      %select_n3A_230 = arith.select %eq3A_227, %get3A_4, %broadcast_in_dim3A_229 : vector<16xi1>, vector<16xf32>
      %reduce_sum3A_231 = arith.constant true
      %reduce_sum3A_232 = vector.broadcast %reduce_sum3A_231 : i1 to vector<16xi1>
      %reduce_sum3A_233 = tpu.scan <sum>, %select_n3A_230 masked %reduce_sum3A_232 : vector<16xf32>, vector<16xi1> -> vector<16xf32>
      %reduce_sum3A_234 = vector.extract %reduce_sum3A_233[15] : f32 from vector<16xf32>
      %gt3A_235 = vector.broadcast %reduce_sum3A_234 : f32 to vector<16xf32>
      %gt3A_236 = arith.cmpf ogt, %gt3A_235, %get3A_4 : vector<16xf32>
      %eq3A_237 = vector.broadcast %reduce_sum3A_234 : f32 to vector<16xf32>
      %eq3A_238 = arith.cmpf oeq, %eq3A_237, %get3A_4 : vector<16xf32>
      %gt3A_239 = arith.constant 9 : i32
      %gt3A_240 = vector.broadcast %gt3A_239 : i32 to vector<16xi32>
      %gt3A_241 = arith.cmpi sgt, %iota3A, %gt3A_240 : vector<16xi32>
      %and3A_242 = arith.andi %eq3A_238, %gt3A_241 : vector<16xi1>
      %or3A_243 = arith.ori %gt3A_236, %and3A_242 : vector<16xi1>
      %jit3A_244 = arith.constant 1 : i32
      %jit3A_245 = arith.constant 0 : i32
      %broadcast_in_dim3A_246 = vector.broadcast %jit3A_244 : i32 to vector<16xi32>
      %broadcast_in_dim3A_247 = vector.broadcast %jit3A_245 : i32 to vector<16xi32>
      %select_n3A_248 = arith.select %or3A_243, %broadcast_in_dim3A_246, %broadcast_in_dim3A_247 : vector<16xi1>, vector<16xi32>
      %add3A_249 = arith.addi %add3A_224, %select_n3A_248 : vector<16xi32>
      %eq3A_250 = arith.constant 10 : i32
      %eq3A_251 = vector.broadcast %eq3A_250 : i32 to vector<16xi32>
      %eq3A_252 = arith.cmpi eq, %iota3A, %eq3A_251 : vector<16xi32>
      %jit3A_253 = arith.constant 0.000000e+00 : f32
      %broadcast_in_dim3A_254 = vector.broadcast %jit3A_253 : f32 to vector<16xf32>
      %select_n3A_255 = arith.select %eq3A_252, %get3A_4, %broadcast_in_dim3A_254 : vector<16xi1>, vector<16xf32>
      %reduce_sum3A_256 = arith.constant true
      %reduce_sum3A_257 = vector.broadcast %reduce_sum3A_256 : i1 to vector<16xi1>
      %reduce_sum3A_258 = tpu.scan <sum>, %select_n3A_255 masked %reduce_sum3A_257 : vector<16xf32>, vector<16xi1> -> vector<16xf32>
      %reduce_sum3A_259 = vector.extract %reduce_sum3A_258[15] : f32 from vector<16xf32>
      %gt3A_260 = vector.broadcast %reduce_sum3A_259 : f32 to vector<16xf32>
      %gt3A_261 = arith.cmpf ogt, %gt3A_260, %get3A_4 : vector<16xf32>
      %eq3A_262 = vector.broadcast %reduce_sum3A_259 : f32 to vector<16xf32>
      %eq3A_263 = arith.cmpf oeq, %eq3A_262, %get3A_4 : vector<16xf32>
      %gt3A_264 = arith.constant 10 : i32
      %gt3A_265 = vector.broadcast %gt3A_264 : i32 to vector<16xi32>
      %gt3A_266 = arith.cmpi sgt, %iota3A, %gt3A_265 : vector<16xi32>
      %and3A_267 = arith.andi %eq3A_263, %gt3A_266 : vector<16xi1>
      %or3A_268 = arith.ori %gt3A_261, %and3A_267 : vector<16xi1>
      %jit3A_269 = arith.constant 1 : i32
      %jit3A_270 = arith.constant 0 : i32
      %broadcast_in_dim3A_271 = vector.broadcast %jit3A_269 : i32 to vector<16xi32>
      %broadcast_in_dim3A_272 = vector.broadcast %jit3A_270 : i32 to vector<16xi32>
      %select_n3A_273 = arith.select %or3A_268, %broadcast_in_dim3A_271, %broadcast_in_dim3A_272 : vector<16xi1>, vector<16xi32>
      %add3A_274 = arith.addi %add3A_249, %select_n3A_273 : vector<16xi32>
      %eq3A_275 = arith.constant 11 : i32
      %eq3A_276 = vector.broadcast %eq3A_275 : i32 to vector<16xi32>
      %eq3A_277 = arith.cmpi eq, %iota3A, %eq3A_276 : vector<16xi32>
      %jit3A_278 = arith.constant 0.000000e+00 : f32
      %broadcast_in_dim3A_279 = vector.broadcast %jit3A_278 : f32 to vector<16xf32>
      %select_n3A_280 = arith.select %eq3A_277, %get3A_4, %broadcast_in_dim3A_279 : vector<16xi1>, vector<16xf32>
      %reduce_sum3A_281 = arith.constant true
      %reduce_sum3A_282 = vector.broadcast %reduce_sum3A_281 : i1 to vector<16xi1>
      %reduce_sum3A_283 = tpu.scan <sum>, %select_n3A_280 masked %reduce_sum3A_282 : vector<16xf32>, vector<16xi1> -> vector<16xf32>
      %reduce_sum3A_284 = vector.extract %reduce_sum3A_283[15] : f32 from vector<16xf32>
      %gt3A_285 = vector.broadcast %reduce_sum3A_284 : f32 to vector<16xf32>
      %gt3A_286 = arith.cmpf ogt, %gt3A_285, %get3A_4 : vector<16xf32>
      %eq3A_287 = vector.broadcast %reduce_sum3A_284 : f32 to vector<16xf32>
      %eq3A_288 = arith.cmpf oeq, %eq3A_287, %get3A_4 : vector<16xf32>
      %gt3A_289 = arith.constant 11 : i32
      %gt3A_290 = vector.broadcast %gt3A_289 : i32 to vector<16xi32>
      %gt3A_291 = arith.cmpi sgt, %iota3A, %gt3A_290 : vector<16xi32>
      %and3A_292 = arith.andi %eq3A_288, %gt3A_291 : vector<16xi1>
      %or3A_293 = arith.ori %gt3A_286, %and3A_292 : vector<16xi1>
      %jit3A_294 = arith.constant 1 : i32
      %jit3A_295 = arith.constant 0 : i32
      %broadcast_in_dim3A_296 = vector.broadcast %jit3A_294 : i32 to vector<16xi32>
      %broadcast_in_dim3A_297 = vector.broadcast %jit3A_295 : i32 to vector<16xi32>
      %select_n3A_298 = arith.select %or3A_293, %broadcast_in_dim3A_296, %broadcast_in_dim3A_297 : vector<16xi1>, vector<16xi32>
      %add3A_299 = arith.addi %add3A_274, %select_n3A_298 : vector<16xi32>
      %eq3A_300 = arith.constant 12 : i32
      %eq3A_301 = vector.broadcast %eq3A_300 : i32 to vector<16xi32>
      %eq3A_302 = arith.cmpi eq, %iota3A, %eq3A_301 : vector<16xi32>
      %jit3A_303 = arith.constant 0.000000e+00 : f32
      %broadcast_in_dim3A_304 = vector.broadcast %jit3A_303 : f32 to vector<16xf32>
      %select_n3A_305 = arith.select %eq3A_302, %get3A_4, %broadcast_in_dim3A_304 : vector<16xi1>, vector<16xf32>
      %reduce_sum3A_306 = arith.constant true
      %reduce_sum3A_307 = vector.broadcast %reduce_sum3A_306 : i1 to vector<16xi1>
      %reduce_sum3A_308 = tpu.scan <sum>, %select_n3A_305 masked %reduce_sum3A_307 : vector<16xf32>, vector<16xi1> -> vector<16xf32>
      %reduce_sum3A_309 = vector.extract %reduce_sum3A_308[15] : f32 from vector<16xf32>
      %gt3A_310 = vector.broadcast %reduce_sum3A_309 : f32 to vector<16xf32>
      %gt3A_311 = arith.cmpf ogt, %gt3A_310, %get3A_4 : vector<16xf32>
      %eq3A_312 = vector.broadcast %reduce_sum3A_309 : f32 to vector<16xf32>
      %eq3A_313 = arith.cmpf oeq, %eq3A_312, %get3A_4 : vector<16xf32>
      %gt3A_314 = arith.constant 12 : i32
      %gt3A_315 = vector.broadcast %gt3A_314 : i32 to vector<16xi32>
      %gt3A_316 = arith.cmpi sgt, %iota3A, %gt3A_315 : vector<16xi32>
      %and3A_317 = arith.andi %eq3A_313, %gt3A_316 : vector<16xi1>
      %or3A_318 = arith.ori %gt3A_311, %and3A_317 : vector<16xi1>
      %jit3A_319 = arith.constant 1 : i32
      %jit3A_320 = arith.constant 0 : i32
      %broadcast_in_dim3A_321 = vector.broadcast %jit3A_319 : i32 to vector<16xi32>
      %broadcast_in_dim3A_322 = vector.broadcast %jit3A_320 : i32 to vector<16xi32>
      %select_n3A_323 = arith.select %or3A_318, %broadcast_in_dim3A_321, %broadcast_in_dim3A_322 : vector<16xi1>, vector<16xi32>
      %add3A_324 = arith.addi %add3A_299, %select_n3A_323 : vector<16xi32>
      %eq3A_325 = arith.constant 13 : i32
      %eq3A_326 = vector.broadcast %eq3A_325 : i32 to vector<16xi32>
      %eq3A_327 = arith.cmpi eq, %iota3A, %eq3A_326 : vector<16xi32>
      %jit3A_328 = arith.constant 0.000000e+00 : f32
      %broadcast_in_dim3A_329 = vector.broadcast %jit3A_328 : f32 to vector<16xf32>
      %select_n3A_330 = arith.select %eq3A_327, %get3A_4, %broadcast_in_dim3A_329 : vector<16xi1>, vector<16xf32>
      %reduce_sum3A_331 = arith.constant true
      %reduce_sum3A_332 = vector.broadcast %reduce_sum3A_331 : i1 to vector<16xi1>
      %reduce_sum3A_333 = tpu.scan <sum>, %select_n3A_330 masked %reduce_sum3A_332 : vector<16xf32>, vector<16xi1> -> vector<16xf32>
      %reduce_sum3A_334 = vector.extract %reduce_sum3A_333[15] : f32 from vector<16xf32>
      %gt3A_335 = vector.broadcast %reduce_sum3A_334 : f32 to vector<16xf32>
      %gt3A_336 = arith.cmpf ogt, %gt3A_335, %get3A_4 : vector<16xf32>
      %eq3A_337 = vector.broadcast %reduce_sum3A_334 : f32 to vector<16xf32>
      %eq3A_338 = arith.cmpf oeq, %eq3A_337, %get3A_4 : vector<16xf32>
      %gt3A_339 = arith.constant 13 : i32
      %gt3A_340 = vector.broadcast %gt3A_339 : i32 to vector<16xi32>
      %gt3A_341 = arith.cmpi sgt, %iota3A, %gt3A_340 : vector<16xi32>
      %and3A_342 = arith.andi %eq3A_338, %gt3A_341 : vector<16xi1>
      %or3A_343 = arith.ori %gt3A_336, %and3A_342 : vector<16xi1>
      %jit3A_344 = arith.constant 1 : i32
      %jit3A_345 = arith.constant 0 : i32
      %broadcast_in_dim3A_346 = vector.broadcast %jit3A_344 : i32 to vector<16xi32>
      %broadcast_in_dim3A_347 = vector.broadcast %jit3A_345 : i32 to vector<16xi32>
      %select_n3A_348 = arith.select %or3A_343, %broadcast_in_dim3A_346, %broadcast_in_dim3A_347 : vector<16xi1>, vector<16xi32>
      %add3A_349 = arith.addi %add3A_324, %select_n3A_348 : vector<16xi32>
      %eq3A_350 = arith.constant 14 : i32
      %eq3A_351 = vector.broadcast %eq3A_350 : i32 to vector<16xi32>
      %eq3A_352 = arith.cmpi eq, %iota3A, %eq3A_351 : vector<16xi32>
      %jit3A_353 = arith.constant 0.000000e+00 : f32
      %broadcast_in_dim3A_354 = vector.broadcast %jit3A_353 : f32 to vector<16xf32>
      %select_n3A_355 = arith.select %eq3A_352, %get3A_4, %broadcast_in_dim3A_354 : vector<16xi1>, vector<16xf32>
      %reduce_sum3A_356 = arith.constant true
      %reduce_sum3A_357 = vector.broadcast %reduce_sum3A_356 : i1 to vector<16xi1>
      %reduce_sum3A_358 = tpu.scan <sum>, %select_n3A_355 masked %reduce_sum3A_357 : vector<16xf32>, vector<16xi1> -> vector<16xf32>
      %reduce_sum3A_359 = vector.extract %reduce_sum3A_358[15] : f32 from vector<16xf32>
      %gt3A_360 = vector.broadcast %reduce_sum3A_359 : f32 to vector<16xf32>
      %gt3A_361 = arith.cmpf ogt, %gt3A_360, %get3A_4 : vector<16xf32>
      %eq3A_362 = vector.broadcast %reduce_sum3A_359 : f32 to vector<16xf32>
      %eq3A_363 = arith.cmpf oeq, %eq3A_362, %get3A_4 : vector<16xf32>
      %gt3A_364 = arith.constant 14 : i32
      %gt3A_365 = vector.broadcast %gt3A_364 : i32 to vector<16xi32>
      %gt3A_366 = arith.cmpi sgt, %iota3A, %gt3A_365 : vector<16xi32>
      %and3A_367 = arith.andi %eq3A_363, %gt3A_366 : vector<16xi1>
      %or3A_368 = arith.ori %gt3A_361, %and3A_367 : vector<16xi1>
      %jit3A_369 = arith.constant 1 : i32
      %jit3A_370 = arith.constant 0 : i32
      %broadcast_in_dim3A_371 = vector.broadcast %jit3A_369 : i32 to vector<16xi32>
      %broadcast_in_dim3A_372 = vector.broadcast %jit3A_370 : i32 to vector<16xi32>
      %select_n3A_373 = arith.select %or3A_368, %broadcast_in_dim3A_371, %broadcast_in_dim3A_372 : vector<16xi1>, vector<16xi32>
      %add3A_374 = arith.addi %add3A_349, %select_n3A_373 : vector<16xi32>
      %eq3A_375 = arith.constant 15 : i32
      %eq3A_376 = vector.broadcast %eq3A_375 : i32 to vector<16xi32>
      %eq3A_377 = arith.cmpi eq, %iota3A, %eq3A_376 : vector<16xi32>
      %jit3A_378 = arith.constant 0.000000e+00 : f32
      %broadcast_in_dim3A_379 = vector.broadcast %jit3A_378 : f32 to vector<16xf32>
      %select_n3A_380 = arith.select %eq3A_377, %get3A_4, %broadcast_in_dim3A_379 : vector<16xi1>, vector<16xf32>
      %reduce_sum3A_381 = arith.constant true
      %reduce_sum3A_382 = vector.broadcast %reduce_sum3A_381 : i1 to vector<16xi1>
      %reduce_sum3A_383 = tpu.scan <sum>, %select_n3A_380 masked %reduce_sum3A_382 : vector<16xf32>, vector<16xi1> -> vector<16xf32>
      %reduce_sum3A_384 = vector.extract %reduce_sum3A_383[15] : f32 from vector<16xf32>
      %gt3A_385 = vector.broadcast %reduce_sum3A_384 : f32 to vector<16xf32>
      %gt3A_386 = arith.cmpf ogt, %gt3A_385, %get3A_4 : vector<16xf32>
      %eq3A_387 = vector.broadcast %reduce_sum3A_384 : f32 to vector<16xf32>
      %eq3A_388 = arith.cmpf oeq, %eq3A_387, %get3A_4 : vector<16xf32>
      %gt3A_389 = arith.constant 15 : i32
      %gt3A_390 = vector.broadcast %gt3A_389 : i32 to vector<16xi32>
      %gt3A_391 = arith.cmpi sgt, %iota3A, %gt3A_390 : vector<16xi32>
      %and3A_392 = arith.andi %eq3A_388, %gt3A_391 : vector<16xi1>
      %or3A_393 = arith.ori %gt3A_386, %and3A_392 : vector<16xi1>
      %jit3A_394 = arith.constant 1 : i32
      %jit3A_395 = arith.constant 0 : i32
      %broadcast_in_dim3A_396 = vector.broadcast %jit3A_394 : i32 to vector<16xi32>
      %broadcast_in_dim3A_397 = vector.broadcast %jit3A_395 : i32 to vector<16xi32>
      %select_n3A_398 = arith.select %or3A_393, %broadcast_in_dim3A_396, %broadcast_in_dim3A_397 : vector<16xi1>, vector<16xi32>
      %add3A_399 = arith.addi %add3A_374, %select_n3A_398 : vector<16xi32>
      %lt3A = arith.constant 8 : i32
      %lt3A_400 = vector.broadcast %lt3A : i32 to vector<16xi32>
      %lt3A_401 = arith.cmpi slt, %add3A_399, %lt3A_400 : vector<16xi32>
      %jit3A_402 = arith.constant 1.000000e+00 : f32
      %jit3A_403 = arith.constant 0.000000e+00 : f32
      %broadcast_in_dim3A_404 = vector.broadcast %jit3A_402 : f32 to vector<16xf32>
      %broadcast_in_dim3A_405 = vector.broadcast %jit3A_403 : f32 to vector<16xf32>
      %select_n3A_406 = arith.select %lt3A_401, %broadcast_in_dim3A_404, %broadcast_in_dim3A_405 : vector<16xi1>, vector<16xf32>
      %swap3A = arith.constant 0 : index
      %swap3A_407 = tpu.vector_load %arg5[%swap3A] {strides = array<i32>} : memref<16xf32, #tpu.memory_space<vmem>>, vector<16xf32>,
      tpu.vector_store %arg5[%swap3A], %select_n3A_406 {strides = array<i32>} : memref<16xf32, #tpu.memory_space<vmem>>, vector<16xf32>,
      "tpu.region"() ({
        %run_scoped3A = tpu.sem_alloc : memref<!tpu.dma_semaphore, #tpu.memory_space<semaphore_mem>>
        tpu.enqueue_dma source(%arg5 : memref<16xf32, #tpu.memory_space<vmem>>) target(%arg3 : memref<16xf32, #tpu.memory_space<hbm>>) target_semaphore(%run_scoped3A : memref<!tpu.dma_semaphore, #tpu.memory_space<semaphore_mem>>)
        tpu.wait_dma2 semaphore(%run_scoped3A : memref<!tpu.dma_semaphore, #tpu.memory_space<semaphore_mem>>) src(%arg5 : memref<16xf32, #tpu.memory_space<vmem>>) dst(%arg3 : memref<16xf32, #tpu.memory_space<hbm>>)
        tpu.yield
      }) : () -> ()
    } else {
    }
    return
  }
}

module attributes {stable_mosaic.version = 14 : i64} {
  func.func @_panel_update_body(%arg0: i32, %arg1: memref<1x1024x1024xf32, #tpu.memory_space<vmem>>, %arg2: memref<1x128x128xf32, #tpu.memory_space<vmem>>, %arg3: memref<1x896x128xf32, #tpu.memory_space<vmem>>, %arg4: memref<1x896x896xf32, #tpu.memory_space<vmem>>) attributes {dimension_semantics = [#tpu.dimension_semantics<arbitrary>], iteration_bounds = array<i64: 16>, scalar_prefetch = 0 : i64, scratch_operands = 0 : i64, tpu.core_type = #tpu.core_type<tc>, window_params = [{transform_indices = @transform_0, window_bounds = array<i64: 1, 1024, 1024>}, {transform_indices = @transform_1, window_bounds = array<i64: 1, 128, 128>}, {transform_indices = @transform_2, window_bounds = array<i64: 1, 896, 128>}, {transform_indices = @transform_3, window_bounds = array<i64: 1, 896, 896>}]} {
    %get3A = arith.constant 0 : index
    %get3A_0 = arith.constant 0 : index
    %get3A_1 = arith.constant 896 : index
    %get3A_2 = vector.load %arg1[%get3A, %get3A_0, %get3A_1] : memref<1x1024x1024xf32, #tpu.memory_space<vmem>>, vector<1x896x128xf32>
    %get3A_3 = vector.shape_cast %get3A_2 : vector<1x896x128xf32> to vector<896x128xf32>
    %get3A_4 = arith.constant 0 : index
    %get3A_5 = arith.constant 0 : index
    %get3A_6 = arith.constant 0 : index
    %get3A_7 = vector.load %arg2[%get3A_4, %get3A_5, %get3A_6] : memref<1x128x128xf32, #tpu.memory_space<vmem>>, vector<1x128x128xf32>
    %get3A_8 = vector.shape_cast %get3A_7 : vector<1x128x128xf32> to vector<128x128xf32>
    %dot_general3A = arith.constant dense<0.000000e+00> : vector<896x128xf32>
    %dot_general3A_9 = tpu.matmul %get3A_3, %get3A_8, %dot_general3A {dimension_numbers = #tpu.dot_dimension_numbers<[1], [0], [0], [1], [0, 0, 1, 1], [], []>, precision = #tpu.contract_precision<fp32>, transpose_lhs_hint = false} : vector<896x128xf32>, vector<128x128xf32>, vector<896x128xf32> -> vector<896x128xf32>
    %swap3A = arith.constant 0 : index
    %swap3A_10 = arith.constant 0 : index
    %swap3A_11 = arith.constant 0 : index
    %swap3A_12 = vector.load %arg3[%swap3A, %swap3A_10, %swap3A_11] : memref<1x896x128xf32, #tpu.memory_space<vmem>>, vector<1x896x128xf32>
    %swap3A_13 = vector.shape_cast %swap3A_12 : vector<1x896x128xf32> to vector<896x128xf32>
    %swap3A_14 = vector.shape_cast %dot_general3A_9 : vector<896x128xf32> to vector<1x896x128xf32>
    tpu.vector_store %arg3[%swap3A, %swap3A_10, %swap3A_11], %swap3A_14 {strides = array<i32>} : memref<1x896x128xf32, #tpu.memory_space<vmem>>, vector<1x896x128xf32>,
    %get3A_15 = arith.constant 0 : index
    %get3A_16 = arith.constant 0 : index
    %get3A_17 = arith.constant 0 : index
    %get3A_18 = vector.load %arg1[%get3A_15, %get3A_16, %get3A_17] : memref<1x1024x1024xf32, #tpu.memory_space<vmem>>, vector<1x896x896xf32>
    %get3A_19 = vector.shape_cast %get3A_18 : vector<1x896x896xf32> to vector<896x896xf32>
    %dot_general3A_20 = arith.constant dense<0.000000e+00> : vector<896x896xf32>
    %dot_general3A_21 = tpu.matmul %dot_general3A_9, %dot_general3A_9, %dot_general3A_20 {dimension_numbers = #tpu.dot_dimension_numbers<[1], [1], [0], [0], [0, 0, 1, 0], [], []>, precision = #tpu.contract_precision<fp32>, transpose_lhs_hint = false} : vector<896x128xf32>, vector<896x128xf32>, vector<896x896xf32> -> vector<896x896xf32>
    %sub3A = arith.subf %get3A_19, %dot_general3A_21 : vector<896x896xf32>
    %swap3A_22 = arith.constant 0 : index
    %swap3A_23 = arith.constant 0 : index
    %swap3A_24 = arith.constant 0 : index
    %swap3A_25 = vector.load %arg4[%swap3A_22, %swap3A_23, %swap3A_24] : memref<1x896x896xf32, #tpu.memory_space<vmem>>, vector<1x896x896xf32>
    %swap3A_26 = vector.shape_cast %swap3A_25 : vector<1x896x896xf32> to vector<896x896xf32>
    %swap3A_27 = vector.shape_cast %sub3A : vector<896x896xf32> to vector<1x896x896xf32>
    tpu.vector_store %arg4[%swap3A_22, %swap3A_23, %swap3A_24], %swap3A_27 {strides = array<i32>} : memref<1x896x896xf32, #tpu.memory_space<vmem>>, vector<1x896x896xf32>,
    return
  }
  func.func @transform_0(%arg0: i32) -> (i32, i32, i32) {
    %c0_i32 = arith.constant 0 : i32
    %c0_i32_0 = arith.constant 0 : i32
    %c0_i32_1 = arith.constant 0 : i32
    return %arg0, %c0_i32, %c0_i32_0 : i32, i32, i32
  }
  func.func @transform_1(%arg0: i32) -> (i32, i32, i32) {
    %c0_i32 = arith.constant 0 : i32
    %c0_i32_0 = arith.constant 0 : i32
    %c0_i32_1 = arith.constant 0 : i32
    return %arg0, %c0_i32, %c0_i32_0 : i32, i32, i32
  }
  func.func @transform_2(%arg0: i32) -> (i32, i32, i32) {
    %c0_i32 = arith.constant 0 : i32
    %c0_i32_0 = arith.constant 0 : i32
    %c0_i32_1 = arith.constant 0 : i32
    return %arg0, %c0_i32, %c0_i32_0 : i32, i32, i32
  }
  func.func @transform_3(%arg0: i32) -> (i32, i32, i32) {
    %c0_i32 = arith.constant 0 : i32
    %c0_i32_0 = arith.constant 0 : i32
    %c0_i32_1 = arith.constant 0 : i32
    return %arg0, %c0_i32, %c0_i32_0 : i32, i32, i32
  }
}

module attributes {stable_mosaic.version = 14 : i64} {
  func.func @_diag_factor_body(%arg0: i32, %arg1: memref<16x128x128xf32, #tpu.memory_space<vmem>>, %arg2: memref<16x128x128xf32, #tpu.memory_space<vmem>>, %arg3: memref<16x128x128xf32, #tpu.memory_space<vmem>>, %arg4: memref<16x128x128xf32, #tpu.memory_space<vmem>>) attributes {dimension_semantics = [#tpu.dimension_semantics<arbitrary>], iteration_bounds = array<i64: 1>, scalar_prefetch = 0 : i64, scratch_operands = 2 : i64, tpu.core_type = #tpu.core_type<tc>, window_params = [{transform_indices = @transform_0, window_bounds = array<i64: 16, 128, 128>}, {pipeline_mode = #tpu.pipeline_mode<synchronous>, transform_indices = @transform_1, window_bounds = array<i64: 16, 128, 128>}]} {
    %get3A = arith.constant 0 : index
    %get3A_0 = arith.constant 0 : index
    %get3A_1 = arith.constant 0 : index
    %get3A_2 = vector.load %arg1[%get3A, %get3A_0, %get3A_1] : memref<16x128x128xf32, #tpu.memory_space<vmem>>, vector<16x128x128xf32>
    %swap3A = arith.constant 0 : index
    %swap3A_3 = arith.constant 0 : index
    %swap3A_4 = arith.constant 0 : index
    %swap3A_5 = vector.load %arg3[%swap3A, %swap3A_3, %swap3A_4] : memref<16x128x128xf32, #tpu.memory_space<vmem>>, vector<16x128x128xf32>
    tpu.vector_store %arg3[%swap3A, %swap3A_3, %swap3A_4], %get3A_2 {strides = array<i32>} : memref<16x128x128xf32, #tpu.memory_space<vmem>>, vector<16x128x128xf32>,
    %iota3A = tpu.iota {dimensions = array<i32: 1>} : vector<1x128x1xi32>
    %iota3A_6 = tpu.iota {dimensions = array<i32: 2>} : vector<1x1x128xi32>
    %iota3A_7 = tpu.iota {dimensions = array<i32: 1>} : vector<1x32x1xi32>
    %lt3A = arith.constant 128 : i32
    %lt3A_8 = vector.broadcast %lt3A : i32 to vector<1x1x128xi32>
    %lt3A_9 = arith.cmpi slt, %iota3A_6, %lt3A_8 : vector<1x1x128xi32>
    %get3A_10 = arith.constant 0 : index
    %get3A_11 = arith.constant 96 : index
    %get3A_12 = arith.constant 0 : index
    %get3A_13 = vector.load %arg3[%get3A_10, %get3A_11, %get3A_12] : memref<16x128x128xf32, #tpu.memory_space<vmem>>, vector<16x32x128xf32>
    %jit3A = arith.constant 0.000000e+00 : f32
    %broadcast_in_dim3A = vector.shape_cast %lt3A_9 : vector<1x1x128xi1> to vector<1x1x128xi1>
    %broadcast_in_dim3A_14 = vector.broadcast %broadcast_in_dim3A : vector<1x1x128xi1> to vector<16x32x128xi1>
    %broadcast_in_dim3A_15 = vector.broadcast %jit3A : f32 to vector<16x32x128xf32>
    %select_n3A = arith.select %broadcast_in_dim3A_14, %get3A_13, %broadcast_in_dim3A_15 : vector<16x32x128xi1>, vector<16x32x128xf32>
    %swap3A_16 = arith.constant 0 : index
    %swap3A_17 = arith.constant 96 : index
    %swap3A_18 = arith.constant 0 : index
    %swap3A_19 = vector.load %arg4[%swap3A_16, %swap3A_17, %swap3A_18] : memref<16x128x128xf32, #tpu.memory_space<vmem>>, vector<16x32x128xf32>
    tpu.vector_store %arg4[%swap3A_16, %swap3A_17, %swap3A_18], %select_n3A {strides = array<i32>} : memref<16x128x128xf32, #tpu.memory_space<vmem>>, vector<16x32x128xf32>,
    %scan3A = arith.constant 0 : i32
    %scan3A_20 = arith.constant 32 : i32
    %scan3A_21 = arith.addi %scan3A, %scan3A_20 : i32
    %scan3A_22 = arith.constant 1 : i32
    scf.for %scan3A_200 = %scan3A to %scan3A_21 step %scan3A_22  : i32 {
      %get3A_201 = arith.constant 0 : index
      %get3A_202 = arith.constant 96 : index
      %get3A_203 = arith.constant 0 : index
      %get3A_204 = vector.load %arg4[%get3A_201, %get3A_202, %get3A_203] : memref<16x128x128xf32, #tpu.memory_space<vmem>>, vector<16x32x128xf32>
      %sub3A_205 = arith.constant 31 : i32
      %sub3A_206 = arith.subi %sub3A_205, %scan3A_200 : i32
      %add3A_207 = arith.constant 96 : i32
      %add3A_208 = arith.addi %add3A_207, %sub3A_206 : i32
      %eq3A_209 = vector.broadcast %add3A_208 : i32 to vector<1x1x128xi32>
      %eq3A_210 = arith.cmpi eq, %iota3A_6, %eq3A_209 : vector<1x1x128xi32>
      %eq3A_211 = vector.broadcast %sub3A_206 : i32 to vector<1x32x1xi32>
      %eq3A_212 = arith.cmpi eq, %iota3A_7, %eq3A_211 : vector<1x32x1xi32>
      %jit3A_213 = arith.constant 0.000000e+00 : f32
      %broadcast_in_dim3A_214 = vector.shape_cast %eq3A_212 : vector<1x32x1xi1> to vector<1x32x1xi1>
      %broadcast_in_dim3A_215 = vector.broadcast %broadcast_in_dim3A_214 : vector<1x32x1xi1> to vector<16x32x128xi1>
      %broadcast_in_dim3A_216 = vector.broadcast %jit3A_213 : f32 to vector<16x32x128xf32>
      %select_n3A_217 = arith.select %broadcast_in_dim3A_215, %get3A_204, %broadcast_in_dim3A_216 : vector<16x32x128xi1>, vector<16x32x128xf32>
      %reduce_sum3A_218 = arith.constant dense<0.000000e+00> : vector<16x128xf32>
      %reduce_sum3A_219 = vector.multi_reduction <add>, %select_n3A_217, %reduce_sum3A_218 [1] : vector<16x32x128xf32> to vector<16x128xf32>
      %broadcast_in_dim3A_220 = vector.shape_cast %reduce_sum3A_219 : vector<16x128xf32> to vector<16x1x128xf32>
      %jit3A_221 = arith.constant 0.000000e+00 : f32
      %broadcast_in_dim3A_222 = vector.shape_cast %eq3A_210 : vector<1x1x128xi1> to vector<1x1x128xi1>
      %broadcast_in_dim3A_223 = vector.broadcast %broadcast_in_dim3A_222 : vector<1x1x128xi1> to vector<16x1x128xi1>
      %broadcast_in_dim3A_224 = vector.broadcast %jit3A_221 : f32 to vector<16x1x128xf32>
      %select_n3A_225 = arith.select %broadcast_in_dim3A_223, %broadcast_in_dim3A_220, %broadcast_in_dim3A_224 : vector<16x1x128xi1>, vector<16x1x128xf32>
      %reduce_sum3A_226 = arith.constant dense<0.000000e+00> : vector<16x1xf32>
      %reduce_sum3A_227 = vector.multi_reduction <add>, %select_n3A_225, %reduce_sum3A_226 [2] : vector<16x1x128xf32> to vector<16x1xf32>
      %broadcast_in_dim3A_228 = vector.shape_cast %reduce_sum3A_227 : vector<16x1xf32> to vector<16x1x1xf32>
      %rsqrt3A = math.rsqrt %broadcast_in_dim3A_228 : vector<16x1x1xf32>
      %le3A = vector.broadcast %add3A_208 : i32 to vector<1x1x128xi32>
      %le3A_229 = arith.cmpi sle, %iota3A_6, %le3A : vector<1x1x128xi32>
      %mul3A = vector.broadcast %rsqrt3A : vector<16x1x1xf32> to vector<16x1x128xf32>
      %mul3A_230 = arith.mulf %broadcast_in_dim3A_220, %mul3A : vector<16x1x128xf32>
      %jit3A_231 = arith.constant 0.000000e+00 : f32
      %broadcast_in_dim3A_232 = vector.shape_cast %le3A_229 : vector<1x1x128xi1> to vector<1x1x128xi1>
      %broadcast_in_dim3A_233 = vector.broadcast %broadcast_in_dim3A_232 : vector<1x1x128xi1> to vector<16x1x128xi1>
      %broadcast_in_dim3A_234 = vector.broadcast %jit3A_231 : f32 to vector<16x1x128xf32>
      %select_n3A_235 = arith.select %broadcast_in_dim3A_233, %mul3A_230, %broadcast_in_dim3A_234 : vector<16x1x128xi1>, vector<16x1x128xf32>
      %jit3A_236 = arith.constant 0.000000e+00 : f32
      %broadcast_in_dim3A_237 = vector.shape_cast %eq3A_210 : vector<1x1x128xi1> to vector<1x1x128xi1>
      %broadcast_in_dim3A_238 = vector.broadcast %broadcast_in_dim3A_237 : vector<1x1x128xi1> to vector<16x32x128xi1>
      %broadcast_in_dim3A_239 = vector.broadcast %jit3A_236 : f32 to vector<16x32x128xf32>
      %select_n3A_240 = arith.select %broadcast_in_dim3A_238, %get3A_204, %broadcast_in_dim3A_239 : vector<16x32x128xi1>, vector<16x32x128xf32>
      %reduce_sum3A_241 = arith.constant dense<0.000000e+00> : vector<16x32xf32>
      %reduce_sum3A_242 = vector.multi_reduction <add>, %select_n3A_240, %reduce_sum3A_241 [2] : vector<16x32x128xf32> to vector<16x32xf32>
      %broadcast_in_dim3A_243 = vector.shape_cast %reduce_sum3A_242 : vector<16x32xf32> to vector<16x32x1xf32>
      %lt3A_244 = vector.broadcast %sub3A_206 : i32 to vector<1x32x1xi32>
      %lt3A_245 = arith.cmpi slt, %iota3A_7, %lt3A_244 : vector<1x32x1xi32>
      %mul3A_246 = vector.broadcast %rsqrt3A : vector<16x1x1xf32> to vector<16x32x1xf32>
      %mul3A_247 = arith.mulf %broadcast_in_dim3A_243, %mul3A_246 : vector<16x32x1xf32>
      %jit3A_248 = arith.constant 0.000000e+00 : f32
      %broadcast_in_dim3A_249 = vector.shape_cast %lt3A_245 : vector<1x32x1xi1> to vector<1x32x1xi1>
      %broadcast_in_dim3A_250 = vector.broadcast %broadcast_in_dim3A_249 : vector<1x32x1xi1> to vector<16x32x1xi1>
      %broadcast_in_dim3A_251 = vector.broadcast %jit3A_248 : f32 to vector<16x32x1xf32>
      %select_n3A_252 = arith.select %broadcast_in_dim3A_250, %mul3A_247, %broadcast_in_dim3A_251 : vector<16x32x1xi1>, vector<16x32x1xf32>
      %mul3A_253 = vector.broadcast %select_n3A_252 : vector<16x32x1xf32> to vector<16x32x128xf32>
      %mul3A_254 = vector.broadcast %select_n3A_235 : vector<16x1x128xf32> to vector<16x32x128xf32>
      %mul3A_255 = arith.mulf %mul3A_253, %mul3A_254 : vector<16x32x128xf32>
      %sub3A_256 = arith.subf %get3A_204, %mul3A_255 : vector<16x32x128xf32>
      %broadcast_in_dim3A_257 = vector.shape_cast %eq3A_212 : vector<1x32x1xi1> to vector<1x32x1xi1>
      %broadcast_in_dim3A_258 = vector.broadcast %broadcast_in_dim3A_257 : vector<1x32x1xi1> to vector<16x32x128xi1>
      %broadcast_in_dim3A_259 = vector.shape_cast %select_n3A_235 : vector<16x1x128xf32> to vector<16x1x128xf32>
      %broadcast_in_dim3A_260 = vector.broadcast %broadcast_in_dim3A_259 : vector<16x1x128xf32> to vector<16x32x128xf32>
      %select_n3A_261 = arith.select %broadcast_in_dim3A_258, %broadcast_in_dim3A_260, %sub3A_256 : vector<16x32x128xi1>, vector<16x32x128xf32>
      %swap3A_262 = arith.constant 0 : index
      %swap3A_263 = arith.constant 96 : index
      %swap3A_264 = arith.constant 0 : index
      %swap3A_265 = vector.load %arg4[%swap3A_262, %swap3A_263, %swap3A_264] : memref<16x128x128xf32, #tpu.memory_space<vmem>>, vector<16x32x128xf32>
      tpu.vector_store %arg4[%swap3A_262, %swap3A_263, %swap3A_264], %select_n3A_261 {strides = array<i32>} : memref<16x128x128xf32, #tpu.memory_space<vmem>>, vector<16x32x128xf32>,
    }
    %scan3A_23 = arith.constant 32 : i32
    %get3A_24 = arith.constant 0 : index
    %get3A_25 = arith.constant 96 : index
    %get3A_26 = arith.constant 0 : index
    %get3A_27 = vector.load %arg4[%get3A_24, %get3A_25, %get3A_26] : memref<16x128x128xf32, #tpu.memory_space<vmem>>, vector<16x32x128xf32>
    %get3A_28 = arith.constant 0 : index
    %get3A_29 = arith.constant 0 : index
    %get3A_30 = arith.constant 0 : index
    %get3A_31 = vector.load %arg3[%get3A_28, %get3A_29, %get3A_30] : memref<16x128x128xf32, #tpu.memory_space<vmem>>, vector<16x128x96xf32>
    %slice3A = vector.extract_strided_slice %get3A_27 {offsets = [0, 0, 0], sizes = [16, 32, 96], strides = [1, 1, 1]} : vector<16x32x128xf32> to vector<16x32x96xf32>
    %dot_general3A = arith.constant dense<0.000000e+00> : vector<16x128x96xf32>
    %dot_general3A_32 = tpu.matmul %get3A_27, %slice3A, %dot_general3A {dimension_numbers = #tpu.dot_dimension_numbers<[1], [1], [2], [2], [0, 0, 0, 2, 1, 2], [0], [0]>, precision = #tpu.contract_precision<fp32>, transpose_lhs_hint = false} : vector<16x32x128xf32>, vector<16x32x96xf32>, vector<16x128x96xf32> -> vector<16x128x96xf32>
    %sub3A = arith.subf %get3A_31, %dot_general3A_32 : vector<16x128x96xf32>
    %swap3A_33 = arith.constant 0 : index
    %swap3A_34 = arith.constant 0 : index
    %swap3A_35 = arith.constant 0 : index
    %swap3A_36 = vector.load %arg3[%swap3A_33, %swap3A_34, %swap3A_35] : memref<16x128x128xf32, #tpu.memory_space<vmem>>, vector<16x128x96xf32>
    tpu.vector_store %arg3[%swap3A_33, %swap3A_34, %swap3A_35], %sub3A {strides = array<i32>} : memref<16x128x128xf32, #tpu.memory_space<vmem>>, vector<16x128x96xf32>,
    %lt3A_37 = arith.constant 96 : i32
    %lt3A_38 = vector.broadcast %lt3A_37 : i32 to vector<1x1x128xi32>
    %lt3A_39 = arith.cmpi slt, %iota3A_6, %lt3A_38 : vector<1x1x128xi32>
    %get3A_40 = arith.constant 0 : index
    %get3A_41 = arith.constant 64 : index
    %get3A_42 = arith.constant 0 : index
    %get3A_43 = vector.load %arg3[%get3A_40, %get3A_41, %get3A_42] : memref<16x128x128xf32, #tpu.memory_space<vmem>>, vector<16x32x128xf32>
    %jit3A_44 = arith.constant 0.000000e+00 : f32
    %broadcast_in_dim3A_45 = vector.shape_cast %lt3A_39 : vector<1x1x128xi1> to vector<1x1x128xi1>
    %broadcast_in_dim3A_46 = vector.broadcast %broadcast_in_dim3A_45 : vector<1x1x128xi1> to vector<16x32x128xi1>
    %broadcast_in_dim3A_47 = vector.broadcast %jit3A_44 : f32 to vector<16x32x128xf32>
    %select_n3A_48 = arith.select %broadcast_in_dim3A_46, %get3A_43, %broadcast_in_dim3A_47 : vector<16x32x128xi1>, vector<16x32x128xf32>
    %swap3A_49 = arith.constant 0 : index
    %swap3A_50 = arith.constant 64 : index
    %swap3A_51 = arith.constant 0 : index
    %swap3A_52 = vector.load %arg4[%swap3A_49, %swap3A_50, %swap3A_51] : memref<16x128x128xf32, #tpu.memory_space<vmem>>, vector<16x32x128xf32>
    tpu.vector_store %arg4[%swap3A_49, %swap3A_50, %swap3A_51], %select_n3A_48 {strides = array<i32>} : memref<16x128x128xf32, #tpu.memory_space<vmem>>, vector<16x32x128xf32>,
    %scan3A_53 = arith.constant 0 : i32
    %scan3A_54 = arith.constant 32 : i32
    %scan3A_55 = arith.addi %scan3A_53, %scan3A_54 : i32
    %scan3A_56 = arith.constant 1 : i32
    scf.for %scan3A_200 = %scan3A_53 to %scan3A_55 step %scan3A_56  : i32 {
      %get3A_201 = arith.constant 0 : index
      %get3A_202 = arith.constant 64 : index
      %get3A_203 = arith.constant 0 : index
      %get3A_204 = vector.load %arg4[%get3A_201, %get3A_202, %get3A_203] : memref<16x128x128xf32, #tpu.memory_space<vmem>>, vector<16x32x128xf32>
      %sub3A_205 = arith.constant 31 : i32
      %sub3A_206 = arith.subi %sub3A_205, %scan3A_200 : i32
      %add3A_207 = arith.constant 64 : i32
      %add3A_208 = arith.addi %add3A_207, %sub3A_206 : i32
      %eq3A_209 = vector.broadcast %add3A_208 : i32 to vector<1x1x128xi32>
      %eq3A_210 = arith.cmpi eq, %iota3A_6, %eq3A_209 : vector<1x1x128xi32>
      %eq3A_211 = vector.broadcast %sub3A_206 : i32 to vector<1x32x1xi32>
      %eq3A_212 = arith.cmpi eq, %iota3A_7, %eq3A_211 : vector<1x32x1xi32>
      %jit3A_213 = arith.constant 0.000000e+00 : f32
      %broadcast_in_dim3A_214 = vector.shape_cast %eq3A_212 : vector<1x32x1xi1> to vector<1x32x1xi1>
      %broadcast_in_dim3A_215 = vector.broadcast %broadcast_in_dim3A_214 : vector<1x32x1xi1> to vector<16x32x128xi1>
      %broadcast_in_dim3A_216 = vector.broadcast %jit3A_213 : f32 to vector<16x32x128xf32>
      %select_n3A_217 = arith.select %broadcast_in_dim3A_215, %get3A_204, %broadcast_in_dim3A_216 : vector<16x32x128xi1>, vector<16x32x128xf32>
      %reduce_sum3A_218 = arith.constant dense<0.000000e+00> : vector<16x128xf32>
      %reduce_sum3A_219 = vector.multi_reduction <add>, %select_n3A_217, %reduce_sum3A_218 [1] : vector<16x32x128xf32> to vector<16x128xf32>
      %broadcast_in_dim3A_220 = vector.shape_cast %reduce_sum3A_219 : vector<16x128xf32> to vector<16x1x128xf32>
      %jit3A_221 = arith.constant 0.000000e+00 : f32
      %broadcast_in_dim3A_222 = vector.shape_cast %eq3A_210 : vector<1x1x128xi1> to vector<1x1x128xi1>
      %broadcast_in_dim3A_223 = vector.broadcast %broadcast_in_dim3A_222 : vector<1x1x128xi1> to vector<16x1x128xi1>
      %broadcast_in_dim3A_224 = vector.broadcast %jit3A_221 : f32 to vector<16x1x128xf32>
      %select_n3A_225 = arith.select %broadcast_in_dim3A_223, %broadcast_in_dim3A_220, %broadcast_in_dim3A_224 : vector<16x1x128xi1>, vector<16x1x128xf32>
      %reduce_sum3A_226 = arith.constant dense<0.000000e+00> : vector<16x1xf32>
      %reduce_sum3A_227 = vector.multi_reduction <add>, %select_n3A_225, %reduce_sum3A_226 [2] : vector<16x1x128xf32> to vector<16x1xf32>
      %broadcast_in_dim3A_228 = vector.shape_cast %reduce_sum3A_227 : vector<16x1xf32> to vector<16x1x1xf32>
      %rsqrt3A = math.rsqrt %broadcast_in_dim3A_228 : vector<16x1x1xf32>
      %le3A = vector.broadcast %add3A_208 : i32 to vector<1x1x128xi32>
      %le3A_229 = arith.cmpi sle, %iota3A_6, %le3A : vector<1x1x128xi32>
      %mul3A = vector.broadcast %rsqrt3A : vector<16x1x1xf32> to vector<16x1x128xf32>
      %mul3A_230 = arith.mulf %broadcast_in_dim3A_220, %mul3A : vector<16x1x128xf32>
      %jit3A_231 = arith.constant 0.000000e+00 : f32
      %broadcast_in_dim3A_232 = vector.shape_cast %le3A_229 : vector<1x1x128xi1> to vector<1x1x128xi1>
      %broadcast_in_dim3A_233 = vector.broadcast %broadcast_in_dim3A_232 : vector<1x1x128xi1> to vector<16x1x128xi1>
      %broadcast_in_dim3A_234 = vector.broadcast %jit3A_231 : f32 to vector<16x1x128xf32>
      %select_n3A_235 = arith.select %broadcast_in_dim3A_233, %mul3A_230, %broadcast_in_dim3A_234 : vector<16x1x128xi1>, vector<16x1x128xf32>
      %jit3A_236 = arith.constant 0.000000e+00 : f32
      %broadcast_in_dim3A_237 = vector.shape_cast %eq3A_210 : vector<1x1x128xi1> to vector<1x1x128xi1>
      %broadcast_in_dim3A_238 = vector.broadcast %broadcast_in_dim3A_237 : vector<1x1x128xi1> to vector<16x32x128xi1>
      %broadcast_in_dim3A_239 = vector.broadcast %jit3A_236 : f32 to vector<16x32x128xf32>
      %select_n3A_240 = arith.select %broadcast_in_dim3A_238, %get3A_204, %broadcast_in_dim3A_239 : vector<16x32x128xi1>, vector<16x32x128xf32>
      %reduce_sum3A_241 = arith.constant dense<0.000000e+00> : vector<16x32xf32>
      %reduce_sum3A_242 = vector.multi_reduction <add>, %select_n3A_240, %reduce_sum3A_241 [2] : vector<16x32x128xf32> to vector<16x32xf32>
      %broadcast_in_dim3A_243 = vector.shape_cast %reduce_sum3A_242 : vector<16x32xf32> to vector<16x32x1xf32>
      %lt3A_244 = vector.broadcast %sub3A_206 : i32 to vector<1x32x1xi32>
      %lt3A_245 = arith.cmpi slt, %iota3A_7, %lt3A_244 : vector<1x32x1xi32>
      %mul3A_246 = vector.broadcast %rsqrt3A : vector<16x1x1xf32> to vector<16x32x1xf32>
      %mul3A_247 = arith.mulf %broadcast_in_dim3A_243, %mul3A_246 : vector<16x32x1xf32>
      %jit3A_248 = arith.constant 0.000000e+00 : f32
      %broadcast_in_dim3A_249 = vector.shape_cast %lt3A_245 : vector<1x32x1xi1> to vector<1x32x1xi1>
      %broadcast_in_dim3A_250 = vector.broadcast %broadcast_in_dim3A_249 : vector<1x32x1xi1> to vector<16x32x1xi1>
      %broadcast_in_dim3A_251 = vector.broadcast %jit3A_248 : f32 to vector<16x32x1xf32>
      %select_n3A_252 = arith.select %broadcast_in_dim3A_250, %mul3A_247, %broadcast_in_dim3A_251 : vector<16x32x1xi1>, vector<16x32x1xf32>
      %mul3A_253 = vector.broadcast %select_n3A_252 : vector<16x32x1xf32> to vector<16x32x128xf32>
      %mul3A_254 = vector.broadcast %select_n3A_235 : vector<16x1x128xf32> to vector<16x32x128xf32>
      %mul3A_255 = arith.mulf %mul3A_253, %mul3A_254 : vector<16x32x128xf32>
      %sub3A_256 = arith.subf %get3A_204, %mul3A_255 : vector<16x32x128xf32>
      %broadcast_in_dim3A_257 = vector.shape_cast %eq3A_212 : vector<1x32x1xi1> to vector<1x32x1xi1>
      %broadcast_in_dim3A_258 = vector.broadcast %broadcast_in_dim3A_257 : vector<1x32x1xi1> to vector<16x32x128xi1>
      %broadcast_in_dim3A_259 = vector.shape_cast %select_n3A_235 : vector<16x1x128xf32> to vector<16x1x128xf32>
      %broadcast_in_dim3A_260 = vector.broadcast %broadcast_in_dim3A_259 : vector<16x1x128xf32> to vector<16x32x128xf32>
      %select_n3A_261 = arith.select %broadcast_in_dim3A_258, %broadcast_in_dim3A_260, %sub3A_256 : vector<16x32x128xi1>, vector<16x32x128xf32>
      %swap3A_262 = arith.constant 0 : index
      %swap3A_263 = arith.constant 64 : index
      %swap3A_264 = arith.constant 0 : index
      %swap3A_265 = vector.load %arg4[%swap3A_262, %swap3A_263, %swap3A_264] : memref<16x128x128xf32, #tpu.memory_space<vmem>>, vector<16x32x128xf32>
      tpu.vector_store %arg4[%swap3A_262, %swap3A_263, %swap3A_264], %select_n3A_261 {strides = array<i32>} : memref<16x128x128xf32, #tpu.memory_space<vmem>>, vector<16x32x128xf32>,
    }
    %scan3A_57 = arith.constant 32 : i32
    %get3A_58 = arith.constant 0 : index
    %get3A_59 = arith.constant 64 : index
    %get3A_60 = arith.constant 0 : index
    %get3A_61 = vector.load %arg4[%get3A_58, %get3A_59, %get3A_60] : memref<16x128x128xf32, #tpu.memory_space<vmem>>, vector<16x32x128xf32>
    %get3A_62 = arith.constant 0 : index
    %get3A_63 = arith.constant 0 : index
    %get3A_64 = arith.constant 0 : index
    %get3A_65 = vector.load %arg3[%get3A_62, %get3A_63, %get3A_64] : memref<16x128x128xf32, #tpu.memory_space<vmem>>, vector<16x128x64xf32>
    %slice3A_66 = vector.extract_strided_slice %get3A_61 {offsets = [0, 0, 0], sizes = [16, 32, 64], strides = [1, 1, 1]} : vector<16x32x128xf32> to vector<16x32x64xf32>
    %dot_general3A_67 = arith.constant dense<0.000000e+00> : vector<16x128x64xf32>
    %dot_general3A_68 = tpu.matmul %get3A_61, %slice3A_66, %dot_general3A_67 {dimension_numbers = #tpu.dot_dimension_numbers<[1], [1], [2], [2], [0, 0, 0, 2, 1, 2], [0], [0]>, precision = #tpu.contract_precision<fp32>, transpose_lhs_hint = false} : vector<16x32x128xf32>, vector<16x32x64xf32>, vector<16x128x64xf32> -> vector<16x128x64xf32>
    %sub3A_69 = arith.subf %get3A_65, %dot_general3A_68 : vector<16x128x64xf32>
    %swap3A_70 = arith.constant 0 : index
    %swap3A_71 = arith.constant 0 : index
    %swap3A_72 = arith.constant 0 : index
    %swap3A_73 = vector.load %arg3[%swap3A_70, %swap3A_71, %swap3A_72] : memref<16x128x128xf32, #tpu.memory_space<vmem>>, vector<16x128x64xf32>
    tpu.vector_store %arg3[%swap3A_70, %swap3A_71, %swap3A_72], %sub3A_69 {strides = array<i32>} : memref<16x128x128xf32, #tpu.memory_space<vmem>>, vector<16x128x64xf32>,
    %lt3A_74 = arith.constant 64 : i32
    %lt3A_75 = vector.broadcast %lt3A_74 : i32 to vector<1x1x128xi32>
    %lt3A_76 = arith.cmpi slt, %iota3A_6, %lt3A_75 : vector<1x1x128xi32>
    %get3A_77 = arith.constant 0 : index
    %get3A_78 = arith.constant 32 : index
    %get3A_79 = arith.constant 0 : index
    %get3A_80 = vector.load %arg3[%get3A_77, %get3A_78, %get3A_79] : memref<16x128x128xf32, #tpu.memory_space<vmem>>, vector<16x32x128xf32>
    %jit3A_81 = arith.constant 0.000000e+00 : f32
    %broadcast_in_dim3A_82 = vector.shape_cast %lt3A_76 : vector<1x1x128xi1> to vector<1x1x128xi1>
    %broadcast_in_dim3A_83 = vector.broadcast %broadcast_in_dim3A_82 : vector<1x1x128xi1> to vector<16x32x128xi1>
    %broadcast_in_dim3A_84 = vector.broadcast %jit3A_81 : f32 to vector<16x32x128xf32>
    %select_n3A_85 = arith.select %broadcast_in_dim3A_83, %get3A_80, %broadcast_in_dim3A_84 : vector<16x32x128xi1>, vector<16x32x128xf32>
    %swap3A_86 = arith.constant 0 : index
    %swap3A_87 = arith.constant 32 : index
    %swap3A_88 = arith.constant 0 : index
    %swap3A_89 = vector.load %arg4[%swap3A_86, %swap3A_87, %swap3A_88] : memref<16x128x128xf32, #tpu.memory_space<vmem>>, vector<16x32x128xf32>
    tpu.vector_store %arg4[%swap3A_86, %swap3A_87, %swap3A_88], %select_n3A_85 {strides = array<i32>} : memref<16x128x128xf32, #tpu.memory_space<vmem>>, vector<16x32x128xf32>,
    %scan3A_90 = arith.constant 0 : i32
    %scan3A_91 = arith.constant 32 : i32
    %scan3A_92 = arith.addi %scan3A_90, %scan3A_91 : i32
    %scan3A_93 = arith.constant 1 : i32
    scf.for %scan3A_200 = %scan3A_90 to %scan3A_92 step %scan3A_93  : i32 {
      %get3A_201 = arith.constant 0 : index
      %get3A_202 = arith.constant 32 : index
      %get3A_203 = arith.constant 0 : index
      %get3A_204 = vector.load %arg4[%get3A_201, %get3A_202, %get3A_203] : memref<16x128x128xf32, #tpu.memory_space<vmem>>, vector<16x32x128xf32>
      %sub3A_205 = arith.constant 31 : i32
      %sub3A_206 = arith.subi %sub3A_205, %scan3A_200 : i32
      %add3A_207 = arith.constant 32 : i32
      %add3A_208 = arith.addi %add3A_207, %sub3A_206 : i32
      %eq3A_209 = vector.broadcast %add3A_208 : i32 to vector<1x1x128xi32>
      %eq3A_210 = arith.cmpi eq, %iota3A_6, %eq3A_209 : vector<1x1x128xi32>
      %eq3A_211 = vector.broadcast %sub3A_206 : i32 to vector<1x32x1xi32>
      %eq3A_212 = arith.cmpi eq, %iota3A_7, %eq3A_211 : vector<1x32x1xi32>
      %jit3A_213 = arith.constant 0.000000e+00 : f32
      %broadcast_in_dim3A_214 = vector.shape_cast %eq3A_212 : vector<1x32x1xi1> to vector<1x32x1xi1>
      %broadcast_in_dim3A_215 = vector.broadcast %broadcast_in_dim3A_214 : vector<1x32x1xi1> to vector<16x32x128xi1>
      %broadcast_in_dim3A_216 = vector.broadcast %jit3A_213 : f32 to vector<16x32x128xf32>
      %select_n3A_217 = arith.select %broadcast_in_dim3A_215, %get3A_204, %broadcast_in_dim3A_216 : vector<16x32x128xi1>, vector<16x32x128xf32>
      %reduce_sum3A_218 = arith.constant dense<0.000000e+00> : vector<16x128xf32>
      %reduce_sum3A_219 = vector.multi_reduction <add>, %select_n3A_217, %reduce_sum3A_218 [1] : vector<16x32x128xf32> to vector<16x128xf32>
      %broadcast_in_dim3A_220 = vector.shape_cast %reduce_sum3A_219 : vector<16x128xf32> to vector<16x1x128xf32>
      %jit3A_221 = arith.constant 0.000000e+00 : f32
      %broadcast_in_dim3A_222 = vector.shape_cast %eq3A_210 : vector<1x1x128xi1> to vector<1x1x128xi1>
      %broadcast_in_dim3A_223 = vector.broadcast %broadcast_in_dim3A_222 : vector<1x1x128xi1> to vector<16x1x128xi1>
      %broadcast_in_dim3A_224 = vector.broadcast %jit3A_221 : f32 to vector<16x1x128xf32>
      %select_n3A_225 = arith.select %broadcast_in_dim3A_223, %broadcast_in_dim3A_220, %broadcast_in_dim3A_224 : vector<16x1x128xi1>, vector<16x1x128xf32>
      %reduce_sum3A_226 = arith.constant dense<0.000000e+00> : vector<16x1xf32>
      %reduce_sum3A_227 = vector.multi_reduction <add>, %select_n3A_225, %reduce_sum3A_226 [2] : vector<16x1x128xf32> to vector<16x1xf32>
      %broadcast_in_dim3A_228 = vector.shape_cast %reduce_sum3A_227 : vector<16x1xf32> to vector<16x1x1xf32>
      %rsqrt3A = math.rsqrt %broadcast_in_dim3A_228 : vector<16x1x1xf32>
      %le3A = vector.broadcast %add3A_208 : i32 to vector<1x1x128xi32>
      %le3A_229 = arith.cmpi sle, %iota3A_6, %le3A : vector<1x1x128xi32>
      %mul3A = vector.broadcast %rsqrt3A : vector<16x1x1xf32> to vector<16x1x128xf32>
      %mul3A_230 = arith.mulf %broadcast_in_dim3A_220, %mul3A : vector<16x1x128xf32>
      %jit3A_231 = arith.constant 0.000000e+00 : f32
      %broadcast_in_dim3A_232 = vector.shape_cast %le3A_229 : vector<1x1x128xi1> to vector<1x1x128xi1>
      %broadcast_in_dim3A_233 = vector.broadcast %broadcast_in_dim3A_232 : vector<1x1x128xi1> to vector<16x1x128xi1>
      %broadcast_in_dim3A_234 = vector.broadcast %jit3A_231 : f32 to vector<16x1x128xf32>
      %select_n3A_235 = arith.select %broadcast_in_dim3A_233, %mul3A_230, %broadcast_in_dim3A_234 : vector<16x1x128xi1>, vector<16x1x128xf32>
      %jit3A_236 = arith.constant 0.000000e+00 : f32
      %broadcast_in_dim3A_237 = vector.shape_cast %eq3A_210 : vector<1x1x128xi1> to vector<1x1x128xi1>
      %broadcast_in_dim3A_238 = vector.broadcast %broadcast_in_dim3A_237 : vector<1x1x128xi1> to vector<16x32x128xi1>
      %broadcast_in_dim3A_239 = vector.broadcast %jit3A_236 : f32 to vector<16x32x128xf32>
      %select_n3A_240 = arith.select %broadcast_in_dim3A_238, %get3A_204, %broadcast_in_dim3A_239 : vector<16x32x128xi1>, vector<16x32x128xf32>
      %reduce_sum3A_241 = arith.constant dense<0.000000e+00> : vector<16x32xf32>
      %reduce_sum3A_242 = vector.multi_reduction <add>, %select_n3A_240, %reduce_sum3A_241 [2] : vector<16x32x128xf32> to vector<16x32xf32>
      %broadcast_in_dim3A_243 = vector.shape_cast %reduce_sum3A_242 : vector<16x32xf32> to vector<16x32x1xf32>
      %lt3A_244 = vector.broadcast %sub3A_206 : i32 to vector<1x32x1xi32>
      %lt3A_245 = arith.cmpi slt, %iota3A_7, %lt3A_244 : vector<1x32x1xi32>
      %mul3A_246 = vector.broadcast %rsqrt3A : vector<16x1x1xf32> to vector<16x32x1xf32>
      %mul3A_247 = arith.mulf %broadcast_in_dim3A_243, %mul3A_246 : vector<16x32x1xf32>
      %jit3A_248 = arith.constant 0.000000e+00 : f32
      %broadcast_in_dim3A_249 = vector.shape_cast %lt3A_245 : vector<1x32x1xi1> to vector<1x32x1xi1>
      %broadcast_in_dim3A_250 = vector.broadcast %broadcast_in_dim3A_249 : vector<1x32x1xi1> to vector<16x32x1xi1>
      %broadcast_in_dim3A_251 = vector.broadcast %jit3A_248 : f32 to vector<16x32x1xf32>
      %select_n3A_252 = arith.select %broadcast_in_dim3A_250, %mul3A_247, %broadcast_in_dim3A_251 : vector<16x32x1xi1>, vector<16x32x1xf32>
      %mul3A_253 = vector.broadcast %select_n3A_252 : vector<16x32x1xf32> to vector<16x32x128xf32>
      %mul3A_254 = vector.broadcast %select_n3A_235 : vector<16x1x128xf32> to vector<16x32x128xf32>
      %mul3A_255 = arith.mulf %mul3A_253, %mul3A_254 : vector<16x32x128xf32>
      %sub3A_256 = arith.subf %get3A_204, %mul3A_255 : vector<16x32x128xf32>
      %broadcast_in_dim3A_257 = vector.shape_cast %eq3A_212 : vector<1x32x1xi1> to vector<1x32x1xi1>
      %broadcast_in_dim3A_258 = vector.broadcast %broadcast_in_dim3A_257 : vector<1x32x1xi1> to vector<16x32x128xi1>
      %broadcast_in_dim3A_259 = vector.shape_cast %select_n3A_235 : vector<16x1x128xf32> to vector<16x1x128xf32>
      %broadcast_in_dim3A_260 = vector.broadcast %broadcast_in_dim3A_259 : vector<16x1x128xf32> to vector<16x32x128xf32>
      %select_n3A_261 = arith.select %broadcast_in_dim3A_258, %broadcast_in_dim3A_260, %sub3A_256 : vector<16x32x128xi1>, vector<16x32x128xf32>
      %swap3A_262 = arith.constant 0 : index
      %swap3A_263 = arith.constant 32 : index
      %swap3A_264 = arith.constant 0 : index
      %swap3A_265 = vector.load %arg4[%swap3A_262, %swap3A_263, %swap3A_264] : memref<16x128x128xf32, #tpu.memory_space<vmem>>, vector<16x32x128xf32>
      tpu.vector_store %arg4[%swap3A_262, %swap3A_263, %swap3A_264], %select_n3A_261 {strides = array<i32>} : memref<16x128x128xf32, #tpu.memory_space<vmem>>, vector<16x32x128xf32>,
    }
    %scan3A_94 = arith.constant 32 : i32
    %get3A_95 = arith.constant 0 : index
    %get3A_96 = arith.constant 32 : index
    %get3A_97 = arith.constant 0 : index
    %get3A_98 = vector.load %arg4[%get3A_95, %get3A_96, %get3A_97] : memref<16x128x128xf32, #tpu.memory_space<vmem>>, vector<16x32x128xf32>
    %get3A_99 = arith.constant 0 : index
    %get3A_100 = arith.constant 0 : index
    %get3A_101 = arith.constant 0 : index
    %get3A_102 = vector.load %arg3[%get3A_99, %get3A_100, %get3A_101] : memref<16x128x128xf32, #tpu.memory_space<vmem>>, vector<16x128x32xf32>
    %slice3A_103 = vector.extract_strided_slice %get3A_98 {offsets = [0, 0, 0], sizes = [16, 32, 32], strides = [1, 1, 1]} : vector<16x32x128xf32> to vector<16x32x32xf32>
    %dot_general3A_104 = arith.constant dense<0.000000e+00> : vector<16x128x32xf32>
    %dot_general3A_105 = tpu.matmul %get3A_98, %slice3A_103, %dot_general3A_104 {dimension_numbers = #tpu.dot_dimension_numbers<[1], [1], [2], [2], [0, 0, 0, 2, 1, 2], [0], [0]>, precision = #tpu.contract_precision<fp32>, transpose_lhs_hint = false} : vector<16x32x128xf32>, vector<16x32x32xf32>, vector<16x128x32xf32> -> vector<16x128x32xf32>
    %sub3A_106 = arith.subf %get3A_102, %dot_general3A_105 : vector<16x128x32xf32>
    %swap3A_107 = arith.constant 0 : index
    %swap3A_108 = arith.constant 0 : index
    %swap3A_109 = arith.constant 0 : index
    %swap3A_110 = vector.load %arg3[%swap3A_107, %swap3A_108, %swap3A_109] : memref<16x128x128xf32, #tpu.memory_space<vmem>>, vector<16x128x32xf32>
    tpu.vector_store %arg3[%swap3A_107, %swap3A_108, %swap3A_109], %sub3A_106 {strides = array<i32>} : memref<16x128x128xf32, #tpu.memory_space<vmem>>, vector<16x128x32xf32>,
    %lt3A_111 = arith.constant 32 : i32
    %lt3A_112 = vector.broadcast %lt3A_111 : i32 to vector<1x1x128xi32>
    %lt3A_113 = arith.cmpi slt, %iota3A_6, %lt3A_112 : vector<1x1x128xi32>
    %get3A_114 = arith.constant 0 : index
    %get3A_115 = arith.constant 0 : index
    %get3A_116 = arith.constant 0 : index
    %get3A_117 = vector.load %arg3[%get3A_114, %get3A_115, %get3A_116] : memref<16x128x128xf32, #tpu.memory_space<vmem>>, vector<16x32x128xf32>
    %jit3A_118 = arith.constant 0.000000e+00 : f32
    %broadcast_in_dim3A_119 = vector.shape_cast %lt3A_113 : vector<1x1x128xi1> to vector<1x1x128xi1>
    %broadcast_in_dim3A_120 = vector.broadcast %broadcast_in_dim3A_119 : vector<1x1x128xi1> to vector<16x32x128xi1>
    %broadcast_in_dim3A_121 = vector.broadcast %jit3A_118 : f32 to vector<16x32x128xf32>
    %select_n3A_122 = arith.select %broadcast_in_dim3A_120, %get3A_117, %broadcast_in_dim3A_121 : vector<16x32x128xi1>, vector<16x32x128xf32>
    %swap3A_123 = arith.constant 0 : index
    %swap3A_124 = arith.constant 0 : index
    %swap3A_125 = arith.constant 0 : index
    %swap3A_126 = vector.load %arg4[%swap3A_123, %swap3A_124, %swap3A_125] : memref<16x128x128xf32, #tpu.memory_space<vmem>>, vector<16x32x128xf32>
    tpu.vector_store %arg4[%swap3A_123, %swap3A_124, %swap3A_125], %select_n3A_122 {strides = array<i32>} : memref<16x128x128xf32, #tpu.memory_space<vmem>>, vector<16x32x128xf32>,
    %scan3A_127 = arith.constant 0 : i32
    %scan3A_128 = arith.constant 32 : i32
    %scan3A_129 = arith.addi %scan3A_127, %scan3A_128 : i32
    %scan3A_130 = arith.constant 1 : i32
    scf.for %scan3A_200 = %scan3A_127 to %scan3A_129 step %scan3A_130  : i32 {
      %get3A_201 = arith.constant 0 : index
      %get3A_202 = arith.constant 0 : index
      %get3A_203 = arith.constant 0 : index
      %get3A_204 = vector.load %arg4[%get3A_201, %get3A_202, %get3A_203] : memref<16x128x128xf32, #tpu.memory_space<vmem>>, vector<16x32x128xf32>
      %sub3A_205 = arith.constant 31 : i32
      %sub3A_206 = arith.subi %sub3A_205, %scan3A_200 : i32
      %add3A_207 = arith.constant 0 : i32
      %add3A_208 = arith.addi %add3A_207, %sub3A_206 : i32
      %eq3A_209 = vector.broadcast %add3A_208 : i32 to vector<1x1x128xi32>
      %eq3A_210 = arith.cmpi eq, %iota3A_6, %eq3A_209 : vector<1x1x128xi32>
      %eq3A_211 = vector.broadcast %sub3A_206 : i32 to vector<1x32x1xi32>
      %eq3A_212 = arith.cmpi eq, %iota3A_7, %eq3A_211 : vector<1x32x1xi32>
      %jit3A_213 = arith.constant 0.000000e+00 : f32
      %broadcast_in_dim3A_214 = vector.shape_cast %eq3A_212 : vector<1x32x1xi1> to vector<1x32x1xi1>
      %broadcast_in_dim3A_215 = vector.broadcast %broadcast_in_dim3A_214 : vector<1x32x1xi1> to vector<16x32x128xi1>
      %broadcast_in_dim3A_216 = vector.broadcast %jit3A_213 : f32 to vector<16x32x128xf32>
      %select_n3A_217 = arith.select %broadcast_in_dim3A_215, %get3A_204, %broadcast_in_dim3A_216 : vector<16x32x128xi1>, vector<16x32x128xf32>
      %reduce_sum3A_218 = arith.constant dense<0.000000e+00> : vector<16x128xf32>
      %reduce_sum3A_219 = vector.multi_reduction <add>, %select_n3A_217, %reduce_sum3A_218 [1] : vector<16x32x128xf32> to vector<16x128xf32>
      %broadcast_in_dim3A_220 = vector.shape_cast %reduce_sum3A_219 : vector<16x128xf32> to vector<16x1x128xf32>
      %jit3A_221 = arith.constant 0.000000e+00 : f32
      %broadcast_in_dim3A_222 = vector.shape_cast %eq3A_210 : vector<1x1x128xi1> to vector<1x1x128xi1>
      %broadcast_in_dim3A_223 = vector.broadcast %broadcast_in_dim3A_222 : vector<1x1x128xi1> to vector<16x1x128xi1>
      %broadcast_in_dim3A_224 = vector.broadcast %jit3A_221 : f32 to vector<16x1x128xf32>
      %select_n3A_225 = arith.select %broadcast_in_dim3A_223, %broadcast_in_dim3A_220, %broadcast_in_dim3A_224 : vector<16x1x128xi1>, vector<16x1x128xf32>
      %reduce_sum3A_226 = arith.constant dense<0.000000e+00> : vector<16x1xf32>
      %reduce_sum3A_227 = vector.multi_reduction <add>, %select_n3A_225, %reduce_sum3A_226 [2] : vector<16x1x128xf32> to vector<16x1xf32>
      %broadcast_in_dim3A_228 = vector.shape_cast %reduce_sum3A_227 : vector<16x1xf32> to vector<16x1x1xf32>
      %rsqrt3A = math.rsqrt %broadcast_in_dim3A_228 : vector<16x1x1xf32>
      %le3A = vector.broadcast %add3A_208 : i32 to vector<1x1x128xi32>
      %le3A_229 = arith.cmpi sle, %iota3A_6, %le3A : vector<1x1x128xi32>
      %mul3A = vector.broadcast %rsqrt3A : vector<16x1x1xf32> to vector<16x1x128xf32>
      %mul3A_230 = arith.mulf %broadcast_in_dim3A_220, %mul3A : vector<16x1x128xf32>
      %jit3A_231 = arith.constant 0.000000e+00 : f32
      %broadcast_in_dim3A_232 = vector.shape_cast %le3A_229 : vector<1x1x128xi1> to vector<1x1x128xi1>
      %broadcast_in_dim3A_233 = vector.broadcast %broadcast_in_dim3A_232 : vector<1x1x128xi1> to vector<16x1x128xi1>
      %broadcast_in_dim3A_234 = vector.broadcast %jit3A_231 : f32 to vector<16x1x128xf32>
      %select_n3A_235 = arith.select %broadcast_in_dim3A_233, %mul3A_230, %broadcast_in_dim3A_234 : vector<16x1x128xi1>, vector<16x1x128xf32>
      %jit3A_236 = arith.constant 0.000000e+00 : f32
      %broadcast_in_dim3A_237 = vector.shape_cast %eq3A_210 : vector<1x1x128xi1> to vector<1x1x128xi1>
      %broadcast_in_dim3A_238 = vector.broadcast %broadcast_in_dim3A_237 : vector<1x1x128xi1> to vector<16x32x128xi1>
      %broadcast_in_dim3A_239 = vector.broadcast %jit3A_236 : f32 to vector<16x32x128xf32>
      %select_n3A_240 = arith.select %broadcast_in_dim3A_238, %get3A_204, %broadcast_in_dim3A_239 : vector<16x32x128xi1>, vector<16x32x128xf32>
      %reduce_sum3A_241 = arith.constant dense<0.000000e+00> : vector<16x32xf32>
      %reduce_sum3A_242 = vector.multi_reduction <add>, %select_n3A_240, %reduce_sum3A_241 [2] : vector<16x32x128xf32> to vector<16x32xf32>
      %broadcast_in_dim3A_243 = vector.shape_cast %reduce_sum3A_242 : vector<16x32xf32> to vector<16x32x1xf32>
      %lt3A_244 = vector.broadcast %sub3A_206 : i32 to vector<1x32x1xi32>
      %lt3A_245 = arith.cmpi slt, %iota3A_7, %lt3A_244 : vector<1x32x1xi32>
      %mul3A_246 = vector.broadcast %rsqrt3A : vector<16x1x1xf32> to vector<16x32x1xf32>
      %mul3A_247 = arith.mulf %broadcast_in_dim3A_243, %mul3A_246 : vector<16x32x1xf32>
      %jit3A_248 = arith.constant 0.000000e+00 : f32
      %broadcast_in_dim3A_249 = vector.shape_cast %lt3A_245 : vector<1x32x1xi1> to vector<1x32x1xi1>
      %broadcast_in_dim3A_250 = vector.broadcast %broadcast_in_dim3A_249 : vector<1x32x1xi1> to vector<16x32x1xi1>
      %broadcast_in_dim3A_251 = vector.broadcast %jit3A_248 : f32 to vector<16x32x1xf32>
      %select_n3A_252 = arith.select %broadcast_in_dim3A_250, %mul3A_247, %broadcast_in_dim3A_251 : vector<16x32x1xi1>, vector<16x32x1xf32>
      %mul3A_253 = vector.broadcast %select_n3A_252 : vector<16x32x1xf32> to vector<16x32x128xf32>
      %mul3A_254 = vector.broadcast %select_n3A_235 : vector<16x1x128xf32> to vector<16x32x128xf32>
      %mul3A_255 = arith.mulf %mul3A_253, %mul3A_254 : vector<16x32x128xf32>
      %sub3A_256 = arith.subf %get3A_204, %mul3A_255 : vector<16x32x128xf32>
      %broadcast_in_dim3A_257 = vector.shape_cast %eq3A_212 : vector<1x32x1xi1> to vector<1x32x1xi1>
      %broadcast_in_dim3A_258 = vector.broadcast %broadcast_in_dim3A_257 : vector<1x32x1xi1> to vector<16x32x128xi1>
      %broadcast_in_dim3A_259 = vector.shape_cast %select_n3A_235 : vector<16x1x128xf32> to vector<16x1x128xf32>
      %broadcast_in_dim3A_260 = vector.broadcast %broadcast_in_dim3A_259 : vector<16x1x128xf32> to vector<16x32x128xf32>
      %select_n3A_261 = arith.select %broadcast_in_dim3A_258, %broadcast_in_dim3A_260, %sub3A_256 : vector<16x32x128xi1>, vector<16x32x128xf32>
      %swap3A_262 = arith.constant 0 : index
      %swap3A_263 = arith.constant 0 : index
      %swap3A_264 = arith.constant 0 : index
      %swap3A_265 = vector.load %arg4[%swap3A_262, %swap3A_263, %swap3A_264] : memref<16x128x128xf32, #tpu.memory_space<vmem>>, vector<16x32x128xf32>
      tpu.vector_store %arg4[%swap3A_262, %swap3A_263, %swap3A_264], %select_n3A_261 {strides = array<i32>} : memref<16x128x128xf32, #tpu.memory_space<vmem>>, vector<16x32x128xf32>,
    }
    %scan3A_131 = arith.constant 32 : i32
    %get3A_132 = arith.constant 0 : index
    %get3A_133 = arith.constant 0 : index
    %get3A_134 = arith.constant 0 : index
    %get3A_135 = vector.load %arg4[%get3A_132, %get3A_133, %get3A_134] : memref<16x128x128xf32, #tpu.memory_space<vmem>>, vector<16x128x128xf32>
    %eq3A = vector.broadcast %iota3A : vector<1x128x1xi32> to vector<1x128x128xi32>
    %eq3A_136 = vector.broadcast %iota3A_6 : vector<1x1x128xi32> to vector<1x128x128xi32>
    %eq3A_137 = arith.cmpi eq, %eq3A, %eq3A_136 : vector<1x128x128xi32>
    %jit3A_138 = arith.constant 1.000000e+00 : f32
    %jit3A_139 = arith.constant 0.000000e+00 : f32
    %broadcast_in_dim3A_140 = vector.broadcast %jit3A_138 : f32 to vector<1x128x128xf32>
    %broadcast_in_dim3A_141 = vector.broadcast %jit3A_139 : f32 to vector<1x128x128xf32>
    %select_n3A_142 = arith.select %eq3A_137, %broadcast_in_dim3A_140, %broadcast_in_dim3A_141 : vector<1x128x128xi1>, vector<1x128x128xf32>
    %eq3A_143 = vector.broadcast %iota3A : vector<1x128x1xi32> to vector<1x128x128xi32>
    %eq3A_144 = vector.broadcast %iota3A_6 : vector<1x1x128xi32> to vector<1x128x128xi32>
    %eq3A_145 = arith.cmpi eq, %eq3A_143, %eq3A_144 : vector<1x128x128xi32>
    %jit3A_146 = arith.constant 0.000000e+00 : f32
    %broadcast_in_dim3A_147 = vector.shape_cast %eq3A_145 : vector<1x128x128xi1> to vector<1x128x128xi1>
    %broadcast_in_dim3A_148 = vector.broadcast %broadcast_in_dim3A_147 : vector<1x128x128xi1> to vector<16x128x128xi1>
    %broadcast_in_dim3A_149 = vector.broadcast %jit3A_146 : f32 to vector<16x128x128xf32>
    %select_n3A_150 = arith.select %broadcast_in_dim3A_148, %get3A_135, %broadcast_in_dim3A_149 : vector<16x128x128xi1>, vector<16x128x128xf32>
    %reduce_sum3A = arith.constant dense<0.000000e+00> : vector<16x128xf32>
    %reduce_sum3A_151 = vector.multi_reduction <add>, %select_n3A_150, %reduce_sum3A [2] : vector<16x128x128xf32> to vector<16x128xf32>
    %broadcast_in_dim3A_152 = vector.shape_cast %reduce_sum3A_151 : vector<16x128xf32> to vector<16x128x1xf32>
    %div3A = vector.broadcast %broadcast_in_dim3A_152 : vector<16x128x1xf32> to vector<16x128x128xf32>
    %div3A_153 = arith.divf %get3A_135, %div3A : vector<16x128x128xf32>
    %sub3A_154 = vector.broadcast %select_n3A_142 : vector<1x128x128xf32> to vector<16x128x128xf32>
    %sub3A_155 = arith.subf %div3A_153, %sub3A_154 : vector<16x128x128xf32>
    %sub3A_156 = vector.broadcast %select_n3A_142 : vector<1x128x128xf32> to vector<16x128x128xf32>
    %sub3A_157 = arith.subf %sub3A_156, %sub3A_155 : vector<16x128x128xf32>
    %dot_general3A_158 = arith.constant dense<0.000000e+00> : vector<16x128x128xf32>
    %dot_general3A_159 = tpu.matmul %sub3A_155, %sub3A_155, %dot_general3A_158 {dimension_numbers = #tpu.dot_dimension_numbers<[2], [1], [1], [2], [0, 0, 0, 1, 1, 2], [0], [0]>, precision = #tpu.contract_precision<fp32>, transpose_lhs_hint = false} : vector<16x128x128xf32>, vector<16x128x128xf32>, vector<16x128x128xf32> -> vector<16x128x128xf32>
    %add3A = vector.broadcast %select_n3A_142 : vector<1x128x128xf32> to vector<16x128x128xf32>
    %add3A_160 = arith.addf %add3A, %dot_general3A_159 : vector<16x128x128xf32>
    %dot_general3A_161 = arith.constant dense<0.000000e+00> : vector<16x128x128xf32>
    %dot_general3A_162 = tpu.matmul %sub3A_157, %add3A_160, %dot_general3A_161 {dimension_numbers = #tpu.dot_dimension_numbers<[2], [1], [1], [2], [0, 0, 0, 1, 1, 2], [0], [0]>, precision = #tpu.contract_precision<fp32>, transpose_lhs_hint = false} : vector<16x128x128xf32>, vector<16x128x128xf32>, vector<16x128x128xf32> -> vector<16x128x128xf32>
    %dot_general3A_163 = arith.constant dense<0.000000e+00> : vector<16x128x128xf32>
    %dot_general3A_164 = tpu.matmul %dot_general3A_159, %dot_general3A_159, %dot_general3A_163 {dimension_numbers = #tpu.dot_dimension_numbers<[2], [1], [1], [2], [0, 0, 0, 1, 1, 2], [0], [0]>, precision = #tpu.contract_precision<fp32>, transpose_lhs_hint = false} : vector<16x128x128xf32>, vector<16x128x128xf32>, vector<16x128x128xf32> -> vector<16x128x128xf32>
    %add3A_165 = vector.broadcast %select_n3A_142 : vector<1x128x128xf32> to vector<16x128x128xf32>
    %add3A_166 = arith.addf %add3A_165, %dot_general3A_164 : vector<16x128x128xf32>
    %dot_general3A_167 = arith.constant dense<0.000000e+00> : vector<16x128x128xf32>
    %dot_general3A_168 = tpu.matmul %dot_general3A_162, %add3A_166, %dot_general3A_167 {dimension_numbers = #tpu.dot_dimension_numbers<[2], [1], [1], [2], [0, 0, 0, 1, 1, 2], [0], [0]>, precision = #tpu.contract_precision<fp32>, transpose_lhs_hint = false} : vector<16x128x128xf32>, vector<16x128x128xf32>, vector<16x128x128xf32> -> vector<16x128x128xf32>
    %dot_general3A_169 = arith.constant dense<0.000000e+00> : vector<16x128x128xf32>
    %dot_general3A_170 = tpu.matmul %dot_general3A_164, %dot_general3A_164, %dot_general3A_169 {dimension_numbers = #tpu.dot_dimension_numbers<[2], [1], [1], [2], [0, 0, 0, 1, 1, 2], [0], [0]>, precision = #tpu.contract_precision<fp32>, transpose_lhs_hint = false} : vector<16x128x128xf32>, vector<16x128x128xf32>, vector<16x128x128xf32> -> vector<16x128x128xf32>
    %add3A_171 = vector.broadcast %select_n3A_142 : vector<1x128x128xf32> to vector<16x128x128xf32>
    %add3A_172 = arith.addf %add3A_171, %dot_general3A_170 : vector<16x128x128xf32>
    %dot_general3A_173 = arith.constant dense<0.000000e+00> : vector<16x128x128xf32>
    %dot_general3A_174 = tpu.matmul %dot_general3A_168, %add3A_172, %dot_general3A_173 {dimension_numbers = #tpu.dot_dimension_numbers<[2], [1], [1], [2], [0, 0, 0, 1, 1, 2], [0], [0]>, precision = #tpu.contract_precision<fp32>, transpose_lhs_hint = false} : vector<16x128x128xf32>, vector<16x128x128xf32>, vector<16x128x128xf32> -> vector<16x128x128xf32>
    %dot_general3A_175 = arith.constant dense<0.000000e+00> : vector<16x128x128xf32>
    %dot_general3A_176 = tpu.matmul %dot_general3A_170, %dot_general3A_170, %dot_general3A_175 {dimension_numbers = #tpu.dot_dimension_numbers<[2], [1], [1], [2], [0, 0, 0, 1, 1, 2], [0], [0]>, precision = #tpu.contract_precision<fp32>, transpose_lhs_hint = false} : vector<16x128x128xf32>, vector<16x128x128xf32>, vector<16x128x128xf32> -> vector<16x128x128xf32>
    %add3A_177 = vector.broadcast %select_n3A_142 : vector<1x128x128xf32> to vector<16x128x128xf32>
    %add3A_178 = arith.addf %add3A_177, %dot_general3A_176 : vector<16x128x128xf32>
    %dot_general3A_179 = arith.constant dense<0.000000e+00> : vector<16x128x128xf32>
    %dot_general3A_180 = tpu.matmul %dot_general3A_174, %add3A_178, %dot_general3A_179 {dimension_numbers = #tpu.dot_dimension_numbers<[2], [1], [1], [2], [0, 0, 0, 1, 1, 2], [0], [0]>, precision = #tpu.contract_precision<fp32>, transpose_lhs_hint = false} : vector<16x128x128xf32>, vector<16x128x128xf32>, vector<16x128x128xf32> -> vector<16x128x128xf32>
    %dot_general3A_181 = arith.constant dense<0.000000e+00> : vector<16x128x128xf32>
    %dot_general3A_182 = tpu.matmul %dot_general3A_176, %dot_general3A_176, %dot_general3A_181 {dimension_numbers = #tpu.dot_dimension_numbers<[2], [1], [1], [2], [0, 0, 0, 1, 1, 2], [0], [0]>, precision = #tpu.contract_precision<fp32>, transpose_lhs_hint = false} : vector<16x128x128xf32>, vector<16x128x128xf32>, vector<16x128x128xf32> -> vector<16x128x128xf32>
    %add3A_183 = vector.broadcast %select_n3A_142 : vector<1x128x128xf32> to vector<16x128x128xf32>
    %add3A_184 = arith.addf %add3A_183, %dot_general3A_182 : vector<16x128x128xf32>
    %dot_general3A_185 = arith.constant dense<0.000000e+00> : vector<16x128x128xf32>
    %dot_general3A_186 = tpu.matmul %dot_general3A_180, %add3A_184, %dot_general3A_185 {dimension_numbers = #tpu.dot_dimension_numbers<[2], [1], [1], [2], [0, 0, 0, 1, 1, 2], [0], [0]>, precision = #tpu.contract_precision<fp32>, transpose_lhs_hint = false} : vector<16x128x128xf32>, vector<16x128x128xf32>, vector<16x128x128xf32> -> vector<16x128x128xf32>
    %dot_general3A_187 = arith.constant dense<0.000000e+00> : vector<16x128x128xf32>
    %dot_general3A_188 = tpu.matmul %dot_general3A_182, %dot_general3A_182, %dot_general3A_187 {dimension_numbers = #tpu.dot_dimension_numbers<[2], [1], [1], [2], [0, 0, 0, 1, 1, 2], [0], [0]>, precision = #tpu.contract_precision<fp32>, transpose_lhs_hint = false} : vector<16x128x128xf32>, vector<16x128x128xf32>, vector<16x128x128xf32> -> vector<16x128x128xf32>
    %add3A_189 = vector.broadcast %select_n3A_142 : vector<1x128x128xf32> to vector<16x128x128xf32>
    %add3A_190 = arith.addf %add3A_189, %dot_general3A_188 : vector<16x128x128xf32>
    %dot_general3A_191 = arith.constant dense<0.000000e+00> : vector<16x128x128xf32>
    %dot_general3A_192 = tpu.matmul %dot_general3A_186, %add3A_190, %dot_general3A_191 {dimension_numbers = #tpu.dot_dimension_numbers<[2], [1], [1], [2], [0, 0, 0, 1, 1, 2], [0], [0]>, precision = #tpu.contract_precision<fp32>, transpose_lhs_hint = false} : vector<16x128x128xf32>, vector<16x128x128xf32>, vector<16x128x128xf32> -> vector<16x128x128xf32>
    %broadcast_in_dim3A_193 = vector.shape_cast %reduce_sum3A_151 : vector<16x128xf32> to vector<16x1x128xf32>
    %div3A_194 = vector.broadcast %broadcast_in_dim3A_193 : vector<16x1x128xf32> to vector<16x128x128xf32>
    %div3A_195 = arith.divf %dot_general3A_192, %div3A_194 : vector<16x128x128xf32>
    %swap3A_196 = arith.constant 0 : index
    %swap3A_197 = arith.constant 0 : index
    %swap3A_198 = arith.constant 0 : index
    %swap3A_199 = vector.load %arg2[%swap3A_196, %swap3A_197, %swap3A_198] : memref<16x128x128xf32, #tpu.memory_space<vmem>>, vector<16x128x128xf32>
    tpu.vector_store %arg2[%swap3A_196, %swap3A_197, %swap3A_198], %div3A_195 {strides = array<i32>} : memref<16x128x128xf32, #tpu.memory_space<vmem>>, vector<16x128x128xf32>,
    return
  }
  func.func @transform_0(%arg0: i32) -> (i32, i32, i32) {
    %c0_i32 = arith.constant 0 : i32
    %c6_i32 = arith.constant 6 : i32
    %c6_i32_0 = arith.constant 6 : i32
    %c0_i32_1 = arith.constant 0 : i32
    return %c0_i32, %c6_i32, %c6_i32_0 : i32, i32, i32
  }
  func.func @transform_1(%arg0: i32) -> (i32, i32, i32) {
    %c0_i32 = arith.constant 0 : i32
    %c0_i32_0 = arith.constant 0 : i32
    %c0_i32_1 = arith.constant 0 : i32
    %c0_i32_2 = arith.constant 0 : i32
    return %c0_i32, %c0_i32_0, %c0_i32_1 : i32, i32, i32
  }
}

module attributes {stable_mosaic.version = 14 : i64} {
  func.func @_diag_factor_body(%arg0: i32, %arg1: memref<16x128x128xf32, #tpu.memory_space<vmem>>, %arg2: memref<16x128x128xf32, #tpu.memory_space<vmem>>, %arg3: memref<16x128x128xf32, #tpu.memory_space<vmem>>, %arg4: memref<16x128x128xf32, #tpu.memory_space<vmem>>) attributes {dimension_semantics = [#tpu.dimension_semantics<arbitrary>], iteration_bounds = array<i64: 1>, scalar_prefetch = 0 : i64, scratch_operands = 2 : i64, tpu.core_type = #tpu.core_type<tc>, window_params = [{transform_indices = @transform_0, window_bounds = array<i64: 16, 128, 128>}, {pipeline_mode = #tpu.pipeline_mode<synchronous>, transform_indices = @transform_1, window_bounds = array<i64: 16, 128, 128>}]} {
    %get3A = arith.constant 0 : index
    %get3A_0 = arith.constant 0 : index
    %get3A_1 = arith.constant 0 : index
    %get3A_2 = vector.load %arg1[%get3A, %get3A_0, %get3A_1] : memref<16x128x128xf32, #tpu.memory_space<vmem>>, vector<16x128x128xf32>
    %swap3A = arith.constant 0 : index
    %swap3A_3 = arith.constant 0 : index
    %swap3A_4 = arith.constant 0 : index
    %swap3A_5 = vector.load %arg3[%swap3A, %swap3A_3, %swap3A_4] : memref<16x128x128xf32, #tpu.memory_space<vmem>>, vector<16x128x128xf32>
    tpu.vector_store %arg3[%swap3A, %swap3A_3, %swap3A_4], %get3A_2 {strides = array<i32>} : memref<16x128x128xf32, #tpu.memory_space<vmem>>, vector<16x128x128xf32>,
    %iota3A = tpu.iota {dimensions = array<i32: 1>} : vector<1x128x1xi32>
    %iota3A_6 = tpu.iota {dimensions = array<i32: 2>} : vector<1x1x128xi32>
    %iota3A_7 = tpu.iota {dimensions = array<i32: 1>} : vector<1x32x1xi32>
    %lt3A = arith.constant 128 : i32
    %lt3A_8 = vector.broadcast %lt3A : i32 to vector<1x1x128xi32>
    %lt3A_9 = arith.cmpi slt, %iota3A_6, %lt3A_8 : vector<1x1x128xi32>
    %get3A_10 = arith.constant 0 : index
    %get3A_11 = arith.constant 96 : index
    %get3A_12 = arith.constant 0 : index
    %get3A_13 = vector.load %arg3[%get3A_10, %get3A_11, %get3A_12] : memref<16x128x128xf32, #tpu.memory_space<vmem>>, vector<16x32x128xf32>
    %jit3A = arith.constant 0.000000e+00 : f32
    %broadcast_in_dim3A = vector.shape_cast %lt3A_9 : vector<1x1x128xi1> to vector<1x1x128xi1>
    %broadcast_in_dim3A_14 = vector.broadcast %broadcast_in_dim3A : vector<1x1x128xi1> to vector<16x32x128xi1>
    %broadcast_in_dim3A_15 = vector.broadcast %jit3A : f32 to vector<16x32x128xf32>
    %select_n3A = arith.select %broadcast_in_dim3A_14, %get3A_13, %broadcast_in_dim3A_15 : vector<16x32x128xi1>, vector<16x32x128xf32>
    %swap3A_16 = arith.constant 0 : index
    %swap3A_17 = arith.constant 96 : index
    %swap3A_18 = arith.constant 0 : index
    %swap3A_19 = vector.load %arg4[%swap3A_16, %swap3A_17, %swap3A_18] : memref<16x128x128xf32, #tpu.memory_space<vmem>>, vector<16x32x128xf32>
    tpu.vector_store %arg4[%swap3A_16, %swap3A_17, %swap3A_18], %select_n3A {strides = array<i32>} : memref<16x128x128xf32, #tpu.memory_space<vmem>>, vector<16x32x128xf32>,
    %scan3A = arith.constant 0 : i32
    %scan3A_20 = arith.constant 32 : i32
    %scan3A_21 = arith.addi %scan3A, %scan3A_20 : i32
    %scan3A_22 = arith.constant 1 : i32
    scf.for %scan3A_200 = %scan3A to %scan3A_21 step %scan3A_22  : i32 {
      %get3A_201 = arith.constant 0 : index
      %get3A_202 = arith.constant 96 : index
      %get3A_203 = arith.constant 0 : index
      %get3A_204 = vector.load %arg4[%get3A_201, %get3A_202, %get3A_203] : memref<16x128x128xf32, #tpu.memory_space<vmem>>, vector<16x32x128xf32>
      %sub3A_205 = arith.constant 31 : i32
      %sub3A_206 = arith.subi %sub3A_205, %scan3A_200 : i32
      %add3A_207 = arith.constant 96 : i32
      %add3A_208 = arith.addi %add3A_207, %sub3A_206 : i32
      %eq3A_209 = vector.broadcast %add3A_208 : i32 to vector<1x1x128xi32>
      %eq3A_210 = arith.cmpi eq, %iota3A_6, %eq3A_209 : vector<1x1x128xi32>
      %eq3A_211 = vector.broadcast %sub3A_206 : i32 to vector<1x32x1xi32>
      %eq3A_212 = arith.cmpi eq, %iota3A_7, %eq3A_211 : vector<1x32x1xi32>
      %jit3A_213 = arith.constant 0.000000e+00 : f32
      %broadcast_in_dim3A_214 = vector.shape_cast %eq3A_212 : vector<1x32x1xi1> to vector<1x32x1xi1>
      %broadcast_in_dim3A_215 = vector.broadcast %broadcast_in_dim3A_214 : vector<1x32x1xi1> to vector<16x32x128xi1>
      %broadcast_in_dim3A_216 = vector.broadcast %jit3A_213 : f32 to vector<16x32x128xf32>
      %select_n3A_217 = arith.select %broadcast_in_dim3A_215, %get3A_204, %broadcast_in_dim3A_216 : vector<16x32x128xi1>, vector<16x32x128xf32>
      %reduce_sum3A_218 = arith.constant dense<0.000000e+00> : vector<16x128xf32>
      %reduce_sum3A_219 = vector.multi_reduction <add>, %select_n3A_217, %reduce_sum3A_218 [1] : vector<16x32x128xf32> to vector<16x128xf32>
      %broadcast_in_dim3A_220 = vector.shape_cast %reduce_sum3A_219 : vector<16x128xf32> to vector<16x1x128xf32>
      %jit3A_221 = arith.constant 0.000000e+00 : f32
      %broadcast_in_dim3A_222 = vector.shape_cast %eq3A_210 : vector<1x1x128xi1> to vector<1x1x128xi1>
      %broadcast_in_dim3A_223 = vector.broadcast %broadcast_in_dim3A_222 : vector<1x1x128xi1> to vector<16x1x128xi1>
      %broadcast_in_dim3A_224 = vector.broadcast %jit3A_221 : f32 to vector<16x1x128xf32>
      %select_n3A_225 = arith.select %broadcast_in_dim3A_223, %broadcast_in_dim3A_220, %broadcast_in_dim3A_224 : vector<16x1x128xi1>, vector<16x1x128xf32>
      %reduce_sum3A_226 = arith.constant dense<0.000000e+00> : vector<16x1xf32>
      %reduce_sum3A_227 = vector.multi_reduction <add>, %select_n3A_225, %reduce_sum3A_226 [2] : vector<16x1x128xf32> to vector<16x1xf32>
      %broadcast_in_dim3A_228 = vector.shape_cast %reduce_sum3A_227 : vector<16x1xf32> to vector<16x1x1xf32>
      %rsqrt3A = math.rsqrt %broadcast_in_dim3A_228 : vector<16x1x1xf32>
      %le3A = vector.broadcast %add3A_208 : i32 to vector<1x1x128xi32>
      %le3A_229 = arith.cmpi sle, %iota3A_6, %le3A : vector<1x1x128xi32>
      %mul3A = vector.broadcast %rsqrt3A : vector<16x1x1xf32> to vector<16x1x128xf32>
      %mul3A_230 = arith.mulf %broadcast_in_dim3A_220, %mul3A : vector<16x1x128xf32>
      %jit3A_231 = arith.constant 0.000000e+00 : f32
      %broadcast_in_dim3A_232 = vector.shape_cast %le3A_229 : vector<1x1x128xi1> to vector<1x1x128xi1>
      %broadcast_in_dim3A_233 = vector.broadcast %broadcast_in_dim3A_232 : vector<1x1x128xi1> to vector<16x1x128xi1>
      %broadcast_in_dim3A_234 = vector.broadcast %jit3A_231 : f32 to vector<16x1x128xf32>
      %select_n3A_235 = arith.select %broadcast_in_dim3A_233, %mul3A_230, %broadcast_in_dim3A_234 : vector<16x1x128xi1>, vector<16x1x128xf32>
      %jit3A_236 = arith.constant 0.000000e+00 : f32
      %broadcast_in_dim3A_237 = vector.shape_cast %eq3A_210 : vector<1x1x128xi1> to vector<1x1x128xi1>
      %broadcast_in_dim3A_238 = vector.broadcast %broadcast_in_dim3A_237 : vector<1x1x128xi1> to vector<16x32x128xi1>
      %broadcast_in_dim3A_239 = vector.broadcast %jit3A_236 : f32 to vector<16x32x128xf32>
      %select_n3A_240 = arith.select %broadcast_in_dim3A_238, %get3A_204, %broadcast_in_dim3A_239 : vector<16x32x128xi1>, vector<16x32x128xf32>
      %reduce_sum3A_241 = arith.constant dense<0.000000e+00> : vector<16x32xf32>
      %reduce_sum3A_242 = vector.multi_reduction <add>, %select_n3A_240, %reduce_sum3A_241 [2] : vector<16x32x128xf32> to vector<16x32xf32>
      %broadcast_in_dim3A_243 = vector.shape_cast %reduce_sum3A_242 : vector<16x32xf32> to vector<16x32x1xf32>
      %lt3A_244 = vector.broadcast %sub3A_206 : i32 to vector<1x32x1xi32>
      %lt3A_245 = arith.cmpi slt, %iota3A_7, %lt3A_244 : vector<1x32x1xi32>
      %mul3A_246 = vector.broadcast %rsqrt3A : vector<16x1x1xf32> to vector<16x32x1xf32>
      %mul3A_247 = arith.mulf %broadcast_in_dim3A_243, %mul3A_246 : vector<16x32x1xf32>
      %jit3A_248 = arith.constant 0.000000e+00 : f32
      %broadcast_in_dim3A_249 = vector.shape_cast %lt3A_245 : vector<1x32x1xi1> to vector<1x32x1xi1>
      %broadcast_in_dim3A_250 = vector.broadcast %broadcast_in_dim3A_249 : vector<1x32x1xi1> to vector<16x32x1xi1>
      %broadcast_in_dim3A_251 = vector.broadcast %jit3A_248 : f32 to vector<16x32x1xf32>
      %select_n3A_252 = arith.select %broadcast_in_dim3A_250, %mul3A_247, %broadcast_in_dim3A_251 : vector<16x32x1xi1>, vector<16x32x1xf32>
      %mul3A_253 = vector.broadcast %select_n3A_252 : vector<16x32x1xf32> to vector<16x32x128xf32>
      %mul3A_254 = vector.broadcast %select_n3A_235 : vector<16x1x128xf32> to vector<16x32x128xf32>
      %mul3A_255 = arith.mulf %mul3A_253, %mul3A_254 : vector<16x32x128xf32>
      %sub3A_256 = arith.subf %get3A_204, %mul3A_255 : vector<16x32x128xf32>
      %broadcast_in_dim3A_257 = vector.shape_cast %eq3A_212 : vector<1x32x1xi1> to vector<1x32x1xi1>
      %broadcast_in_dim3A_258 = vector.broadcast %broadcast_in_dim3A_257 : vector<1x32x1xi1> to vector<16x32x128xi1>
      %broadcast_in_dim3A_259 = vector.shape_cast %select_n3A_235 : vector<16x1x128xf32> to vector<16x1x128xf32>
      %broadcast_in_dim3A_260 = vector.broadcast %broadcast_in_dim3A_259 : vector<16x1x128xf32> to vector<16x32x128xf32>
      %select_n3A_261 = arith.select %broadcast_in_dim3A_258, %broadcast_in_dim3A_260, %sub3A_256 : vector<16x32x128xi1>, vector<16x32x128xf32>
      %swap3A_262 = arith.constant 0 : index
      %swap3A_263 = arith.constant 96 : index
      %swap3A_264 = arith.constant 0 : index
      %swap3A_265 = vector.load %arg4[%swap3A_262, %swap3A_263, %swap3A_264] : memref<16x128x128xf32, #tpu.memory_space<vmem>>, vector<16x32x128xf32>
      tpu.vector_store %arg4[%swap3A_262, %swap3A_263, %swap3A_264], %select_n3A_261 {strides = array<i32>} : memref<16x128x128xf32, #tpu.memory_space<vmem>>, vector<16x32x128xf32>,
    }
    %scan3A_23 = arith.constant 32 : i32
    %get3A_24 = arith.constant 0 : index
    %get3A_25 = arith.constant 96 : index
    %get3A_26 = arith.constant 0 : index
    %get3A_27 = vector.load %arg4[%get3A_24, %get3A_25, %get3A_26] : memref<16x128x128xf32, #tpu.memory_space<vmem>>, vector<16x32x128xf32>
    %get3A_28 = arith.constant 0 : index
    %get3A_29 = arith.constant 0 : index
    %get3A_30 = arith.constant 0 : index
    %get3A_31 = vector.load %arg3[%get3A_28, %get3A_29, %get3A_30] : memref<16x128x128xf32, #tpu.memory_space<vmem>>, vector<16x128x96xf32>
    %slice3A = vector.extract_strided_slice %get3A_27 {offsets = [0, 0, 0], sizes = [16, 32, 96], strides = [1, 1, 1]} : vector<16x32x128xf32> to vector<16x32x96xf32>
    %dot_general3A = arith.constant dense<0.000000e+00> : vector<16x128x96xf32>
    %dot_general3A_32 = tpu.matmul %get3A_27, %slice3A, %dot_general3A {dimension_numbers = #tpu.dot_dimension_numbers<[1], [1], [2], [2], [0, 0, 0, 2, 1, 2], [0], [0]>, precision = #tpu.contract_precision<fp32>, transpose_lhs_hint = false} : vector<16x32x128xf32>, vector<16x32x96xf32>, vector<16x128x96xf32> -> vector<16x128x96xf32>
    %sub3A = arith.subf %get3A_31, %dot_general3A_32 : vector<16x128x96xf32>
    %swap3A_33 = arith.constant 0 : index
    %swap3A_34 = arith.constant 0 : index
    %swap3A_35 = arith.constant 0 : index
    %swap3A_36 = vector.load %arg3[%swap3A_33, %swap3A_34, %swap3A_35] : memref<16x128x128xf32, #tpu.memory_space<vmem>>, vector<16x128x96xf32>
    tpu.vector_store %arg3[%swap3A_33, %swap3A_34, %swap3A_35], %sub3A {strides = array<i32>} : memref<16x128x128xf32, #tpu.memory_space<vmem>>, vector<16x128x96xf32>,
    %lt3A_37 = arith.constant 96 : i32
    %lt3A_38 = vector.broadcast %lt3A_37 : i32 to vector<1x1x128xi32>
    %lt3A_39 = arith.cmpi slt, %iota3A_6, %lt3A_38 : vector<1x1x128xi32>
    %get3A_40 = arith.constant 0 : index
    %get3A_41 = arith.constant 64 : index
    %get3A_42 = arith.constant 0 : index
    %get3A_43 = vector.load %arg3[%get3A_40, %get3A_41, %get3A_42] : memref<16x128x128xf32, #tpu.memory_space<vmem>>, vector<16x32x128xf32>
    %jit3A_44 = arith.constant 0.000000e+00 : f32
    %broadcast_in_dim3A_45 = vector.shape_cast %lt3A_39 : vector<1x1x128xi1> to vector<1x1x128xi1>
    %broadcast_in_dim3A_46 = vector.broadcast %broadcast_in_dim3A_45 : vector<1x1x128xi1> to vector<16x32x128xi1>
    %broadcast_in_dim3A_47 = vector.broadcast %jit3A_44 : f32 to vector<16x32x128xf32>
    %select_n3A_48 = arith.select %broadcast_in_dim3A_46, %get3A_43, %broadcast_in_dim3A_47 : vector<16x32x128xi1>, vector<16x32x128xf32>
    %swap3A_49 = arith.constant 0 : index
    %swap3A_50 = arith.constant 64 : index
    %swap3A_51 = arith.constant 0 : index
    %swap3A_52 = vector.load %arg4[%swap3A_49, %swap3A_50, %swap3A_51] : memref<16x128x128xf32, #tpu.memory_space<vmem>>, vector<16x32x128xf32>
    tpu.vector_store %arg4[%swap3A_49, %swap3A_50, %swap3A_51], %select_n3A_48 {strides = array<i32>} : memref<16x128x128xf32, #tpu.memory_space<vmem>>, vector<16x32x128xf32>,
    %scan3A_53 = arith.constant 0 : i32
    %scan3A_54 = arith.constant 32 : i32
    %scan3A_55 = arith.addi %scan3A_53, %scan3A_54 : i32
    %scan3A_56 = arith.constant 1 : i32
    scf.for %scan3A_200 = %scan3A_53 to %scan3A_55 step %scan3A_56  : i32 {
      %get3A_201 = arith.constant 0 : index
      %get3A_202 = arith.constant 64 : index
      %get3A_203 = arith.constant 0 : index
      %get3A_204 = vector.load %arg4[%get3A_201, %get3A_202, %get3A_203] : memref<16x128x128xf32, #tpu.memory_space<vmem>>, vector<16x32x128xf32>
      %sub3A_205 = arith.constant 31 : i32
      %sub3A_206 = arith.subi %sub3A_205, %scan3A_200 : i32
      %add3A_207 = arith.constant 64 : i32
      %add3A_208 = arith.addi %add3A_207, %sub3A_206 : i32
      %eq3A_209 = vector.broadcast %add3A_208 : i32 to vector<1x1x128xi32>
      %eq3A_210 = arith.cmpi eq, %iota3A_6, %eq3A_209 : vector<1x1x128xi32>
      %eq3A_211 = vector.broadcast %sub3A_206 : i32 to vector<1x32x1xi32>
      %eq3A_212 = arith.cmpi eq, %iota3A_7, %eq3A_211 : vector<1x32x1xi32>
      %jit3A_213 = arith.constant 0.000000e+00 : f32
      %broadcast_in_dim3A_214 = vector.shape_cast %eq3A_212 : vector<1x32x1xi1> to vector<1x32x1xi1>
      %broadcast_in_dim3A_215 = vector.broadcast %broadcast_in_dim3A_214 : vector<1x32x1xi1> to vector<16x32x128xi1>
      %broadcast_in_dim3A_216 = vector.broadcast %jit3A_213 : f32 to vector<16x32x128xf32>
      %select_n3A_217 = arith.select %broadcast_in_dim3A_215, %get3A_204, %broadcast_in_dim3A_216 : vector<16x32x128xi1>, vector<16x32x128xf32>
      %reduce_sum3A_218 = arith.constant dense<0.000000e+00> : vector<16x128xf32>
      %reduce_sum3A_219 = vector.multi_reduction <add>, %select_n3A_217, %reduce_sum3A_218 [1] : vector<16x32x128xf32> to vector<16x128xf32>
      %broadcast_in_dim3A_220 = vector.shape_cast %reduce_sum3A_219 : vector<16x128xf32> to vector<16x1x128xf32>
      %jit3A_221 = arith.constant 0.000000e+00 : f32
      %broadcast_in_dim3A_222 = vector.shape_cast %eq3A_210 : vector<1x1x128xi1> to vector<1x1x128xi1>
      %broadcast_in_dim3A_223 = vector.broadcast %broadcast_in_dim3A_222 : vector<1x1x128xi1> to vector<16x1x128xi1>
      %broadcast_in_dim3A_224 = vector.broadcast %jit3A_221 : f32 to vector<16x1x128xf32>
      %select_n3A_225 = arith.select %broadcast_in_dim3A_223, %broadcast_in_dim3A_220, %broadcast_in_dim3A_224 : vector<16x1x128xi1>, vector<16x1x128xf32>
      %reduce_sum3A_226 = arith.constant dense<0.000000e+00> : vector<16x1xf32>
      %reduce_sum3A_227 = vector.multi_reduction <add>, %select_n3A_225, %reduce_sum3A_226 [2] : vector<16x1x128xf32> to vector<16x1xf32>
      %broadcast_in_dim3A_228 = vector.shape_cast %reduce_sum3A_227 : vector<16x1xf32> to vector<16x1x1xf32>
      %rsqrt3A = math.rsqrt %broadcast_in_dim3A_228 : vector<16x1x1xf32>
      %le3A = vector.broadcast %add3A_208 : i32 to vector<1x1x128xi32>
      %le3A_229 = arith.cmpi sle, %iota3A_6, %le3A : vector<1x1x128xi32>
      %mul3A = vector.broadcast %rsqrt3A : vector<16x1x1xf32> to vector<16x1x128xf32>
      %mul3A_230 = arith.mulf %broadcast_in_dim3A_220, %mul3A : vector<16x1x128xf32>
      %jit3A_231 = arith.constant 0.000000e+00 : f32
      %broadcast_in_dim3A_232 = vector.shape_cast %le3A_229 : vector<1x1x128xi1> to vector<1x1x128xi1>
      %broadcast_in_dim3A_233 = vector.broadcast %broadcast_in_dim3A_232 : vector<1x1x128xi1> to vector<16x1x128xi1>
      %broadcast_in_dim3A_234 = vector.broadcast %jit3A_231 : f32 to vector<16x1x128xf32>
      %select_n3A_235 = arith.select %broadcast_in_dim3A_233, %mul3A_230, %broadcast_in_dim3A_234 : vector<16x1x128xi1>, vector<16x1x128xf32>
      %jit3A_236 = arith.constant 0.000000e+00 : f32
      %broadcast_in_dim3A_237 = vector.shape_cast %eq3A_210 : vector<1x1x128xi1> to vector<1x1x128xi1>
      %broadcast_in_dim3A_238 = vector.broadcast %broadcast_in_dim3A_237 : vector<1x1x128xi1> to vector<16x32x128xi1>
      %broadcast_in_dim3A_239 = vector.broadcast %jit3A_236 : f32 to vector<16x32x128xf32>
      %select_n3A_240 = arith.select %broadcast_in_dim3A_238, %get3A_204, %broadcast_in_dim3A_239 : vector<16x32x128xi1>, vector<16x32x128xf32>
      %reduce_sum3A_241 = arith.constant dense<0.000000e+00> : vector<16x32xf32>
      %reduce_sum3A_242 = vector.multi_reduction <add>, %select_n3A_240, %reduce_sum3A_241 [2] : vector<16x32x128xf32> to vector<16x32xf32>
      %broadcast_in_dim3A_243 = vector.shape_cast %reduce_sum3A_242 : vector<16x32xf32> to vector<16x32x1xf32>
      %lt3A_244 = vector.broadcast %sub3A_206 : i32 to vector<1x32x1xi32>
      %lt3A_245 = arith.cmpi slt, %iota3A_7, %lt3A_244 : vector<1x32x1xi32>
      %mul3A_246 = vector.broadcast %rsqrt3A : vector<16x1x1xf32> to vector<16x32x1xf32>
      %mul3A_247 = arith.mulf %broadcast_in_dim3A_243, %mul3A_246 : vector<16x32x1xf32>
      %jit3A_248 = arith.constant 0.000000e+00 : f32
      %broadcast_in_dim3A_249 = vector.shape_cast %lt3A_245 : vector<1x32x1xi1> to vector<1x32x1xi1>
      %broadcast_in_dim3A_250 = vector.broadcast %broadcast_in_dim3A_249 : vector<1x32x1xi1> to vector<16x32x1xi1>
      %broadcast_in_dim3A_251 = vector.broadcast %jit3A_248 : f32 to vector<16x32x1xf32>
      %select_n3A_252 = arith.select %broadcast_in_dim3A_250, %mul3A_247, %broadcast_in_dim3A_251 : vector<16x32x1xi1>, vector<16x32x1xf32>
      %mul3A_253 = vector.broadcast %select_n3A_252 : vector<16x32x1xf32> to vector<16x32x128xf32>
      %mul3A_254 = vector.broadcast %select_n3A_235 : vector<16x1x128xf32> to vector<16x32x128xf32>
      %mul3A_255 = arith.mulf %mul3A_253, %mul3A_254 : vector<16x32x128xf32>
      %sub3A_256 = arith.subf %get3A_204, %mul3A_255 : vector<16x32x128xf32>
      %broadcast_in_dim3A_257 = vector.shape_cast %eq3A_212 : vector<1x32x1xi1> to vector<1x32x1xi1>
      %broadcast_in_dim3A_258 = vector.broadcast %broadcast_in_dim3A_257 : vector<1x32x1xi1> to vector<16x32x128xi1>
      %broadcast_in_dim3A_259 = vector.shape_cast %select_n3A_235 : vector<16x1x128xf32> to vector<16x1x128xf32>
      %broadcast_in_dim3A_260 = vector.broadcast %broadcast_in_dim3A_259 : vector<16x1x128xf32> to vector<16x32x128xf32>
      %select_n3A_261 = arith.select %broadcast_in_dim3A_258, %broadcast_in_dim3A_260, %sub3A_256 : vector<16x32x128xi1>, vector<16x32x128xf32>
      %swap3A_262 = arith.constant 0 : index
      %swap3A_263 = arith.constant 64 : index
      %swap3A_264 = arith.constant 0 : index
      %swap3A_265 = vector.load %arg4[%swap3A_262, %swap3A_263, %swap3A_264] : memref<16x128x128xf32, #tpu.memory_space<vmem>>, vector<16x32x128xf32>
      tpu.vector_store %arg4[%swap3A_262, %swap3A_263, %swap3A_264], %select_n3A_261 {strides = array<i32>} : memref<16x128x128xf32, #tpu.memory_space<vmem>>, vector<16x32x128xf32>,
    }
    %scan3A_57 = arith.constant 32 : i32
    %get3A_58 = arith.constant 0 : index
    %get3A_59 = arith.constant 64 : index
    %get3A_60 = arith.constant 0 : index
    %get3A_61 = vector.load %arg4[%get3A_58, %get3A_59, %get3A_60] : memref<16x128x128xf32, #tpu.memory_space<vmem>>, vector<16x32x128xf32>
    %get3A_62 = arith.constant 0 : index
    %get3A_63 = arith.constant 0 : index
    %get3A_64 = arith.constant 0 : index
    %get3A_65 = vector.load %arg3[%get3A_62, %get3A_63, %get3A_64] : memref<16x128x128xf32, #tpu.memory_space<vmem>>, vector<16x128x64xf32>
    %slice3A_66 = vector.extract_strided_slice %get3A_61 {offsets = [0, 0, 0], sizes = [16, 32, 64], strides = [1, 1, 1]} : vector<16x32x128xf32> to vector<16x32x64xf32>
    %dot_general3A_67 = arith.constant dense<0.000000e+00> : vector<16x128x64xf32>
    %dot_general3A_68 = tpu.matmul %get3A_61, %slice3A_66, %dot_general3A_67 {dimension_numbers = #tpu.dot_dimension_numbers<[1], [1], [2], [2], [0, 0, 0, 2, 1, 2], [0], [0]>, precision = #tpu.contract_precision<fp32>, transpose_lhs_hint = false} : vector<16x32x128xf32>, vector<16x32x64xf32>, vector<16x128x64xf32> -> vector<16x128x64xf32>
    %sub3A_69 = arith.subf %get3A_65, %dot_general3A_68 : vector<16x128x64xf32>
    %swap3A_70 = arith.constant 0 : index
    %swap3A_71 = arith.constant 0 : index
    %swap3A_72 = arith.constant 0 : index
    %swap3A_73 = vector.load %arg3[%swap3A_70, %swap3A_71, %swap3A_72] : memref<16x128x128xf32, #tpu.memory_space<vmem>>, vector<16x128x64xf32>
    tpu.vector_store %arg3[%swap3A_70, %swap3A_71, %swap3A_72], %sub3A_69 {strides = array<i32>} : memref<16x128x128xf32, #tpu.memory_space<vmem>>, vector<16x128x64xf32>,
    %lt3A_74 = arith.constant 64 : i32
    %lt3A_75 = vector.broadcast %lt3A_74 : i32 to vector<1x1x128xi32>
    %lt3A_76 = arith.cmpi slt, %iota3A_6, %lt3A_75 : vector<1x1x128xi32>
    %get3A_77 = arith.constant 0 : index
    %get3A_78 = arith.constant 32 : index
    %get3A_79 = arith.constant 0 : index
    %get3A_80 = vector.load %arg3[%get3A_77, %get3A_78, %get3A_79] : memref<16x128x128xf32, #tpu.memory_space<vmem>>, vector<16x32x128xf32>
    %jit3A_81 = arith.constant 0.000000e+00 : f32
    %broadcast_in_dim3A_82 = vector.shape_cast %lt3A_76 : vector<1x1x128xi1> to vector<1x1x128xi1>
    %broadcast_in_dim3A_83 = vector.broadcast %broadcast_in_dim3A_82 : vector<1x1x128xi1> to vector<16x32x128xi1>
    %broadcast_in_dim3A_84 = vector.broadcast %jit3A_81 : f32 to vector<16x32x128xf32>
    %select_n3A_85 = arith.select %broadcast_in_dim3A_83, %get3A_80, %broadcast_in_dim3A_84 : vector<16x32x128xi1>, vector<16x32x128xf32>
    %swap3A_86 = arith.constant 0 : index
    %swap3A_87 = arith.constant 32 : index
    %swap3A_88 = arith.constant 0 : index
    %swap3A_89 = vector.load %arg4[%swap3A_86, %swap3A_87, %swap3A_88] : memref<16x128x128xf32, #tpu.memory_space<vmem>>, vector<16x32x128xf32>
    tpu.vector_store %arg4[%swap3A_86, %swap3A_87, %swap3A_88], %select_n3A_85 {strides = array<i32>} : memref<16x128x128xf32, #tpu.memory_space<vmem>>, vector<16x32x128xf32>,
    %scan3A_90 = arith.constant 0 : i32
    %scan3A_91 = arith.constant 32 : i32
    %scan3A_92 = arith.addi %scan3A_90, %scan3A_91 : i32
    %scan3A_93 = arith.constant 1 : i32
    scf.for %scan3A_200 = %scan3A_90 to %scan3A_92 step %scan3A_93  : i32 {
      %get3A_201 = arith.constant 0 : index
      %get3A_202 = arith.constant 32 : index
      %get3A_203 = arith.constant 0 : index
      %get3A_204 = vector.load %arg4[%get3A_201, %get3A_202, %get3A_203] : memref<16x128x128xf32, #tpu.memory_space<vmem>>, vector<16x32x128xf32>
      %sub3A_205 = arith.constant 31 : i32
      %sub3A_206 = arith.subi %sub3A_205, %scan3A_200 : i32
      %add3A_207 = arith.constant 32 : i32
      %add3A_208 = arith.addi %add3A_207, %sub3A_206 : i32
      %eq3A_209 = vector.broadcast %add3A_208 : i32 to vector<1x1x128xi32>
      %eq3A_210 = arith.cmpi eq, %iota3A_6, %eq3A_209 : vector<1x1x128xi32>
      %eq3A_211 = vector.broadcast %sub3A_206 : i32 to vector<1x32x1xi32>
      %eq3A_212 = arith.cmpi eq, %iota3A_7, %eq3A_211 : vector<1x32x1xi32>
      %jit3A_213 = arith.constant 0.000000e+00 : f32
      %broadcast_in_dim3A_214 = vector.shape_cast %eq3A_212 : vector<1x32x1xi1> to vector<1x32x1xi1>
      %broadcast_in_dim3A_215 = vector.broadcast %broadcast_in_dim3A_214 : vector<1x32x1xi1> to vector<16x32x128xi1>
      %broadcast_in_dim3A_216 = vector.broadcast %jit3A_213 : f32 to vector<16x32x128xf32>
      %select_n3A_217 = arith.select %broadcast_in_dim3A_215, %get3A_204, %broadcast_in_dim3A_216 : vector<16x32x128xi1>, vector<16x32x128xf32>
      %reduce_sum3A_218 = arith.constant dense<0.000000e+00> : vector<16x128xf32>
      %reduce_sum3A_219 = vector.multi_reduction <add>, %select_n3A_217, %reduce_sum3A_218 [1] : vector<16x32x128xf32> to vector<16x128xf32>
      %broadcast_in_dim3A_220 = vector.shape_cast %reduce_sum3A_219 : vector<16x128xf32> to vector<16x1x128xf32>
      %jit3A_221 = arith.constant 0.000000e+00 : f32
      %broadcast_in_dim3A_222 = vector.shape_cast %eq3A_210 : vector<1x1x128xi1> to vector<1x1x128xi1>
      %broadcast_in_dim3A_223 = vector.broadcast %broadcast_in_dim3A_222 : vector<1x1x128xi1> to vector<16x1x128xi1>
      %broadcast_in_dim3A_224 = vector.broadcast %jit3A_221 : f32 to vector<16x1x128xf32>
      %select_n3A_225 = arith.select %broadcast_in_dim3A_223, %broadcast_in_dim3A_220, %broadcast_in_dim3A_224 : vector<16x1x128xi1>, vector<16x1x128xf32>
      %reduce_sum3A_226 = arith.constant dense<0.000000e+00> : vector<16x1xf32>
      %reduce_sum3A_227 = vector.multi_reduction <add>, %select_n3A_225, %reduce_sum3A_226 [2] : vector<16x1x128xf32> to vector<16x1xf32>
      %broadcast_in_dim3A_228 = vector.shape_cast %reduce_sum3A_227 : vector<16x1xf32> to vector<16x1x1xf32>
      %rsqrt3A = math.rsqrt %broadcast_in_dim3A_228 : vector<16x1x1xf32>
      %le3A = vector.broadcast %add3A_208 : i32 to vector<1x1x128xi32>
      %le3A_229 = arith.cmpi sle, %iota3A_6, %le3A : vector<1x1x128xi32>
      %mul3A = vector.broadcast %rsqrt3A : vector<16x1x1xf32> to vector<16x1x128xf32>
      %mul3A_230 = arith.mulf %broadcast_in_dim3A_220, %mul3A : vector<16x1x128xf32>
      %jit3A_231 = arith.constant 0.000000e+00 : f32
      %broadcast_in_dim3A_232 = vector.shape_cast %le3A_229 : vector<1x1x128xi1> to vector<1x1x128xi1>
      %broadcast_in_dim3A_233 = vector.broadcast %broadcast_in_dim3A_232 : vector<1x1x128xi1> to vector<16x1x128xi1>
      %broadcast_in_dim3A_234 = vector.broadcast %jit3A_231 : f32 to vector<16x1x128xf32>
      %select_n3A_235 = arith.select %broadcast_in_dim3A_233, %mul3A_230, %broadcast_in_dim3A_234 : vector<16x1x128xi1>, vector<16x1x128xf32>
      %jit3A_236 = arith.constant 0.000000e+00 : f32
      %broadcast_in_dim3A_237 = vector.shape_cast %eq3A_210 : vector<1x1x128xi1> to vector<1x1x128xi1>
      %broadcast_in_dim3A_238 = vector.broadcast %broadcast_in_dim3A_237 : vector<1x1x128xi1> to vector<16x32x128xi1>
      %broadcast_in_dim3A_239 = vector.broadcast %jit3A_236 : f32 to vector<16x32x128xf32>
      %select_n3A_240 = arith.select %broadcast_in_dim3A_238, %get3A_204, %broadcast_in_dim3A_239 : vector<16x32x128xi1>, vector<16x32x128xf32>
      %reduce_sum3A_241 = arith.constant dense<0.000000e+00> : vector<16x32xf32>
      %reduce_sum3A_242 = vector.multi_reduction <add>, %select_n3A_240, %reduce_sum3A_241 [2] : vector<16x32x128xf32> to vector<16x32xf32>
      %broadcast_in_dim3A_243 = vector.shape_cast %reduce_sum3A_242 : vector<16x32xf32> to vector<16x32x1xf32>
      %lt3A_244 = vector.broadcast %sub3A_206 : i32 to vector<1x32x1xi32>
      %lt3A_245 = arith.cmpi slt, %iota3A_7, %lt3A_244 : vector<1x32x1xi32>
      %mul3A_246 = vector.broadcast %rsqrt3A : vector<16x1x1xf32> to vector<16x32x1xf32>
      %mul3A_247 = arith.mulf %broadcast_in_dim3A_243, %mul3A_246 : vector<16x32x1xf32>
      %jit3A_248 = arith.constant 0.000000e+00 : f32
      %broadcast_in_dim3A_249 = vector.shape_cast %lt3A_245 : vector<1x32x1xi1> to vector<1x32x1xi1>
      %broadcast_in_dim3A_250 = vector.broadcast %broadcast_in_dim3A_249 : vector<1x32x1xi1> to vector<16x32x1xi1>
      %broadcast_in_dim3A_251 = vector.broadcast %jit3A_248 : f32 to vector<16x32x1xf32>
      %select_n3A_252 = arith.select %broadcast_in_dim3A_250, %mul3A_247, %broadcast_in_dim3A_251 : vector<16x32x1xi1>, vector<16x32x1xf32>
      %mul3A_253 = vector.broadcast %select_n3A_252 : vector<16x32x1xf32> to vector<16x32x128xf32>
      %mul3A_254 = vector.broadcast %select_n3A_235 : vector<16x1x128xf32> to vector<16x32x128xf32>
      %mul3A_255 = arith.mulf %mul3A_253, %mul3A_254 : vector<16x32x128xf32>
      %sub3A_256 = arith.subf %get3A_204, %mul3A_255 : vector<16x32x128xf32>
      %broadcast_in_dim3A_257 = vector.shape_cast %eq3A_212 : vector<1x32x1xi1> to vector<1x32x1xi1>
      %broadcast_in_dim3A_258 = vector.broadcast %broadcast_in_dim3A_257 : vector<1x32x1xi1> to vector<16x32x128xi1>
      %broadcast_in_dim3A_259 = vector.shape_cast %select_n3A_235 : vector<16x1x128xf32> to vector<16x1x128xf32>
      %broadcast_in_dim3A_260 = vector.broadcast %broadcast_in_dim3A_259 : vector<16x1x128xf32> to vector<16x32x128xf32>
      %select_n3A_261 = arith.select %broadcast_in_dim3A_258, %broadcast_in_dim3A_260, %sub3A_256 : vector<16x32x128xi1>, vector<16x32x128xf32>
      %swap3A_262 = arith.constant 0 : index
      %swap3A_263 = arith.constant 32 : index
      %swap3A_264 = arith.constant 0 : index
      %swap3A_265 = vector.load %arg4[%swap3A_262, %swap3A_263, %swap3A_264] : memref<16x128x128xf32, #tpu.memory_space<vmem>>, vector<16x32x128xf32>
      tpu.vector_store %arg4[%swap3A_262, %swap3A_263, %swap3A_264], %select_n3A_261 {strides = array<i32>} : memref<16x128x128xf32, #tpu.memory_space<vmem>>, vector<16x32x128xf32>,
    }
    %scan3A_94 = arith.constant 32 : i32
    %get3A_95 = arith.constant 0 : index
    %get3A_96 = arith.constant 32 : index
    %get3A_97 = arith.constant 0 : index
    %get3A_98 = vector.load %arg4[%get3A_95, %get3A_96, %get3A_97] : memref<16x128x128xf32, #tpu.memory_space<vmem>>, vector<16x32x128xf32>
    %get3A_99 = arith.constant 0 : index
    %get3A_100 = arith.constant 0 : index
    %get3A_101 = arith.constant 0 : index
    %get3A_102 = vector.load %arg3[%get3A_99, %get3A_100, %get3A_101] : memref<16x128x128xf32, #tpu.memory_space<vmem>>, vector<16x128x32xf32>
    %slice3A_103 = vector.extract_strided_slice %get3A_98 {offsets = [0, 0, 0], sizes = [16, 32, 32], strides = [1, 1, 1]} : vector<16x32x128xf32> to vector<16x32x32xf32>
    %dot_general3A_104 = arith.constant dense<0.000000e+00> : vector<16x128x32xf32>
    %dot_general3A_105 = tpu.matmul %get3A_98, %slice3A_103, %dot_general3A_104 {dimension_numbers = #tpu.dot_dimension_numbers<[1], [1], [2], [2], [0, 0, 0, 2, 1, 2], [0], [0]>, precision = #tpu.contract_precision<fp32>, transpose_lhs_hint = false} : vector<16x32x128xf32>, vector<16x32x32xf32>, vector<16x128x32xf32> -> vector<16x128x32xf32>
    %sub3A_106 = arith.subf %get3A_102, %dot_general3A_105 : vector<16x128x32xf32>
    %swap3A_107 = arith.constant 0 : index
    %swap3A_108 = arith.constant 0 : index
    %swap3A_109 = arith.constant 0 : index
    %swap3A_110 = vector.load %arg3[%swap3A_107, %swap3A_108, %swap3A_109] : memref<16x128x128xf32, #tpu.memory_space<vmem>>, vector<16x128x32xf32>
    tpu.vector_store %arg3[%swap3A_107, %swap3A_108, %swap3A_109], %sub3A_106 {strides = array<i32>} : memref<16x128x128xf32, #tpu.memory_space<vmem>>, vector<16x128x32xf32>,
    %lt3A_111 = arith.constant 32 : i32
    %lt3A_112 = vector.broadcast %lt3A_111 : i32 to vector<1x1x128xi32>
    %lt3A_113 = arith.cmpi slt, %iota3A_6, %lt3A_112 : vector<1x1x128xi32>
    %get3A_114 = arith.constant 0 : index
    %get3A_115 = arith.constant 0 : index
    %get3A_116 = arith.constant 0 : index
    %get3A_117 = vector.load %arg3[%get3A_114, %get3A_115, %get3A_116] : memref<16x128x128xf32, #tpu.memory_space<vmem>>, vector<16x32x128xf32>
    %jit3A_118 = arith.constant 0.000000e+00 : f32
    %broadcast_in_dim3A_119 = vector.shape_cast %lt3A_113 : vector<1x1x128xi1> to vector<1x1x128xi1>
    %broadcast_in_dim3A_120 = vector.broadcast %broadcast_in_dim3A_119 : vector<1x1x128xi1> to vector<16x32x128xi1>
    %broadcast_in_dim3A_121 = vector.broadcast %jit3A_118 : f32 to vector<16x32x128xf32>
    %select_n3A_122 = arith.select %broadcast_in_dim3A_120, %get3A_117, %broadcast_in_dim3A_121 : vector<16x32x128xi1>, vector<16x32x128xf32>
    %swap3A_123 = arith.constant 0 : index
    %swap3A_124 = arith.constant 0 : index
    %swap3A_125 = arith.constant 0 : index
    %swap3A_126 = vector.load %arg4[%swap3A_123, %swap3A_124, %swap3A_125] : memref<16x128x128xf32, #tpu.memory_space<vmem>>, vector<16x32x128xf32>
    tpu.vector_store %arg4[%swap3A_123, %swap3A_124, %swap3A_125], %select_n3A_122 {strides = array<i32>} : memref<16x128x128xf32, #tpu.memory_space<vmem>>, vector<16x32x128xf32>,
    %scan3A_127 = arith.constant 0 : i32
    %scan3A_128 = arith.constant 32 : i32
    %scan3A_129 = arith.addi %scan3A_127, %scan3A_128 : i32
    %scan3A_130 = arith.constant 1 : i32
    scf.for %scan3A_200 = %scan3A_127 to %scan3A_129 step %scan3A_130  : i32 {
      %get3A_201 = arith.constant 0 : index
      %get3A_202 = arith.constant 0 : index
      %get3A_203 = arith.constant 0 : index
      %get3A_204 = vector.load %arg4[%get3A_201, %get3A_202, %get3A_203] : memref<16x128x128xf32, #tpu.memory_space<vmem>>, vector<16x32x128xf32>
      %sub3A_205 = arith.constant 31 : i32
      %sub3A_206 = arith.subi %sub3A_205, %scan3A_200 : i32
      %add3A_207 = arith.constant 0 : i32
      %add3A_208 = arith.addi %add3A_207, %sub3A_206 : i32
      %eq3A_209 = vector.broadcast %add3A_208 : i32 to vector<1x1x128xi32>
      %eq3A_210 = arith.cmpi eq, %iota3A_6, %eq3A_209 : vector<1x1x128xi32>
      %eq3A_211 = vector.broadcast %sub3A_206 : i32 to vector<1x32x1xi32>
      %eq3A_212 = arith.cmpi eq, %iota3A_7, %eq3A_211 : vector<1x32x1xi32>
      %jit3A_213 = arith.constant 0.000000e+00 : f32
      %broadcast_in_dim3A_214 = vector.shape_cast %eq3A_212 : vector<1x32x1xi1> to vector<1x32x1xi1>
      %broadcast_in_dim3A_215 = vector.broadcast %broadcast_in_dim3A_214 : vector<1x32x1xi1> to vector<16x32x128xi1>
      %broadcast_in_dim3A_216 = vector.broadcast %jit3A_213 : f32 to vector<16x32x128xf32>
      %select_n3A_217 = arith.select %broadcast_in_dim3A_215, %get3A_204, %broadcast_in_dim3A_216 : vector<16x32x128xi1>, vector<16x32x128xf32>
      %reduce_sum3A_218 = arith.constant dense<0.000000e+00> : vector<16x128xf32>
      %reduce_sum3A_219 = vector.multi_reduction <add>, %select_n3A_217, %reduce_sum3A_218 [1] : vector<16x32x128xf32> to vector<16x128xf32>
      %broadcast_in_dim3A_220 = vector.shape_cast %reduce_sum3A_219 : vector<16x128xf32> to vector<16x1x128xf32>
      %jit3A_221 = arith.constant 0.000000e+00 : f32
      %broadcast_in_dim3A_222 = vector.shape_cast %eq3A_210 : vector<1x1x128xi1> to vector<1x1x128xi1>
      %broadcast_in_dim3A_223 = vector.broadcast %broadcast_in_dim3A_222 : vector<1x1x128xi1> to vector<16x1x128xi1>
      %broadcast_in_dim3A_224 = vector.broadcast %jit3A_221 : f32 to vector<16x1x128xf32>
      %select_n3A_225 = arith.select %broadcast_in_dim3A_223, %broadcast_in_dim3A_220, %broadcast_in_dim3A_224 : vector<16x1x128xi1>, vector<16x1x128xf32>
      %reduce_sum3A_226 = arith.constant dense<0.000000e+00> : vector<16x1xf32>
      %reduce_sum3A_227 = vector.multi_reduction <add>, %select_n3A_225, %reduce_sum3A_226 [2] : vector<16x1x128xf32> to vector<16x1xf32>
      %broadcast_in_dim3A_228 = vector.shape_cast %reduce_sum3A_227 : vector<16x1xf32> to vector<16x1x1xf32>
      %rsqrt3A = math.rsqrt %broadcast_in_dim3A_228 : vector<16x1x1xf32>
      %le3A = vector.broadcast %add3A_208 : i32 to vector<1x1x128xi32>
      %le3A_229 = arith.cmpi sle, %iota3A_6, %le3A : vector<1x1x128xi32>
      %mul3A = vector.broadcast %rsqrt3A : vector<16x1x1xf32> to vector<16x1x128xf32>
      %mul3A_230 = arith.mulf %broadcast_in_dim3A_220, %mul3A : vector<16x1x128xf32>
      %jit3A_231 = arith.constant 0.000000e+00 : f32
      %broadcast_in_dim3A_232 = vector.shape_cast %le3A_229 : vector<1x1x128xi1> to vector<1x1x128xi1>
      %broadcast_in_dim3A_233 = vector.broadcast %broadcast_in_dim3A_232 : vector<1x1x128xi1> to vector<16x1x128xi1>
      %broadcast_in_dim3A_234 = vector.broadcast %jit3A_231 : f32 to vector<16x1x128xf32>
      %select_n3A_235 = arith.select %broadcast_in_dim3A_233, %mul3A_230, %broadcast_in_dim3A_234 : vector<16x1x128xi1>, vector<16x1x128xf32>
      %jit3A_236 = arith.constant 0.000000e+00 : f32
      %broadcast_in_dim3A_237 = vector.shape_cast %eq3A_210 : vector<1x1x128xi1> to vector<1x1x128xi1>
      %broadcast_in_dim3A_238 = vector.broadcast %broadcast_in_dim3A_237 : vector<1x1x128xi1> to vector<16x32x128xi1>
      %broadcast_in_dim3A_239 = vector.broadcast %jit3A_236 : f32 to vector<16x32x128xf32>
      %select_n3A_240 = arith.select %broadcast_in_dim3A_238, %get3A_204, %broadcast_in_dim3A_239 : vector<16x32x128xi1>, vector<16x32x128xf32>
      %reduce_sum3A_241 = arith.constant dense<0.000000e+00> : vector<16x32xf32>
      %reduce_sum3A_242 = vector.multi_reduction <add>, %select_n3A_240, %reduce_sum3A_241 [2] : vector<16x32x128xf32> to vector<16x32xf32>
      %broadcast_in_dim3A_243 = vector.shape_cast %reduce_sum3A_242 : vector<16x32xf32> to vector<16x32x1xf32>
      %lt3A_244 = vector.broadcast %sub3A_206 : i32 to vector<1x32x1xi32>
      %lt3A_245 = arith.cmpi slt, %iota3A_7, %lt3A_244 : vector<1x32x1xi32>
      %mul3A_246 = vector.broadcast %rsqrt3A : vector<16x1x1xf32> to vector<16x32x1xf32>
      %mul3A_247 = arith.mulf %broadcast_in_dim3A_243, %mul3A_246 : vector<16x32x1xf32>
      %jit3A_248 = arith.constant 0.000000e+00 : f32
      %broadcast_in_dim3A_249 = vector.shape_cast %lt3A_245 : vector<1x32x1xi1> to vector<1x32x1xi1>
      %broadcast_in_dim3A_250 = vector.broadcast %broadcast_in_dim3A_249 : vector<1x32x1xi1> to vector<16x32x1xi1>
      %broadcast_in_dim3A_251 = vector.broadcast %jit3A_248 : f32 to vector<16x32x1xf32>
      %select_n3A_252 = arith.select %broadcast_in_dim3A_250, %mul3A_247, %broadcast_in_dim3A_251 : vector<16x32x1xi1>, vector<16x32x1xf32>
      %mul3A_253 = vector.broadcast %select_n3A_252 : vector<16x32x1xf32> to vector<16x32x128xf32>
      %mul3A_254 = vector.broadcast %select_n3A_235 : vector<16x1x128xf32> to vector<16x32x128xf32>
      %mul3A_255 = arith.mulf %mul3A_253, %mul3A_254 : vector<16x32x128xf32>
      %sub3A_256 = arith.subf %get3A_204, %mul3A_255 : vector<16x32x128xf32>
      %broadcast_in_dim3A_257 = vector.shape_cast %eq3A_212 : vector<1x32x1xi1> to vector<1x32x1xi1>
      %broadcast_in_dim3A_258 = vector.broadcast %broadcast_in_dim3A_257 : vector<1x32x1xi1> to vector<16x32x128xi1>
      %broadcast_in_dim3A_259 = vector.shape_cast %select_n3A_235 : vector<16x1x128xf32> to vector<16x1x128xf32>
      %broadcast_in_dim3A_260 = vector.broadcast %broadcast_in_dim3A_259 : vector<16x1x128xf32> to vector<16x32x128xf32>
      %select_n3A_261 = arith.select %broadcast_in_dim3A_258, %broadcast_in_dim3A_260, %sub3A_256 : vector<16x32x128xi1>, vector<16x32x128xf32>
      %swap3A_262 = arith.constant 0 : index
      %swap3A_263 = arith.constant 0 : index
      %swap3A_264 = arith.constant 0 : index
      %swap3A_265 = vector.load %arg4[%swap3A_262, %swap3A_263, %swap3A_264] : memref<16x128x128xf32, #tpu.memory_space<vmem>>, vector<16x32x128xf32>
      tpu.vector_store %arg4[%swap3A_262, %swap3A_263, %swap3A_264], %select_n3A_261 {strides = array<i32>} : memref<16x128x128xf32, #tpu.memory_space<vmem>>, vector<16x32x128xf32>,
    }
    %scan3A_131 = arith.constant 32 : i32
    %get3A_132 = arith.constant 0 : index
    %get3A_133 = arith.constant 0 : index
    %get3A_134 = arith.constant 0 : index
    %get3A_135 = vector.load %arg4[%get3A_132, %get3A_133, %get3A_134] : memref<16x128x128xf32, #tpu.memory_space<vmem>>, vector<16x128x128xf32>
    %eq3A = vector.broadcast %iota3A : vector<1x128x1xi32> to vector<1x128x128xi32>
    %eq3A_136 = vector.broadcast %iota3A_6 : vector<1x1x128xi32> to vector<1x128x128xi32>
    %eq3A_137 = arith.cmpi eq, %eq3A, %eq3A_136 : vector<1x128x128xi32>
    %jit3A_138 = arith.constant 1.000000e+00 : f32
    %jit3A_139 = arith.constant 0.000000e+00 : f32
    %broadcast_in_dim3A_140 = vector.broadcast %jit3A_138 : f32 to vector<1x128x128xf32>
    %broadcast_in_dim3A_141 = vector.broadcast %jit3A_139 : f32 to vector<1x128x128xf32>
    %select_n3A_142 = arith.select %eq3A_137, %broadcast_in_dim3A_140, %broadcast_in_dim3A_141 : vector<1x128x128xi1>, vector<1x128x128xf32>
    %eq3A_143 = vector.broadcast %iota3A : vector<1x128x1xi32> to vector<1x128x128xi32>
    %eq3A_144 = vector.broadcast %iota3A_6 : vector<1x1x128xi32> to vector<1x128x128xi32>
    %eq3A_145 = arith.cmpi eq, %eq3A_143, %eq3A_144 : vector<1x128x128xi32>
    %jit3A_146 = arith.constant 0.000000e+00 : f32
    %broadcast_in_dim3A_147 = vector.shape_cast %eq3A_145 : vector<1x128x128xi1> to vector<1x128x128xi1>
    %broadcast_in_dim3A_148 = vector.broadcast %broadcast_in_dim3A_147 : vector<1x128x128xi1> to vector<16x128x128xi1>
    %broadcast_in_dim3A_149 = vector.broadcast %jit3A_146 : f32 to vector<16x128x128xf32>
    %select_n3A_150 = arith.select %broadcast_in_dim3A_148, %get3A_135, %broadcast_in_dim3A_149 : vector<16x128x128xi1>, vector<16x128x128xf32>
    %reduce_sum3A = arith.constant dense<0.000000e+00> : vector<16x128xf32>
    %reduce_sum3A_151 = vector.multi_reduction <add>, %select_n3A_150, %reduce_sum3A [2] : vector<16x128x128xf32> to vector<16x128xf32>
    %broadcast_in_dim3A_152 = vector.shape_cast %reduce_sum3A_151 : vector<16x128xf32> to vector<16x128x1xf32>
    %div3A = vector.broadcast %broadcast_in_dim3A_152 : vector<16x128x1xf32> to vector<16x128x128xf32>
    %div3A_153 = arith.divf %get3A_135, %div3A : vector<16x128x128xf32>
    %sub3A_154 = vector.broadcast %select_n3A_142 : vector<1x128x128xf32> to vector<16x128x128xf32>
    %sub3A_155 = arith.subf %div3A_153, %sub3A_154 : vector<16x128x128xf32>
    %sub3A_156 = vector.broadcast %select_n3A_142 : vector<1x128x128xf32> to vector<16x128x128xf32>
    %sub3A_157 = arith.subf %sub3A_156, %sub3A_155 : vector<16x128x128xf32>
    %dot_general3A_158 = arith.constant dense<0.000000e+00> : vector<16x128x128xf32>
    %dot_general3A_159 = tpu.matmul %sub3A_155, %sub3A_155, %dot_general3A_158 {dimension_numbers = #tpu.dot_dimension_numbers<[2], [1], [1], [2], [0, 0, 0, 1, 1, 2], [0], [0]>, precision = #tpu.contract_precision<fp32>, transpose_lhs_hint = false} : vector<16x128x128xf32>, vector<16x128x128xf32>, vector<16x128x128xf32> -> vector<16x128x128xf32>
    %add3A = vector.broadcast %select_n3A_142 : vector<1x128x128xf32> to vector<16x128x128xf32>
    %add3A_160 = arith.addf %add3A, %dot_general3A_159 : vector<16x128x128xf32>
    %dot_general3A_161 = arith.constant dense<0.000000e+00> : vector<16x128x128xf32>
    %dot_general3A_162 = tpu.matmul %sub3A_157, %add3A_160, %dot_general3A_161 {dimension_numbers = #tpu.dot_dimension_numbers<[2], [1], [1], [2], [0, 0, 0, 1, 1, 2], [0], [0]>, precision = #tpu.contract_precision<fp32>, transpose_lhs_hint = false} : vector<16x128x128xf32>, vector<16x128x128xf32>, vector<16x128x128xf32> -> vector<16x128x128xf32>
    %dot_general3A_163 = arith.constant dense<0.000000e+00> : vector<16x128x128xf32>
    %dot_general3A_164 = tpu.matmul %dot_general3A_159, %dot_general3A_159, %dot_general3A_163 {dimension_numbers = #tpu.dot_dimension_numbers<[2], [1], [1], [2], [0, 0, 0, 1, 1, 2], [0], [0]>, precision = #tpu.contract_precision<fp32>, transpose_lhs_hint = false} : vector<16x128x128xf32>, vector<16x128x128xf32>, vector<16x128x128xf32> -> vector<16x128x128xf32>
    %add3A_165 = vector.broadcast %select_n3A_142 : vector<1x128x128xf32> to vector<16x128x128xf32>
    %add3A_166 = arith.addf %add3A_165, %dot_general3A_164 : vector<16x128x128xf32>
    %dot_general3A_167 = arith.constant dense<0.000000e+00> : vector<16x128x128xf32>
    %dot_general3A_168 = tpu.matmul %dot_general3A_162, %add3A_166, %dot_general3A_167 {dimension_numbers = #tpu.dot_dimension_numbers<[2], [1], [1], [2], [0, 0, 0, 1, 1, 2], [0], [0]>, precision = #tpu.contract_precision<fp32>, transpose_lhs_hint = false} : vector<16x128x128xf32>, vector<16x128x128xf32>, vector<16x128x128xf32> -> vector<16x128x128xf32>
    %dot_general3A_169 = arith.constant dense<0.000000e+00> : vector<16x128x128xf32>
    %dot_general3A_170 = tpu.matmul %dot_general3A_164, %dot_general3A_164, %dot_general3A_169 {dimension_numbers = #tpu.dot_dimension_numbers<[2], [1], [1], [2], [0, 0, 0, 1, 1, 2], [0], [0]>, precision = #tpu.contract_precision<fp32>, transpose_lhs_hint = false} : vector<16x128x128xf32>, vector<16x128x128xf32>, vector<16x128x128xf32> -> vector<16x128x128xf32>
    %add3A_171 = vector.broadcast %select_n3A_142 : vector<1x128x128xf32> to vector<16x128x128xf32>
    %add3A_172 = arith.addf %add3A_171, %dot_general3A_170 : vector<16x128x128xf32>
    %dot_general3A_173 = arith.constant dense<0.000000e+00> : vector<16x128x128xf32>
    %dot_general3A_174 = tpu.matmul %dot_general3A_168, %add3A_172, %dot_general3A_173 {dimension_numbers = #tpu.dot_dimension_numbers<[2], [1], [1], [2], [0, 0, 0, 1, 1, 2], [0], [0]>, precision = #tpu.contract_precision<fp32>, transpose_lhs_hint = false} : vector<16x128x128xf32>, vector<16x128x128xf32>, vector<16x128x128xf32> -> vector<16x128x128xf32>
    %dot_general3A_175 = arith.constant dense<0.000000e+00> : vector<16x128x128xf32>
    %dot_general3A_176 = tpu.matmul %dot_general3A_170, %dot_general3A_170, %dot_general3A_175 {dimension_numbers = #tpu.dot_dimension_numbers<[2], [1], [1], [2], [0, 0, 0, 1, 1, 2], [0], [0]>, precision = #tpu.contract_precision<fp32>, transpose_lhs_hint = false} : vector<16x128x128xf32>, vector<16x128x128xf32>, vector<16x128x128xf32> -> vector<16x128x128xf32>
    %add3A_177 = vector.broadcast %select_n3A_142 : vector<1x128x128xf32> to vector<16x128x128xf32>
    %add3A_178 = arith.addf %add3A_177, %dot_general3A_176 : vector<16x128x128xf32>
    %dot_general3A_179 = arith.constant dense<0.000000e+00> : vector<16x128x128xf32>
    %dot_general3A_180 = tpu.matmul %dot_general3A_174, %add3A_178, %dot_general3A_179 {dimension_numbers = #tpu.dot_dimension_numbers<[2], [1], [1], [2], [0, 0, 0, 1, 1, 2], [0], [0]>, precision = #tpu.contract_precision<fp32>, transpose_lhs_hint = false} : vector<16x128x128xf32>, vector<16x128x128xf32>, vector<16x128x128xf32> -> vector<16x128x128xf32>
    %dot_general3A_181 = arith.constant dense<0.000000e+00> : vector<16x128x128xf32>
    %dot_general3A_182 = tpu.matmul %dot_general3A_176, %dot_general3A_176, %dot_general3A_181 {dimension_numbers = #tpu.dot_dimension_numbers<[2], [1], [1], [2], [0, 0, 0, 1, 1, 2], [0], [0]>, precision = #tpu.contract_precision<fp32>, transpose_lhs_hint = false} : vector<16x128x128xf32>, vector<16x128x128xf32>, vector<16x128x128xf32> -> vector<16x128x128xf32>
    %add3A_183 = vector.broadcast %select_n3A_142 : vector<1x128x128xf32> to vector<16x128x128xf32>
    %add3A_184 = arith.addf %add3A_183, %dot_general3A_182 : vector<16x128x128xf32>
    %dot_general3A_185 = arith.constant dense<0.000000e+00> : vector<16x128x128xf32>
    %dot_general3A_186 = tpu.matmul %dot_general3A_180, %add3A_184, %dot_general3A_185 {dimension_numbers = #tpu.dot_dimension_numbers<[2], [1], [1], [2], [0, 0, 0, 1, 1, 2], [0], [0]>, precision = #tpu.contract_precision<fp32>, transpose_lhs_hint = false} : vector<16x128x128xf32>, vector<16x128x128xf32>, vector<16x128x128xf32> -> vector<16x128x128xf32>
    %dot_general3A_187 = arith.constant dense<0.000000e+00> : vector<16x128x128xf32>
    %dot_general3A_188 = tpu.matmul %dot_general3A_182, %dot_general3A_182, %dot_general3A_187 {dimension_numbers = #tpu.dot_dimension_numbers<[2], [1], [1], [2], [0, 0, 0, 1, 1, 2], [0], [0]>, precision = #tpu.contract_precision<fp32>, transpose_lhs_hint = false} : vector<16x128x128xf32>, vector<16x128x128xf32>, vector<16x128x128xf32> -> vector<16x128x128xf32>
    %add3A_189 = vector.broadcast %select_n3A_142 : vector<1x128x128xf32> to vector<16x128x128xf32>
    %add3A_190 = arith.addf %add3A_189, %dot_general3A_188 : vector<16x128x128xf32>
    %dot_general3A_191 = arith.constant dense<0.000000e+00> : vector<16x128x128xf32>
    %dot_general3A_192 = tpu.matmul %dot_general3A_186, %add3A_190, %dot_general3A_191 {dimension_numbers = #tpu.dot_dimension_numbers<[2], [1], [1], [2], [0, 0, 0, 1, 1, 2], [0], [0]>, precision = #tpu.contract_precision<fp32>, transpose_lhs_hint = false} : vector<16x128x128xf32>, vector<16x128x128xf32>, vector<16x128x128xf32> -> vector<16x128x128xf32>
    %broadcast_in_dim3A_193 = vector.shape_cast %reduce_sum3A_151 : vector<16x128xf32> to vector<16x1x128xf32>
    %div3A_194 = vector.broadcast %broadcast_in_dim3A_193 : vector<16x1x128xf32> to vector<16x128x128xf32>
    %div3A_195 = arith.divf %dot_general3A_192, %div3A_194 : vector<16x128x128xf32>
    %swap3A_196 = arith.constant 0 : index
    %swap3A_197 = arith.constant 0 : index
    %swap3A_198 = arith.constant 0 : index
    %swap3A_199 = vector.load %arg2[%swap3A_196, %swap3A_197, %swap3A_198] : memref<16x128x128xf32, #tpu.memory_space<vmem>>, vector<16x128x128xf32>
    tpu.vector_store %arg2[%swap3A_196, %swap3A_197, %swap3A_198], %div3A_195 {strides = array<i32>} : memref<16x128x128xf32, #tpu.memory_space<vmem>>, vector<16x128x128xf32>,
    return
  }
  func.func @transform_0(%arg0: i32) -> (i32, i32, i32) {
    %c0_i32 = arith.constant 0 : i32
    %c7_i32 = arith.constant 7 : i32
    %c7_i32_0 = arith.constant 7 : i32
    %c0_i32_1 = arith.constant 0 : i32
    return %c0_i32, %c7_i32, %c7_i32_0 : i32, i32, i32
  }
  func.func @transform_1(%arg0: i32) -> (i32, i32, i32) {
    %c0_i32 = arith.constant 0 : i32
    %c0_i32_0 = arith.constant 0 : i32
    %c0_i32_1 = arith.constant 0 : i32
    %c0_i32_2 = arith.constant 0 : i32
    return %c0_i32, %c0_i32_0, %c0_i32_1 : i32, i32, i32
  }
}

module attributes {stable_mosaic.version = 14 : i64} {
  func.func @_panel_update_body(%arg0: i32, %arg1: memref<1x896x896xf32, #tpu.memory_space<vmem>>, %arg2: memref<1x128x128xf32, #tpu.memory_space<vmem>>, %arg3: memref<1x768x128xf32, #tpu.memory_space<vmem>>, %arg4: memref<1x768x768xf32, #tpu.memory_space<vmem>>) attributes {dimension_semantics = [#tpu.dimension_semantics<arbitrary>], iteration_bounds = array<i64: 16>, scalar_prefetch = 0 : i64, scratch_operands = 0 : i64, tpu.core_type = #tpu.core_type<tc>, window_params = [{transform_indices = @transform_0, window_bounds = array<i64: 1, 896, 896>}, {transform_indices = @transform_1, window_bounds = array<i64: 1, 128, 128>}, {transform_indices = @transform_2, window_bounds = array<i64: 1, 768, 128>}, {transform_indices = @transform_3, window_bounds = array<i64: 1, 768, 768>}]} {
    %get3A = arith.constant 0 : index
    %get3A_0 = arith.constant 0 : index
    %get3A_1 = arith.constant 768 : index
    %get3A_2 = vector.load %arg1[%get3A, %get3A_0, %get3A_1] : memref<1x896x896xf32, #tpu.memory_space<vmem>>, vector<1x768x128xf32>
    %get3A_3 = vector.shape_cast %get3A_2 : vector<1x768x128xf32> to vector<768x128xf32>
    %get3A_4 = arith.constant 0 : index
    %get3A_5 = arith.constant 0 : index
    %get3A_6 = arith.constant 0 : index
    %get3A_7 = vector.load %arg2[%get3A_4, %get3A_5, %get3A_6] : memref<1x128x128xf32, #tpu.memory_space<vmem>>, vector<1x128x128xf32>
    %get3A_8 = vector.shape_cast %get3A_7 : vector<1x128x128xf32> to vector<128x128xf32>
    %dot_general3A = arith.constant dense<0.000000e+00> : vector<768x128xf32>
    %dot_general3A_9 = tpu.matmul %get3A_3, %get3A_8, %dot_general3A {dimension_numbers = #tpu.dot_dimension_numbers<[1], [0], [0], [1], [0, 0, 1, 1], [], []>, precision = #tpu.contract_precision<fp32>, transpose_lhs_hint = false} : vector<768x128xf32>, vector<128x128xf32>, vector<768x128xf32> -> vector<768x128xf32>
    %swap3A = arith.constant 0 : index
    %swap3A_10 = arith.constant 0 : index
    %swap3A_11 = arith.constant 0 : index
    %swap3A_12 = vector.load %arg3[%swap3A, %swap3A_10, %swap3A_11] : memref<1x768x128xf32, #tpu.memory_space<vmem>>, vector<1x768x128xf32>
    %swap3A_13 = vector.shape_cast %swap3A_12 : vector<1x768x128xf32> to vector<768x128xf32>
    %swap3A_14 = vector.shape_cast %dot_general3A_9 : vector<768x128xf32> to vector<1x768x128xf32>
    tpu.vector_store %arg3[%swap3A, %swap3A_10, %swap3A_11], %swap3A_14 {strides = array<i32>} : memref<1x768x128xf32, #tpu.memory_space<vmem>>, vector<1x768x128xf32>,
    %get3A_15 = arith.constant 0 : index
    %get3A_16 = arith.constant 0 : index
    %get3A_17 = arith.constant 0 : index
    %get3A_18 = vector.load %arg1[%get3A_15, %get3A_16, %get3A_17] : memref<1x896x896xf32, #tpu.memory_space<vmem>>, vector<1x768x768xf32>
    %get3A_19 = vector.shape_cast %get3A_18 : vector<1x768x768xf32> to vector<768x768xf32>
    %dot_general3A_20 = arith.constant dense<0.000000e+00> : vector<768x768xf32>
    %dot_general3A_21 = tpu.matmul %dot_general3A_9, %dot_general3A_9, %dot_general3A_20 {dimension_numbers = #tpu.dot_dimension_numbers<[1], [1], [0], [0], [0, 0, 1, 0], [], []>, precision = #tpu.contract_precision<fp32>, transpose_lhs_hint = false} : vector<768x128xf32>, vector<768x128xf32>, vector<768x768xf32> -> vector<768x768xf32>
    %sub3A = arith.subf %get3A_19, %dot_general3A_21 : vector<768x768xf32>
    %swap3A_22 = arith.constant 0 : index
    %swap3A_23 = arith.constant 0 : index
    %swap3A_24 = arith.constant 0 : index
    %swap3A_25 = vector.load %arg4[%swap3A_22, %swap3A_23, %swap3A_24] : memref<1x768x768xf32, #tpu.memory_space<vmem>>, vector<1x768x768xf32>
    %swap3A_26 = vector.shape_cast %swap3A_25 : vector<1x768x768xf32> to vector<768x768xf32>
    %swap3A_27 = vector.shape_cast %sub3A : vector<768x768xf32> to vector<1x768x768xf32>
    tpu.vector_store %arg4[%swap3A_22, %swap3A_23, %swap3A_24], %swap3A_27 {strides = array<i32>} : memref<1x768x768xf32, #tpu.memory_space<vmem>>, vector<1x768x768xf32>,
    return
  }
  func.func @transform_0(%arg0: i32) -> (i32, i32, i32) {
    %c0_i32 = arith.constant 0 : i32
    %c0_i32_0 = arith.constant 0 : i32
    %c0_i32_1 = arith.constant 0 : i32
    return %arg0, %c0_i32, %c0_i32_0 : i32, i32, i32
  }
  func.func @transform_1(%arg0: i32) -> (i32, i32, i32) {
    %c0_i32 = arith.constant 0 : i32
    %c0_i32_0 = arith.constant 0 : i32
    %c0_i32_1 = arith.constant 0 : i32
    return %arg0, %c0_i32, %c0_i32_0 : i32, i32, i32
  }
  func.func @transform_2(%arg0: i32) -> (i32, i32, i32) {
    %c0_i32 = arith.constant 0 : i32
    %c0_i32_0 = arith.constant 0 : i32
    %c0_i32_1 = arith.constant 0 : i32
    return %arg0, %c0_i32, %c0_i32_0 : i32, i32, i32
  }
  func.func @transform_3(%arg0: i32) -> (i32, i32, i32) {
    %c0_i32 = arith.constant 0 : i32
    %c0_i32_0 = arith.constant 0 : i32
    %c0_i32_1 = arith.constant 0 : i32
    return %arg0, %c0_i32, %c0_i32_0 : i32, i32, i32
  }
}

module attributes {stable_mosaic.version = 14 : i64} {
  func.func @_diag_factor_body(%arg0: i32, %arg1: memref<16x128x128xf32, #tpu.memory_space<vmem>>, %arg2: memref<16x128x128xf32, #tpu.memory_space<vmem>>, %arg3: memref<16x128x128xf32, #tpu.memory_space<vmem>>, %arg4: memref<16x128x128xf32, #tpu.memory_space<vmem>>) attributes {dimension_semantics = [#tpu.dimension_semantics<arbitrary>], iteration_bounds = array<i64: 1>, scalar_prefetch = 0 : i64, scratch_operands = 2 : i64, tpu.core_type = #tpu.core_type<tc>, window_params = [{transform_indices = @transform_0, window_bounds = array<i64: 16, 128, 128>}, {pipeline_mode = #tpu.pipeline_mode<synchronous>, transform_indices = @transform_1, window_bounds = array<i64: 16, 128, 128>}]} {
    %get3A = arith.constant 0 : index
    %get3A_0 = arith.constant 0 : index
    %get3A_1 = arith.constant 0 : index
    %get3A_2 = vector.load %arg1[%get3A, %get3A_0, %get3A_1] : memref<16x128x128xf32, #tpu.memory_space<vmem>>, vector<16x128x128xf32>
    %swap3A = arith.constant 0 : index
    %swap3A_3 = arith.constant 0 : index
    %swap3A_4 = arith.constant 0 : index
    %swap3A_5 = vector.load %arg3[%swap3A, %swap3A_3, %swap3A_4] : memref<16x128x128xf32, #tpu.memory_space<vmem>>, vector<16x128x128xf32>
    tpu.vector_store %arg3[%swap3A, %swap3A_3, %swap3A_4], %get3A_2 {strides = array<i32>} : memref<16x128x128xf32, #tpu.memory_space<vmem>>, vector<16x128x128xf32>,
    %iota3A = tpu.iota {dimensions = array<i32: 1>} : vector<1x128x1xi32>
    %iota3A_6 = tpu.iota {dimensions = array<i32: 2>} : vector<1x1x128xi32>
    %iota3A_7 = tpu.iota {dimensions = array<i32: 1>} : vector<1x32x1xi32>
    %lt3A = arith.constant 128 : i32
    %lt3A_8 = vector.broadcast %lt3A : i32 to vector<1x1x128xi32>
    %lt3A_9 = arith.cmpi slt, %iota3A_6, %lt3A_8 : vector<1x1x128xi32>
    %get3A_10 = arith.constant 0 : index
    %get3A_11 = arith.constant 96 : index
    %get3A_12 = arith.constant 0 : index
    %get3A_13 = vector.load %arg3[%get3A_10, %get3A_11, %get3A_12] : memref<16x128x128xf32, #tpu.memory_space<vmem>>, vector<16x32x128xf32>
    %jit3A = arith.constant 0.000000e+00 : f32
    %broadcast_in_dim3A = vector.shape_cast %lt3A_9 : vector<1x1x128xi1> to vector<1x1x128xi1>
    %broadcast_in_dim3A_14 = vector.broadcast %broadcast_in_dim3A : vector<1x1x128xi1> to vector<16x32x128xi1>
    %broadcast_in_dim3A_15 = vector.broadcast %jit3A : f32 to vector<16x32x128xf32>
    %select_n3A = arith.select %broadcast_in_dim3A_14, %get3A_13, %broadcast_in_dim3A_15 : vector<16x32x128xi1>, vector<16x32x128xf32>
    %swap3A_16 = arith.constant 0 : index
    %swap3A_17 = arith.constant 96 : index
    %swap3A_18 = arith.constant 0 : index
    %swap3A_19 = vector.load %arg4[%swap3A_16, %swap3A_17, %swap3A_18] : memref<16x128x128xf32, #tpu.memory_space<vmem>>, vector<16x32x128xf32>
    tpu.vector_store %arg4[%swap3A_16, %swap3A_17, %swap3A_18], %select_n3A {strides = array<i32>} : memref<16x128x128xf32, #tpu.memory_space<vmem>>, vector<16x32x128xf32>,
    %scan3A = arith.constant 0 : i32
    %scan3A_20 = arith.constant 32 : i32
    %scan3A_21 = arith.addi %scan3A, %scan3A_20 : i32
    %scan3A_22 = arith.constant 1 : i32
    scf.for %scan3A_200 = %scan3A to %scan3A_21 step %scan3A_22  : i32 {
      %get3A_201 = arith.constant 0 : index
      %get3A_202 = arith.constant 96 : index
      %get3A_203 = arith.constant 0 : index
      %get3A_204 = vector.load %arg4[%get3A_201, %get3A_202, %get3A_203] : memref<16x128x128xf32, #tpu.memory_space<vmem>>, vector<16x32x128xf32>
      %sub3A_205 = arith.constant 31 : i32
      %sub3A_206 = arith.subi %sub3A_205, %scan3A_200 : i32
      %add3A_207 = arith.constant 96 : i32
      %add3A_208 = arith.addi %add3A_207, %sub3A_206 : i32
      %eq3A_209 = vector.broadcast %add3A_208 : i32 to vector<1x1x128xi32>
      %eq3A_210 = arith.cmpi eq, %iota3A_6, %eq3A_209 : vector<1x1x128xi32>
      %eq3A_211 = vector.broadcast %sub3A_206 : i32 to vector<1x32x1xi32>
      %eq3A_212 = arith.cmpi eq, %iota3A_7, %eq3A_211 : vector<1x32x1xi32>
      %jit3A_213 = arith.constant 0.000000e+00 : f32
      %broadcast_in_dim3A_214 = vector.shape_cast %eq3A_212 : vector<1x32x1xi1> to vector<1x32x1xi1>
      %broadcast_in_dim3A_215 = vector.broadcast %broadcast_in_dim3A_214 : vector<1x32x1xi1> to vector<16x32x128xi1>
      %broadcast_in_dim3A_216 = vector.broadcast %jit3A_213 : f32 to vector<16x32x128xf32>
      %select_n3A_217 = arith.select %broadcast_in_dim3A_215, %get3A_204, %broadcast_in_dim3A_216 : vector<16x32x128xi1>, vector<16x32x128xf32>
      %reduce_sum3A_218 = arith.constant dense<0.000000e+00> : vector<16x128xf32>
      %reduce_sum3A_219 = vector.multi_reduction <add>, %select_n3A_217, %reduce_sum3A_218 [1] : vector<16x32x128xf32> to vector<16x128xf32>
      %broadcast_in_dim3A_220 = vector.shape_cast %reduce_sum3A_219 : vector<16x128xf32> to vector<16x1x128xf32>
      %jit3A_221 = arith.constant 0.000000e+00 : f32
      %broadcast_in_dim3A_222 = vector.shape_cast %eq3A_210 : vector<1x1x128xi1> to vector<1x1x128xi1>
      %broadcast_in_dim3A_223 = vector.broadcast %broadcast_in_dim3A_222 : vector<1x1x128xi1> to vector<16x1x128xi1>
      %broadcast_in_dim3A_224 = vector.broadcast %jit3A_221 : f32 to vector<16x1x128xf32>
      %select_n3A_225 = arith.select %broadcast_in_dim3A_223, %broadcast_in_dim3A_220, %broadcast_in_dim3A_224 : vector<16x1x128xi1>, vector<16x1x128xf32>
      %reduce_sum3A_226 = arith.constant dense<0.000000e+00> : vector<16x1xf32>
      %reduce_sum3A_227 = vector.multi_reduction <add>, %select_n3A_225, %reduce_sum3A_226 [2] : vector<16x1x128xf32> to vector<16x1xf32>
      %broadcast_in_dim3A_228 = vector.shape_cast %reduce_sum3A_227 : vector<16x1xf32> to vector<16x1x1xf32>
      %rsqrt3A = math.rsqrt %broadcast_in_dim3A_228 : vector<16x1x1xf32>
      %le3A = vector.broadcast %add3A_208 : i32 to vector<1x1x128xi32>
      %le3A_229 = arith.cmpi sle, %iota3A_6, %le3A : vector<1x1x128xi32>
      %mul3A = vector.broadcast %rsqrt3A : vector<16x1x1xf32> to vector<16x1x128xf32>
      %mul3A_230 = arith.mulf %broadcast_in_dim3A_220, %mul3A : vector<16x1x128xf32>
      %jit3A_231 = arith.constant 0.000000e+00 : f32
      %broadcast_in_dim3A_232 = vector.shape_cast %le3A_229 : vector<1x1x128xi1> to vector<1x1x128xi1>
      %broadcast_in_dim3A_233 = vector.broadcast %broadcast_in_dim3A_232 : vector<1x1x128xi1> to vector<16x1x128xi1>
      %broadcast_in_dim3A_234 = vector.broadcast %jit3A_231 : f32 to vector<16x1x128xf32>
      %select_n3A_235 = arith.select %broadcast_in_dim3A_233, %mul3A_230, %broadcast_in_dim3A_234 : vector<16x1x128xi1>, vector<16x1x128xf32>
      %jit3A_236 = arith.constant 0.000000e+00 : f32
      %broadcast_in_dim3A_237 = vector.shape_cast %eq3A_210 : vector<1x1x128xi1> to vector<1x1x128xi1>
      %broadcast_in_dim3A_238 = vector.broadcast %broadcast_in_dim3A_237 : vector<1x1x128xi1> to vector<16x32x128xi1>
      %broadcast_in_dim3A_239 = vector.broadcast %jit3A_236 : f32 to vector<16x32x128xf32>
      %select_n3A_240 = arith.select %broadcast_in_dim3A_238, %get3A_204, %broadcast_in_dim3A_239 : vector<16x32x128xi1>, vector<16x32x128xf32>
      %reduce_sum3A_241 = arith.constant dense<0.000000e+00> : vector<16x32xf32>
      %reduce_sum3A_242 = vector.multi_reduction <add>, %select_n3A_240, %reduce_sum3A_241 [2] : vector<16x32x128xf32> to vector<16x32xf32>
      %broadcast_in_dim3A_243 = vector.shape_cast %reduce_sum3A_242 : vector<16x32xf32> to vector<16x32x1xf32>
      %lt3A_244 = vector.broadcast %sub3A_206 : i32 to vector<1x32x1xi32>
      %lt3A_245 = arith.cmpi slt, %iota3A_7, %lt3A_244 : vector<1x32x1xi32>
      %mul3A_246 = vector.broadcast %rsqrt3A : vector<16x1x1xf32> to vector<16x32x1xf32>
      %mul3A_247 = arith.mulf %broadcast_in_dim3A_243, %mul3A_246 : vector<16x32x1xf32>
      %jit3A_248 = arith.constant 0.000000e+00 : f32
      %broadcast_in_dim3A_249 = vector.shape_cast %lt3A_245 : vector<1x32x1xi1> to vector<1x32x1xi1>
      %broadcast_in_dim3A_250 = vector.broadcast %broadcast_in_dim3A_249 : vector<1x32x1xi1> to vector<16x32x1xi1>
      %broadcast_in_dim3A_251 = vector.broadcast %jit3A_248 : f32 to vector<16x32x1xf32>
      %select_n3A_252 = arith.select %broadcast_in_dim3A_250, %mul3A_247, %broadcast_in_dim3A_251 : vector<16x32x1xi1>, vector<16x32x1xf32>
      %mul3A_253 = vector.broadcast %select_n3A_252 : vector<16x32x1xf32> to vector<16x32x128xf32>
      %mul3A_254 = vector.broadcast %select_n3A_235 : vector<16x1x128xf32> to vector<16x32x128xf32>
      %mul3A_255 = arith.mulf %mul3A_253, %mul3A_254 : vector<16x32x128xf32>
      %sub3A_256 = arith.subf %get3A_204, %mul3A_255 : vector<16x32x128xf32>
      %broadcast_in_dim3A_257 = vector.shape_cast %eq3A_212 : vector<1x32x1xi1> to vector<1x32x1xi1>
      %broadcast_in_dim3A_258 = vector.broadcast %broadcast_in_dim3A_257 : vector<1x32x1xi1> to vector<16x32x128xi1>
      %broadcast_in_dim3A_259 = vector.shape_cast %select_n3A_235 : vector<16x1x128xf32> to vector<16x1x128xf32>
      %broadcast_in_dim3A_260 = vector.broadcast %broadcast_in_dim3A_259 : vector<16x1x128xf32> to vector<16x32x128xf32>
      %select_n3A_261 = arith.select %broadcast_in_dim3A_258, %broadcast_in_dim3A_260, %sub3A_256 : vector<16x32x128xi1>, vector<16x32x128xf32>
      %swap3A_262 = arith.constant 0 : index
      %swap3A_263 = arith.constant 96 : index
      %swap3A_264 = arith.constant 0 : index
      %swap3A_265 = vector.load %arg4[%swap3A_262, %swap3A_263, %swap3A_264] : memref<16x128x128xf32, #tpu.memory_space<vmem>>, vector<16x32x128xf32>
      tpu.vector_store %arg4[%swap3A_262, %swap3A_263, %swap3A_264], %select_n3A_261 {strides = array<i32>} : memref<16x128x128xf32, #tpu.memory_space<vmem>>, vector<16x32x128xf32>,
    }
    %scan3A_23 = arith.constant 32 : i32
    %get3A_24 = arith.constant 0 : index
    %get3A_25 = arith.constant 96 : index
    %get3A_26 = arith.constant 0 : index
    %get3A_27 = vector.load %arg4[%get3A_24, %get3A_25, %get3A_26] : memref<16x128x128xf32, #tpu.memory_space<vmem>>, vector<16x32x128xf32>
    %get3A_28 = arith.constant 0 : index
    %get3A_29 = arith.constant 0 : index
    %get3A_30 = arith.constant 0 : index
    %get3A_31 = vector.load %arg3[%get3A_28, %get3A_29, %get3A_30] : memref<16x128x128xf32, #tpu.memory_space<vmem>>, vector<16x128x96xf32>
    %slice3A = vector.extract_strided_slice %get3A_27 {offsets = [0, 0, 0], sizes = [16, 32, 96], strides = [1, 1, 1]} : vector<16x32x128xf32> to vector<16x32x96xf32>
    %dot_general3A = arith.constant dense<0.000000e+00> : vector<16x128x96xf32>
    %dot_general3A_32 = tpu.matmul %get3A_27, %slice3A, %dot_general3A {dimension_numbers = #tpu.dot_dimension_numbers<[1], [1], [2], [2], [0, 0, 0, 2, 1, 2], [0], [0]>, precision = #tpu.contract_precision<fp32>, transpose_lhs_hint = false} : vector<16x32x128xf32>, vector<16x32x96xf32>, vector<16x128x96xf32> -> vector<16x128x96xf32>
    %sub3A = arith.subf %get3A_31, %dot_general3A_32 : vector<16x128x96xf32>
    %swap3A_33 = arith.constant 0 : index
    %swap3A_34 = arith.constant 0 : index
    %swap3A_35 = arith.constant 0 : index
    %swap3A_36 = vector.load %arg3[%swap3A_33, %swap3A_34, %swap3A_35] : memref<16x128x128xf32, #tpu.memory_space<vmem>>, vector<16x128x96xf32>
    tpu.vector_store %arg3[%swap3A_33, %swap3A_34, %swap3A_35], %sub3A {strides = array<i32>} : memref<16x128x128xf32, #tpu.memory_space<vmem>>, vector<16x128x96xf32>,
    %lt3A_37 = arith.constant 96 : i32
    %lt3A_38 = vector.broadcast %lt3A_37 : i32 to vector<1x1x128xi32>
    %lt3A_39 = arith.cmpi slt, %iota3A_6, %lt3A_38 : vector<1x1x128xi32>
    %get3A_40 = arith.constant 0 : index
    %get3A_41 = arith.constant 64 : index
    %get3A_42 = arith.constant 0 : index
    %get3A_43 = vector.load %arg3[%get3A_40, %get3A_41, %get3A_42] : memref<16x128x128xf32, #tpu.memory_space<vmem>>, vector<16x32x128xf32>
    %jit3A_44 = arith.constant 0.000000e+00 : f32
    %broadcast_in_dim3A_45 = vector.shape_cast %lt3A_39 : vector<1x1x128xi1> to vector<1x1x128xi1>
    %broadcast_in_dim3A_46 = vector.broadcast %broadcast_in_dim3A_45 : vector<1x1x128xi1> to vector<16x32x128xi1>
    %broadcast_in_dim3A_47 = vector.broadcast %jit3A_44 : f32 to vector<16x32x128xf32>
    %select_n3A_48 = arith.select %broadcast_in_dim3A_46, %get3A_43, %broadcast_in_dim3A_47 : vector<16x32x128xi1>, vector<16x32x128xf32>
    %swap3A_49 = arith.constant 0 : index
    %swap3A_50 = arith.constant 64 : index
    %swap3A_51 = arith.constant 0 : index
    %swap3A_52 = vector.load %arg4[%swap3A_49, %swap3A_50, %swap3A_51] : memref<16x128x128xf32, #tpu.memory_space<vmem>>, vector<16x32x128xf32>
    tpu.vector_store %arg4[%swap3A_49, %swap3A_50, %swap3A_51], %select_n3A_48 {strides = array<i32>} : memref<16x128x128xf32, #tpu.memory_space<vmem>>, vector<16x32x128xf32>,
    %scan3A_53 = arith.constant 0 : i32
    %scan3A_54 = arith.constant 32 : i32
    %scan3A_55 = arith.addi %scan3A_53, %scan3A_54 : i32
    %scan3A_56 = arith.constant 1 : i32
    scf.for %scan3A_200 = %scan3A_53 to %scan3A_55 step %scan3A_56  : i32 {
      %get3A_201 = arith.constant 0 : index
      %get3A_202 = arith.constant 64 : index
      %get3A_203 = arith.constant 0 : index
      %get3A_204 = vector.load %arg4[%get3A_201, %get3A_202, %get3A_203] : memref<16x128x128xf32, #tpu.memory_space<vmem>>, vector<16x32x128xf32>
      %sub3A_205 = arith.constant 31 : i32
      %sub3A_206 = arith.subi %sub3A_205, %scan3A_200 : i32
      %add3A_207 = arith.constant 64 : i32
      %add3A_208 = arith.addi %add3A_207, %sub3A_206 : i32
      %eq3A_209 = vector.broadcast %add3A_208 : i32 to vector<1x1x128xi32>
      %eq3A_210 = arith.cmpi eq, %iota3A_6, %eq3A_209 : vector<1x1x128xi32>
      %eq3A_211 = vector.broadcast %sub3A_206 : i32 to vector<1x32x1xi32>
      %eq3A_212 = arith.cmpi eq, %iota3A_7, %eq3A_211 : vector<1x32x1xi32>
      %jit3A_213 = arith.constant 0.000000e+00 : f32
      %broadcast_in_dim3A_214 = vector.shape_cast %eq3A_212 : vector<1x32x1xi1> to vector<1x32x1xi1>
      %broadcast_in_dim3A_215 = vector.broadcast %broadcast_in_dim3A_214 : vector<1x32x1xi1> to vector<16x32x128xi1>
      %broadcast_in_dim3A_216 = vector.broadcast %jit3A_213 : f32 to vector<16x32x128xf32>
      %select_n3A_217 = arith.select %broadcast_in_dim3A_215, %get3A_204, %broadcast_in_dim3A_216 : vector<16x32x128xi1>, vector<16x32x128xf32>
      %reduce_sum3A_218 = arith.constant dense<0.000000e+00> : vector<16x128xf32>
      %reduce_sum3A_219 = vector.multi_reduction <add>, %select_n3A_217, %reduce_sum3A_218 [1] : vector<16x32x128xf32> to vector<16x128xf32>
      %broadcast_in_dim3A_220 = vector.shape_cast %reduce_sum3A_219 : vector<16x128xf32> to vector<16x1x128xf32>
      %jit3A_221 = arith.constant 0.000000e+00 : f32
      %broadcast_in_dim3A_222 = vector.shape_cast %eq3A_210 : vector<1x1x128xi1> to vector<1x1x128xi1>
      %broadcast_in_dim3A_223 = vector.broadcast %broadcast_in_dim3A_222 : vector<1x1x128xi1> to vector<16x1x128xi1>
      %broadcast_in_dim3A_224 = vector.broadcast %jit3A_221 : f32 to vector<16x1x128xf32>
      %select_n3A_225 = arith.select %broadcast_in_dim3A_223, %broadcast_in_dim3A_220, %broadcast_in_dim3A_224 : vector<16x1x128xi1>, vector<16x1x128xf32>
      %reduce_sum3A_226 = arith.constant dense<0.000000e+00> : vector<16x1xf32>
      %reduce_sum3A_227 = vector.multi_reduction <add>, %select_n3A_225, %reduce_sum3A_226 [2] : vector<16x1x128xf32> to vector<16x1xf32>
      %broadcast_in_dim3A_228 = vector.shape_cast %reduce_sum3A_227 : vector<16x1xf32> to vector<16x1x1xf32>
      %rsqrt3A = math.rsqrt %broadcast_in_dim3A_228 : vector<16x1x1xf32>
      %le3A = vector.broadcast %add3A_208 : i32 to vector<1x1x128xi32>
      %le3A_229 = arith.cmpi sle, %iota3A_6, %le3A : vector<1x1x128xi32>
      %mul3A = vector.broadcast %rsqrt3A : vector<16x1x1xf32> to vector<16x1x128xf32>
      %mul3A_230 = arith.mulf %broadcast_in_dim3A_220, %mul3A : vector<16x1x128xf32>
      %jit3A_231 = arith.constant 0.000000e+00 : f32
      %broadcast_in_dim3A_232 = vector.shape_cast %le3A_229 : vector<1x1x128xi1> to vector<1x1x128xi1>
      %broadcast_in_dim3A_233 = vector.broadcast %broadcast_in_dim3A_232 : vector<1x1x128xi1> to vector<16x1x128xi1>
      %broadcast_in_dim3A_234 = vector.broadcast %jit3A_231 : f32 to vector<16x1x128xf32>
      %select_n3A_235 = arith.select %broadcast_in_dim3A_233, %mul3A_230, %broadcast_in_dim3A_234 : vector<16x1x128xi1>, vector<16x1x128xf32>
      %jit3A_236 = arith.constant 0.000000e+00 : f32
      %broadcast_in_dim3A_237 = vector.shape_cast %eq3A_210 : vector<1x1x128xi1> to vector<1x1x128xi1>
      %broadcast_in_dim3A_238 = vector.broadcast %broadcast_in_dim3A_237 : vector<1x1x128xi1> to vector<16x32x128xi1>
      %broadcast_in_dim3A_239 = vector.broadcast %jit3A_236 : f32 to vector<16x32x128xf32>
      %select_n3A_240 = arith.select %broadcast_in_dim3A_238, %get3A_204, %broadcast_in_dim3A_239 : vector<16x32x128xi1>, vector<16x32x128xf32>
      %reduce_sum3A_241 = arith.constant dense<0.000000e+00> : vector<16x32xf32>
      %reduce_sum3A_242 = vector.multi_reduction <add>, %select_n3A_240, %reduce_sum3A_241 [2] : vector<16x32x128xf32> to vector<16x32xf32>
      %broadcast_in_dim3A_243 = vector.shape_cast %reduce_sum3A_242 : vector<16x32xf32> to vector<16x32x1xf32>
      %lt3A_244 = vector.broadcast %sub3A_206 : i32 to vector<1x32x1xi32>
      %lt3A_245 = arith.cmpi slt, %iota3A_7, %lt3A_244 : vector<1x32x1xi32>
      %mul3A_246 = vector.broadcast %rsqrt3A : vector<16x1x1xf32> to vector<16x32x1xf32>
      %mul3A_247 = arith.mulf %broadcast_in_dim3A_243, %mul3A_246 : vector<16x32x1xf32>
      %jit3A_248 = arith.constant 0.000000e+00 : f32
      %broadcast_in_dim3A_249 = vector.shape_cast %lt3A_245 : vector<1x32x1xi1> to vector<1x32x1xi1>
      %broadcast_in_dim3A_250 = vector.broadcast %broadcast_in_dim3A_249 : vector<1x32x1xi1> to vector<16x32x1xi1>
      %broadcast_in_dim3A_251 = vector.broadcast %jit3A_248 : f32 to vector<16x32x1xf32>
      %select_n3A_252 = arith.select %broadcast_in_dim3A_250, %mul3A_247, %broadcast_in_dim3A_251 : vector<16x32x1xi1>, vector<16x32x1xf32>
      %mul3A_253 = vector.broadcast %select_n3A_252 : vector<16x32x1xf32> to vector<16x32x128xf32>
      %mul3A_254 = vector.broadcast %select_n3A_235 : vector<16x1x128xf32> to vector<16x32x128xf32>
      %mul3A_255 = arith.mulf %mul3A_253, %mul3A_254 : vector<16x32x128xf32>
      %sub3A_256 = arith.subf %get3A_204, %mul3A_255 : vector<16x32x128xf32>
      %broadcast_in_dim3A_257 = vector.shape_cast %eq3A_212 : vector<1x32x1xi1> to vector<1x32x1xi1>
      %broadcast_in_dim3A_258 = vector.broadcast %broadcast_in_dim3A_257 : vector<1x32x1xi1> to vector<16x32x128xi1>
      %broadcast_in_dim3A_259 = vector.shape_cast %select_n3A_235 : vector<16x1x128xf32> to vector<16x1x128xf32>
      %broadcast_in_dim3A_260 = vector.broadcast %broadcast_in_dim3A_259 : vector<16x1x128xf32> to vector<16x32x128xf32>
      %select_n3A_261 = arith.select %broadcast_in_dim3A_258, %broadcast_in_dim3A_260, %sub3A_256 : vector<16x32x128xi1>, vector<16x32x128xf32>
      %swap3A_262 = arith.constant 0 : index
      %swap3A_263 = arith.constant 64 : index
      %swap3A_264 = arith.constant 0 : index
      %swap3A_265 = vector.load %arg4[%swap3A_262, %swap3A_263, %swap3A_264] : memref<16x128x128xf32, #tpu.memory_space<vmem>>, vector<16x32x128xf32>
      tpu.vector_store %arg4[%swap3A_262, %swap3A_263, %swap3A_264], %select_n3A_261 {strides = array<i32>} : memref<16x128x128xf32, #tpu.memory_space<vmem>>, vector<16x32x128xf32>,
    }
    %scan3A_57 = arith.constant 32 : i32
    %get3A_58 = arith.constant 0 : index
    %get3A_59 = arith.constant 64 : index
    %get3A_60 = arith.constant 0 : index
    %get3A_61 = vector.load %arg4[%get3A_58, %get3A_59, %get3A_60] : memref<16x128x128xf32, #tpu.memory_space<vmem>>, vector<16x32x128xf32>
    %get3A_62 = arith.constant 0 : index
    %get3A_63 = arith.constant 0 : index
    %get3A_64 = arith.constant 0 : index
    %get3A_65 = vector.load %arg3[%get3A_62, %get3A_63, %get3A_64] : memref<16x128x128xf32, #tpu.memory_space<vmem>>, vector<16x128x64xf32>
    %slice3A_66 = vector.extract_strided_slice %get3A_61 {offsets = [0, 0, 0], sizes = [16, 32, 64], strides = [1, 1, 1]} : vector<16x32x128xf32> to vector<16x32x64xf32>
    %dot_general3A_67 = arith.constant dense<0.000000e+00> : vector<16x128x64xf32>
    %dot_general3A_68 = tpu.matmul %get3A_61, %slice3A_66, %dot_general3A_67 {dimension_numbers = #tpu.dot_dimension_numbers<[1], [1], [2], [2], [0, 0, 0, 2, 1, 2], [0], [0]>, precision = #tpu.contract_precision<fp32>, transpose_lhs_hint = false} : vector<16x32x128xf32>, vector<16x32x64xf32>, vector<16x128x64xf32> -> vector<16x128x64xf32>
    %sub3A_69 = arith.subf %get3A_65, %dot_general3A_68 : vector<16x128x64xf32>
    %swap3A_70 = arith.constant 0 : index
    %swap3A_71 = arith.constant 0 : index
    %swap3A_72 = arith.constant 0 : index
    %swap3A_73 = vector.load %arg3[%swap3A_70, %swap3A_71, %swap3A_72] : memref<16x128x128xf32, #tpu.memory_space<vmem>>, vector<16x128x64xf32>
    tpu.vector_store %arg3[%swap3A_70, %swap3A_71, %swap3A_72], %sub3A_69 {strides = array<i32>} : memref<16x128x128xf32, #tpu.memory_space<vmem>>, vector<16x128x64xf32>,
    %lt3A_74 = arith.constant 64 : i32
    %lt3A_75 = vector.broadcast %lt3A_74 : i32 to vector<1x1x128xi32>
    %lt3A_76 = arith.cmpi slt, %iota3A_6, %lt3A_75 : vector<1x1x128xi32>
    %get3A_77 = arith.constant 0 : index
    %get3A_78 = arith.constant 32 : index
    %get3A_79 = arith.constant 0 : index
    %get3A_80 = vector.load %arg3[%get3A_77, %get3A_78, %get3A_79] : memref<16x128x128xf32, #tpu.memory_space<vmem>>, vector<16x32x128xf32>
    %jit3A_81 = arith.constant 0.000000e+00 : f32
    %broadcast_in_dim3A_82 = vector.shape_cast %lt3A_76 : vector<1x1x128xi1> to vector<1x1x128xi1>
    %broadcast_in_dim3A_83 = vector.broadcast %broadcast_in_dim3A_82 : vector<1x1x128xi1> to vector<16x32x128xi1>
    %broadcast_in_dim3A_84 = vector.broadcast %jit3A_81 : f32 to vector<16x32x128xf32>
    %select_n3A_85 = arith.select %broadcast_in_dim3A_83, %get3A_80, %broadcast_in_dim3A_84 : vector<16x32x128xi1>, vector<16x32x128xf32>
    %swap3A_86 = arith.constant 0 : index
    %swap3A_87 = arith.constant 32 : index
    %swap3A_88 = arith.constant 0 : index
    %swap3A_89 = vector.load %arg4[%swap3A_86, %swap3A_87, %swap3A_88] : memref<16x128x128xf32, #tpu.memory_space<vmem>>, vector<16x32x128xf32>
    tpu.vector_store %arg4[%swap3A_86, %swap3A_87, %swap3A_88], %select_n3A_85 {strides = array<i32>} : memref<16x128x128xf32, #tpu.memory_space<vmem>>, vector<16x32x128xf32>,
    %scan3A_90 = arith.constant 0 : i32
    %scan3A_91 = arith.constant 32 : i32
    %scan3A_92 = arith.addi %scan3A_90, %scan3A_91 : i32
    %scan3A_93 = arith.constant 1 : i32
    scf.for %scan3A_200 = %scan3A_90 to %scan3A_92 step %scan3A_93  : i32 {
      %get3A_201 = arith.constant 0 : index
      %get3A_202 = arith.constant 32 : index
      %get3A_203 = arith.constant 0 : index
      %get3A_204 = vector.load %arg4[%get3A_201, %get3A_202, %get3A_203] : memref<16x128x128xf32, #tpu.memory_space<vmem>>, vector<16x32x128xf32>
      %sub3A_205 = arith.constant 31 : i32
      %sub3A_206 = arith.subi %sub3A_205, %scan3A_200 : i32
      %add3A_207 = arith.constant 32 : i32
      %add3A_208 = arith.addi %add3A_207, %sub3A_206 : i32
      %eq3A_209 = vector.broadcast %add3A_208 : i32 to vector<1x1x128xi32>
      %eq3A_210 = arith.cmpi eq, %iota3A_6, %eq3A_209 : vector<1x1x128xi32>
      %eq3A_211 = vector.broadcast %sub3A_206 : i32 to vector<1x32x1xi32>
      %eq3A_212 = arith.cmpi eq, %iota3A_7, %eq3A_211 : vector<1x32x1xi32>
      %jit3A_213 = arith.constant 0.000000e+00 : f32
      %broadcast_in_dim3A_214 = vector.shape_cast %eq3A_212 : vector<1x32x1xi1> to vector<1x32x1xi1>
      %broadcast_in_dim3A_215 = vector.broadcast %broadcast_in_dim3A_214 : vector<1x32x1xi1> to vector<16x32x128xi1>
      %broadcast_in_dim3A_216 = vector.broadcast %jit3A_213 : f32 to vector<16x32x128xf32>
      %select_n3A_217 = arith.select %broadcast_in_dim3A_215, %get3A_204, %broadcast_in_dim3A_216 : vector<16x32x128xi1>, vector<16x32x128xf32>
      %reduce_sum3A_218 = arith.constant dense<0.000000e+00> : vector<16x128xf32>
      %reduce_sum3A_219 = vector.multi_reduction <add>, %select_n3A_217, %reduce_sum3A_218 [1] : vector<16x32x128xf32> to vector<16x128xf32>
      %broadcast_in_dim3A_220 = vector.shape_cast %reduce_sum3A_219 : vector<16x128xf32> to vector<16x1x128xf32>
      %jit3A_221 = arith.constant 0.000000e+00 : f32
      %broadcast_in_dim3A_222 = vector.shape_cast %eq3A_210 : vector<1x1x128xi1> to vector<1x1x128xi1>
      %broadcast_in_dim3A_223 = vector.broadcast %broadcast_in_dim3A_222 : vector<1x1x128xi1> to vector<16x1x128xi1>
      %broadcast_in_dim3A_224 = vector.broadcast %jit3A_221 : f32 to vector<16x1x128xf32>
      %select_n3A_225 = arith.select %broadcast_in_dim3A_223, %broadcast_in_dim3A_220, %broadcast_in_dim3A_224 : vector<16x1x128xi1>, vector<16x1x128xf32>
      %reduce_sum3A_226 = arith.constant dense<0.000000e+00> : vector<16x1xf32>
      %reduce_sum3A_227 = vector.multi_reduction <add>, %select_n3A_225, %reduce_sum3A_226 [2] : vector<16x1x128xf32> to vector<16x1xf32>
      %broadcast_in_dim3A_228 = vector.shape_cast %reduce_sum3A_227 : vector<16x1xf32> to vector<16x1x1xf32>
      %rsqrt3A = math.rsqrt %broadcast_in_dim3A_228 : vector<16x1x1xf32>
      %le3A = vector.broadcast %add3A_208 : i32 to vector<1x1x128xi32>
      %le3A_229 = arith.cmpi sle, %iota3A_6, %le3A : vector<1x1x128xi32>
      %mul3A = vector.broadcast %rsqrt3A : vector<16x1x1xf32> to vector<16x1x128xf32>
      %mul3A_230 = arith.mulf %broadcast_in_dim3A_220, %mul3A : vector<16x1x128xf32>
      %jit3A_231 = arith.constant 0.000000e+00 : f32
      %broadcast_in_dim3A_232 = vector.shape_cast %le3A_229 : vector<1x1x128xi1> to vector<1x1x128xi1>
      %broadcast_in_dim3A_233 = vector.broadcast %broadcast_in_dim3A_232 : vector<1x1x128xi1> to vector<16x1x128xi1>
      %broadcast_in_dim3A_234 = vector.broadcast %jit3A_231 : f32 to vector<16x1x128xf32>
      %select_n3A_235 = arith.select %broadcast_in_dim3A_233, %mul3A_230, %broadcast_in_dim3A_234 : vector<16x1x128xi1>, vector<16x1x128xf32>
      %jit3A_236 = arith.constant 0.000000e+00 : f32
      %broadcast_in_dim3A_237 = vector.shape_cast %eq3A_210 : vector<1x1x128xi1> to vector<1x1x128xi1>
      %broadcast_in_dim3A_238 = vector.broadcast %broadcast_in_dim3A_237 : vector<1x1x128xi1> to vector<16x32x128xi1>
      %broadcast_in_dim3A_239 = vector.broadcast %jit3A_236 : f32 to vector<16x32x128xf32>
      %select_n3A_240 = arith.select %broadcast_in_dim3A_238, %get3A_204, %broadcast_in_dim3A_239 : vector<16x32x128xi1>, vector<16x32x128xf32>
      %reduce_sum3A_241 = arith.constant dense<0.000000e+00> : vector<16x32xf32>
      %reduce_sum3A_242 = vector.multi_reduction <add>, %select_n3A_240, %reduce_sum3A_241 [2] : vector<16x32x128xf32> to vector<16x32xf32>
      %broadcast_in_dim3A_243 = vector.shape_cast %reduce_sum3A_242 : vector<16x32xf32> to vector<16x32x1xf32>
      %lt3A_244 = vector.broadcast %sub3A_206 : i32 to vector<1x32x1xi32>
      %lt3A_245 = arith.cmpi slt, %iota3A_7, %lt3A_244 : vector<1x32x1xi32>
      %mul3A_246 = vector.broadcast %rsqrt3A : vector<16x1x1xf32> to vector<16x32x1xf32>
      %mul3A_247 = arith.mulf %broadcast_in_dim3A_243, %mul3A_246 : vector<16x32x1xf32>
      %jit3A_248 = arith.constant 0.000000e+00 : f32
      %broadcast_in_dim3A_249 = vector.shape_cast %lt3A_245 : vector<1x32x1xi1> to vector<1x32x1xi1>
      %broadcast_in_dim3A_250 = vector.broadcast %broadcast_in_dim3A_249 : vector<1x32x1xi1> to vector<16x32x1xi1>
      %broadcast_in_dim3A_251 = vector.broadcast %jit3A_248 : f32 to vector<16x32x1xf32>
      %select_n3A_252 = arith.select %broadcast_in_dim3A_250, %mul3A_247, %broadcast_in_dim3A_251 : vector<16x32x1xi1>, vector<16x32x1xf32>
      %mul3A_253 = vector.broadcast %select_n3A_252 : vector<16x32x1xf32> to vector<16x32x128xf32>
      %mul3A_254 = vector.broadcast %select_n3A_235 : vector<16x1x128xf32> to vector<16x32x128xf32>
      %mul3A_255 = arith.mulf %mul3A_253, %mul3A_254 : vector<16x32x128xf32>
      %sub3A_256 = arith.subf %get3A_204, %mul3A_255 : vector<16x32x128xf32>
      %broadcast_in_dim3A_257 = vector.shape_cast %eq3A_212 : vector<1x32x1xi1> to vector<1x32x1xi1>
      %broadcast_in_dim3A_258 = vector.broadcast %broadcast_in_dim3A_257 : vector<1x32x1xi1> to vector<16x32x128xi1>
      %broadcast_in_dim3A_259 = vector.shape_cast %select_n3A_235 : vector<16x1x128xf32> to vector<16x1x128xf32>
      %broadcast_in_dim3A_260 = vector.broadcast %broadcast_in_dim3A_259 : vector<16x1x128xf32> to vector<16x32x128xf32>
      %select_n3A_261 = arith.select %broadcast_in_dim3A_258, %broadcast_in_dim3A_260, %sub3A_256 : vector<16x32x128xi1>, vector<16x32x128xf32>
      %swap3A_262 = arith.constant 0 : index
      %swap3A_263 = arith.constant 32 : index
      %swap3A_264 = arith.constant 0 : index
      %swap3A_265 = vector.load %arg4[%swap3A_262, %swap3A_263, %swap3A_264] : memref<16x128x128xf32, #tpu.memory_space<vmem>>, vector<16x32x128xf32>
      tpu.vector_store %arg4[%swap3A_262, %swap3A_263, %swap3A_264], %select_n3A_261 {strides = array<i32>} : memref<16x128x128xf32, #tpu.memory_space<vmem>>, vector<16x32x128xf32>,
    }
    %scan3A_94 = arith.constant 32 : i32
    %get3A_95 = arith.constant 0 : index
    %get3A_96 = arith.constant 32 : index
    %get3A_97 = arith.constant 0 : index
    %get3A_98 = vector.load %arg4[%get3A_95, %get3A_96, %get3A_97] : memref<16x128x128xf32, #tpu.memory_space<vmem>>, vector<16x32x128xf32>
    %get3A_99 = arith.constant 0 : index
    %get3A_100 = arith.constant 0 : index
    %get3A_101 = arith.constant 0 : index
    %get3A_102 = vector.load %arg3[%get3A_99, %get3A_100, %get3A_101] : memref<16x128x128xf32, #tpu.memory_space<vmem>>, vector<16x128x32xf32>
    %slice3A_103 = vector.extract_strided_slice %get3A_98 {offsets = [0, 0, 0], sizes = [16, 32, 32], strides = [1, 1, 1]} : vector<16x32x128xf32> to vector<16x32x32xf32>
    %dot_general3A_104 = arith.constant dense<0.000000e+00> : vector<16x128x32xf32>
    %dot_general3A_105 = tpu.matmul %get3A_98, %slice3A_103, %dot_general3A_104 {dimension_numbers = #tpu.dot_dimension_numbers<[1], [1], [2], [2], [0, 0, 0, 2, 1, 2], [0], [0]>, precision = #tpu.contract_precision<fp32>, transpose_lhs_hint = false} : vector<16x32x128xf32>, vector<16x32x32xf32>, vector<16x128x32xf32> -> vector<16x128x32xf32>
    %sub3A_106 = arith.subf %get3A_102, %dot_general3A_105 : vector<16x128x32xf32>
    %swap3A_107 = arith.constant 0 : index
    %swap3A_108 = arith.constant 0 : index
    %swap3A_109 = arith.constant 0 : index
    %swap3A_110 = vector.load %arg3[%swap3A_107, %swap3A_108, %swap3A_109] : memref<16x128x128xf32, #tpu.memory_space<vmem>>, vector<16x128x32xf32>
    tpu.vector_store %arg3[%swap3A_107, %swap3A_108, %swap3A_109], %sub3A_106 {strides = array<i32>} : memref<16x128x128xf32, #tpu.memory_space<vmem>>, vector<16x128x32xf32>,
    %lt3A_111 = arith.constant 32 : i32
    %lt3A_112 = vector.broadcast %lt3A_111 : i32 to vector<1x1x128xi32>
    %lt3A_113 = arith.cmpi slt, %iota3A_6, %lt3A_112 : vector<1x1x128xi32>
    %get3A_114 = arith.constant 0 : index
    %get3A_115 = arith.constant 0 : index
    %get3A_116 = arith.constant 0 : index
    %get3A_117 = vector.load %arg3[%get3A_114, %get3A_115, %get3A_116] : memref<16x128x128xf32, #tpu.memory_space<vmem>>, vector<16x32x128xf32>
    %jit3A_118 = arith.constant 0.000000e+00 : f32
    %broadcast_in_dim3A_119 = vector.shape_cast %lt3A_113 : vector<1x1x128xi1> to vector<1x1x128xi1>
    %broadcast_in_dim3A_120 = vector.broadcast %broadcast_in_dim3A_119 : vector<1x1x128xi1> to vector<16x32x128xi1>
    %broadcast_in_dim3A_121 = vector.broadcast %jit3A_118 : f32 to vector<16x32x128xf32>
    %select_n3A_122 = arith.select %broadcast_in_dim3A_120, %get3A_117, %broadcast_in_dim3A_121 : vector<16x32x128xi1>, vector<16x32x128xf32>
    %swap3A_123 = arith.constant 0 : index
    %swap3A_124 = arith.constant 0 : index
    %swap3A_125 = arith.constant 0 : index
    %swap3A_126 = vector.load %arg4[%swap3A_123, %swap3A_124, %swap3A_125] : memref<16x128x128xf32, #tpu.memory_space<vmem>>, vector<16x32x128xf32>
    tpu.vector_store %arg4[%swap3A_123, %swap3A_124, %swap3A_125], %select_n3A_122 {strides = array<i32>} : memref<16x128x128xf32, #tpu.memory_space<vmem>>, vector<16x32x128xf32>,
    %scan3A_127 = arith.constant 0 : i32
    %scan3A_128 = arith.constant 32 : i32
    %scan3A_129 = arith.addi %scan3A_127, %scan3A_128 : i32
    %scan3A_130 = arith.constant 1 : i32
    scf.for %scan3A_200 = %scan3A_127 to %scan3A_129 step %scan3A_130  : i32 {
      %get3A_201 = arith.constant 0 : index
      %get3A_202 = arith.constant 0 : index
      %get3A_203 = arith.constant 0 : index
      %get3A_204 = vector.load %arg4[%get3A_201, %get3A_202, %get3A_203] : memref<16x128x128xf32, #tpu.memory_space<vmem>>, vector<16x32x128xf32>
      %sub3A_205 = arith.constant 31 : i32
      %sub3A_206 = arith.subi %sub3A_205, %scan3A_200 : i32
      %add3A_207 = arith.constant 0 : i32
      %add3A_208 = arith.addi %add3A_207, %sub3A_206 : i32
      %eq3A_209 = vector.broadcast %add3A_208 : i32 to vector<1x1x128xi32>
      %eq3A_210 = arith.cmpi eq, %iota3A_6, %eq3A_209 : vector<1x1x128xi32>
      %eq3A_211 = vector.broadcast %sub3A_206 : i32 to vector<1x32x1xi32>
      %eq3A_212 = arith.cmpi eq, %iota3A_7, %eq3A_211 : vector<1x32x1xi32>
      %jit3A_213 = arith.constant 0.000000e+00 : f32
      %broadcast_in_dim3A_214 = vector.shape_cast %eq3A_212 : vector<1x32x1xi1> to vector<1x32x1xi1>
      %broadcast_in_dim3A_215 = vector.broadcast %broadcast_in_dim3A_214 : vector<1x32x1xi1> to vector<16x32x128xi1>
      %broadcast_in_dim3A_216 = vector.broadcast %jit3A_213 : f32 to vector<16x32x128xf32>
      %select_n3A_217 = arith.select %broadcast_in_dim3A_215, %get3A_204, %broadcast_in_dim3A_216 : vector<16x32x128xi1>, vector<16x32x128xf32>
      %reduce_sum3A_218 = arith.constant dense<0.000000e+00> : vector<16x128xf32>
      %reduce_sum3A_219 = vector.multi_reduction <add>, %select_n3A_217, %reduce_sum3A_218 [1] : vector<16x32x128xf32> to vector<16x128xf32>
      %broadcast_in_dim3A_220 = vector.shape_cast %reduce_sum3A_219 : vector<16x128xf32> to vector<16x1x128xf32>
      %jit3A_221 = arith.constant 0.000000e+00 : f32
      %broadcast_in_dim3A_222 = vector.shape_cast %eq3A_210 : vector<1x1x128xi1> to vector<1x1x128xi1>
      %broadcast_in_dim3A_223 = vector.broadcast %broadcast_in_dim3A_222 : vector<1x1x128xi1> to vector<16x1x128xi1>
      %broadcast_in_dim3A_224 = vector.broadcast %jit3A_221 : f32 to vector<16x1x128xf32>
      %select_n3A_225 = arith.select %broadcast_in_dim3A_223, %broadcast_in_dim3A_220, %broadcast_in_dim3A_224 : vector<16x1x128xi1>, vector<16x1x128xf32>
      %reduce_sum3A_226 = arith.constant dense<0.000000e+00> : vector<16x1xf32>
      %reduce_sum3A_227 = vector.multi_reduction <add>, %select_n3A_225, %reduce_sum3A_226 [2] : vector<16x1x128xf32> to vector<16x1xf32>
      %broadcast_in_dim3A_228 = vector.shape_cast %reduce_sum3A_227 : vector<16x1xf32> to vector<16x1x1xf32>
      %rsqrt3A = math.rsqrt %broadcast_in_dim3A_228 : vector<16x1x1xf32>
      %le3A = vector.broadcast %add3A_208 : i32 to vector<1x1x128xi32>
      %le3A_229 = arith.cmpi sle, %iota3A_6, %le3A : vector<1x1x128xi32>
      %mul3A = vector.broadcast %rsqrt3A : vector<16x1x1xf32> to vector<16x1x128xf32>
      %mul3A_230 = arith.mulf %broadcast_in_dim3A_220, %mul3A : vector<16x1x128xf32>
      %jit3A_231 = arith.constant 0.000000e+00 : f32
      %broadcast_in_dim3A_232 = vector.shape_cast %le3A_229 : vector<1x1x128xi1> to vector<1x1x128xi1>
      %broadcast_in_dim3A_233 = vector.broadcast %broadcast_in_dim3A_232 : vector<1x1x128xi1> to vector<16x1x128xi1>
      %broadcast_in_dim3A_234 = vector.broadcast %jit3A_231 : f32 to vector<16x1x128xf32>
      %select_n3A_235 = arith.select %broadcast_in_dim3A_233, %mul3A_230, %broadcast_in_dim3A_234 : vector<16x1x128xi1>, vector<16x1x128xf32>
      %jit3A_236 = arith.constant 0.000000e+00 : f32
      %broadcast_in_dim3A_237 = vector.shape_cast %eq3A_210 : vector<1x1x128xi1> to vector<1x1x128xi1>
      %broadcast_in_dim3A_238 = vector.broadcast %broadcast_in_dim3A_237 : vector<1x1x128xi1> to vector<16x32x128xi1>
      %broadcast_in_dim3A_239 = vector.broadcast %jit3A_236 : f32 to vector<16x32x128xf32>
      %select_n3A_240 = arith.select %broadcast_in_dim3A_238, %get3A_204, %broadcast_in_dim3A_239 : vector<16x32x128xi1>, vector<16x32x128xf32>
      %reduce_sum3A_241 = arith.constant dense<0.000000e+00> : vector<16x32xf32>
      %reduce_sum3A_242 = vector.multi_reduction <add>, %select_n3A_240, %reduce_sum3A_241 [2] : vector<16x32x128xf32> to vector<16x32xf32>
      %broadcast_in_dim3A_243 = vector.shape_cast %reduce_sum3A_242 : vector<16x32xf32> to vector<16x32x1xf32>
      %lt3A_244 = vector.broadcast %sub3A_206 : i32 to vector<1x32x1xi32>
      %lt3A_245 = arith.cmpi slt, %iota3A_7, %lt3A_244 : vector<1x32x1xi32>
      %mul3A_246 = vector.broadcast %rsqrt3A : vector<16x1x1xf32> to vector<16x32x1xf32>
      %mul3A_247 = arith.mulf %broadcast_in_dim3A_243, %mul3A_246 : vector<16x32x1xf32>
      %jit3A_248 = arith.constant 0.000000e+00 : f32
      %broadcast_in_dim3A_249 = vector.shape_cast %lt3A_245 : vector<1x32x1xi1> to vector<1x32x1xi1>
      %broadcast_in_dim3A_250 = vector.broadcast %broadcast_in_dim3A_249 : vector<1x32x1xi1> to vector<16x32x1xi1>
      %broadcast_in_dim3A_251 = vector.broadcast %jit3A_248 : f32 to vector<16x32x1xf32>
      %select_n3A_252 = arith.select %broadcast_in_dim3A_250, %mul3A_247, %broadcast_in_dim3A_251 : vector<16x32x1xi1>, vector<16x32x1xf32>
      %mul3A_253 = vector.broadcast %select_n3A_252 : vector<16x32x1xf32> to vector<16x32x128xf32>
      %mul3A_254 = vector.broadcast %select_n3A_235 : vector<16x1x128xf32> to vector<16x32x128xf32>
      %mul3A_255 = arith.mulf %mul3A_253, %mul3A_254 : vector<16x32x128xf32>
      %sub3A_256 = arith.subf %get3A_204, %mul3A_255 : vector<16x32x128xf32>
      %broadcast_in_dim3A_257 = vector.shape_cast %eq3A_212 : vector<1x32x1xi1> to vector<1x32x1xi1>
      %broadcast_in_dim3A_258 = vector.broadcast %broadcast_in_dim3A_257 : vector<1x32x1xi1> to vector<16x32x128xi1>
      %broadcast_in_dim3A_259 = vector.shape_cast %select_n3A_235 : vector<16x1x128xf32> to vector<16x1x128xf32>
      %broadcast_in_dim3A_260 = vector.broadcast %broadcast_in_dim3A_259 : vector<16x1x128xf32> to vector<16x32x128xf32>
      %select_n3A_261 = arith.select %broadcast_in_dim3A_258, %broadcast_in_dim3A_260, %sub3A_256 : vector<16x32x128xi1>, vector<16x32x128xf32>
      %swap3A_262 = arith.constant 0 : index
      %swap3A_263 = arith.constant 0 : index
      %swap3A_264 = arith.constant 0 : index
      %swap3A_265 = vector.load %arg4[%swap3A_262, %swap3A_263, %swap3A_264] : memref<16x128x128xf32, #tpu.memory_space<vmem>>, vector<16x32x128xf32>
      tpu.vector_store %arg4[%swap3A_262, %swap3A_263, %swap3A_264], %select_n3A_261 {strides = array<i32>} : memref<16x128x128xf32, #tpu.memory_space<vmem>>, vector<16x32x128xf32>,
    }
    %scan3A_131 = arith.constant 32 : i32
    %get3A_132 = arith.constant 0 : index
    %get3A_133 = arith.constant 0 : index
    %get3A_134 = arith.constant 0 : index
    %get3A_135 = vector.load %arg4[%get3A_132, %get3A_133, %get3A_134] : memref<16x128x128xf32, #tpu.memory_space<vmem>>, vector<16x128x128xf32>
    %eq3A = vector.broadcast %iota3A : vector<1x128x1xi32> to vector<1x128x128xi32>
    %eq3A_136 = vector.broadcast %iota3A_6 : vector<1x1x128xi32> to vector<1x128x128xi32>
    %eq3A_137 = arith.cmpi eq, %eq3A, %eq3A_136 : vector<1x128x128xi32>
    %jit3A_138 = arith.constant 1.000000e+00 : f32
    %jit3A_139 = arith.constant 0.000000e+00 : f32
    %broadcast_in_dim3A_140 = vector.broadcast %jit3A_138 : f32 to vector<1x128x128xf32>
    %broadcast_in_dim3A_141 = vector.broadcast %jit3A_139 : f32 to vector<1x128x128xf32>
    %select_n3A_142 = arith.select %eq3A_137, %broadcast_in_dim3A_140, %broadcast_in_dim3A_141 : vector<1x128x128xi1>, vector<1x128x128xf32>
    %eq3A_143 = vector.broadcast %iota3A : vector<1x128x1xi32> to vector<1x128x128xi32>
    %eq3A_144 = vector.broadcast %iota3A_6 : vector<1x1x128xi32> to vector<1x128x128xi32>
    %eq3A_145 = arith.cmpi eq, %eq3A_143, %eq3A_144 : vector<1x128x128xi32>
    %jit3A_146 = arith.constant 0.000000e+00 : f32
    %broadcast_in_dim3A_147 = vector.shape_cast %eq3A_145 : vector<1x128x128xi1> to vector<1x128x128xi1>
    %broadcast_in_dim3A_148 = vector.broadcast %broadcast_in_dim3A_147 : vector<1x128x128xi1> to vector<16x128x128xi1>
    %broadcast_in_dim3A_149 = vector.broadcast %jit3A_146 : f32 to vector<16x128x128xf32>
    %select_n3A_150 = arith.select %broadcast_in_dim3A_148, %get3A_135, %broadcast_in_dim3A_149 : vector<16x128x128xi1>, vector<16x128x128xf32>
    %reduce_sum3A = arith.constant dense<0.000000e+00> : vector<16x128xf32>
    %reduce_sum3A_151 = vector.multi_reduction <add>, %select_n3A_150, %reduce_sum3A [2] : vector<16x128x128xf32> to vector<16x128xf32>
    %broadcast_in_dim3A_152 = vector.shape_cast %reduce_sum3A_151 : vector<16x128xf32> to vector<16x128x1xf32>
    %div3A = vector.broadcast %broadcast_in_dim3A_152 : vector<16x128x1xf32> to vector<16x128x128xf32>
    %div3A_153 = arith.divf %get3A_135, %div3A : vector<16x128x128xf32>
    %sub3A_154 = vector.broadcast %select_n3A_142 : vector<1x128x128xf32> to vector<16x128x128xf32>
    %sub3A_155 = arith.subf %div3A_153, %sub3A_154 : vector<16x128x128xf32>
    %sub3A_156 = vector.broadcast %select_n3A_142 : vector<1x128x128xf32> to vector<16x128x128xf32>
    %sub3A_157 = arith.subf %sub3A_156, %sub3A_155 : vector<16x128x128xf32>
    %dot_general3A_158 = arith.constant dense<0.000000e+00> : vector<16x128x128xf32>
    %dot_general3A_159 = tpu.matmul %sub3A_155, %sub3A_155, %dot_general3A_158 {dimension_numbers = #tpu.dot_dimension_numbers<[2], [1], [1], [2], [0, 0, 0, 1, 1, 2], [0], [0]>, precision = #tpu.contract_precision<fp32>, transpose_lhs_hint = false} : vector<16x128x128xf32>, vector<16x128x128xf32>, vector<16x128x128xf32> -> vector<16x128x128xf32>
    %add3A = vector.broadcast %select_n3A_142 : vector<1x128x128xf32> to vector<16x128x128xf32>
    %add3A_160 = arith.addf %add3A, %dot_general3A_159 : vector<16x128x128xf32>
    %dot_general3A_161 = arith.constant dense<0.000000e+00> : vector<16x128x128xf32>
    %dot_general3A_162 = tpu.matmul %sub3A_157, %add3A_160, %dot_general3A_161 {dimension_numbers = #tpu.dot_dimension_numbers<[2], [1], [1], [2], [0, 0, 0, 1, 1, 2], [0], [0]>, precision = #tpu.contract_precision<fp32>, transpose_lhs_hint = false} : vector<16x128x128xf32>, vector<16x128x128xf32>, vector<16x128x128xf32> -> vector<16x128x128xf32>
    %dot_general3A_163 = arith.constant dense<0.000000e+00> : vector<16x128x128xf32>
    %dot_general3A_164 = tpu.matmul %dot_general3A_159, %dot_general3A_159, %dot_general3A_163 {dimension_numbers = #tpu.dot_dimension_numbers<[2], [1], [1], [2], [0, 0, 0, 1, 1, 2], [0], [0]>, precision = #tpu.contract_precision<fp32>, transpose_lhs_hint = false} : vector<16x128x128xf32>, vector<16x128x128xf32>, vector<16x128x128xf32> -> vector<16x128x128xf32>
    %add3A_165 = vector.broadcast %select_n3A_142 : vector<1x128x128xf32> to vector<16x128x128xf32>
    %add3A_166 = arith.addf %add3A_165, %dot_general3A_164 : vector<16x128x128xf32>
    %dot_general3A_167 = arith.constant dense<0.000000e+00> : vector<16x128x128xf32>
    %dot_general3A_168 = tpu.matmul %dot_general3A_162, %add3A_166, %dot_general3A_167 {dimension_numbers = #tpu.dot_dimension_numbers<[2], [1], [1], [2], [0, 0, 0, 1, 1, 2], [0], [0]>, precision = #tpu.contract_precision<fp32>, transpose_lhs_hint = false} : vector<16x128x128xf32>, vector<16x128x128xf32>, vector<16x128x128xf32> -> vector<16x128x128xf32>
    %dot_general3A_169 = arith.constant dense<0.000000e+00> : vector<16x128x128xf32>
    %dot_general3A_170 = tpu.matmul %dot_general3A_164, %dot_general3A_164, %dot_general3A_169 {dimension_numbers = #tpu.dot_dimension_numbers<[2], [1], [1], [2], [0, 0, 0, 1, 1, 2], [0], [0]>, precision = #tpu.contract_precision<fp32>, transpose_lhs_hint = false} : vector<16x128x128xf32>, vector<16x128x128xf32>, vector<16x128x128xf32> -> vector<16x128x128xf32>
    %add3A_171 = vector.broadcast %select_n3A_142 : vector<1x128x128xf32> to vector<16x128x128xf32>
    %add3A_172 = arith.addf %add3A_171, %dot_general3A_170 : vector<16x128x128xf32>
    %dot_general3A_173 = arith.constant dense<0.000000e+00> : vector<16x128x128xf32>
    %dot_general3A_174 = tpu.matmul %dot_general3A_168, %add3A_172, %dot_general3A_173 {dimension_numbers = #tpu.dot_dimension_numbers<[2], [1], [1], [2], [0, 0, 0, 1, 1, 2], [0], [0]>, precision = #tpu.contract_precision<fp32>, transpose_lhs_hint = false} : vector<16x128x128xf32>, vector<16x128x128xf32>, vector<16x128x128xf32> -> vector<16x128x128xf32>
    %dot_general3A_175 = arith.constant dense<0.000000e+00> : vector<16x128x128xf32>
    %dot_general3A_176 = tpu.matmul %dot_general3A_170, %dot_general3A_170, %dot_general3A_175 {dimension_numbers = #tpu.dot_dimension_numbers<[2], [1], [1], [2], [0, 0, 0, 1, 1, 2], [0], [0]>, precision = #tpu.contract_precision<fp32>, transpose_lhs_hint = false} : vector<16x128x128xf32>, vector<16x128x128xf32>, vector<16x128x128xf32> -> vector<16x128x128xf32>
    %add3A_177 = vector.broadcast %select_n3A_142 : vector<1x128x128xf32> to vector<16x128x128xf32>
    %add3A_178 = arith.addf %add3A_177, %dot_general3A_176 : vector<16x128x128xf32>
    %dot_general3A_179 = arith.constant dense<0.000000e+00> : vector<16x128x128xf32>
    %dot_general3A_180 = tpu.matmul %dot_general3A_174, %add3A_178, %dot_general3A_179 {dimension_numbers = #tpu.dot_dimension_numbers<[2], [1], [1], [2], [0, 0, 0, 1, 1, 2], [0], [0]>, precision = #tpu.contract_precision<fp32>, transpose_lhs_hint = false} : vector<16x128x128xf32>, vector<16x128x128xf32>, vector<16x128x128xf32> -> vector<16x128x128xf32>
    %dot_general3A_181 = arith.constant dense<0.000000e+00> : vector<16x128x128xf32>
    %dot_general3A_182 = tpu.matmul %dot_general3A_176, %dot_general3A_176, %dot_general3A_181 {dimension_numbers = #tpu.dot_dimension_numbers<[2], [1], [1], [2], [0, 0, 0, 1, 1, 2], [0], [0]>, precision = #tpu.contract_precision<fp32>, transpose_lhs_hint = false} : vector<16x128x128xf32>, vector<16x128x128xf32>, vector<16x128x128xf32> -> vector<16x128x128xf32>
    %add3A_183 = vector.broadcast %select_n3A_142 : vector<1x128x128xf32> to vector<16x128x128xf32>
    %add3A_184 = arith.addf %add3A_183, %dot_general3A_182 : vector<16x128x128xf32>
    %dot_general3A_185 = arith.constant dense<0.000000e+00> : vector<16x128x128xf32>
    %dot_general3A_186 = tpu.matmul %dot_general3A_180, %add3A_184, %dot_general3A_185 {dimension_numbers = #tpu.dot_dimension_numbers<[2], [1], [1], [2], [0, 0, 0, 1, 1, 2], [0], [0]>, precision = #tpu.contract_precision<fp32>, transpose_lhs_hint = false} : vector<16x128x128xf32>, vector<16x128x128xf32>, vector<16x128x128xf32> -> vector<16x128x128xf32>
    %dot_general3A_187 = arith.constant dense<0.000000e+00> : vector<16x128x128xf32>
    %dot_general3A_188 = tpu.matmul %dot_general3A_182, %dot_general3A_182, %dot_general3A_187 {dimension_numbers = #tpu.dot_dimension_numbers<[2], [1], [1], [2], [0, 0, 0, 1, 1, 2], [0], [0]>, precision = #tpu.contract_precision<fp32>, transpose_lhs_hint = false} : vector<16x128x128xf32>, vector<16x128x128xf32>, vector<16x128x128xf32> -> vector<16x128x128xf32>
    %add3A_189 = vector.broadcast %select_n3A_142 : vector<1x128x128xf32> to vector<16x128x128xf32>
    %add3A_190 = arith.addf %add3A_189, %dot_general3A_188 : vector<16x128x128xf32>
    %dot_general3A_191 = arith.constant dense<0.000000e+00> : vector<16x128x128xf32>
    %dot_general3A_192 = tpu.matmul %dot_general3A_186, %add3A_190, %dot_general3A_191 {dimension_numbers = #tpu.dot_dimension_numbers<[2], [1], [1], [2], [0, 0, 0, 1, 1, 2], [0], [0]>, precision = #tpu.contract_precision<fp32>, transpose_lhs_hint = false} : vector<16x128x128xf32>, vector<16x128x128xf32>, vector<16x128x128xf32> -> vector<16x128x128xf32>
    %broadcast_in_dim3A_193 = vector.shape_cast %reduce_sum3A_151 : vector<16x128xf32> to vector<16x1x128xf32>
    %div3A_194 = vector.broadcast %broadcast_in_dim3A_193 : vector<16x1x128xf32> to vector<16x128x128xf32>
    %div3A_195 = arith.divf %dot_general3A_192, %div3A_194 : vector<16x128x128xf32>
    %swap3A_196 = arith.constant 0 : index
    %swap3A_197 = arith.constant 0 : index
    %swap3A_198 = arith.constant 0 : index
    %swap3A_199 = vector.load %arg2[%swap3A_196, %swap3A_197, %swap3A_198] : memref<16x128x128xf32, #tpu.memory_space<vmem>>, vector<16x128x128xf32>
    tpu.vector_store %arg2[%swap3A_196, %swap3A_197, %swap3A_198], %div3A_195 {strides = array<i32>} : memref<16x128x128xf32, #tpu.memory_space<vmem>>, vector<16x128x128xf32>,
    return
  }
  func.func @transform_0(%arg0: i32) -> (i32, i32, i32) {
    %c0_i32 = arith.constant 0 : i32
    %c5_i32 = arith.constant 5 : i32
    %c5_i32_0 = arith.constant 5 : i32
    %c0_i32_1 = arith.constant 0 : i32
    return %c0_i32, %c5_i32, %c5_i32_0 : i32, i32, i32
  }
  func.func @transform_1(%arg0: i32) -> (i32, i32, i32) {
    %c0_i32 = arith.constant 0 : i32
    %c0_i32_0 = arith.constant 0 : i32
    %c0_i32_1 = arith.constant 0 : i32
    %c0_i32_2 = arith.constant 0 : i32
    return %c0_i32, %c0_i32_0, %c0_i32_1 : i32, i32, i32
  }
}

module attributes {stable_mosaic.version = 14 : i64} {
  func.func @_panel_update_body(%arg0: i32, %arg1: memref<1x768x768xf32, #tpu.memory_space<vmem>>, %arg2: memref<1x128x128xf32, #tpu.memory_space<vmem>>, %arg3: memref<1x640x128xf32, #tpu.memory_space<vmem>>, %arg4: memref<1x640x640xf32, #tpu.memory_space<vmem>>) attributes {dimension_semantics = [#tpu.dimension_semantics<arbitrary>], iteration_bounds = array<i64: 16>, scalar_prefetch = 0 : i64, scratch_operands = 0 : i64, tpu.core_type = #tpu.core_type<tc>, window_params = [{transform_indices = @transform_0, window_bounds = array<i64: 1, 768, 768>}, {transform_indices = @transform_1, window_bounds = array<i64: 1, 128, 128>}, {transform_indices = @transform_2, window_bounds = array<i64: 1, 640, 128>}, {transform_indices = @transform_3, window_bounds = array<i64: 1, 640, 640>}]} {
    %get3A = arith.constant 0 : index
    %get3A_0 = arith.constant 0 : index
    %get3A_1 = arith.constant 640 : index
    %get3A_2 = vector.load %arg1[%get3A, %get3A_0, %get3A_1] : memref<1x768x768xf32, #tpu.memory_space<vmem>>, vector<1x640x128xf32>
    %get3A_3 = vector.shape_cast %get3A_2 : vector<1x640x128xf32> to vector<640x128xf32>
    %get3A_4 = arith.constant 0 : index
    %get3A_5 = arith.constant 0 : index
    %get3A_6 = arith.constant 0 : index
    %get3A_7 = vector.load %arg2[%get3A_4, %get3A_5, %get3A_6] : memref<1x128x128xf32, #tpu.memory_space<vmem>>, vector<1x128x128xf32>
    %get3A_8 = vector.shape_cast %get3A_7 : vector<1x128x128xf32> to vector<128x128xf32>
    %dot_general3A = arith.constant dense<0.000000e+00> : vector<640x128xf32>
    %dot_general3A_9 = tpu.matmul %get3A_3, %get3A_8, %dot_general3A {dimension_numbers = #tpu.dot_dimension_numbers<[1], [0], [0], [1], [0, 0, 1, 1], [], []>, precision = #tpu.contract_precision<fp32>, transpose_lhs_hint = false} : vector<640x128xf32>, vector<128x128xf32>, vector<640x128xf32> -> vector<640x128xf32>
    %swap3A = arith.constant 0 : index
    %swap3A_10 = arith.constant 0 : index
    %swap3A_11 = arith.constant 0 : index
    %swap3A_12 = vector.load %arg3[%swap3A, %swap3A_10, %swap3A_11] : memref<1x640x128xf32, #tpu.memory_space<vmem>>, vector<1x640x128xf32>
    %swap3A_13 = vector.shape_cast %swap3A_12 : vector<1x640x128xf32> to vector<640x128xf32>
    %swap3A_14 = vector.shape_cast %dot_general3A_9 : vector<640x128xf32> to vector<1x640x128xf32>
    tpu.vector_store %arg3[%swap3A, %swap3A_10, %swap3A_11], %swap3A_14 {strides = array<i32>} : memref<1x640x128xf32, #tpu.memory_space<vmem>>, vector<1x640x128xf32>,
    %get3A_15 = arith.constant 0 : index
    %get3A_16 = arith.constant 0 : index
    %get3A_17 = arith.constant 0 : index
    %get3A_18 = vector.load %arg1[%get3A_15, %get3A_16, %get3A_17] : memref<1x768x768xf32, #tpu.memory_space<vmem>>, vector<1x640x640xf32>
    %get3A_19 = vector.shape_cast %get3A_18 : vector<1x640x640xf32> to vector<640x640xf32>
    %dot_general3A_20 = arith.constant dense<0.000000e+00> : vector<640x640xf32>
    %dot_general3A_21 = tpu.matmul %dot_general3A_9, %dot_general3A_9, %dot_general3A_20 {dimension_numbers = #tpu.dot_dimension_numbers<[1], [1], [0], [0], [0, 0, 1, 0], [], []>, precision = #tpu.contract_precision<fp32>, transpose_lhs_hint = false} : vector<640x128xf32>, vector<640x128xf32>, vector<640x640xf32> -> vector<640x640xf32>
    %sub3A = arith.subf %get3A_19, %dot_general3A_21 : vector<640x640xf32>
    %swap3A_22 = arith.constant 0 : index
    %swap3A_23 = arith.constant 0 : index
    %swap3A_24 = arith.constant 0 : index
    %swap3A_25 = vector.load %arg4[%swap3A_22, %swap3A_23, %swap3A_24] : memref<1x640x640xf32, #tpu.memory_space<vmem>>, vector<1x640x640xf32>
    %swap3A_26 = vector.shape_cast %swap3A_25 : vector<1x640x640xf32> to vector<640x640xf32>
    %swap3A_27 = vector.shape_cast %sub3A : vector<640x640xf32> to vector<1x640x640xf32>
    tpu.vector_store %arg4[%swap3A_22, %swap3A_23, %swap3A_24], %swap3A_27 {strides = array<i32>} : memref<1x640x640xf32, #tpu.memory_space<vmem>>, vector<1x640x640xf32>,
    return
  }
  func.func @transform_0(%arg0: i32) -> (i32, i32, i32) {
    %c0_i32 = arith.constant 0 : i32
    %c0_i32_0 = arith.constant 0 : i32
    %c0_i32_1 = arith.constant 0 : i32
    return %arg0, %c0_i32, %c0_i32_0 : i32, i32, i32
  }
  func.func @transform_1(%arg0: i32) -> (i32, i32, i32) {
    %c0_i32 = arith.constant 0 : i32
    %c0_i32_0 = arith.constant 0 : i32
    %c0_i32_1 = arith.constant 0 : i32
    return %arg0, %c0_i32, %c0_i32_0 : i32, i32, i32
  }
  func.func @transform_2(%arg0: i32) -> (i32, i32, i32) {
    %c0_i32 = arith.constant 0 : i32
    %c0_i32_0 = arith.constant 0 : i32
    %c0_i32_1 = arith.constant 0 : i32
    return %arg0, %c0_i32, %c0_i32_0 : i32, i32, i32
  }
  func.func @transform_3(%arg0: i32) -> (i32, i32, i32) {
    %c0_i32 = arith.constant 0 : i32
    %c0_i32_0 = arith.constant 0 : i32
    %c0_i32_1 = arith.constant 0 : i32
    return %arg0, %c0_i32, %c0_i32_0 : i32, i32, i32
  }
}

module attributes {stable_mosaic.version = 14 : i64} {
  func.func @_diag_factor_body(%arg0: i32, %arg1: memref<16x128x128xf32, #tpu.memory_space<vmem>>, %arg2: memref<16x128x128xf32, #tpu.memory_space<vmem>>, %arg3: memref<16x128x128xf32, #tpu.memory_space<vmem>>, %arg4: memref<16x128x128xf32, #tpu.memory_space<vmem>>) attributes {dimension_semantics = [#tpu.dimension_semantics<arbitrary>], iteration_bounds = array<i64: 1>, scalar_prefetch = 0 : i64, scratch_operands = 2 : i64, tpu.core_type = #tpu.core_type<tc>, window_params = [{transform_indices = @transform_0, window_bounds = array<i64: 16, 128, 128>}, {pipeline_mode = #tpu.pipeline_mode<synchronous>, transform_indices = @transform_1, window_bounds = array<i64: 16, 128, 128>}]} {
    %get3A = arith.constant 0 : index
    %get3A_0 = arith.constant 0 : index
    %get3A_1 = arith.constant 0 : index
    %get3A_2 = vector.load %arg1[%get3A, %get3A_0, %get3A_1] : memref<16x128x128xf32, #tpu.memory_space<vmem>>, vector<16x128x128xf32>
    %swap3A = arith.constant 0 : index
    %swap3A_3 = arith.constant 0 : index
    %swap3A_4 = arith.constant 0 : index
    %swap3A_5 = vector.load %arg3[%swap3A, %swap3A_3, %swap3A_4] : memref<16x128x128xf32, #tpu.memory_space<vmem>>, vector<16x128x128xf32>
    tpu.vector_store %arg3[%swap3A, %swap3A_3, %swap3A_4], %get3A_2 {strides = array<i32>} : memref<16x128x128xf32, #tpu.memory_space<vmem>>, vector<16x128x128xf32>,
    %iota3A = tpu.iota {dimensions = array<i32: 1>} : vector<1x128x1xi32>
    %iota3A_6 = tpu.iota {dimensions = array<i32: 2>} : vector<1x1x128xi32>
    %iota3A_7 = tpu.iota {dimensions = array<i32: 1>} : vector<1x32x1xi32>
    %lt3A = arith.constant 128 : i32
    %lt3A_8 = vector.broadcast %lt3A : i32 to vector<1x1x128xi32>
    %lt3A_9 = arith.cmpi slt, %iota3A_6, %lt3A_8 : vector<1x1x128xi32>
    %get3A_10 = arith.constant 0 : index
    %get3A_11 = arith.constant 96 : index
    %get3A_12 = arith.constant 0 : index
    %get3A_13 = vector.load %arg3[%get3A_10, %get3A_11, %get3A_12] : memref<16x128x128xf32, #tpu.memory_space<vmem>>, vector<16x32x128xf32>
    %jit3A = arith.constant 0.000000e+00 : f32
    %broadcast_in_dim3A = vector.shape_cast %lt3A_9 : vector<1x1x128xi1> to vector<1x1x128xi1>
    %broadcast_in_dim3A_14 = vector.broadcast %broadcast_in_dim3A : vector<1x1x128xi1> to vector<16x32x128xi1>
    %broadcast_in_dim3A_15 = vector.broadcast %jit3A : f32 to vector<16x32x128xf32>
    %select_n3A = arith.select %broadcast_in_dim3A_14, %get3A_13, %broadcast_in_dim3A_15 : vector<16x32x128xi1>, vector<16x32x128xf32>
    %swap3A_16 = arith.constant 0 : index
    %swap3A_17 = arith.constant 96 : index
    %swap3A_18 = arith.constant 0 : index
    %swap3A_19 = vector.load %arg4[%swap3A_16, %swap3A_17, %swap3A_18] : memref<16x128x128xf32, #tpu.memory_space<vmem>>, vector<16x32x128xf32>
    tpu.vector_store %arg4[%swap3A_16, %swap3A_17, %swap3A_18], %select_n3A {strides = array<i32>} : memref<16x128x128xf32, #tpu.memory_space<vmem>>, vector<16x32x128xf32>,
    %scan3A = arith.constant 0 : i32
    %scan3A_20 = arith.constant 32 : i32
    %scan3A_21 = arith.addi %scan3A, %scan3A_20 : i32
    %scan3A_22 = arith.constant 1 : i32
    scf.for %scan3A_200 = %scan3A to %scan3A_21 step %scan3A_22  : i32 {
      %get3A_201 = arith.constant 0 : index
      %get3A_202 = arith.constant 96 : index
      %get3A_203 = arith.constant 0 : index
      %get3A_204 = vector.load %arg4[%get3A_201, %get3A_202, %get3A_203] : memref<16x128x128xf32, #tpu.memory_space<vmem>>, vector<16x32x128xf32>
      %sub3A_205 = arith.constant 31 : i32
      %sub3A_206 = arith.subi %sub3A_205, %scan3A_200 : i32
      %add3A_207 = arith.constant 96 : i32
      %add3A_208 = arith.addi %add3A_207, %sub3A_206 : i32
      %eq3A_209 = vector.broadcast %add3A_208 : i32 to vector<1x1x128xi32>
      %eq3A_210 = arith.cmpi eq, %iota3A_6, %eq3A_209 : vector<1x1x128xi32>
      %eq3A_211 = vector.broadcast %sub3A_206 : i32 to vector<1x32x1xi32>
      %eq3A_212 = arith.cmpi eq, %iota3A_7, %eq3A_211 : vector<1x32x1xi32>
      %jit3A_213 = arith.constant 0.000000e+00 : f32
      %broadcast_in_dim3A_214 = vector.shape_cast %eq3A_212 : vector<1x32x1xi1> to vector<1x32x1xi1>
      %broadcast_in_dim3A_215 = vector.broadcast %broadcast_in_dim3A_214 : vector<1x32x1xi1> to vector<16x32x128xi1>
      %broadcast_in_dim3A_216 = vector.broadcast %jit3A_213 : f32 to vector<16x32x128xf32>
      %select_n3A_217 = arith.select %broadcast_in_dim3A_215, %get3A_204, %broadcast_in_dim3A_216 : vector<16x32x128xi1>, vector<16x32x128xf32>
      %reduce_sum3A_218 = arith.constant dense<0.000000e+00> : vector<16x128xf32>
      %reduce_sum3A_219 = vector.multi_reduction <add>, %select_n3A_217, %reduce_sum3A_218 [1] : vector<16x32x128xf32> to vector<16x128xf32>
      %broadcast_in_dim3A_220 = vector.shape_cast %reduce_sum3A_219 : vector<16x128xf32> to vector<16x1x128xf32>
      %jit3A_221 = arith.constant 0.000000e+00 : f32
      %broadcast_in_dim3A_222 = vector.shape_cast %eq3A_210 : vector<1x1x128xi1> to vector<1x1x128xi1>
      %broadcast_in_dim3A_223 = vector.broadcast %broadcast_in_dim3A_222 : vector<1x1x128xi1> to vector<16x1x128xi1>
      %broadcast_in_dim3A_224 = vector.broadcast %jit3A_221 : f32 to vector<16x1x128xf32>
      %select_n3A_225 = arith.select %broadcast_in_dim3A_223, %broadcast_in_dim3A_220, %broadcast_in_dim3A_224 : vector<16x1x128xi1>, vector<16x1x128xf32>
      %reduce_sum3A_226 = arith.constant dense<0.000000e+00> : vector<16x1xf32>
      %reduce_sum3A_227 = vector.multi_reduction <add>, %select_n3A_225, %reduce_sum3A_226 [2] : vector<16x1x128xf32> to vector<16x1xf32>
      %broadcast_in_dim3A_228 = vector.shape_cast %reduce_sum3A_227 : vector<16x1xf32> to vector<16x1x1xf32>
      %rsqrt3A = math.rsqrt %broadcast_in_dim3A_228 : vector<16x1x1xf32>
      %le3A = vector.broadcast %add3A_208 : i32 to vector<1x1x128xi32>
      %le3A_229 = arith.cmpi sle, %iota3A_6, %le3A : vector<1x1x128xi32>
      %mul3A = vector.broadcast %rsqrt3A : vector<16x1x1xf32> to vector<16x1x128xf32>
      %mul3A_230 = arith.mulf %broadcast_in_dim3A_220, %mul3A : vector<16x1x128xf32>
      %jit3A_231 = arith.constant 0.000000e+00 : f32
      %broadcast_in_dim3A_232 = vector.shape_cast %le3A_229 : vector<1x1x128xi1> to vector<1x1x128xi1>
      %broadcast_in_dim3A_233 = vector.broadcast %broadcast_in_dim3A_232 : vector<1x1x128xi1> to vector<16x1x128xi1>
      %broadcast_in_dim3A_234 = vector.broadcast %jit3A_231 : f32 to vector<16x1x128xf32>
      %select_n3A_235 = arith.select %broadcast_in_dim3A_233, %mul3A_230, %broadcast_in_dim3A_234 : vector<16x1x128xi1>, vector<16x1x128xf32>
      %jit3A_236 = arith.constant 0.000000e+00 : f32
      %broadcast_in_dim3A_237 = vector.shape_cast %eq3A_210 : vector<1x1x128xi1> to vector<1x1x128xi1>
      %broadcast_in_dim3A_238 = vector.broadcast %broadcast_in_dim3A_237 : vector<1x1x128xi1> to vector<16x32x128xi1>
      %broadcast_in_dim3A_239 = vector.broadcast %jit3A_236 : f32 to vector<16x32x128xf32>
      %select_n3A_240 = arith.select %broadcast_in_dim3A_238, %get3A_204, %broadcast_in_dim3A_239 : vector<16x32x128xi1>, vector<16x32x128xf32>
      %reduce_sum3A_241 = arith.constant dense<0.000000e+00> : vector<16x32xf32>
      %reduce_sum3A_242 = vector.multi_reduction <add>, %select_n3A_240, %reduce_sum3A_241 [2] : vector<16x32x128xf32> to vector<16x32xf32>
      %broadcast_in_dim3A_243 = vector.shape_cast %reduce_sum3A_242 : vector<16x32xf32> to vector<16x32x1xf32>
      %lt3A_244 = vector.broadcast %sub3A_206 : i32 to vector<1x32x1xi32>
      %lt3A_245 = arith.cmpi slt, %iota3A_7, %lt3A_244 : vector<1x32x1xi32>
      %mul3A_246 = vector.broadcast %rsqrt3A : vector<16x1x1xf32> to vector<16x32x1xf32>
      %mul3A_247 = arith.mulf %broadcast_in_dim3A_243, %mul3A_246 : vector<16x32x1xf32>
      %jit3A_248 = arith.constant 0.000000e+00 : f32
      %broadcast_in_dim3A_249 = vector.shape_cast %lt3A_245 : vector<1x32x1xi1> to vector<1x32x1xi1>
      %broadcast_in_dim3A_250 = vector.broadcast %broadcast_in_dim3A_249 : vector<1x32x1xi1> to vector<16x32x1xi1>
      %broadcast_in_dim3A_251 = vector.broadcast %jit3A_248 : f32 to vector<16x32x1xf32>
      %select_n3A_252 = arith.select %broadcast_in_dim3A_250, %mul3A_247, %broadcast_in_dim3A_251 : vector<16x32x1xi1>, vector<16x32x1xf32>
      %mul3A_253 = vector.broadcast %select_n3A_252 : vector<16x32x1xf32> to vector<16x32x128xf32>
      %mul3A_254 = vector.broadcast %select_n3A_235 : vector<16x1x128xf32> to vector<16x32x128xf32>
      %mul3A_255 = arith.mulf %mul3A_253, %mul3A_254 : vector<16x32x128xf32>
      %sub3A_256 = arith.subf %get3A_204, %mul3A_255 : vector<16x32x128xf32>
      %broadcast_in_dim3A_257 = vector.shape_cast %eq3A_212 : vector<1x32x1xi1> to vector<1x32x1xi1>
      %broadcast_in_dim3A_258 = vector.broadcast %broadcast_in_dim3A_257 : vector<1x32x1xi1> to vector<16x32x128xi1>
      %broadcast_in_dim3A_259 = vector.shape_cast %select_n3A_235 : vector<16x1x128xf32> to vector<16x1x128xf32>
      %broadcast_in_dim3A_260 = vector.broadcast %broadcast_in_dim3A_259 : vector<16x1x128xf32> to vector<16x32x128xf32>
      %select_n3A_261 = arith.select %broadcast_in_dim3A_258, %broadcast_in_dim3A_260, %sub3A_256 : vector<16x32x128xi1>, vector<16x32x128xf32>
      %swap3A_262 = arith.constant 0 : index
      %swap3A_263 = arith.constant 96 : index
      %swap3A_264 = arith.constant 0 : index
      %swap3A_265 = vector.load %arg4[%swap3A_262, %swap3A_263, %swap3A_264] : memref<16x128x128xf32, #tpu.memory_space<vmem>>, vector<16x32x128xf32>
      tpu.vector_store %arg4[%swap3A_262, %swap3A_263, %swap3A_264], %select_n3A_261 {strides = array<i32>} : memref<16x128x128xf32, #tpu.memory_space<vmem>>, vector<16x32x128xf32>,
    }
    %scan3A_23 = arith.constant 32 : i32
    %get3A_24 = arith.constant 0 : index
    %get3A_25 = arith.constant 96 : index
    %get3A_26 = arith.constant 0 : index
    %get3A_27 = vector.load %arg4[%get3A_24, %get3A_25, %get3A_26] : memref<16x128x128xf32, #tpu.memory_space<vmem>>, vector<16x32x128xf32>
    %get3A_28 = arith.constant 0 : index
    %get3A_29 = arith.constant 0 : index
    %get3A_30 = arith.constant 0 : index
    %get3A_31 = vector.load %arg3[%get3A_28, %get3A_29, %get3A_30] : memref<16x128x128xf32, #tpu.memory_space<vmem>>, vector<16x128x96xf32>
    %slice3A = vector.extract_strided_slice %get3A_27 {offsets = [0, 0, 0], sizes = [16, 32, 96], strides = [1, 1, 1]} : vector<16x32x128xf32> to vector<16x32x96xf32>
    %dot_general3A = arith.constant dense<0.000000e+00> : vector<16x128x96xf32>
    %dot_general3A_32 = tpu.matmul %get3A_27, %slice3A, %dot_general3A {dimension_numbers = #tpu.dot_dimension_numbers<[1], [1], [2], [2], [0, 0, 0, 2, 1, 2], [0], [0]>, precision = #tpu.contract_precision<fp32>, transpose_lhs_hint = false} : vector<16x32x128xf32>, vector<16x32x96xf32>, vector<16x128x96xf32> -> vector<16x128x96xf32>
    %sub3A = arith.subf %get3A_31, %dot_general3A_32 : vector<16x128x96xf32>
    %swap3A_33 = arith.constant 0 : index
    %swap3A_34 = arith.constant 0 : index
    %swap3A_35 = arith.constant 0 : index
    %swap3A_36 = vector.load %arg3[%swap3A_33, %swap3A_34, %swap3A_35] : memref<16x128x128xf32, #tpu.memory_space<vmem>>, vector<16x128x96xf32>
    tpu.vector_store %arg3[%swap3A_33, %swap3A_34, %swap3A_35], %sub3A {strides = array<i32>} : memref<16x128x128xf32, #tpu.memory_space<vmem>>, vector<16x128x96xf32>,
    %lt3A_37 = arith.constant 96 : i32
    %lt3A_38 = vector.broadcast %lt3A_37 : i32 to vector<1x1x128xi32>
    %lt3A_39 = arith.cmpi slt, %iota3A_6, %lt3A_38 : vector<1x1x128xi32>
    %get3A_40 = arith.constant 0 : index
    %get3A_41 = arith.constant 64 : index
    %get3A_42 = arith.constant 0 : index
    %get3A_43 = vector.load %arg3[%get3A_40, %get3A_41, %get3A_42] : memref<16x128x128xf32, #tpu.memory_space<vmem>>, vector<16x32x128xf32>
    %jit3A_44 = arith.constant 0.000000e+00 : f32
    %broadcast_in_dim3A_45 = vector.shape_cast %lt3A_39 : vector<1x1x128xi1> to vector<1x1x128xi1>
    %broadcast_in_dim3A_46 = vector.broadcast %broadcast_in_dim3A_45 : vector<1x1x128xi1> to vector<16x32x128xi1>
    %broadcast_in_dim3A_47 = vector.broadcast %jit3A_44 : f32 to vector<16x32x128xf32>
    %select_n3A_48 = arith.select %broadcast_in_dim3A_46, %get3A_43, %broadcast_in_dim3A_47 : vector<16x32x128xi1>, vector<16x32x128xf32>
    %swap3A_49 = arith.constant 0 : index
    %swap3A_50 = arith.constant 64 : index
    %swap3A_51 = arith.constant 0 : index
    %swap3A_52 = vector.load %arg4[%swap3A_49, %swap3A_50, %swap3A_51] : memref<16x128x128xf32, #tpu.memory_space<vmem>>, vector<16x32x128xf32>
    tpu.vector_store %arg4[%swap3A_49, %swap3A_50, %swap3A_51], %select_n3A_48 {strides = array<i32>} : memref<16x128x128xf32, #tpu.memory_space<vmem>>, vector<16x32x128xf32>,
    %scan3A_53 = arith.constant 0 : i32
    %scan3A_54 = arith.constant 32 : i32
    %scan3A_55 = arith.addi %scan3A_53, %scan3A_54 : i32
    %scan3A_56 = arith.constant 1 : i32
    scf.for %scan3A_200 = %scan3A_53 to %scan3A_55 step %scan3A_56  : i32 {
      %get3A_201 = arith.constant 0 : index
      %get3A_202 = arith.constant 64 : index
      %get3A_203 = arith.constant 0 : index
      %get3A_204 = vector.load %arg4[%get3A_201, %get3A_202, %get3A_203] : memref<16x128x128xf32, #tpu.memory_space<vmem>>, vector<16x32x128xf32>
      %sub3A_205 = arith.constant 31 : i32
      %sub3A_206 = arith.subi %sub3A_205, %scan3A_200 : i32
      %add3A_207 = arith.constant 64 : i32
      %add3A_208 = arith.addi %add3A_207, %sub3A_206 : i32
      %eq3A_209 = vector.broadcast %add3A_208 : i32 to vector<1x1x128xi32>
      %eq3A_210 = arith.cmpi eq, %iota3A_6, %eq3A_209 : vector<1x1x128xi32>
      %eq3A_211 = vector.broadcast %sub3A_206 : i32 to vector<1x32x1xi32>
      %eq3A_212 = arith.cmpi eq, %iota3A_7, %eq3A_211 : vector<1x32x1xi32>
      %jit3A_213 = arith.constant 0.000000e+00 : f32
      %broadcast_in_dim3A_214 = vector.shape_cast %eq3A_212 : vector<1x32x1xi1> to vector<1x32x1xi1>
      %broadcast_in_dim3A_215 = vector.broadcast %broadcast_in_dim3A_214 : vector<1x32x1xi1> to vector<16x32x128xi1>
      %broadcast_in_dim3A_216 = vector.broadcast %jit3A_213 : f32 to vector<16x32x128xf32>
      %select_n3A_217 = arith.select %broadcast_in_dim3A_215, %get3A_204, %broadcast_in_dim3A_216 : vector<16x32x128xi1>, vector<16x32x128xf32>
      %reduce_sum3A_218 = arith.constant dense<0.000000e+00> : vector<16x128xf32>
      %reduce_sum3A_219 = vector.multi_reduction <add>, %select_n3A_217, %reduce_sum3A_218 [1] : vector<16x32x128xf32> to vector<16x128xf32>
      %broadcast_in_dim3A_220 = vector.shape_cast %reduce_sum3A_219 : vector<16x128xf32> to vector<16x1x128xf32>
      %jit3A_221 = arith.constant 0.000000e+00 : f32
      %broadcast_in_dim3A_222 = vector.shape_cast %eq3A_210 : vector<1x1x128xi1> to vector<1x1x128xi1>
      %broadcast_in_dim3A_223 = vector.broadcast %broadcast_in_dim3A_222 : vector<1x1x128xi1> to vector<16x1x128xi1>
      %broadcast_in_dim3A_224 = vector.broadcast %jit3A_221 : f32 to vector<16x1x128xf32>
      %select_n3A_225 = arith.select %broadcast_in_dim3A_223, %broadcast_in_dim3A_220, %broadcast_in_dim3A_224 : vector<16x1x128xi1>, vector<16x1x128xf32>
      %reduce_sum3A_226 = arith.constant dense<0.000000e+00> : vector<16x1xf32>
      %reduce_sum3A_227 = vector.multi_reduction <add>, %select_n3A_225, %reduce_sum3A_226 [2] : vector<16x1x128xf32> to vector<16x1xf32>
      %broadcast_in_dim3A_228 = vector.shape_cast %reduce_sum3A_227 : vector<16x1xf32> to vector<16x1x1xf32>
      %rsqrt3A = math.rsqrt %broadcast_in_dim3A_228 : vector<16x1x1xf32>
      %le3A = vector.broadcast %add3A_208 : i32 to vector<1x1x128xi32>
      %le3A_229 = arith.cmpi sle, %iota3A_6, %le3A : vector<1x1x128xi32>
      %mul3A = vector.broadcast %rsqrt3A : vector<16x1x1xf32> to vector<16x1x128xf32>
      %mul3A_230 = arith.mulf %broadcast_in_dim3A_220, %mul3A : vector<16x1x128xf32>
      %jit3A_231 = arith.constant 0.000000e+00 : f32
      %broadcast_in_dim3A_232 = vector.shape_cast %le3A_229 : vector<1x1x128xi1> to vector<1x1x128xi1>
      %broadcast_in_dim3A_233 = vector.broadcast %broadcast_in_dim3A_232 : vector<1x1x128xi1> to vector<16x1x128xi1>
      %broadcast_in_dim3A_234 = vector.broadcast %jit3A_231 : f32 to vector<16x1x128xf32>
      %select_n3A_235 = arith.select %broadcast_in_dim3A_233, %mul3A_230, %broadcast_in_dim3A_234 : vector<16x1x128xi1>, vector<16x1x128xf32>
      %jit3A_236 = arith.constant 0.000000e+00 : f32
      %broadcast_in_dim3A_237 = vector.shape_cast %eq3A_210 : vector<1x1x128xi1> to vector<1x1x128xi1>
      %broadcast_in_dim3A_238 = vector.broadcast %broadcast_in_dim3A_237 : vector<1x1x128xi1> to vector<16x32x128xi1>
      %broadcast_in_dim3A_239 = vector.broadcast %jit3A_236 : f32 to vector<16x32x128xf32>
      %select_n3A_240 = arith.select %broadcast_in_dim3A_238, %get3A_204, %broadcast_in_dim3A_239 : vector<16x32x128xi1>, vector<16x32x128xf32>
      %reduce_sum3A_241 = arith.constant dense<0.000000e+00> : vector<16x32xf32>
      %reduce_sum3A_242 = vector.multi_reduction <add>, %select_n3A_240, %reduce_sum3A_241 [2] : vector<16x32x128xf32> to vector<16x32xf32>
      %broadcast_in_dim3A_243 = vector.shape_cast %reduce_sum3A_242 : vector<16x32xf32> to vector<16x32x1xf32>
      %lt3A_244 = vector.broadcast %sub3A_206 : i32 to vector<1x32x1xi32>
      %lt3A_245 = arith.cmpi slt, %iota3A_7, %lt3A_244 : vector<1x32x1xi32>
      %mul3A_246 = vector.broadcast %rsqrt3A : vector<16x1x1xf32> to vector<16x32x1xf32>
      %mul3A_247 = arith.mulf %broadcast_in_dim3A_243, %mul3A_246 : vector<16x32x1xf32>
      %jit3A_248 = arith.constant 0.000000e+00 : f32
      %broadcast_in_dim3A_249 = vector.shape_cast %lt3A_245 : vector<1x32x1xi1> to vector<1x32x1xi1>
      %broadcast_in_dim3A_250 = vector.broadcast %broadcast_in_dim3A_249 : vector<1x32x1xi1> to vector<16x32x1xi1>
      %broadcast_in_dim3A_251 = vector.broadcast %jit3A_248 : f32 to vector<16x32x1xf32>
      %select_n3A_252 = arith.select %broadcast_in_dim3A_250, %mul3A_247, %broadcast_in_dim3A_251 : vector<16x32x1xi1>, vector<16x32x1xf32>
      %mul3A_253 = vector.broadcast %select_n3A_252 : vector<16x32x1xf32> to vector<16x32x128xf32>
      %mul3A_254 = vector.broadcast %select_n3A_235 : vector<16x1x128xf32> to vector<16x32x128xf32>
      %mul3A_255 = arith.mulf %mul3A_253, %mul3A_254 : vector<16x32x128xf32>
      %sub3A_256 = arith.subf %get3A_204, %mul3A_255 : vector<16x32x128xf32>
      %broadcast_in_dim3A_257 = vector.shape_cast %eq3A_212 : vector<1x32x1xi1> to vector<1x32x1xi1>
      %broadcast_in_dim3A_258 = vector.broadcast %broadcast_in_dim3A_257 : vector<1x32x1xi1> to vector<16x32x128xi1>
      %broadcast_in_dim3A_259 = vector.shape_cast %select_n3A_235 : vector<16x1x128xf32> to vector<16x1x128xf32>
      %broadcast_in_dim3A_260 = vector.broadcast %broadcast_in_dim3A_259 : vector<16x1x128xf32> to vector<16x32x128xf32>
      %select_n3A_261 = arith.select %broadcast_in_dim3A_258, %broadcast_in_dim3A_260, %sub3A_256 : vector<16x32x128xi1>, vector<16x32x128xf32>
      %swap3A_262 = arith.constant 0 : index
      %swap3A_263 = arith.constant 64 : index
      %swap3A_264 = arith.constant 0 : index
      %swap3A_265 = vector.load %arg4[%swap3A_262, %swap3A_263, %swap3A_264] : memref<16x128x128xf32, #tpu.memory_space<vmem>>, vector<16x32x128xf32>
      tpu.vector_store %arg4[%swap3A_262, %swap3A_263, %swap3A_264], %select_n3A_261 {strides = array<i32>} : memref<16x128x128xf32, #tpu.memory_space<vmem>>, vector<16x32x128xf32>,
    }
    %scan3A_57 = arith.constant 32 : i32
    %get3A_58 = arith.constant 0 : index
    %get3A_59 = arith.constant 64 : index
    %get3A_60 = arith.constant 0 : index
    %get3A_61 = vector.load %arg4[%get3A_58, %get3A_59, %get3A_60] : memref<16x128x128xf32, #tpu.memory_space<vmem>>, vector<16x32x128xf32>
    %get3A_62 = arith.constant 0 : index
    %get3A_63 = arith.constant 0 : index
    %get3A_64 = arith.constant 0 : index
    %get3A_65 = vector.load %arg3[%get3A_62, %get3A_63, %get3A_64] : memref<16x128x128xf32, #tpu.memory_space<vmem>>, vector<16x128x64xf32>
    %slice3A_66 = vector.extract_strided_slice %get3A_61 {offsets = [0, 0, 0], sizes = [16, 32, 64], strides = [1, 1, 1]} : vector<16x32x128xf32> to vector<16x32x64xf32>
    %dot_general3A_67 = arith.constant dense<0.000000e+00> : vector<16x128x64xf32>
    %dot_general3A_68 = tpu.matmul %get3A_61, %slice3A_66, %dot_general3A_67 {dimension_numbers = #tpu.dot_dimension_numbers<[1], [1], [2], [2], [0, 0, 0, 2, 1, 2], [0], [0]>, precision = #tpu.contract_precision<fp32>, transpose_lhs_hint = false} : vector<16x32x128xf32>, vector<16x32x64xf32>, vector<16x128x64xf32> -> vector<16x128x64xf32>
    %sub3A_69 = arith.subf %get3A_65, %dot_general3A_68 : vector<16x128x64xf32>
    %swap3A_70 = arith.constant 0 : index
    %swap3A_71 = arith.constant 0 : index
    %swap3A_72 = arith.constant 0 : index
    %swap3A_73 = vector.load %arg3[%swap3A_70, %swap3A_71, %swap3A_72] : memref<16x128x128xf32, #tpu.memory_space<vmem>>, vector<16x128x64xf32>
    tpu.vector_store %arg3[%swap3A_70, %swap3A_71, %swap3A_72], %sub3A_69 {strides = array<i32>} : memref<16x128x128xf32, #tpu.memory_space<vmem>>, vector<16x128x64xf32>,
    %lt3A_74 = arith.constant 64 : i32
    %lt3A_75 = vector.broadcast %lt3A_74 : i32 to vector<1x1x128xi32>
    %lt3A_76 = arith.cmpi slt, %iota3A_6, %lt3A_75 : vector<1x1x128xi32>
    %get3A_77 = arith.constant 0 : index
    %get3A_78 = arith.constant 32 : index
    %get3A_79 = arith.constant 0 : index
    %get3A_80 = vector.load %arg3[%get3A_77, %get3A_78, %get3A_79] : memref<16x128x128xf32, #tpu.memory_space<vmem>>, vector<16x32x128xf32>
    %jit3A_81 = arith.constant 0.000000e+00 : f32
    %broadcast_in_dim3A_82 = vector.shape_cast %lt3A_76 : vector<1x1x128xi1> to vector<1x1x128xi1>
    %broadcast_in_dim3A_83 = vector.broadcast %broadcast_in_dim3A_82 : vector<1x1x128xi1> to vector<16x32x128xi1>
    %broadcast_in_dim3A_84 = vector.broadcast %jit3A_81 : f32 to vector<16x32x128xf32>
    %select_n3A_85 = arith.select %broadcast_in_dim3A_83, %get3A_80, %broadcast_in_dim3A_84 : vector<16x32x128xi1>, vector<16x32x128xf32>
    %swap3A_86 = arith.constant 0 : index
    %swap3A_87 = arith.constant 32 : index
    %swap3A_88 = arith.constant 0 : index
    %swap3A_89 = vector.load %arg4[%swap3A_86, %swap3A_87, %swap3A_88] : memref<16x128x128xf32, #tpu.memory_space<vmem>>, vector<16x32x128xf32>
    tpu.vector_store %arg4[%swap3A_86, %swap3A_87, %swap3A_88], %select_n3A_85 {strides = array<i32>} : memref<16x128x128xf32, #tpu.memory_space<vmem>>, vector<16x32x128xf32>,
    %scan3A_90 = arith.constant 0 : i32
    %scan3A_91 = arith.constant 32 : i32
    %scan3A_92 = arith.addi %scan3A_90, %scan3A_91 : i32
    %scan3A_93 = arith.constant 1 : i32
    scf.for %scan3A_200 = %scan3A_90 to %scan3A_92 step %scan3A_93  : i32 {
      %get3A_201 = arith.constant 0 : index
      %get3A_202 = arith.constant 32 : index
      %get3A_203 = arith.constant 0 : index
      %get3A_204 = vector.load %arg4[%get3A_201, %get3A_202, %get3A_203] : memref<16x128x128xf32, #tpu.memory_space<vmem>>, vector<16x32x128xf32>
      %sub3A_205 = arith.constant 31 : i32
      %sub3A_206 = arith.subi %sub3A_205, %scan3A_200 : i32
      %add3A_207 = arith.constant 32 : i32
      %add3A_208 = arith.addi %add3A_207, %sub3A_206 : i32
      %eq3A_209 = vector.broadcast %add3A_208 : i32 to vector<1x1x128xi32>
      %eq3A_210 = arith.cmpi eq, %iota3A_6, %eq3A_209 : vector<1x1x128xi32>
      %eq3A_211 = vector.broadcast %sub3A_206 : i32 to vector<1x32x1xi32>
      %eq3A_212 = arith.cmpi eq, %iota3A_7, %eq3A_211 : vector<1x32x1xi32>
      %jit3A_213 = arith.constant 0.000000e+00 : f32
      %broadcast_in_dim3A_214 = vector.shape_cast %eq3A_212 : vector<1x32x1xi1> to vector<1x32x1xi1>
      %broadcast_in_dim3A_215 = vector.broadcast %broadcast_in_dim3A_214 : vector<1x32x1xi1> to vector<16x32x128xi1>
      %broadcast_in_dim3A_216 = vector.broadcast %jit3A_213 : f32 to vector<16x32x128xf32>
      %select_n3A_217 = arith.select %broadcast_in_dim3A_215, %get3A_204, %broadcast_in_dim3A_216 : vector<16x32x128xi1>, vector<16x32x128xf32>
      %reduce_sum3A_218 = arith.constant dense<0.000000e+00> : vector<16x128xf32>
      %reduce_sum3A_219 = vector.multi_reduction <add>, %select_n3A_217, %reduce_sum3A_218 [1] : vector<16x32x128xf32> to vector<16x128xf32>
      %broadcast_in_dim3A_220 = vector.shape_cast %reduce_sum3A_219 : vector<16x128xf32> to vector<16x1x128xf32>
      %jit3A_221 = arith.constant 0.000000e+00 : f32
      %broadcast_in_dim3A_222 = vector.shape_cast %eq3A_210 : vector<1x1x128xi1> to vector<1x1x128xi1>
      %broadcast_in_dim3A_223 = vector.broadcast %broadcast_in_dim3A_222 : vector<1x1x128xi1> to vector<16x1x128xi1>
      %broadcast_in_dim3A_224 = vector.broadcast %jit3A_221 : f32 to vector<16x1x128xf32>
      %select_n3A_225 = arith.select %broadcast_in_dim3A_223, %broadcast_in_dim3A_220, %broadcast_in_dim3A_224 : vector<16x1x128xi1>, vector<16x1x128xf32>
      %reduce_sum3A_226 = arith.constant dense<0.000000e+00> : vector<16x1xf32>
      %reduce_sum3A_227 = vector.multi_reduction <add>, %select_n3A_225, %reduce_sum3A_226 [2] : vector<16x1x128xf32> to vector<16x1xf32>
      %broadcast_in_dim3A_228 = vector.shape_cast %reduce_sum3A_227 : vector<16x1xf32> to vector<16x1x1xf32>
      %rsqrt3A = math.rsqrt %broadcast_in_dim3A_228 : vector<16x1x1xf32>
      %le3A = vector.broadcast %add3A_208 : i32 to vector<1x1x128xi32>
      %le3A_229 = arith.cmpi sle, %iota3A_6, %le3A : vector<1x1x128xi32>
      %mul3A = vector.broadcast %rsqrt3A : vector<16x1x1xf32> to vector<16x1x128xf32>
      %mul3A_230 = arith.mulf %broadcast_in_dim3A_220, %mul3A : vector<16x1x128xf32>
      %jit3A_231 = arith.constant 0.000000e+00 : f32
      %broadcast_in_dim3A_232 = vector.shape_cast %le3A_229 : vector<1x1x128xi1> to vector<1x1x128xi1>
      %broadcast_in_dim3A_233 = vector.broadcast %broadcast_in_dim3A_232 : vector<1x1x128xi1> to vector<16x1x128xi1>
      %broadcast_in_dim3A_234 = vector.broadcast %jit3A_231 : f32 to vector<16x1x128xf32>
      %select_n3A_235 = arith.select %broadcast_in_dim3A_233, %mul3A_230, %broadcast_in_dim3A_234 : vector<16x1x128xi1>, vector<16x1x128xf32>
      %jit3A_236 = arith.constant 0.000000e+00 : f32
      %broadcast_in_dim3A_237 = vector.shape_cast %eq3A_210 : vector<1x1x128xi1> to vector<1x1x128xi1>
      %broadcast_in_dim3A_238 = vector.broadcast %broadcast_in_dim3A_237 : vector<1x1x128xi1> to vector<16x32x128xi1>
      %broadcast_in_dim3A_239 = vector.broadcast %jit3A_236 : f32 to vector<16x32x128xf32>
      %select_n3A_240 = arith.select %broadcast_in_dim3A_238, %get3A_204, %broadcast_in_dim3A_239 : vector<16x32x128xi1>, vector<16x32x128xf32>
      %reduce_sum3A_241 = arith.constant dense<0.000000e+00> : vector<16x32xf32>
      %reduce_sum3A_242 = vector.multi_reduction <add>, %select_n3A_240, %reduce_sum3A_241 [2] : vector<16x32x128xf32> to vector<16x32xf32>
      %broadcast_in_dim3A_243 = vector.shape_cast %reduce_sum3A_242 : vector<16x32xf32> to vector<16x32x1xf32>
      %lt3A_244 = vector.broadcast %sub3A_206 : i32 to vector<1x32x1xi32>
      %lt3A_245 = arith.cmpi slt, %iota3A_7, %lt3A_244 : vector<1x32x1xi32>
      %mul3A_246 = vector.broadcast %rsqrt3A : vector<16x1x1xf32> to vector<16x32x1xf32>
      %mul3A_247 = arith.mulf %broadcast_in_dim3A_243, %mul3A_246 : vector<16x32x1xf32>
      %jit3A_248 = arith.constant 0.000000e+00 : f32
      %broadcast_in_dim3A_249 = vector.shape_cast %lt3A_245 : vector<1x32x1xi1> to vector<1x32x1xi1>
      %broadcast_in_dim3A_250 = vector.broadcast %broadcast_in_dim3A_249 : vector<1x32x1xi1> to vector<16x32x1xi1>
      %broadcast_in_dim3A_251 = vector.broadcast %jit3A_248 : f32 to vector<16x32x1xf32>
      %select_n3A_252 = arith.select %broadcast_in_dim3A_250, %mul3A_247, %broadcast_in_dim3A_251 : vector<16x32x1xi1>, vector<16x32x1xf32>
      %mul3A_253 = vector.broadcast %select_n3A_252 : vector<16x32x1xf32> to vector<16x32x128xf32>
      %mul3A_254 = vector.broadcast %select_n3A_235 : vector<16x1x128xf32> to vector<16x32x128xf32>
      %mul3A_255 = arith.mulf %mul3A_253, %mul3A_254 : vector<16x32x128xf32>
      %sub3A_256 = arith.subf %get3A_204, %mul3A_255 : vector<16x32x128xf32>
      %broadcast_in_dim3A_257 = vector.shape_cast %eq3A_212 : vector<1x32x1xi1> to vector<1x32x1xi1>
      %broadcast_in_dim3A_258 = vector.broadcast %broadcast_in_dim3A_257 : vector<1x32x1xi1> to vector<16x32x128xi1>
      %broadcast_in_dim3A_259 = vector.shape_cast %select_n3A_235 : vector<16x1x128xf32> to vector<16x1x128xf32>
      %broadcast_in_dim3A_260 = vector.broadcast %broadcast_in_dim3A_259 : vector<16x1x128xf32> to vector<16x32x128xf32>
      %select_n3A_261 = arith.select %broadcast_in_dim3A_258, %broadcast_in_dim3A_260, %sub3A_256 : vector<16x32x128xi1>, vector<16x32x128xf32>
      %swap3A_262 = arith.constant 0 : index
      %swap3A_263 = arith.constant 32 : index
      %swap3A_264 = arith.constant 0 : index
      %swap3A_265 = vector.load %arg4[%swap3A_262, %swap3A_263, %swap3A_264] : memref<16x128x128xf32, #tpu.memory_space<vmem>>, vector<16x32x128xf32>
      tpu.vector_store %arg4[%swap3A_262, %swap3A_263, %swap3A_264], %select_n3A_261 {strides = array<i32>} : memref<16x128x128xf32, #tpu.memory_space<vmem>>, vector<16x32x128xf32>,
    }
    %scan3A_94 = arith.constant 32 : i32
    %get3A_95 = arith.constant 0 : index
    %get3A_96 = arith.constant 32 : index
    %get3A_97 = arith.constant 0 : index
    %get3A_98 = vector.load %arg4[%get3A_95, %get3A_96, %get3A_97] : memref<16x128x128xf32, #tpu.memory_space<vmem>>, vector<16x32x128xf32>
    %get3A_99 = arith.constant 0 : index
    %get3A_100 = arith.constant 0 : index
    %get3A_101 = arith.constant 0 : index
    %get3A_102 = vector.load %arg3[%get3A_99, %get3A_100, %get3A_101] : memref<16x128x128xf32, #tpu.memory_space<vmem>>, vector<16x128x32xf32>
    %slice3A_103 = vector.extract_strided_slice %get3A_98 {offsets = [0, 0, 0], sizes = [16, 32, 32], strides = [1, 1, 1]} : vector<16x32x128xf32> to vector<16x32x32xf32>
    %dot_general3A_104 = arith.constant dense<0.000000e+00> : vector<16x128x32xf32>
    %dot_general3A_105 = tpu.matmul %get3A_98, %slice3A_103, %dot_general3A_104 {dimension_numbers = #tpu.dot_dimension_numbers<[1], [1], [2], [2], [0, 0, 0, 2, 1, 2], [0], [0]>, precision = #tpu.contract_precision<fp32>, transpose_lhs_hint = false} : vector<16x32x128xf32>, vector<16x32x32xf32>, vector<16x128x32xf32> -> vector<16x128x32xf32>
    %sub3A_106 = arith.subf %get3A_102, %dot_general3A_105 : vector<16x128x32xf32>
    %swap3A_107 = arith.constant 0 : index
    %swap3A_108 = arith.constant 0 : index
    %swap3A_109 = arith.constant 0 : index
    %swap3A_110 = vector.load %arg3[%swap3A_107, %swap3A_108, %swap3A_109] : memref<16x128x128xf32, #tpu.memory_space<vmem>>, vector<16x128x32xf32>
    tpu.vector_store %arg3[%swap3A_107, %swap3A_108, %swap3A_109], %sub3A_106 {strides = array<i32>} : memref<16x128x128xf32, #tpu.memory_space<vmem>>, vector<16x128x32xf32>,
    %lt3A_111 = arith.constant 32 : i32
    %lt3A_112 = vector.broadcast %lt3A_111 : i32 to vector<1x1x128xi32>
    %lt3A_113 = arith.cmpi slt, %iota3A_6, %lt3A_112 : vector<1x1x128xi32>
    %get3A_114 = arith.constant 0 : index
    %get3A_115 = arith.constant 0 : index
    %get3A_116 = arith.constant 0 : index
    %get3A_117 = vector.load %arg3[%get3A_114, %get3A_115, %get3A_116] : memref<16x128x128xf32, #tpu.memory_space<vmem>>, vector<16x32x128xf32>
    %jit3A_118 = arith.constant 0.000000e+00 : f32
    %broadcast_in_dim3A_119 = vector.shape_cast %lt3A_113 : vector<1x1x128xi1> to vector<1x1x128xi1>
    %broadcast_in_dim3A_120 = vector.broadcast %broadcast_in_dim3A_119 : vector<1x1x128xi1> to vector<16x32x128xi1>
    %broadcast_in_dim3A_121 = vector.broadcast %jit3A_118 : f32 to vector<16x32x128xf32>
    %select_n3A_122 = arith.select %broadcast_in_dim3A_120, %get3A_117, %broadcast_in_dim3A_121 : vector<16x32x128xi1>, vector<16x32x128xf32>
    %swap3A_123 = arith.constant 0 : index
    %swap3A_124 = arith.constant 0 : index
    %swap3A_125 = arith.constant 0 : index
    %swap3A_126 = vector.load %arg4[%swap3A_123, %swap3A_124, %swap3A_125] : memref<16x128x128xf32, #tpu.memory_space<vmem>>, vector<16x32x128xf32>
    tpu.vector_store %arg4[%swap3A_123, %swap3A_124, %swap3A_125], %select_n3A_122 {strides = array<i32>} : memref<16x128x128xf32, #tpu.memory_space<vmem>>, vector<16x32x128xf32>,
    %scan3A_127 = arith.constant 0 : i32
    %scan3A_128 = arith.constant 32 : i32
    %scan3A_129 = arith.addi %scan3A_127, %scan3A_128 : i32
    %scan3A_130 = arith.constant 1 : i32
    scf.for %scan3A_200 = %scan3A_127 to %scan3A_129 step %scan3A_130  : i32 {
      %get3A_201 = arith.constant 0 : index
      %get3A_202 = arith.constant 0 : index
      %get3A_203 = arith.constant 0 : index
      %get3A_204 = vector.load %arg4[%get3A_201, %get3A_202, %get3A_203] : memref<16x128x128xf32, #tpu.memory_space<vmem>>, vector<16x32x128xf32>
      %sub3A_205 = arith.constant 31 : i32
      %sub3A_206 = arith.subi %sub3A_205, %scan3A_200 : i32
      %add3A_207 = arith.constant 0 : i32
      %add3A_208 = arith.addi %add3A_207, %sub3A_206 : i32
      %eq3A_209 = vector.broadcast %add3A_208 : i32 to vector<1x1x128xi32>
      %eq3A_210 = arith.cmpi eq, %iota3A_6, %eq3A_209 : vector<1x1x128xi32>
      %eq3A_211 = vector.broadcast %sub3A_206 : i32 to vector<1x32x1xi32>
      %eq3A_212 = arith.cmpi eq, %iota3A_7, %eq3A_211 : vector<1x32x1xi32>
      %jit3A_213 = arith.constant 0.000000e+00 : f32
      %broadcast_in_dim3A_214 = vector.shape_cast %eq3A_212 : vector<1x32x1xi1> to vector<1x32x1xi1>
      %broadcast_in_dim3A_215 = vector.broadcast %broadcast_in_dim3A_214 : vector<1x32x1xi1> to vector<16x32x128xi1>
      %broadcast_in_dim3A_216 = vector.broadcast %jit3A_213 : f32 to vector<16x32x128xf32>
      %select_n3A_217 = arith.select %broadcast_in_dim3A_215, %get3A_204, %broadcast_in_dim3A_216 : vector<16x32x128xi1>, vector<16x32x128xf32>
      %reduce_sum3A_218 = arith.constant dense<0.000000e+00> : vector<16x128xf32>
      %reduce_sum3A_219 = vector.multi_reduction <add>, %select_n3A_217, %reduce_sum3A_218 [1] : vector<16x32x128xf32> to vector<16x128xf32>
      %broadcast_in_dim3A_220 = vector.shape_cast %reduce_sum3A_219 : vector<16x128xf32> to vector<16x1x128xf32>
      %jit3A_221 = arith.constant 0.000000e+00 : f32
      %broadcast_in_dim3A_222 = vector.shape_cast %eq3A_210 : vector<1x1x128xi1> to vector<1x1x128xi1>
      %broadcast_in_dim3A_223 = vector.broadcast %broadcast_in_dim3A_222 : vector<1x1x128xi1> to vector<16x1x128xi1>
      %broadcast_in_dim3A_224 = vector.broadcast %jit3A_221 : f32 to vector<16x1x128xf32>
      %select_n3A_225 = arith.select %broadcast_in_dim3A_223, %broadcast_in_dim3A_220, %broadcast_in_dim3A_224 : vector<16x1x128xi1>, vector<16x1x128xf32>
      %reduce_sum3A_226 = arith.constant dense<0.000000e+00> : vector<16x1xf32>
      %reduce_sum3A_227 = vector.multi_reduction <add>, %select_n3A_225, %reduce_sum3A_226 [2] : vector<16x1x128xf32> to vector<16x1xf32>
      %broadcast_in_dim3A_228 = vector.shape_cast %reduce_sum3A_227 : vector<16x1xf32> to vector<16x1x1xf32>
      %rsqrt3A = math.rsqrt %broadcast_in_dim3A_228 : vector<16x1x1xf32>
      %le3A = vector.broadcast %add3A_208 : i32 to vector<1x1x128xi32>
      %le3A_229 = arith.cmpi sle, %iota3A_6, %le3A : vector<1x1x128xi32>
      %mul3A = vector.broadcast %rsqrt3A : vector<16x1x1xf32> to vector<16x1x128xf32>
      %mul3A_230 = arith.mulf %broadcast_in_dim3A_220, %mul3A : vector<16x1x128xf32>
      %jit3A_231 = arith.constant 0.000000e+00 : f32
      %broadcast_in_dim3A_232 = vector.shape_cast %le3A_229 : vector<1x1x128xi1> to vector<1x1x128xi1>
      %broadcast_in_dim3A_233 = vector.broadcast %broadcast_in_dim3A_232 : vector<1x1x128xi1> to vector<16x1x128xi1>
      %broadcast_in_dim3A_234 = vector.broadcast %jit3A_231 : f32 to vector<16x1x128xf32>
      %select_n3A_235 = arith.select %broadcast_in_dim3A_233, %mul3A_230, %broadcast_in_dim3A_234 : vector<16x1x128xi1>, vector<16x1x128xf32>
      %jit3A_236 = arith.constant 0.000000e+00 : f32
      %broadcast_in_dim3A_237 = vector.shape_cast %eq3A_210 : vector<1x1x128xi1> to vector<1x1x128xi1>
      %broadcast_in_dim3A_238 = vector.broadcast %broadcast_in_dim3A_237 : vector<1x1x128xi1> to vector<16x32x128xi1>
      %broadcast_in_dim3A_239 = vector.broadcast %jit3A_236 : f32 to vector<16x32x128xf32>
      %select_n3A_240 = arith.select %broadcast_in_dim3A_238, %get3A_204, %broadcast_in_dim3A_239 : vector<16x32x128xi1>, vector<16x32x128xf32>
      %reduce_sum3A_241 = arith.constant dense<0.000000e+00> : vector<16x32xf32>
      %reduce_sum3A_242 = vector.multi_reduction <add>, %select_n3A_240, %reduce_sum3A_241 [2] : vector<16x32x128xf32> to vector<16x32xf32>
      %broadcast_in_dim3A_243 = vector.shape_cast %reduce_sum3A_242 : vector<16x32xf32> to vector<16x32x1xf32>
      %lt3A_244 = vector.broadcast %sub3A_206 : i32 to vector<1x32x1xi32>
      %lt3A_245 = arith.cmpi slt, %iota3A_7, %lt3A_244 : vector<1x32x1xi32>
      %mul3A_246 = vector.broadcast %rsqrt3A : vector<16x1x1xf32> to vector<16x32x1xf32>
      %mul3A_247 = arith.mulf %broadcast_in_dim3A_243, %mul3A_246 : vector<16x32x1xf32>
      %jit3A_248 = arith.constant 0.000000e+00 : f32
      %broadcast_in_dim3A_249 = vector.shape_cast %lt3A_245 : vector<1x32x1xi1> to vector<1x32x1xi1>
      %broadcast_in_dim3A_250 = vector.broadcast %broadcast_in_dim3A_249 : vector<1x32x1xi1> to vector<16x32x1xi1>
      %broadcast_in_dim3A_251 = vector.broadcast %jit3A_248 : f32 to vector<16x32x1xf32>
      %select_n3A_252 = arith.select %broadcast_in_dim3A_250, %mul3A_247, %broadcast_in_dim3A_251 : vector<16x32x1xi1>, vector<16x32x1xf32>
      %mul3A_253 = vector.broadcast %select_n3A_252 : vector<16x32x1xf32> to vector<16x32x128xf32>
      %mul3A_254 = vector.broadcast %select_n3A_235 : vector<16x1x128xf32> to vector<16x32x128xf32>
      %mul3A_255 = arith.mulf %mul3A_253, %mul3A_254 : vector<16x32x128xf32>
      %sub3A_256 = arith.subf %get3A_204, %mul3A_255 : vector<16x32x128xf32>
      %broadcast_in_dim3A_257 = vector.shape_cast %eq3A_212 : vector<1x32x1xi1> to vector<1x32x1xi1>
      %broadcast_in_dim3A_258 = vector.broadcast %broadcast_in_dim3A_257 : vector<1x32x1xi1> to vector<16x32x128xi1>
      %broadcast_in_dim3A_259 = vector.shape_cast %select_n3A_235 : vector<16x1x128xf32> to vector<16x1x128xf32>
      %broadcast_in_dim3A_260 = vector.broadcast %broadcast_in_dim3A_259 : vector<16x1x128xf32> to vector<16x32x128xf32>
      %select_n3A_261 = arith.select %broadcast_in_dim3A_258, %broadcast_in_dim3A_260, %sub3A_256 : vector<16x32x128xi1>, vector<16x32x128xf32>
      %swap3A_262 = arith.constant 0 : index
      %swap3A_263 = arith.constant 0 : index
      %swap3A_264 = arith.constant 0 : index
      %swap3A_265 = vector.load %arg4[%swap3A_262, %swap3A_263, %swap3A_264] : memref<16x128x128xf32, #tpu.memory_space<vmem>>, vector<16x32x128xf32>
      tpu.vector_store %arg4[%swap3A_262, %swap3A_263, %swap3A_264], %select_n3A_261 {strides = array<i32>} : memref<16x128x128xf32, #tpu.memory_space<vmem>>, vector<16x32x128xf32>,
    }
    %scan3A_131 = arith.constant 32 : i32
    %get3A_132 = arith.constant 0 : index
    %get3A_133 = arith.constant 0 : index
    %get3A_134 = arith.constant 0 : index
    %get3A_135 = vector.load %arg4[%get3A_132, %get3A_133, %get3A_134] : memref<16x128x128xf32, #tpu.memory_space<vmem>>, vector<16x128x128xf32>
    %eq3A = vector.broadcast %iota3A : vector<1x128x1xi32> to vector<1x128x128xi32>
    %eq3A_136 = vector.broadcast %iota3A_6 : vector<1x1x128xi32> to vector<1x128x128xi32>
    %eq3A_137 = arith.cmpi eq, %eq3A, %eq3A_136 : vector<1x128x128xi32>
    %jit3A_138 = arith.constant 1.000000e+00 : f32
    %jit3A_139 = arith.constant 0.000000e+00 : f32
    %broadcast_in_dim3A_140 = vector.broadcast %jit3A_138 : f32 to vector<1x128x128xf32>
    %broadcast_in_dim3A_141 = vector.broadcast %jit3A_139 : f32 to vector<1x128x128xf32>
    %select_n3A_142 = arith.select %eq3A_137, %broadcast_in_dim3A_140, %broadcast_in_dim3A_141 : vector<1x128x128xi1>, vector<1x128x128xf32>
    %eq3A_143 = vector.broadcast %iota3A : vector<1x128x1xi32> to vector<1x128x128xi32>
    %eq3A_144 = vector.broadcast %iota3A_6 : vector<1x1x128xi32> to vector<1x128x128xi32>
    %eq3A_145 = arith.cmpi eq, %eq3A_143, %eq3A_144 : vector<1x128x128xi32>
    %jit3A_146 = arith.constant 0.000000e+00 : f32
    %broadcast_in_dim3A_147 = vector.shape_cast %eq3A_145 : vector<1x128x128xi1> to vector<1x128x128xi1>
    %broadcast_in_dim3A_148 = vector.broadcast %broadcast_in_dim3A_147 : vector<1x128x128xi1> to vector<16x128x128xi1>
    %broadcast_in_dim3A_149 = vector.broadcast %jit3A_146 : f32 to vector<16x128x128xf32>
    %select_n3A_150 = arith.select %broadcast_in_dim3A_148, %get3A_135, %broadcast_in_dim3A_149 : vector<16x128x128xi1>, vector<16x128x128xf32>
    %reduce_sum3A = arith.constant dense<0.000000e+00> : vector<16x128xf32>
    %reduce_sum3A_151 = vector.multi_reduction <add>, %select_n3A_150, %reduce_sum3A [2] : vector<16x128x128xf32> to vector<16x128xf32>
    %broadcast_in_dim3A_152 = vector.shape_cast %reduce_sum3A_151 : vector<16x128xf32> to vector<16x128x1xf32>
    %div3A = vector.broadcast %broadcast_in_dim3A_152 : vector<16x128x1xf32> to vector<16x128x128xf32>
    %div3A_153 = arith.divf %get3A_135, %div3A : vector<16x128x128xf32>
    %sub3A_154 = vector.broadcast %select_n3A_142 : vector<1x128x128xf32> to vector<16x128x128xf32>
    %sub3A_155 = arith.subf %div3A_153, %sub3A_154 : vector<16x128x128xf32>
    %sub3A_156 = vector.broadcast %select_n3A_142 : vector<1x128x128xf32> to vector<16x128x128xf32>
    %sub3A_157 = arith.subf %sub3A_156, %sub3A_155 : vector<16x128x128xf32>
    %dot_general3A_158 = arith.constant dense<0.000000e+00> : vector<16x128x128xf32>
    %dot_general3A_159 = tpu.matmul %sub3A_155, %sub3A_155, %dot_general3A_158 {dimension_numbers = #tpu.dot_dimension_numbers<[2], [1], [1], [2], [0, 0, 0, 1, 1, 2], [0], [0]>, precision = #tpu.contract_precision<fp32>, transpose_lhs_hint = false} : vector<16x128x128xf32>, vector<16x128x128xf32>, vector<16x128x128xf32> -> vector<16x128x128xf32>
    %add3A = vector.broadcast %select_n3A_142 : vector<1x128x128xf32> to vector<16x128x128xf32>
    %add3A_160 = arith.addf %add3A, %dot_general3A_159 : vector<16x128x128xf32>
    %dot_general3A_161 = arith.constant dense<0.000000e+00> : vector<16x128x128xf32>
    %dot_general3A_162 = tpu.matmul %sub3A_157, %add3A_160, %dot_general3A_161 {dimension_numbers = #tpu.dot_dimension_numbers<[2], [1], [1], [2], [0, 0, 0, 1, 1, 2], [0], [0]>, precision = #tpu.contract_precision<fp32>, transpose_lhs_hint = false} : vector<16x128x128xf32>, vector<16x128x128xf32>, vector<16x128x128xf32> -> vector<16x128x128xf32>
    %dot_general3A_163 = arith.constant dense<0.000000e+00> : vector<16x128x128xf32>
    %dot_general3A_164 = tpu.matmul %dot_general3A_159, %dot_general3A_159, %dot_general3A_163 {dimension_numbers = #tpu.dot_dimension_numbers<[2], [1], [1], [2], [0, 0, 0, 1, 1, 2], [0], [0]>, precision = #tpu.contract_precision<fp32>, transpose_lhs_hint = false} : vector<16x128x128xf32>, vector<16x128x128xf32>, vector<16x128x128xf32> -> vector<16x128x128xf32>
    %add3A_165 = vector.broadcast %select_n3A_142 : vector<1x128x128xf32> to vector<16x128x128xf32>
    %add3A_166 = arith.addf %add3A_165, %dot_general3A_164 : vector<16x128x128xf32>
    %dot_general3A_167 = arith.constant dense<0.000000e+00> : vector<16x128x128xf32>
    %dot_general3A_168 = tpu.matmul %dot_general3A_162, %add3A_166, %dot_general3A_167 {dimension_numbers = #tpu.dot_dimension_numbers<[2], [1], [1], [2], [0, 0, 0, 1, 1, 2], [0], [0]>, precision = #tpu.contract_precision<fp32>, transpose_lhs_hint = false} : vector<16x128x128xf32>, vector<16x128x128xf32>, vector<16x128x128xf32> -> vector<16x128x128xf32>
    %dot_general3A_169 = arith.constant dense<0.000000e+00> : vector<16x128x128xf32>
    %dot_general3A_170 = tpu.matmul %dot_general3A_164, %dot_general3A_164, %dot_general3A_169 {dimension_numbers = #tpu.dot_dimension_numbers<[2], [1], [1], [2], [0, 0, 0, 1, 1, 2], [0], [0]>, precision = #tpu.contract_precision<fp32>, transpose_lhs_hint = false} : vector<16x128x128xf32>, vector<16x128x128xf32>, vector<16x128x128xf32> -> vector<16x128x128xf32>
    %add3A_171 = vector.broadcast %select_n3A_142 : vector<1x128x128xf32> to vector<16x128x128xf32>
    %add3A_172 = arith.addf %add3A_171, %dot_general3A_170 : vector<16x128x128xf32>
    %dot_general3A_173 = arith.constant dense<0.000000e+00> : vector<16x128x128xf32>
    %dot_general3A_174 = tpu.matmul %dot_general3A_168, %add3A_172, %dot_general3A_173 {dimension_numbers = #tpu.dot_dimension_numbers<[2], [1], [1], [2], [0, 0, 0, 1, 1, 2], [0], [0]>, precision = #tpu.contract_precision<fp32>, transpose_lhs_hint = false} : vector<16x128x128xf32>, vector<16x128x128xf32>, vector<16x128x128xf32> -> vector<16x128x128xf32>
    %dot_general3A_175 = arith.constant dense<0.000000e+00> : vector<16x128x128xf32>
    %dot_general3A_176 = tpu.matmul %dot_general3A_170, %dot_general3A_170, %dot_general3A_175 {dimension_numbers = #tpu.dot_dimension_numbers<[2], [1], [1], [2], [0, 0, 0, 1, 1, 2], [0], [0]>, precision = #tpu.contract_precision<fp32>, transpose_lhs_hint = false} : vector<16x128x128xf32>, vector<16x128x128xf32>, vector<16x128x128xf32> -> vector<16x128x128xf32>
    %add3A_177 = vector.broadcast %select_n3A_142 : vector<1x128x128xf32> to vector<16x128x128xf32>
    %add3A_178 = arith.addf %add3A_177, %dot_general3A_176 : vector<16x128x128xf32>
    %dot_general3A_179 = arith.constant dense<0.000000e+00> : vector<16x128x128xf32>
    %dot_general3A_180 = tpu.matmul %dot_general3A_174, %add3A_178, %dot_general3A_179 {dimension_numbers = #tpu.dot_dimension_numbers<[2], [1], [1], [2], [0, 0, 0, 1, 1, 2], [0], [0]>, precision = #tpu.contract_precision<fp32>, transpose_lhs_hint = false} : vector<16x128x128xf32>, vector<16x128x128xf32>, vector<16x128x128xf32> -> vector<16x128x128xf32>
    %dot_general3A_181 = arith.constant dense<0.000000e+00> : vector<16x128x128xf32>
    %dot_general3A_182 = tpu.matmul %dot_general3A_176, %dot_general3A_176, %dot_general3A_181 {dimension_numbers = #tpu.dot_dimension_numbers<[2], [1], [1], [2], [0, 0, 0, 1, 1, 2], [0], [0]>, precision = #tpu.contract_precision<fp32>, transpose_lhs_hint = false} : vector<16x128x128xf32>, vector<16x128x128xf32>, vector<16x128x128xf32> -> vector<16x128x128xf32>
    %add3A_183 = vector.broadcast %select_n3A_142 : vector<1x128x128xf32> to vector<16x128x128xf32>
    %add3A_184 = arith.addf %add3A_183, %dot_general3A_182 : vector<16x128x128xf32>
    %dot_general3A_185 = arith.constant dense<0.000000e+00> : vector<16x128x128xf32>
    %dot_general3A_186 = tpu.matmul %dot_general3A_180, %add3A_184, %dot_general3A_185 {dimension_numbers = #tpu.dot_dimension_numbers<[2], [1], [1], [2], [0, 0, 0, 1, 1, 2], [0], [0]>, precision = #tpu.contract_precision<fp32>, transpose_lhs_hint = false} : vector<16x128x128xf32>, vector<16x128x128xf32>, vector<16x128x128xf32> -> vector<16x128x128xf32>
    %dot_general3A_187 = arith.constant dense<0.000000e+00> : vector<16x128x128xf32>
    %dot_general3A_188 = tpu.matmul %dot_general3A_182, %dot_general3A_182, %dot_general3A_187 {dimension_numbers = #tpu.dot_dimension_numbers<[2], [1], [1], [2], [0, 0, 0, 1, 1, 2], [0], [0]>, precision = #tpu.contract_precision<fp32>, transpose_lhs_hint = false} : vector<16x128x128xf32>, vector<16x128x128xf32>, vector<16x128x128xf32> -> vector<16x128x128xf32>
    %add3A_189 = vector.broadcast %select_n3A_142 : vector<1x128x128xf32> to vector<16x128x128xf32>
    %add3A_190 = arith.addf %add3A_189, %dot_general3A_188 : vector<16x128x128xf32>
    %dot_general3A_191 = arith.constant dense<0.000000e+00> : vector<16x128x128xf32>
    %dot_general3A_192 = tpu.matmul %dot_general3A_186, %add3A_190, %dot_general3A_191 {dimension_numbers = #tpu.dot_dimension_numbers<[2], [1], [1], [2], [0, 0, 0, 1, 1, 2], [0], [0]>, precision = #tpu.contract_precision<fp32>, transpose_lhs_hint = false} : vector<16x128x128xf32>, vector<16x128x128xf32>, vector<16x128x128xf32> -> vector<16x128x128xf32>
    %broadcast_in_dim3A_193 = vector.shape_cast %reduce_sum3A_151 : vector<16x128xf32> to vector<16x1x128xf32>
    %div3A_194 = vector.broadcast %broadcast_in_dim3A_193 : vector<16x1x128xf32> to vector<16x128x128xf32>
    %div3A_195 = arith.divf %dot_general3A_192, %div3A_194 : vector<16x128x128xf32>
    %swap3A_196 = arith.constant 0 : index
    %swap3A_197 = arith.constant 0 : index
    %swap3A_198 = arith.constant 0 : index
    %swap3A_199 = vector.load %arg2[%swap3A_196, %swap3A_197, %swap3A_198] : memref<16x128x128xf32, #tpu.memory_space<vmem>>, vector<16x128x128xf32>
    tpu.vector_store %arg2[%swap3A_196, %swap3A_197, %swap3A_198], %div3A_195 {strides = array<i32>} : memref<16x128x128xf32, #tpu.memory_space<vmem>>, vector<16x128x128xf32>,
    return
  }
  func.func @transform_0(%arg0: i32) -> (i32, i32, i32) {
    %c0_i32 = arith.constant 0 : i32
    %c4_i32 = arith.constant 4 : i32
    %c4_i32_0 = arith.constant 4 : i32
    %c0_i32_1 = arith.constant 0 : i32
    return %c0_i32, %c4_i32, %c4_i32_0 : i32, i32, i32
  }
  func.func @transform_1(%arg0: i32) -> (i32, i32, i32) {
    %c0_i32 = arith.constant 0 : i32
    %c0_i32_0 = arith.constant 0 : i32
    %c0_i32_1 = arith.constant 0 : i32
    %c0_i32_2 = arith.constant 0 : i32
    return %c0_i32, %c0_i32_0, %c0_i32_1 : i32, i32, i32
  }
}

module attributes {stable_mosaic.version = 14 : i64} {
  func.func @_panel_update_body(%arg0: i32, %arg1: memref<1x640x640xf32, #tpu.memory_space<vmem>>, %arg2: memref<1x128x128xf32, #tpu.memory_space<vmem>>, %arg3: memref<1x512x128xf32, #tpu.memory_space<vmem>>, %arg4: memref<1x512x512xf32, #tpu.memory_space<vmem>>) attributes {dimension_semantics = [#tpu.dimension_semantics<arbitrary>], iteration_bounds = array<i64: 16>, scalar_prefetch = 0 : i64, scratch_operands = 0 : i64, tpu.core_type = #tpu.core_type<tc>, window_params = [{transform_indices = @transform_0, window_bounds = array<i64: 1, 640, 640>}, {transform_indices = @transform_1, window_bounds = array<i64: 1, 128, 128>}, {transform_indices = @transform_2, window_bounds = array<i64: 1, 512, 128>}, {transform_indices = @transform_3, window_bounds = array<i64: 1, 512, 512>}]} {
    %get3A = arith.constant 0 : index
    %get3A_0 = arith.constant 0 : index
    %get3A_1 = arith.constant 512 : index
    %get3A_2 = vector.load %arg1[%get3A, %get3A_0, %get3A_1] : memref<1x640x640xf32, #tpu.memory_space<vmem>>, vector<1x512x128xf32>
    %get3A_3 = vector.shape_cast %get3A_2 : vector<1x512x128xf32> to vector<512x128xf32>
    %get3A_4 = arith.constant 0 : index
    %get3A_5 = arith.constant 0 : index
    %get3A_6 = arith.constant 0 : index
    %get3A_7 = vector.load %arg2[%get3A_4, %get3A_5, %get3A_6] : memref<1x128x128xf32, #tpu.memory_space<vmem>>, vector<1x128x128xf32>
    %get3A_8 = vector.shape_cast %get3A_7 : vector<1x128x128xf32> to vector<128x128xf32>
    %dot_general3A = arith.constant dense<0.000000e+00> : vector<512x128xf32>
    %dot_general3A_9 = tpu.matmul %get3A_3, %get3A_8, %dot_general3A {dimension_numbers = #tpu.dot_dimension_numbers<[1], [0], [0], [1], [0, 0, 1, 1], [], []>, precision = #tpu.contract_precision<fp32>, transpose_lhs_hint = false} : vector<512x128xf32>, vector<128x128xf32>, vector<512x128xf32> -> vector<512x128xf32>
    %swap3A = arith.constant 0 : index
    %swap3A_10 = arith.constant 0 : index
    %swap3A_11 = arith.constant 0 : index
    %swap3A_12 = vector.load %arg3[%swap3A, %swap3A_10, %swap3A_11] : memref<1x512x128xf32, #tpu.memory_space<vmem>>, vector<1x512x128xf32>
    %swap3A_13 = vector.shape_cast %swap3A_12 : vector<1x512x128xf32> to vector<512x128xf32>
    %swap3A_14 = vector.shape_cast %dot_general3A_9 : vector<512x128xf32> to vector<1x512x128xf32>
    tpu.vector_store %arg3[%swap3A, %swap3A_10, %swap3A_11], %swap3A_14 {strides = array<i32>} : memref<1x512x128xf32, #tpu.memory_space<vmem>>, vector<1x512x128xf32>,
    %get3A_15 = arith.constant 0 : index
    %get3A_16 = arith.constant 0 : index
    %get3A_17 = arith.constant 0 : index
    %get3A_18 = vector.load %arg1[%get3A_15, %get3A_16, %get3A_17] : memref<1x640x640xf32, #tpu.memory_space<vmem>>, vector<1x512x512xf32>
    %get3A_19 = vector.shape_cast %get3A_18 : vector<1x512x512xf32> to vector<512x512xf32>
    %dot_general3A_20 = arith.constant dense<0.000000e+00> : vector<512x512xf32>
    %dot_general3A_21 = tpu.matmul %dot_general3A_9, %dot_general3A_9, %dot_general3A_20 {dimension_numbers = #tpu.dot_dimension_numbers<[1], [1], [0], [0], [0, 0, 1, 0], [], []>, precision = #tpu.contract_precision<fp32>, transpose_lhs_hint = false} : vector<512x128xf32>, vector<512x128xf32>, vector<512x512xf32> -> vector<512x512xf32>
    %sub3A = arith.subf %get3A_19, %dot_general3A_21 : vector<512x512xf32>
    %swap3A_22 = arith.constant 0 : index
    %swap3A_23 = arith.constant 0 : index
    %swap3A_24 = arith.constant 0 : index
    %swap3A_25 = vector.load %arg4[%swap3A_22, %swap3A_23, %swap3A_24] : memref<1x512x512xf32, #tpu.memory_space<vmem>>, vector<1x512x512xf32>
    %swap3A_26 = vector.shape_cast %swap3A_25 : vector<1x512x512xf32> to vector<512x512xf32>
    %swap3A_27 = vector.shape_cast %sub3A : vector<512x512xf32> to vector<1x512x512xf32>
    tpu.vector_store %arg4[%swap3A_22, %swap3A_23, %swap3A_24], %swap3A_27 {strides = array<i32>} : memref<1x512x512xf32, #tpu.memory_space<vmem>>, vector<1x512x512xf32>,
    return
  }
  func.func @transform_0(%arg0: i32) -> (i32, i32, i32) {
    %c0_i32 = arith.constant 0 : i32
    %c0_i32_0 = arith.constant 0 : i32
    %c0_i32_1 = arith.constant 0 : i32
    return %arg0, %c0_i32, %c0_i32_0 : i32, i32, i32
  }
  func.func @transform_1(%arg0: i32) -> (i32, i32, i32) {
    %c0_i32 = arith.constant 0 : i32
    %c0_i32_0 = arith.constant 0 : i32
    %c0_i32_1 = arith.constant 0 : i32
    return %arg0, %c0_i32, %c0_i32_0 : i32, i32, i32
  }
  func.func @transform_2(%arg0: i32) -> (i32, i32, i32) {
    %c0_i32 = arith.constant 0 : i32
    %c0_i32_0 = arith.constant 0 : i32
    %c0_i32_1 = arith.constant 0 : i32
    return %arg0, %c0_i32, %c0_i32_0 : i32, i32, i32
  }
  func.func @transform_3(%arg0: i32) -> (i32, i32, i32) {
    %c0_i32 = arith.constant 0 : i32
    %c0_i32_0 = arith.constant 0 : i32
    %c0_i32_1 = arith.constant 0 : i32
    return %arg0, %c0_i32, %c0_i32_0 : i32, i32, i32
  }
}

module attributes {stable_mosaic.version = 14 : i64} {
  func.func @_diag_factor_body(%arg0: i32, %arg1: memref<16x128x128xf32, #tpu.memory_space<vmem>>, %arg2: memref<16x128x128xf32, #tpu.memory_space<vmem>>, %arg3: memref<16x128x128xf32, #tpu.memory_space<vmem>>, %arg4: memref<16x128x128xf32, #tpu.memory_space<vmem>>) attributes {dimension_semantics = [#tpu.dimension_semantics<arbitrary>], iteration_bounds = array<i64: 1>, scalar_prefetch = 0 : i64, scratch_operands = 2 : i64, tpu.core_type = #tpu.core_type<tc>, window_params = [{transform_indices = @transform_0, window_bounds = array<i64: 16, 128, 128>}, {pipeline_mode = #tpu.pipeline_mode<synchronous>, transform_indices = @transform_1, window_bounds = array<i64: 16, 128, 128>}]} {
    %get3A = arith.constant 0 : index
    %get3A_0 = arith.constant 0 : index
    %get3A_1 = arith.constant 0 : index
    %get3A_2 = vector.load %arg1[%get3A, %get3A_0, %get3A_1] : memref<16x128x128xf32, #tpu.memory_space<vmem>>, vector<16x128x128xf32>
    %swap3A = arith.constant 0 : index
    %swap3A_3 = arith.constant 0 : index
    %swap3A_4 = arith.constant 0 : index
    %swap3A_5 = vector.load %arg3[%swap3A, %swap3A_3, %swap3A_4] : memref<16x128x128xf32, #tpu.memory_space<vmem>>, vector<16x128x128xf32>
    tpu.vector_store %arg3[%swap3A, %swap3A_3, %swap3A_4], %get3A_2 {strides = array<i32>} : memref<16x128x128xf32, #tpu.memory_space<vmem>>, vector<16x128x128xf32>,
    %iota3A = tpu.iota {dimensions = array<i32: 1>} : vector<1x128x1xi32>
    %iota3A_6 = tpu.iota {dimensions = array<i32: 2>} : vector<1x1x128xi32>
    %iota3A_7 = tpu.iota {dimensions = array<i32: 1>} : vector<1x32x1xi32>
    %lt3A = arith.constant 128 : i32
    %lt3A_8 = vector.broadcast %lt3A : i32 to vector<1x1x128xi32>
    %lt3A_9 = arith.cmpi slt, %iota3A_6, %lt3A_8 : vector<1x1x128xi32>
    %get3A_10 = arith.constant 0 : index
    %get3A_11 = arith.constant 96 : index
    %get3A_12 = arith.constant 0 : index
    %get3A_13 = vector.load %arg3[%get3A_10, %get3A_11, %get3A_12] : memref<16x128x128xf32, #tpu.memory_space<vmem>>, vector<16x32x128xf32>
    %jit3A = arith.constant 0.000000e+00 : f32
    %broadcast_in_dim3A = vector.shape_cast %lt3A_9 : vector<1x1x128xi1> to vector<1x1x128xi1>
    %broadcast_in_dim3A_14 = vector.broadcast %broadcast_in_dim3A : vector<1x1x128xi1> to vector<16x32x128xi1>
    %broadcast_in_dim3A_15 = vector.broadcast %jit3A : f32 to vector<16x32x128xf32>
    %select_n3A = arith.select %broadcast_in_dim3A_14, %get3A_13, %broadcast_in_dim3A_15 : vector<16x32x128xi1>, vector<16x32x128xf32>
    %swap3A_16 = arith.constant 0 : index
    %swap3A_17 = arith.constant 96 : index
    %swap3A_18 = arith.constant 0 : index
    %swap3A_19 = vector.load %arg4[%swap3A_16, %swap3A_17, %swap3A_18] : memref<16x128x128xf32, #tpu.memory_space<vmem>>, vector<16x32x128xf32>
    tpu.vector_store %arg4[%swap3A_16, %swap3A_17, %swap3A_18], %select_n3A {strides = array<i32>} : memref<16x128x128xf32, #tpu.memory_space<vmem>>, vector<16x32x128xf32>,
    %scan3A = arith.constant 0 : i32
    %scan3A_20 = arith.constant 32 : i32
    %scan3A_21 = arith.addi %scan3A, %scan3A_20 : i32
    %scan3A_22 = arith.constant 1 : i32
    scf.for %scan3A_200 = %scan3A to %scan3A_21 step %scan3A_22  : i32 {
      %get3A_201 = arith.constant 0 : index
      %get3A_202 = arith.constant 96 : index
      %get3A_203 = arith.constant 0 : index
      %get3A_204 = vector.load %arg4[%get3A_201, %get3A_202, %get3A_203] : memref<16x128x128xf32, #tpu.memory_space<vmem>>, vector<16x32x128xf32>
      %sub3A_205 = arith.constant 31 : i32
      %sub3A_206 = arith.subi %sub3A_205, %scan3A_200 : i32
      %add3A_207 = arith.constant 96 : i32
      %add3A_208 = arith.addi %add3A_207, %sub3A_206 : i32
      %eq3A_209 = vector.broadcast %add3A_208 : i32 to vector<1x1x128xi32>
      %eq3A_210 = arith.cmpi eq, %iota3A_6, %eq3A_209 : vector<1x1x128xi32>
      %eq3A_211 = vector.broadcast %sub3A_206 : i32 to vector<1x32x1xi32>
      %eq3A_212 = arith.cmpi eq, %iota3A_7, %eq3A_211 : vector<1x32x1xi32>
      %jit3A_213 = arith.constant 0.000000e+00 : f32
      %broadcast_in_dim3A_214 = vector.shape_cast %eq3A_212 : vector<1x32x1xi1> to vector<1x32x1xi1>
      %broadcast_in_dim3A_215 = vector.broadcast %broadcast_in_dim3A_214 : vector<1x32x1xi1> to vector<16x32x128xi1>
      %broadcast_in_dim3A_216 = vector.broadcast %jit3A_213 : f32 to vector<16x32x128xf32>
      %select_n3A_217 = arith.select %broadcast_in_dim3A_215, %get3A_204, %broadcast_in_dim3A_216 : vector<16x32x128xi1>, vector<16x32x128xf32>
      %reduce_sum3A_218 = arith.constant dense<0.000000e+00> : vector<16x128xf32>
      %reduce_sum3A_219 = vector.multi_reduction <add>, %select_n3A_217, %reduce_sum3A_218 [1] : vector<16x32x128xf32> to vector<16x128xf32>
      %broadcast_in_dim3A_220 = vector.shape_cast %reduce_sum3A_219 : vector<16x128xf32> to vector<16x1x128xf32>
      %jit3A_221 = arith.constant 0.000000e+00 : f32
      %broadcast_in_dim3A_222 = vector.shape_cast %eq3A_210 : vector<1x1x128xi1> to vector<1x1x128xi1>
      %broadcast_in_dim3A_223 = vector.broadcast %broadcast_in_dim3A_222 : vector<1x1x128xi1> to vector<16x1x128xi1>
      %broadcast_in_dim3A_224 = vector.broadcast %jit3A_221 : f32 to vector<16x1x128xf32>
      %select_n3A_225 = arith.select %broadcast_in_dim3A_223, %broadcast_in_dim3A_220, %broadcast_in_dim3A_224 : vector<16x1x128xi1>, vector<16x1x128xf32>
      %reduce_sum3A_226 = arith.constant dense<0.000000e+00> : vector<16x1xf32>
      %reduce_sum3A_227 = vector.multi_reduction <add>, %select_n3A_225, %reduce_sum3A_226 [2] : vector<16x1x128xf32> to vector<16x1xf32>
      %broadcast_in_dim3A_228 = vector.shape_cast %reduce_sum3A_227 : vector<16x1xf32> to vector<16x1x1xf32>
      %rsqrt3A = math.rsqrt %broadcast_in_dim3A_228 : vector<16x1x1xf32>
      %le3A = vector.broadcast %add3A_208 : i32 to vector<1x1x128xi32>
      %le3A_229 = arith.cmpi sle, %iota3A_6, %le3A : vector<1x1x128xi32>
      %mul3A = vector.broadcast %rsqrt3A : vector<16x1x1xf32> to vector<16x1x128xf32>
      %mul3A_230 = arith.mulf %broadcast_in_dim3A_220, %mul3A : vector<16x1x128xf32>
      %jit3A_231 = arith.constant 0.000000e+00 : f32
      %broadcast_in_dim3A_232 = vector.shape_cast %le3A_229 : vector<1x1x128xi1> to vector<1x1x128xi1>
      %broadcast_in_dim3A_233 = vector.broadcast %broadcast_in_dim3A_232 : vector<1x1x128xi1> to vector<16x1x128xi1>
      %broadcast_in_dim3A_234 = vector.broadcast %jit3A_231 : f32 to vector<16x1x128xf32>
      %select_n3A_235 = arith.select %broadcast_in_dim3A_233, %mul3A_230, %broadcast_in_dim3A_234 : vector<16x1x128xi1>, vector<16x1x128xf32>
      %jit3A_236 = arith.constant 0.000000e+00 : f32
      %broadcast_in_dim3A_237 = vector.shape_cast %eq3A_210 : vector<1x1x128xi1> to vector<1x1x128xi1>
      %broadcast_in_dim3A_238 = vector.broadcast %broadcast_in_dim3A_237 : vector<1x1x128xi1> to vector<16x32x128xi1>
      %broadcast_in_dim3A_239 = vector.broadcast %jit3A_236 : f32 to vector<16x32x128xf32>
      %select_n3A_240 = arith.select %broadcast_in_dim3A_238, %get3A_204, %broadcast_in_dim3A_239 : vector<16x32x128xi1>, vector<16x32x128xf32>
      %reduce_sum3A_241 = arith.constant dense<0.000000e+00> : vector<16x32xf32>
      %reduce_sum3A_242 = vector.multi_reduction <add>, %select_n3A_240, %reduce_sum3A_241 [2] : vector<16x32x128xf32> to vector<16x32xf32>
      %broadcast_in_dim3A_243 = vector.shape_cast %reduce_sum3A_242 : vector<16x32xf32> to vector<16x32x1xf32>
      %lt3A_244 = vector.broadcast %sub3A_206 : i32 to vector<1x32x1xi32>
      %lt3A_245 = arith.cmpi slt, %iota3A_7, %lt3A_244 : vector<1x32x1xi32>
      %mul3A_246 = vector.broadcast %rsqrt3A : vector<16x1x1xf32> to vector<16x32x1xf32>
      %mul3A_247 = arith.mulf %broadcast_in_dim3A_243, %mul3A_246 : vector<16x32x1xf32>
      %jit3A_248 = arith.constant 0.000000e+00 : f32
      %broadcast_in_dim3A_249 = vector.shape_cast %lt3A_245 : vector<1x32x1xi1> to vector<1x32x1xi1>
      %broadcast_in_dim3A_250 = vector.broadcast %broadcast_in_dim3A_249 : vector<1x32x1xi1> to vector<16x32x1xi1>
      %broadcast_in_dim3A_251 = vector.broadcast %jit3A_248 : f32 to vector<16x32x1xf32>
      %select_n3A_252 = arith.select %broadcast_in_dim3A_250, %mul3A_247, %broadcast_in_dim3A_251 : vector<16x32x1xi1>, vector<16x32x1xf32>
      %mul3A_253 = vector.broadcast %select_n3A_252 : vector<16x32x1xf32> to vector<16x32x128xf32>
      %mul3A_254 = vector.broadcast %select_n3A_235 : vector<16x1x128xf32> to vector<16x32x128xf32>
      %mul3A_255 = arith.mulf %mul3A_253, %mul3A_254 : vector<16x32x128xf32>
      %sub3A_256 = arith.subf %get3A_204, %mul3A_255 : vector<16x32x128xf32>
      %broadcast_in_dim3A_257 = vector.shape_cast %eq3A_212 : vector<1x32x1xi1> to vector<1x32x1xi1>
      %broadcast_in_dim3A_258 = vector.broadcast %broadcast_in_dim3A_257 : vector<1x32x1xi1> to vector<16x32x128xi1>
      %broadcast_in_dim3A_259 = vector.shape_cast %select_n3A_235 : vector<16x1x128xf32> to vector<16x1x128xf32>
      %broadcast_in_dim3A_260 = vector.broadcast %broadcast_in_dim3A_259 : vector<16x1x128xf32> to vector<16x32x128xf32>
      %select_n3A_261 = arith.select %broadcast_in_dim3A_258, %broadcast_in_dim3A_260, %sub3A_256 : vector<16x32x128xi1>, vector<16x32x128xf32>
      %swap3A_262 = arith.constant 0 : index
      %swap3A_263 = arith.constant 96 : index
      %swap3A_264 = arith.constant 0 : index
      %swap3A_265 = vector.load %arg4[%swap3A_262, %swap3A_263, %swap3A_264] : memref<16x128x128xf32, #tpu.memory_space<vmem>>, vector<16x32x128xf32>
      tpu.vector_store %arg4[%swap3A_262, %swap3A_263, %swap3A_264], %select_n3A_261 {strides = array<i32>} : memref<16x128x128xf32, #tpu.memory_space<vmem>>, vector<16x32x128xf32>,
    }
    %scan3A_23 = arith.constant 32 : i32
    %get3A_24 = arith.constant 0 : index
    %get3A_25 = arith.constant 96 : index
    %get3A_26 = arith.constant 0 : index
    %get3A_27 = vector.load %arg4[%get3A_24, %get3A_25, %get3A_26] : memref<16x128x128xf32, #tpu.memory_space<vmem>>, vector<16x32x128xf32>
    %get3A_28 = arith.constant 0 : index
    %get3A_29 = arith.constant 0 : index
    %get3A_30 = arith.constant 0 : index
    %get3A_31 = vector.load %arg3[%get3A_28, %get3A_29, %get3A_30] : memref<16x128x128xf32, #tpu.memory_space<vmem>>, vector<16x128x96xf32>
    %slice3A = vector.extract_strided_slice %get3A_27 {offsets = [0, 0, 0], sizes = [16, 32, 96], strides = [1, 1, 1]} : vector<16x32x128xf32> to vector<16x32x96xf32>
    %dot_general3A = arith.constant dense<0.000000e+00> : vector<16x128x96xf32>
    %dot_general3A_32 = tpu.matmul %get3A_27, %slice3A, %dot_general3A {dimension_numbers = #tpu.dot_dimension_numbers<[1], [1], [2], [2], [0, 0, 0, 2, 1, 2], [0], [0]>, precision = #tpu.contract_precision<fp32>, transpose_lhs_hint = false} : vector<16x32x128xf32>, vector<16x32x96xf32>, vector<16x128x96xf32> -> vector<16x128x96xf32>
    %sub3A = arith.subf %get3A_31, %dot_general3A_32 : vector<16x128x96xf32>
    %swap3A_33 = arith.constant 0 : index
    %swap3A_34 = arith.constant 0 : index
    %swap3A_35 = arith.constant 0 : index
    %swap3A_36 = vector.load %arg3[%swap3A_33, %swap3A_34, %swap3A_35] : memref<16x128x128xf32, #tpu.memory_space<vmem>>, vector<16x128x96xf32>
    tpu.vector_store %arg3[%swap3A_33, %swap3A_34, %swap3A_35], %sub3A {strides = array<i32>} : memref<16x128x128xf32, #tpu.memory_space<vmem>>, vector<16x128x96xf32>,
    %lt3A_37 = arith.constant 96 : i32
    %lt3A_38 = vector.broadcast %lt3A_37 : i32 to vector<1x1x128xi32>
    %lt3A_39 = arith.cmpi slt, %iota3A_6, %lt3A_38 : vector<1x1x128xi32>
    %get3A_40 = arith.constant 0 : index
    %get3A_41 = arith.constant 64 : index
    %get3A_42 = arith.constant 0 : index
    %get3A_43 = vector.load %arg3[%get3A_40, %get3A_41, %get3A_42] : memref<16x128x128xf32, #tpu.memory_space<vmem>>, vector<16x32x128xf32>
    %jit3A_44 = arith.constant 0.000000e+00 : f32
    %broadcast_in_dim3A_45 = vector.shape_cast %lt3A_39 : vector<1x1x128xi1> to vector<1x1x128xi1>
    %broadcast_in_dim3A_46 = vector.broadcast %broadcast_in_dim3A_45 : vector<1x1x128xi1> to vector<16x32x128xi1>
    %broadcast_in_dim3A_47 = vector.broadcast %jit3A_44 : f32 to vector<16x32x128xf32>
    %select_n3A_48 = arith.select %broadcast_in_dim3A_46, %get3A_43, %broadcast_in_dim3A_47 : vector<16x32x128xi1>, vector<16x32x128xf32>
    %swap3A_49 = arith.constant 0 : index
    %swap3A_50 = arith.constant 64 : index
    %swap3A_51 = arith.constant 0 : index
    %swap3A_52 = vector.load %arg4[%swap3A_49, %swap3A_50, %swap3A_51] : memref<16x128x128xf32, #tpu.memory_space<vmem>>, vector<16x32x128xf32>
    tpu.vector_store %arg4[%swap3A_49, %swap3A_50, %swap3A_51], %select_n3A_48 {strides = array<i32>} : memref<16x128x128xf32, #tpu.memory_space<vmem>>, vector<16x32x128xf32>,
    %scan3A_53 = arith.constant 0 : i32
    %scan3A_54 = arith.constant 32 : i32
    %scan3A_55 = arith.addi %scan3A_53, %scan3A_54 : i32
    %scan3A_56 = arith.constant 1 : i32
    scf.for %scan3A_200 = %scan3A_53 to %scan3A_55 step %scan3A_56  : i32 {
      %get3A_201 = arith.constant 0 : index
      %get3A_202 = arith.constant 64 : index
      %get3A_203 = arith.constant 0 : index
      %get3A_204 = vector.load %arg4[%get3A_201, %get3A_202, %get3A_203] : memref<16x128x128xf32, #tpu.memory_space<vmem>>, vector<16x32x128xf32>
      %sub3A_205 = arith.constant 31 : i32
      %sub3A_206 = arith.subi %sub3A_205, %scan3A_200 : i32
      %add3A_207 = arith.constant 64 : i32
      %add3A_208 = arith.addi %add3A_207, %sub3A_206 : i32
      %eq3A_209 = vector.broadcast %add3A_208 : i32 to vector<1x1x128xi32>
      %eq3A_210 = arith.cmpi eq, %iota3A_6, %eq3A_209 : vector<1x1x128xi32>
      %eq3A_211 = vector.broadcast %sub3A_206 : i32 to vector<1x32x1xi32>
      %eq3A_212 = arith.cmpi eq, %iota3A_7, %eq3A_211 : vector<1x32x1xi32>
      %jit3A_213 = arith.constant 0.000000e+00 : f32
      %broadcast_in_dim3A_214 = vector.shape_cast %eq3A_212 : vector<1x32x1xi1> to vector<1x32x1xi1>
      %broadcast_in_dim3A_215 = vector.broadcast %broadcast_in_dim3A_214 : vector<1x32x1xi1> to vector<16x32x128xi1>
      %broadcast_in_dim3A_216 = vector.broadcast %jit3A_213 : f32 to vector<16x32x128xf32>
      %select_n3A_217 = arith.select %broadcast_in_dim3A_215, %get3A_204, %broadcast_in_dim3A_216 : vector<16x32x128xi1>, vector<16x32x128xf32>
      %reduce_sum3A_218 = arith.constant dense<0.000000e+00> : vector<16x128xf32>
      %reduce_sum3A_219 = vector.multi_reduction <add>, %select_n3A_217, %reduce_sum3A_218 [1] : vector<16x32x128xf32> to vector<16x128xf32>
      %broadcast_in_dim3A_220 = vector.shape_cast %reduce_sum3A_219 : vector<16x128xf32> to vector<16x1x128xf32>
      %jit3A_221 = arith.constant 0.000000e+00 : f32
      %broadcast_in_dim3A_222 = vector.shape_cast %eq3A_210 : vector<1x1x128xi1> to vector<1x1x128xi1>
      %broadcast_in_dim3A_223 = vector.broadcast %broadcast_in_dim3A_222 : vector<1x1x128xi1> to vector<16x1x128xi1>
      %broadcast_in_dim3A_224 = vector.broadcast %jit3A_221 : f32 to vector<16x1x128xf32>
      %select_n3A_225 = arith.select %broadcast_in_dim3A_223, %broadcast_in_dim3A_220, %broadcast_in_dim3A_224 : vector<16x1x128xi1>, vector<16x1x128xf32>
      %reduce_sum3A_226 = arith.constant dense<0.000000e+00> : vector<16x1xf32>
      %reduce_sum3A_227 = vector.multi_reduction <add>, %select_n3A_225, %reduce_sum3A_226 [2] : vector<16x1x128xf32> to vector<16x1xf32>
      %broadcast_in_dim3A_228 = vector.shape_cast %reduce_sum3A_227 : vector<16x1xf32> to vector<16x1x1xf32>
      %rsqrt3A = math.rsqrt %broadcast_in_dim3A_228 : vector<16x1x1xf32>
      %le3A = vector.broadcast %add3A_208 : i32 to vector<1x1x128xi32>
      %le3A_229 = arith.cmpi sle, %iota3A_6, %le3A : vector<1x1x128xi32>
      %mul3A = vector.broadcast %rsqrt3A : vector<16x1x1xf32> to vector<16x1x128xf32>
      %mul3A_230 = arith.mulf %broadcast_in_dim3A_220, %mul3A : vector<16x1x128xf32>
      %jit3A_231 = arith.constant 0.000000e+00 : f32
      %broadcast_in_dim3A_232 = vector.shape_cast %le3A_229 : vector<1x1x128xi1> to vector<1x1x128xi1>
      %broadcast_in_dim3A_233 = vector.broadcast %broadcast_in_dim3A_232 : vector<1x1x128xi1> to vector<16x1x128xi1>
      %broadcast_in_dim3A_234 = vector.broadcast %jit3A_231 : f32 to vector<16x1x128xf32>
      %select_n3A_235 = arith.select %broadcast_in_dim3A_233, %mul3A_230, %broadcast_in_dim3A_234 : vector<16x1x128xi1>, vector<16x1x128xf32>
      %jit3A_236 = arith.constant 0.000000e+00 : f32
      %broadcast_in_dim3A_237 = vector.shape_cast %eq3A_210 : vector<1x1x128xi1> to vector<1x1x128xi1>
      %broadcast_in_dim3A_238 = vector.broadcast %broadcast_in_dim3A_237 : vector<1x1x128xi1> to vector<16x32x128xi1>
      %broadcast_in_dim3A_239 = vector.broadcast %jit3A_236 : f32 to vector<16x32x128xf32>
      %select_n3A_240 = arith.select %broadcast_in_dim3A_238, %get3A_204, %broadcast_in_dim3A_239 : vector<16x32x128xi1>, vector<16x32x128xf32>
      %reduce_sum3A_241 = arith.constant dense<0.000000e+00> : vector<16x32xf32>
      %reduce_sum3A_242 = vector.multi_reduction <add>, %select_n3A_240, %reduce_sum3A_241 [2] : vector<16x32x128xf32> to vector<16x32xf32>
      %broadcast_in_dim3A_243 = vector.shape_cast %reduce_sum3A_242 : vector<16x32xf32> to vector<16x32x1xf32>
      %lt3A_244 = vector.broadcast %sub3A_206 : i32 to vector<1x32x1xi32>
      %lt3A_245 = arith.cmpi slt, %iota3A_7, %lt3A_244 : vector<1x32x1xi32>
      %mul3A_246 = vector.broadcast %rsqrt3A : vector<16x1x1xf32> to vector<16x32x1xf32>
      %mul3A_247 = arith.mulf %broadcast_in_dim3A_243, %mul3A_246 : vector<16x32x1xf32>
      %jit3A_248 = arith.constant 0.000000e+00 : f32
      %broadcast_in_dim3A_249 = vector.shape_cast %lt3A_245 : vector<1x32x1xi1> to vector<1x32x1xi1>
      %broadcast_in_dim3A_250 = vector.broadcast %broadcast_in_dim3A_249 : vector<1x32x1xi1> to vector<16x32x1xi1>
      %broadcast_in_dim3A_251 = vector.broadcast %jit3A_248 : f32 to vector<16x32x1xf32>
      %select_n3A_252 = arith.select %broadcast_in_dim3A_250, %mul3A_247, %broadcast_in_dim3A_251 : vector<16x32x1xi1>, vector<16x32x1xf32>
      %mul3A_253 = vector.broadcast %select_n3A_252 : vector<16x32x1xf32> to vector<16x32x128xf32>
      %mul3A_254 = vector.broadcast %select_n3A_235 : vector<16x1x128xf32> to vector<16x32x128xf32>
      %mul3A_255 = arith.mulf %mul3A_253, %mul3A_254 : vector<16x32x128xf32>
      %sub3A_256 = arith.subf %get3A_204, %mul3A_255 : vector<16x32x128xf32>
      %broadcast_in_dim3A_257 = vector.shape_cast %eq3A_212 : vector<1x32x1xi1> to vector<1x32x1xi1>
      %broadcast_in_dim3A_258 = vector.broadcast %broadcast_in_dim3A_257 : vector<1x32x1xi1> to vector<16x32x128xi1>
      %broadcast_in_dim3A_259 = vector.shape_cast %select_n3A_235 : vector<16x1x128xf32> to vector<16x1x128xf32>
      %broadcast_in_dim3A_260 = vector.broadcast %broadcast_in_dim3A_259 : vector<16x1x128xf32> to vector<16x32x128xf32>
      %select_n3A_261 = arith.select %broadcast_in_dim3A_258, %broadcast_in_dim3A_260, %sub3A_256 : vector<16x32x128xi1>, vector<16x32x128xf32>
      %swap3A_262 = arith.constant 0 : index
      %swap3A_263 = arith.constant 64 : index
      %swap3A_264 = arith.constant 0 : index
      %swap3A_265 = vector.load %arg4[%swap3A_262, %swap3A_263, %swap3A_264] : memref<16x128x128xf32, #tpu.memory_space<vmem>>, vector<16x32x128xf32>
      tpu.vector_store %arg4[%swap3A_262, %swap3A_263, %swap3A_264], %select_n3A_261 {strides = array<i32>} : memref<16x128x128xf32, #tpu.memory_space<vmem>>, vector<16x32x128xf32>,
    }
    %scan3A_57 = arith.constant 32 : i32
    %get3A_58 = arith.constant 0 : index
    %get3A_59 = arith.constant 64 : index
    %get3A_60 = arith.constant 0 : index
    %get3A_61 = vector.load %arg4[%get3A_58, %get3A_59, %get3A_60] : memref<16x128x128xf32, #tpu.memory_space<vmem>>, vector<16x32x128xf32>
    %get3A_62 = arith.constant 0 : index
    %get3A_63 = arith.constant 0 : index
    %get3A_64 = arith.constant 0 : index
    %get3A_65 = vector.load %arg3[%get3A_62, %get3A_63, %get3A_64] : memref<16x128x128xf32, #tpu.memory_space<vmem>>, vector<16x128x64xf32>
    %slice3A_66 = vector.extract_strided_slice %get3A_61 {offsets = [0, 0, 0], sizes = [16, 32, 64], strides = [1, 1, 1]} : vector<16x32x128xf32> to vector<16x32x64xf32>
    %dot_general3A_67 = arith.constant dense<0.000000e+00> : vector<16x128x64xf32>
    %dot_general3A_68 = tpu.matmul %get3A_61, %slice3A_66, %dot_general3A_67 {dimension_numbers = #tpu.dot_dimension_numbers<[1], [1], [2], [2], [0, 0, 0, 2, 1, 2], [0], [0]>, precision = #tpu.contract_precision<fp32>, transpose_lhs_hint = false} : vector<16x32x128xf32>, vector<16x32x64xf32>, vector<16x128x64xf32> -> vector<16x128x64xf32>
    %sub3A_69 = arith.subf %get3A_65, %dot_general3A_68 : vector<16x128x64xf32>
    %swap3A_70 = arith.constant 0 : index
    %swap3A_71 = arith.constant 0 : index
    %swap3A_72 = arith.constant 0 : index
    %swap3A_73 = vector.load %arg3[%swap3A_70, %swap3A_71, %swap3A_72] : memref<16x128x128xf32, #tpu.memory_space<vmem>>, vector<16x128x64xf32>
    tpu.vector_store %arg3[%swap3A_70, %swap3A_71, %swap3A_72], %sub3A_69 {strides = array<i32>} : memref<16x128x128xf32, #tpu.memory_space<vmem>>, vector<16x128x64xf32>,
    %lt3A_74 = arith.constant 64 : i32
    %lt3A_75 = vector.broadcast %lt3A_74 : i32 to vector<1x1x128xi32>
    %lt3A_76 = arith.cmpi slt, %iota3A_6, %lt3A_75 : vector<1x1x128xi32>
    %get3A_77 = arith.constant 0 : index
    %get3A_78 = arith.constant 32 : index
    %get3A_79 = arith.constant 0 : index
    %get3A_80 = vector.load %arg3[%get3A_77, %get3A_78, %get3A_79] : memref<16x128x128xf32, #tpu.memory_space<vmem>>, vector<16x32x128xf32>
    %jit3A_81 = arith.constant 0.000000e+00 : f32
    %broadcast_in_dim3A_82 = vector.shape_cast %lt3A_76 : vector<1x1x128xi1> to vector<1x1x128xi1>
    %broadcast_in_dim3A_83 = vector.broadcast %broadcast_in_dim3A_82 : vector<1x1x128xi1> to vector<16x32x128xi1>
    %broadcast_in_dim3A_84 = vector.broadcast %jit3A_81 : f32 to vector<16x32x128xf32>
    %select_n3A_85 = arith.select %broadcast_in_dim3A_83, %get3A_80, %broadcast_in_dim3A_84 : vector<16x32x128xi1>, vector<16x32x128xf32>
    %swap3A_86 = arith.constant 0 : index
    %swap3A_87 = arith.constant 32 : index
    %swap3A_88 = arith.constant 0 : index
    %swap3A_89 = vector.load %arg4[%swap3A_86, %swap3A_87, %swap3A_88] : memref<16x128x128xf32, #tpu.memory_space<vmem>>, vector<16x32x128xf32>
    tpu.vector_store %arg4[%swap3A_86, %swap3A_87, %swap3A_88], %select_n3A_85 {strides = array<i32>} : memref<16x128x128xf32, #tpu.memory_space<vmem>>, vector<16x32x128xf32>,
    %scan3A_90 = arith.constant 0 : i32
    %scan3A_91 = arith.constant 32 : i32
    %scan3A_92 = arith.addi %scan3A_90, %scan3A_91 : i32
    %scan3A_93 = arith.constant 1 : i32
    scf.for %scan3A_200 = %scan3A_90 to %scan3A_92 step %scan3A_93  : i32 {
      %get3A_201 = arith.constant 0 : index
      %get3A_202 = arith.constant 32 : index
      %get3A_203 = arith.constant 0 : index
      %get3A_204 = vector.load %arg4[%get3A_201, %get3A_202, %get3A_203] : memref<16x128x128xf32, #tpu.memory_space<vmem>>, vector<16x32x128xf32>
      %sub3A_205 = arith.constant 31 : i32
      %sub3A_206 = arith.subi %sub3A_205, %scan3A_200 : i32
      %add3A_207 = arith.constant 32 : i32
      %add3A_208 = arith.addi %add3A_207, %sub3A_206 : i32
      %eq3A_209 = vector.broadcast %add3A_208 : i32 to vector<1x1x128xi32>
      %eq3A_210 = arith.cmpi eq, %iota3A_6, %eq3A_209 : vector<1x1x128xi32>
      %eq3A_211 = vector.broadcast %sub3A_206 : i32 to vector<1x32x1xi32>
      %eq3A_212 = arith.cmpi eq, %iota3A_7, %eq3A_211 : vector<1x32x1xi32>
      %jit3A_213 = arith.constant 0.000000e+00 : f32
      %broadcast_in_dim3A_214 = vector.shape_cast %eq3A_212 : vector<1x32x1xi1> to vector<1x32x1xi1>
      %broadcast_in_dim3A_215 = vector.broadcast %broadcast_in_dim3A_214 : vector<1x32x1xi1> to vector<16x32x128xi1>
      %broadcast_in_dim3A_216 = vector.broadcast %jit3A_213 : f32 to vector<16x32x128xf32>
      %select_n3A_217 = arith.select %broadcast_in_dim3A_215, %get3A_204, %broadcast_in_dim3A_216 : vector<16x32x128xi1>, vector<16x32x128xf32>
      %reduce_sum3A_218 = arith.constant dense<0.000000e+00> : vector<16x128xf32>
      %reduce_sum3A_219 = vector.multi_reduction <add>, %select_n3A_217, %reduce_sum3A_218 [1] : vector<16x32x128xf32> to vector<16x128xf32>
      %broadcast_in_dim3A_220 = vector.shape_cast %reduce_sum3A_219 : vector<16x128xf32> to vector<16x1x128xf32>
      %jit3A_221 = arith.constant 0.000000e+00 : f32
      %broadcast_in_dim3A_222 = vector.shape_cast %eq3A_210 : vector<1x1x128xi1> to vector<1x1x128xi1>
      %broadcast_in_dim3A_223 = vector.broadcast %broadcast_in_dim3A_222 : vector<1x1x128xi1> to vector<16x1x128xi1>
      %broadcast_in_dim3A_224 = vector.broadcast %jit3A_221 : f32 to vector<16x1x128xf32>
      %select_n3A_225 = arith.select %broadcast_in_dim3A_223, %broadcast_in_dim3A_220, %broadcast_in_dim3A_224 : vector<16x1x128xi1>, vector<16x1x128xf32>
      %reduce_sum3A_226 = arith.constant dense<0.000000e+00> : vector<16x1xf32>
      %reduce_sum3A_227 = vector.multi_reduction <add>, %select_n3A_225, %reduce_sum3A_226 [2] : vector<16x1x128xf32> to vector<16x1xf32>
      %broadcast_in_dim3A_228 = vector.shape_cast %reduce_sum3A_227 : vector<16x1xf32> to vector<16x1x1xf32>
      %rsqrt3A = math.rsqrt %broadcast_in_dim3A_228 : vector<16x1x1xf32>
      %le3A = vector.broadcast %add3A_208 : i32 to vector<1x1x128xi32>
      %le3A_229 = arith.cmpi sle, %iota3A_6, %le3A : vector<1x1x128xi32>
      %mul3A = vector.broadcast %rsqrt3A : vector<16x1x1xf32> to vector<16x1x128xf32>
      %mul3A_230 = arith.mulf %broadcast_in_dim3A_220, %mul3A : vector<16x1x128xf32>
      %jit3A_231 = arith.constant 0.000000e+00 : f32
      %broadcast_in_dim3A_232 = vector.shape_cast %le3A_229 : vector<1x1x128xi1> to vector<1x1x128xi1>
      %broadcast_in_dim3A_233 = vector.broadcast %broadcast_in_dim3A_232 : vector<1x1x128xi1> to vector<16x1x128xi1>
      %broadcast_in_dim3A_234 = vector.broadcast %jit3A_231 : f32 to vector<16x1x128xf32>
      %select_n3A_235 = arith.select %broadcast_in_dim3A_233, %mul3A_230, %broadcast_in_dim3A_234 : vector<16x1x128xi1>, vector<16x1x128xf32>
      %jit3A_236 = arith.constant 0.000000e+00 : f32
      %broadcast_in_dim3A_237 = vector.shape_cast %eq3A_210 : vector<1x1x128xi1> to vector<1x1x128xi1>
      %broadcast_in_dim3A_238 = vector.broadcast %broadcast_in_dim3A_237 : vector<1x1x128xi1> to vector<16x32x128xi1>
      %broadcast_in_dim3A_239 = vector.broadcast %jit3A_236 : f32 to vector<16x32x128xf32>
      %select_n3A_240 = arith.select %broadcast_in_dim3A_238, %get3A_204, %broadcast_in_dim3A_239 : vector<16x32x128xi1>, vector<16x32x128xf32>
      %reduce_sum3A_241 = arith.constant dense<0.000000e+00> : vector<16x32xf32>
      %reduce_sum3A_242 = vector.multi_reduction <add>, %select_n3A_240, %reduce_sum3A_241 [2] : vector<16x32x128xf32> to vector<16x32xf32>
      %broadcast_in_dim3A_243 = vector.shape_cast %reduce_sum3A_242 : vector<16x32xf32> to vector<16x32x1xf32>
      %lt3A_244 = vector.broadcast %sub3A_206 : i32 to vector<1x32x1xi32>
      %lt3A_245 = arith.cmpi slt, %iota3A_7, %lt3A_244 : vector<1x32x1xi32>
      %mul3A_246 = vector.broadcast %rsqrt3A : vector<16x1x1xf32> to vector<16x32x1xf32>
      %mul3A_247 = arith.mulf %broadcast_in_dim3A_243, %mul3A_246 : vector<16x32x1xf32>
      %jit3A_248 = arith.constant 0.000000e+00 : f32
      %broadcast_in_dim3A_249 = vector.shape_cast %lt3A_245 : vector<1x32x1xi1> to vector<1x32x1xi1>
      %broadcast_in_dim3A_250 = vector.broadcast %broadcast_in_dim3A_249 : vector<1x32x1xi1> to vector<16x32x1xi1>
      %broadcast_in_dim3A_251 = vector.broadcast %jit3A_248 : f32 to vector<16x32x1xf32>
      %select_n3A_252 = arith.select %broadcast_in_dim3A_250, %mul3A_247, %broadcast_in_dim3A_251 : vector<16x32x1xi1>, vector<16x32x1xf32>
      %mul3A_253 = vector.broadcast %select_n3A_252 : vector<16x32x1xf32> to vector<16x32x128xf32>
      %mul3A_254 = vector.broadcast %select_n3A_235 : vector<16x1x128xf32> to vector<16x32x128xf32>
      %mul3A_255 = arith.mulf %mul3A_253, %mul3A_254 : vector<16x32x128xf32>
      %sub3A_256 = arith.subf %get3A_204, %mul3A_255 : vector<16x32x128xf32>
      %broadcast_in_dim3A_257 = vector.shape_cast %eq3A_212 : vector<1x32x1xi1> to vector<1x32x1xi1>
      %broadcast_in_dim3A_258 = vector.broadcast %broadcast_in_dim3A_257 : vector<1x32x1xi1> to vector<16x32x128xi1>
      %broadcast_in_dim3A_259 = vector.shape_cast %select_n3A_235 : vector<16x1x128xf32> to vector<16x1x128xf32>
      %broadcast_in_dim3A_260 = vector.broadcast %broadcast_in_dim3A_259 : vector<16x1x128xf32> to vector<16x32x128xf32>
      %select_n3A_261 = arith.select %broadcast_in_dim3A_258, %broadcast_in_dim3A_260, %sub3A_256 : vector<16x32x128xi1>, vector<16x32x128xf32>
      %swap3A_262 = arith.constant 0 : index
      %swap3A_263 = arith.constant 32 : index
      %swap3A_264 = arith.constant 0 : index
      %swap3A_265 = vector.load %arg4[%swap3A_262, %swap3A_263, %swap3A_264] : memref<16x128x128xf32, #tpu.memory_space<vmem>>, vector<16x32x128xf32>
      tpu.vector_store %arg4[%swap3A_262, %swap3A_263, %swap3A_264], %select_n3A_261 {strides = array<i32>} : memref<16x128x128xf32, #tpu.memory_space<vmem>>, vector<16x32x128xf32>,
    }
    %scan3A_94 = arith.constant 32 : i32
    %get3A_95 = arith.constant 0 : index
    %get3A_96 = arith.constant 32 : index
    %get3A_97 = arith.constant 0 : index
    %get3A_98 = vector.load %arg4[%get3A_95, %get3A_96, %get3A_97] : memref<16x128x128xf32, #tpu.memory_space<vmem>>, vector<16x32x128xf32>
    %get3A_99 = arith.constant 0 : index
    %get3A_100 = arith.constant 0 : index
    %get3A_101 = arith.constant 0 : index
    %get3A_102 = vector.load %arg3[%get3A_99, %get3A_100, %get3A_101] : memref<16x128x128xf32, #tpu.memory_space<vmem>>, vector<16x128x32xf32>
    %slice3A_103 = vector.extract_strided_slice %get3A_98 {offsets = [0, 0, 0], sizes = [16, 32, 32], strides = [1, 1, 1]} : vector<16x32x128xf32> to vector<16x32x32xf32>
    %dot_general3A_104 = arith.constant dense<0.000000e+00> : vector<16x128x32xf32>
    %dot_general3A_105 = tpu.matmul %get3A_98, %slice3A_103, %dot_general3A_104 {dimension_numbers = #tpu.dot_dimension_numbers<[1], [1], [2], [2], [0, 0, 0, 2, 1, 2], [0], [0]>, precision = #tpu.contract_precision<fp32>, transpose_lhs_hint = false} : vector<16x32x128xf32>, vector<16x32x32xf32>, vector<16x128x32xf32> -> vector<16x128x32xf32>
    %sub3A_106 = arith.subf %get3A_102, %dot_general3A_105 : vector<16x128x32xf32>
    %swap3A_107 = arith.constant 0 : index
    %swap3A_108 = arith.constant 0 : index
    %swap3A_109 = arith.constant 0 : index
    %swap3A_110 = vector.load %arg3[%swap3A_107, %swap3A_108, %swap3A_109] : memref<16x128x128xf32, #tpu.memory_space<vmem>>, vector<16x128x32xf32>
    tpu.vector_store %arg3[%swap3A_107, %swap3A_108, %swap3A_109], %sub3A_106 {strides = array<i32>} : memref<16x128x128xf32, #tpu.memory_space<vmem>>, vector<16x128x32xf32>,
    %lt3A_111 = arith.constant 32 : i32
    %lt3A_112 = vector.broadcast %lt3A_111 : i32 to vector<1x1x128xi32>
    %lt3A_113 = arith.cmpi slt, %iota3A_6, %lt3A_112 : vector<1x1x128xi32>
    %get3A_114 = arith.constant 0 : index
    %get3A_115 = arith.constant 0 : index
    %get3A_116 = arith.constant 0 : index
    %get3A_117 = vector.load %arg3[%get3A_114, %get3A_115, %get3A_116] : memref<16x128x128xf32, #tpu.memory_space<vmem>>, vector<16x32x128xf32>
    %jit3A_118 = arith.constant 0.000000e+00 : f32
    %broadcast_in_dim3A_119 = vector.shape_cast %lt3A_113 : vector<1x1x128xi1> to vector<1x1x128xi1>
    %broadcast_in_dim3A_120 = vector.broadcast %broadcast_in_dim3A_119 : vector<1x1x128xi1> to vector<16x32x128xi1>
    %broadcast_in_dim3A_121 = vector.broadcast %jit3A_118 : f32 to vector<16x32x128xf32>
    %select_n3A_122 = arith.select %broadcast_in_dim3A_120, %get3A_117, %broadcast_in_dim3A_121 : vector<16x32x128xi1>, vector<16x32x128xf32>
    %swap3A_123 = arith.constant 0 : index
    %swap3A_124 = arith.constant 0 : index
    %swap3A_125 = arith.constant 0 : index
    %swap3A_126 = vector.load %arg4[%swap3A_123, %swap3A_124, %swap3A_125] : memref<16x128x128xf32, #tpu.memory_space<vmem>>, vector<16x32x128xf32>
    tpu.vector_store %arg4[%swap3A_123, %swap3A_124, %swap3A_125], %select_n3A_122 {strides = array<i32>} : memref<16x128x128xf32, #tpu.memory_space<vmem>>, vector<16x32x128xf32>,
    %scan3A_127 = arith.constant 0 : i32
    %scan3A_128 = arith.constant 32 : i32
    %scan3A_129 = arith.addi %scan3A_127, %scan3A_128 : i32
    %scan3A_130 = arith.constant 1 : i32
    scf.for %scan3A_200 = %scan3A_127 to %scan3A_129 step %scan3A_130  : i32 {
      %get3A_201 = arith.constant 0 : index
      %get3A_202 = arith.constant 0 : index
      %get3A_203 = arith.constant 0 : index
      %get3A_204 = vector.load %arg4[%get3A_201, %get3A_202, %get3A_203] : memref<16x128x128xf32, #tpu.memory_space<vmem>>, vector<16x32x128xf32>
      %sub3A_205 = arith.constant 31 : i32
      %sub3A_206 = arith.subi %sub3A_205, %scan3A_200 : i32
      %add3A_207 = arith.constant 0 : i32
      %add3A_208 = arith.addi %add3A_207, %sub3A_206 : i32
      %eq3A_209 = vector.broadcast %add3A_208 : i32 to vector<1x1x128xi32>
      %eq3A_210 = arith.cmpi eq, %iota3A_6, %eq3A_209 : vector<1x1x128xi32>
      %eq3A_211 = vector.broadcast %sub3A_206 : i32 to vector<1x32x1xi32>
      %eq3A_212 = arith.cmpi eq, %iota3A_7, %eq3A_211 : vector<1x32x1xi32>
      %jit3A_213 = arith.constant 0.000000e+00 : f32
      %broadcast_in_dim3A_214 = vector.shape_cast %eq3A_212 : vector<1x32x1xi1> to vector<1x32x1xi1>
      %broadcast_in_dim3A_215 = vector.broadcast %broadcast_in_dim3A_214 : vector<1x32x1xi1> to vector<16x32x128xi1>
      %broadcast_in_dim3A_216 = vector.broadcast %jit3A_213 : f32 to vector<16x32x128xf32>
      %select_n3A_217 = arith.select %broadcast_in_dim3A_215, %get3A_204, %broadcast_in_dim3A_216 : vector<16x32x128xi1>, vector<16x32x128xf32>
      %reduce_sum3A_218 = arith.constant dense<0.000000e+00> : vector<16x128xf32>
      %reduce_sum3A_219 = vector.multi_reduction <add>, %select_n3A_217, %reduce_sum3A_218 [1] : vector<16x32x128xf32> to vector<16x128xf32>
      %broadcast_in_dim3A_220 = vector.shape_cast %reduce_sum3A_219 : vector<16x128xf32> to vector<16x1x128xf32>
      %jit3A_221 = arith.constant 0.000000e+00 : f32
      %broadcast_in_dim3A_222 = vector.shape_cast %eq3A_210 : vector<1x1x128xi1> to vector<1x1x128xi1>
      %broadcast_in_dim3A_223 = vector.broadcast %broadcast_in_dim3A_222 : vector<1x1x128xi1> to vector<16x1x128xi1>
      %broadcast_in_dim3A_224 = vector.broadcast %jit3A_221 : f32 to vector<16x1x128xf32>
      %select_n3A_225 = arith.select %broadcast_in_dim3A_223, %broadcast_in_dim3A_220, %broadcast_in_dim3A_224 : vector<16x1x128xi1>, vector<16x1x128xf32>
      %reduce_sum3A_226 = arith.constant dense<0.000000e+00> : vector<16x1xf32>
      %reduce_sum3A_227 = vector.multi_reduction <add>, %select_n3A_225, %reduce_sum3A_226 [2] : vector<16x1x128xf32> to vector<16x1xf32>
      %broadcast_in_dim3A_228 = vector.shape_cast %reduce_sum3A_227 : vector<16x1xf32> to vector<16x1x1xf32>
      %rsqrt3A = math.rsqrt %broadcast_in_dim3A_228 : vector<16x1x1xf32>
      %le3A = vector.broadcast %add3A_208 : i32 to vector<1x1x128xi32>
      %le3A_229 = arith.cmpi sle, %iota3A_6, %le3A : vector<1x1x128xi32>
      %mul3A = vector.broadcast %rsqrt3A : vector<16x1x1xf32> to vector<16x1x128xf32>
      %mul3A_230 = arith.mulf %broadcast_in_dim3A_220, %mul3A : vector<16x1x128xf32>
      %jit3A_231 = arith.constant 0.000000e+00 : f32
      %broadcast_in_dim3A_232 = vector.shape_cast %le3A_229 : vector<1x1x128xi1> to vector<1x1x128xi1>
      %broadcast_in_dim3A_233 = vector.broadcast %broadcast_in_dim3A_232 : vector<1x1x128xi1> to vector<16x1x128xi1>
      %broadcast_in_dim3A_234 = vector.broadcast %jit3A_231 : f32 to vector<16x1x128xf32>
      %select_n3A_235 = arith.select %broadcast_in_dim3A_233, %mul3A_230, %broadcast_in_dim3A_234 : vector<16x1x128xi1>, vector<16x1x128xf32>
      %jit3A_236 = arith.constant 0.000000e+00 : f32
      %broadcast_in_dim3A_237 = vector.shape_cast %eq3A_210 : vector<1x1x128xi1> to vector<1x1x128xi1>
      %broadcast_in_dim3A_238 = vector.broadcast %broadcast_in_dim3A_237 : vector<1x1x128xi1> to vector<16x32x128xi1>
      %broadcast_in_dim3A_239 = vector.broadcast %jit3A_236 : f32 to vector<16x32x128xf32>
      %select_n3A_240 = arith.select %broadcast_in_dim3A_238, %get3A_204, %broadcast_in_dim3A_239 : vector<16x32x128xi1>, vector<16x32x128xf32>
      %reduce_sum3A_241 = arith.constant dense<0.000000e+00> : vector<16x32xf32>
      %reduce_sum3A_242 = vector.multi_reduction <add>, %select_n3A_240, %reduce_sum3A_241 [2] : vector<16x32x128xf32> to vector<16x32xf32>
      %broadcast_in_dim3A_243 = vector.shape_cast %reduce_sum3A_242 : vector<16x32xf32> to vector<16x32x1xf32>
      %lt3A_244 = vector.broadcast %sub3A_206 : i32 to vector<1x32x1xi32>
      %lt3A_245 = arith.cmpi slt, %iota3A_7, %lt3A_244 : vector<1x32x1xi32>
      %mul3A_246 = vector.broadcast %rsqrt3A : vector<16x1x1xf32> to vector<16x32x1xf32>
      %mul3A_247 = arith.mulf %broadcast_in_dim3A_243, %mul3A_246 : vector<16x32x1xf32>
      %jit3A_248 = arith.constant 0.000000e+00 : f32
      %broadcast_in_dim3A_249 = vector.shape_cast %lt3A_245 : vector<1x32x1xi1> to vector<1x32x1xi1>
      %broadcast_in_dim3A_250 = vector.broadcast %broadcast_in_dim3A_249 : vector<1x32x1xi1> to vector<16x32x1xi1>
      %broadcast_in_dim3A_251 = vector.broadcast %jit3A_248 : f32 to vector<16x32x1xf32>
      %select_n3A_252 = arith.select %broadcast_in_dim3A_250, %mul3A_247, %broadcast_in_dim3A_251 : vector<16x32x1xi1>, vector<16x32x1xf32>
      %mul3A_253 = vector.broadcast %select_n3A_252 : vector<16x32x1xf32> to vector<16x32x128xf32>
      %mul3A_254 = vector.broadcast %select_n3A_235 : vector<16x1x128xf32> to vector<16x32x128xf32>
      %mul3A_255 = arith.mulf %mul3A_253, %mul3A_254 : vector<16x32x128xf32>
      %sub3A_256 = arith.subf %get3A_204, %mul3A_255 : vector<16x32x128xf32>
      %broadcast_in_dim3A_257 = vector.shape_cast %eq3A_212 : vector<1x32x1xi1> to vector<1x32x1xi1>
      %broadcast_in_dim3A_258 = vector.broadcast %broadcast_in_dim3A_257 : vector<1x32x1xi1> to vector<16x32x128xi1>
      %broadcast_in_dim3A_259 = vector.shape_cast %select_n3A_235 : vector<16x1x128xf32> to vector<16x1x128xf32>
      %broadcast_in_dim3A_260 = vector.broadcast %broadcast_in_dim3A_259 : vector<16x1x128xf32> to vector<16x32x128xf32>
      %select_n3A_261 = arith.select %broadcast_in_dim3A_258, %broadcast_in_dim3A_260, %sub3A_256 : vector<16x32x128xi1>, vector<16x32x128xf32>
      %swap3A_262 = arith.constant 0 : index
      %swap3A_263 = arith.constant 0 : index
      %swap3A_264 = arith.constant 0 : index
      %swap3A_265 = vector.load %arg4[%swap3A_262, %swap3A_263, %swap3A_264] : memref<16x128x128xf32, #tpu.memory_space<vmem>>, vector<16x32x128xf32>
      tpu.vector_store %arg4[%swap3A_262, %swap3A_263, %swap3A_264], %select_n3A_261 {strides = array<i32>} : memref<16x128x128xf32, #tpu.memory_space<vmem>>, vector<16x32x128xf32>,
    }
    %scan3A_131 = arith.constant 32 : i32
    %get3A_132 = arith.constant 0 : index
    %get3A_133 = arith.constant 0 : index
    %get3A_134 = arith.constant 0 : index
    %get3A_135 = vector.load %arg4[%get3A_132, %get3A_133, %get3A_134] : memref<16x128x128xf32, #tpu.memory_space<vmem>>, vector<16x128x128xf32>
    %eq3A = vector.broadcast %iota3A : vector<1x128x1xi32> to vector<1x128x128xi32>
    %eq3A_136 = vector.broadcast %iota3A_6 : vector<1x1x128xi32> to vector<1x128x128xi32>
    %eq3A_137 = arith.cmpi eq, %eq3A, %eq3A_136 : vector<1x128x128xi32>
    %jit3A_138 = arith.constant 1.000000e+00 : f32
    %jit3A_139 = arith.constant 0.000000e+00 : f32
    %broadcast_in_dim3A_140 = vector.broadcast %jit3A_138 : f32 to vector<1x128x128xf32>
    %broadcast_in_dim3A_141 = vector.broadcast %jit3A_139 : f32 to vector<1x128x128xf32>
    %select_n3A_142 = arith.select %eq3A_137, %broadcast_in_dim3A_140, %broadcast_in_dim3A_141 : vector<1x128x128xi1>, vector<1x128x128xf32>
    %eq3A_143 = vector.broadcast %iota3A : vector<1x128x1xi32> to vector<1x128x128xi32>
    %eq3A_144 = vector.broadcast %iota3A_6 : vector<1x1x128xi32> to vector<1x128x128xi32>
    %eq3A_145 = arith.cmpi eq, %eq3A_143, %eq3A_144 : vector<1x128x128xi32>
    %jit3A_146 = arith.constant 0.000000e+00 : f32
    %broadcast_in_dim3A_147 = vector.shape_cast %eq3A_145 : vector<1x128x128xi1> to vector<1x128x128xi1>
    %broadcast_in_dim3A_148 = vector.broadcast %broadcast_in_dim3A_147 : vector<1x128x128xi1> to vector<16x128x128xi1>
    %broadcast_in_dim3A_149 = vector.broadcast %jit3A_146 : f32 to vector<16x128x128xf32>
    %select_n3A_150 = arith.select %broadcast_in_dim3A_148, %get3A_135, %broadcast_in_dim3A_149 : vector<16x128x128xi1>, vector<16x128x128xf32>
    %reduce_sum3A = arith.constant dense<0.000000e+00> : vector<16x128xf32>
    %reduce_sum3A_151 = vector.multi_reduction <add>, %select_n3A_150, %reduce_sum3A [2] : vector<16x128x128xf32> to vector<16x128xf32>
    %broadcast_in_dim3A_152 = vector.shape_cast %reduce_sum3A_151 : vector<16x128xf32> to vector<16x128x1xf32>
    %div3A = vector.broadcast %broadcast_in_dim3A_152 : vector<16x128x1xf32> to vector<16x128x128xf32>
    %div3A_153 = arith.divf %get3A_135, %div3A : vector<16x128x128xf32>
    %sub3A_154 = vector.broadcast %select_n3A_142 : vector<1x128x128xf32> to vector<16x128x128xf32>
    %sub3A_155 = arith.subf %div3A_153, %sub3A_154 : vector<16x128x128xf32>
    %sub3A_156 = vector.broadcast %select_n3A_142 : vector<1x128x128xf32> to vector<16x128x128xf32>
    %sub3A_157 = arith.subf %sub3A_156, %sub3A_155 : vector<16x128x128xf32>
    %dot_general3A_158 = arith.constant dense<0.000000e+00> : vector<16x128x128xf32>
    %dot_general3A_159 = tpu.matmul %sub3A_155, %sub3A_155, %dot_general3A_158 {dimension_numbers = #tpu.dot_dimension_numbers<[2], [1], [1], [2], [0, 0, 0, 1, 1, 2], [0], [0]>, precision = #tpu.contract_precision<fp32>, transpose_lhs_hint = false} : vector<16x128x128xf32>, vector<16x128x128xf32>, vector<16x128x128xf32> -> vector<16x128x128xf32>
    %add3A = vector.broadcast %select_n3A_142 : vector<1x128x128xf32> to vector<16x128x128xf32>
    %add3A_160 = arith.addf %add3A, %dot_general3A_159 : vector<16x128x128xf32>
    %dot_general3A_161 = arith.constant dense<0.000000e+00> : vector<16x128x128xf32>
    %dot_general3A_162 = tpu.matmul %sub3A_157, %add3A_160, %dot_general3A_161 {dimension_numbers = #tpu.dot_dimension_numbers<[2], [1], [1], [2], [0, 0, 0, 1, 1, 2], [0], [0]>, precision = #tpu.contract_precision<fp32>, transpose_lhs_hint = false} : vector<16x128x128xf32>, vector<16x128x128xf32>, vector<16x128x128xf32> -> vector<16x128x128xf32>
    %dot_general3A_163 = arith.constant dense<0.000000e+00> : vector<16x128x128xf32>
    %dot_general3A_164 = tpu.matmul %dot_general3A_159, %dot_general3A_159, %dot_general3A_163 {dimension_numbers = #tpu.dot_dimension_numbers<[2], [1], [1], [2], [0, 0, 0, 1, 1, 2], [0], [0]>, precision = #tpu.contract_precision<fp32>, transpose_lhs_hint = false} : vector<16x128x128xf32>, vector<16x128x128xf32>, vector<16x128x128xf32> -> vector<16x128x128xf32>
    %add3A_165 = vector.broadcast %select_n3A_142 : vector<1x128x128xf32> to vector<16x128x128xf32>
    %add3A_166 = arith.addf %add3A_165, %dot_general3A_164 : vector<16x128x128xf32>
    %dot_general3A_167 = arith.constant dense<0.000000e+00> : vector<16x128x128xf32>
    %dot_general3A_168 = tpu.matmul %dot_general3A_162, %add3A_166, %dot_general3A_167 {dimension_numbers = #tpu.dot_dimension_numbers<[2], [1], [1], [2], [0, 0, 0, 1, 1, 2], [0], [0]>, precision = #tpu.contract_precision<fp32>, transpose_lhs_hint = false} : vector<16x128x128xf32>, vector<16x128x128xf32>, vector<16x128x128xf32> -> vector<16x128x128xf32>
    %dot_general3A_169 = arith.constant dense<0.000000e+00> : vector<16x128x128xf32>
    %dot_general3A_170 = tpu.matmul %dot_general3A_164, %dot_general3A_164, %dot_general3A_169 {dimension_numbers = #tpu.dot_dimension_numbers<[2], [1], [1], [2], [0, 0, 0, 1, 1, 2], [0], [0]>, precision = #tpu.contract_precision<fp32>, transpose_lhs_hint = false} : vector<16x128x128xf32>, vector<16x128x128xf32>, vector<16x128x128xf32> -> vector<16x128x128xf32>
    %add3A_171 = vector.broadcast %select_n3A_142 : vector<1x128x128xf32> to vector<16x128x128xf32>
    %add3A_172 = arith.addf %add3A_171, %dot_general3A_170 : vector<16x128x128xf32>
    %dot_general3A_173 = arith.constant dense<0.000000e+00> : vector<16x128x128xf32>
    %dot_general3A_174 = tpu.matmul %dot_general3A_168, %add3A_172, %dot_general3A_173 {dimension_numbers = #tpu.dot_dimension_numbers<[2], [1], [1], [2], [0, 0, 0, 1, 1, 2], [0], [0]>, precision = #tpu.contract_precision<fp32>, transpose_lhs_hint = false} : vector<16x128x128xf32>, vector<16x128x128xf32>, vector<16x128x128xf32> -> vector<16x128x128xf32>
    %dot_general3A_175 = arith.constant dense<0.000000e+00> : vector<16x128x128xf32>
    %dot_general3A_176 = tpu.matmul %dot_general3A_170, %dot_general3A_170, %dot_general3A_175 {dimension_numbers = #tpu.dot_dimension_numbers<[2], [1], [1], [2], [0, 0, 0, 1, 1, 2], [0], [0]>, precision = #tpu.contract_precision<fp32>, transpose_lhs_hint = false} : vector<16x128x128xf32>, vector<16x128x128xf32>, vector<16x128x128xf32> -> vector<16x128x128xf32>
    %add3A_177 = vector.broadcast %select_n3A_142 : vector<1x128x128xf32> to vector<16x128x128xf32>
    %add3A_178 = arith.addf %add3A_177, %dot_general3A_176 : vector<16x128x128xf32>
    %dot_general3A_179 = arith.constant dense<0.000000e+00> : vector<16x128x128xf32>
    %dot_general3A_180 = tpu.matmul %dot_general3A_174, %add3A_178, %dot_general3A_179 {dimension_numbers = #tpu.dot_dimension_numbers<[2], [1], [1], [2], [0, 0, 0, 1, 1, 2], [0], [0]>, precision = #tpu.contract_precision<fp32>, transpose_lhs_hint = false} : vector<16x128x128xf32>, vector<16x128x128xf32>, vector<16x128x128xf32> -> vector<16x128x128xf32>
    %dot_general3A_181 = arith.constant dense<0.000000e+00> : vector<16x128x128xf32>
    %dot_general3A_182 = tpu.matmul %dot_general3A_176, %dot_general3A_176, %dot_general3A_181 {dimension_numbers = #tpu.dot_dimension_numbers<[2], [1], [1], [2], [0, 0, 0, 1, 1, 2], [0], [0]>, precision = #tpu.contract_precision<fp32>, transpose_lhs_hint = false} : vector<16x128x128xf32>, vector<16x128x128xf32>, vector<16x128x128xf32> -> vector<16x128x128xf32>
    %add3A_183 = vector.broadcast %select_n3A_142 : vector<1x128x128xf32> to vector<16x128x128xf32>
    %add3A_184 = arith.addf %add3A_183, %dot_general3A_182 : vector<16x128x128xf32>
    %dot_general3A_185 = arith.constant dense<0.000000e+00> : vector<16x128x128xf32>
    %dot_general3A_186 = tpu.matmul %dot_general3A_180, %add3A_184, %dot_general3A_185 {dimension_numbers = #tpu.dot_dimension_numbers<[2], [1], [1], [2], [0, 0, 0, 1, 1, 2], [0], [0]>, precision = #tpu.contract_precision<fp32>, transpose_lhs_hint = false} : vector<16x128x128xf32>, vector<16x128x128xf32>, vector<16x128x128xf32> -> vector<16x128x128xf32>
    %dot_general3A_187 = arith.constant dense<0.000000e+00> : vector<16x128x128xf32>
    %dot_general3A_188 = tpu.matmul %dot_general3A_182, %dot_general3A_182, %dot_general3A_187 {dimension_numbers = #tpu.dot_dimension_numbers<[2], [1], [1], [2], [0, 0, 0, 1, 1, 2], [0], [0]>, precision = #tpu.contract_precision<fp32>, transpose_lhs_hint = false} : vector<16x128x128xf32>, vector<16x128x128xf32>, vector<16x128x128xf32> -> vector<16x128x128xf32>
    %add3A_189 = vector.broadcast %select_n3A_142 : vector<1x128x128xf32> to vector<16x128x128xf32>
    %add3A_190 = arith.addf %add3A_189, %dot_general3A_188 : vector<16x128x128xf32>
    %dot_general3A_191 = arith.constant dense<0.000000e+00> : vector<16x128x128xf32>
    %dot_general3A_192 = tpu.matmul %dot_general3A_186, %add3A_190, %dot_general3A_191 {dimension_numbers = #tpu.dot_dimension_numbers<[2], [1], [1], [2], [0, 0, 0, 1, 1, 2], [0], [0]>, precision = #tpu.contract_precision<fp32>, transpose_lhs_hint = false} : vector<16x128x128xf32>, vector<16x128x128xf32>, vector<16x128x128xf32> -> vector<16x128x128xf32>
    %broadcast_in_dim3A_193 = vector.shape_cast %reduce_sum3A_151 : vector<16x128xf32> to vector<16x1x128xf32>
    %div3A_194 = vector.broadcast %broadcast_in_dim3A_193 : vector<16x1x128xf32> to vector<16x128x128xf32>
    %div3A_195 = arith.divf %dot_general3A_192, %div3A_194 : vector<16x128x128xf32>
    %swap3A_196 = arith.constant 0 : index
    %swap3A_197 = arith.constant 0 : index
    %swap3A_198 = arith.constant 0 : index
    %swap3A_199 = vector.load %arg2[%swap3A_196, %swap3A_197, %swap3A_198] : memref<16x128x128xf32, #tpu.memory_space<vmem>>, vector<16x128x128xf32>
    tpu.vector_store %arg2[%swap3A_196, %swap3A_197, %swap3A_198], %div3A_195 {strides = array<i32>} : memref<16x128x128xf32, #tpu.memory_space<vmem>>, vector<16x128x128xf32>,
    return
  }
  func.func @transform_0(%arg0: i32) -> (i32, i32, i32) {
    %c0_i32 = arith.constant 0 : i32
    %c3_i32 = arith.constant 3 : i32
    %c3_i32_0 = arith.constant 3 : i32
    %c0_i32_1 = arith.constant 0 : i32
    return %c0_i32, %c3_i32, %c3_i32_0 : i32, i32, i32
  }
  func.func @transform_1(%arg0: i32) -> (i32, i32, i32) {
    %c0_i32 = arith.constant 0 : i32
    %c0_i32_0 = arith.constant 0 : i32
    %c0_i32_1 = arith.constant 0 : i32
    %c0_i32_2 = arith.constant 0 : i32
    return %c0_i32, %c0_i32_0, %c0_i32_1 : i32, i32, i32
  }
}

module attributes {stable_mosaic.version = 14 : i64} {
  func.func @_panel_update_body(%arg0: i32, %arg1: memref<1x512x512xf32, #tpu.memory_space<vmem>>, %arg2: memref<1x128x128xf32, #tpu.memory_space<vmem>>, %arg3: memref<1x384x128xf32, #tpu.memory_space<vmem>>, %arg4: memref<1x384x384xf32, #tpu.memory_space<vmem>>) attributes {dimension_semantics = [#tpu.dimension_semantics<arbitrary>], iteration_bounds = array<i64: 16>, scalar_prefetch = 0 : i64, scratch_operands = 0 : i64, tpu.core_type = #tpu.core_type<tc>, window_params = [{transform_indices = @transform_0, window_bounds = array<i64: 1, 512, 512>}, {transform_indices = @transform_1, window_bounds = array<i64: 1, 128, 128>}, {transform_indices = @transform_2, window_bounds = array<i64: 1, 384, 128>}, {transform_indices = @transform_3, window_bounds = array<i64: 1, 384, 384>}]} {
    %get3A = arith.constant 0 : index
    %get3A_0 = arith.constant 0 : index
    %get3A_1 = arith.constant 384 : index
    %get3A_2 = vector.load %arg1[%get3A, %get3A_0, %get3A_1] : memref<1x512x512xf32, #tpu.memory_space<vmem>>, vector<1x384x128xf32>
    %get3A_3 = vector.shape_cast %get3A_2 : vector<1x384x128xf32> to vector<384x128xf32>
    %get3A_4 = arith.constant 0 : index
    %get3A_5 = arith.constant 0 : index
    %get3A_6 = arith.constant 0 : index
    %get3A_7 = vector.load %arg2[%get3A_4, %get3A_5, %get3A_6] : memref<1x128x128xf32, #tpu.memory_space<vmem>>, vector<1x128x128xf32>
    %get3A_8 = vector.shape_cast %get3A_7 : vector<1x128x128xf32> to vector<128x128xf32>
    %dot_general3A = arith.constant dense<0.000000e+00> : vector<384x128xf32>
    %dot_general3A_9 = tpu.matmul %get3A_3, %get3A_8, %dot_general3A {dimension_numbers = #tpu.dot_dimension_numbers<[1], [0], [0], [1], [0, 0, 1, 1], [], []>, precision = #tpu.contract_precision<fp32>, transpose_lhs_hint = false} : vector<384x128xf32>, vector<128x128xf32>, vector<384x128xf32> -> vector<384x128xf32>
    %swap3A = arith.constant 0 : index
    %swap3A_10 = arith.constant 0 : index
    %swap3A_11 = arith.constant 0 : index
    %swap3A_12 = vector.load %arg3[%swap3A, %swap3A_10, %swap3A_11] : memref<1x384x128xf32, #tpu.memory_space<vmem>>, vector<1x384x128xf32>
    %swap3A_13 = vector.shape_cast %swap3A_12 : vector<1x384x128xf32> to vector<384x128xf32>
    %swap3A_14 = vector.shape_cast %dot_general3A_9 : vector<384x128xf32> to vector<1x384x128xf32>
    tpu.vector_store %arg3[%swap3A, %swap3A_10, %swap3A_11], %swap3A_14 {strides = array<i32>} : memref<1x384x128xf32, #tpu.memory_space<vmem>>, vector<1x384x128xf32>,
    %get3A_15 = arith.constant 0 : index
    %get3A_16 = arith.constant 0 : index
    %get3A_17 = arith.constant 0 : index
    %get3A_18 = vector.load %arg1[%get3A_15, %get3A_16, %get3A_17] : memref<1x512x512xf32, #tpu.memory_space<vmem>>, vector<1x384x384xf32>
    %get3A_19 = vector.shape_cast %get3A_18 : vector<1x384x384xf32> to vector<384x384xf32>
    %dot_general3A_20 = arith.constant dense<0.000000e+00> : vector<384x384xf32>
    %dot_general3A_21 = tpu.matmul %dot_general3A_9, %dot_general3A_9, %dot_general3A_20 {dimension_numbers = #tpu.dot_dimension_numbers<[1], [1], [0], [0], [0, 0, 1, 0], [], []>, precision = #tpu.contract_precision<fp32>, transpose_lhs_hint = false} : vector<384x128xf32>, vector<384x128xf32>, vector<384x384xf32> -> vector<384x384xf32>
    %sub3A = arith.subf %get3A_19, %dot_general3A_21 : vector<384x384xf32>
    %swap3A_22 = arith.constant 0 : index
    %swap3A_23 = arith.constant 0 : index
    %swap3A_24 = arith.constant 0 : index
    %swap3A_25 = vector.load %arg4[%swap3A_22, %swap3A_23, %swap3A_24] : memref<1x384x384xf32, #tpu.memory_space<vmem>>, vector<1x384x384xf32>
    %swap3A_26 = vector.shape_cast %swap3A_25 : vector<1x384x384xf32> to vector<384x384xf32>
    %swap3A_27 = vector.shape_cast %sub3A : vector<384x384xf32> to vector<1x384x384xf32>
    tpu.vector_store %arg4[%swap3A_22, %swap3A_23, %swap3A_24], %swap3A_27 {strides = array<i32>} : memref<1x384x384xf32, #tpu.memory_space<vmem>>, vector<1x384x384xf32>,
    return
  }
  func.func @transform_0(%arg0: i32) -> (i32, i32, i32) {
    %c0_i32 = arith.constant 0 : i32
    %c0_i32_0 = arith.constant 0 : i32
    %c0_i32_1 = arith.constant 0 : i32
    return %arg0, %c0_i32, %c0_i32_0 : i32, i32, i32
  }
  func.func @transform_1(%arg0: i32) -> (i32, i32, i32) {
    %c0_i32 = arith.constant 0 : i32
    %c0_i32_0 = arith.constant 0 : i32
    %c0_i32_1 = arith.constant 0 : i32
    return %arg0, %c0_i32, %c0_i32_0 : i32, i32, i32
  }
  func.func @transform_2(%arg0: i32) -> (i32, i32, i32) {
    %c0_i32 = arith.constant 0 : i32
    %c0_i32_0 = arith.constant 0 : i32
    %c0_i32_1 = arith.constant 0 : i32
    return %arg0, %c0_i32, %c0_i32_0 : i32, i32, i32
  }
  func.func @transform_3(%arg0: i32) -> (i32, i32, i32) {
    %c0_i32 = arith.constant 0 : i32
    %c0_i32_0 = arith.constant 0 : i32
    %c0_i32_1 = arith.constant 0 : i32
    return %arg0, %c0_i32, %c0_i32_0 : i32, i32, i32
  }
}

module attributes {stable_mosaic.version = 14 : i64} {
  func.func @_diag_factor_body(%arg0: i32, %arg1: memref<16x128x128xf32, #tpu.memory_space<vmem>>, %arg2: memref<16x128x128xf32, #tpu.memory_space<vmem>>, %arg3: memref<16x128x128xf32, #tpu.memory_space<vmem>>, %arg4: memref<16x128x128xf32, #tpu.memory_space<vmem>>) attributes {dimension_semantics = [#tpu.dimension_semantics<arbitrary>], iteration_bounds = array<i64: 1>, scalar_prefetch = 0 : i64, scratch_operands = 2 : i64, tpu.core_type = #tpu.core_type<tc>, window_params = [{transform_indices = @transform_0, window_bounds = array<i64: 16, 128, 128>}, {pipeline_mode = #tpu.pipeline_mode<synchronous>, transform_indices = @transform_1, window_bounds = array<i64: 16, 128, 128>}]} {
    %get3A = arith.constant 0 : index
    %get3A_0 = arith.constant 0 : index
    %get3A_1 = arith.constant 0 : index
    %get3A_2 = vector.load %arg1[%get3A, %get3A_0, %get3A_1] : memref<16x128x128xf32, #tpu.memory_space<vmem>>, vector<16x128x128xf32>
    %swap3A = arith.constant 0 : index
    %swap3A_3 = arith.constant 0 : index
    %swap3A_4 = arith.constant 0 : index
    %swap3A_5 = vector.load %arg3[%swap3A, %swap3A_3, %swap3A_4] : memref<16x128x128xf32, #tpu.memory_space<vmem>>, vector<16x128x128xf32>
    tpu.vector_store %arg3[%swap3A, %swap3A_3, %swap3A_4], %get3A_2 {strides = array<i32>} : memref<16x128x128xf32, #tpu.memory_space<vmem>>, vector<16x128x128xf32>,
    %iota3A = tpu.iota {dimensions = array<i32: 1>} : vector<1x128x1xi32>
    %iota3A_6 = tpu.iota {dimensions = array<i32: 2>} : vector<1x1x128xi32>
    %iota3A_7 = tpu.iota {dimensions = array<i32: 1>} : vector<1x32x1xi32>
    %lt3A = arith.constant 128 : i32
    %lt3A_8 = vector.broadcast %lt3A : i32 to vector<1x1x128xi32>
    %lt3A_9 = arith.cmpi slt, %iota3A_6, %lt3A_8 : vector<1x1x128xi32>
    %get3A_10 = arith.constant 0 : index
    %get3A_11 = arith.constant 96 : index
    %get3A_12 = arith.constant 0 : index
    %get3A_13 = vector.load %arg3[%get3A_10, %get3A_11, %get3A_12] : memref<16x128x128xf32, #tpu.memory_space<vmem>>, vector<16x32x128xf32>
    %jit3A = arith.constant 0.000000e+00 : f32
    %broadcast_in_dim3A = vector.shape_cast %lt3A_9 : vector<1x1x128xi1> to vector<1x1x128xi1>
    %broadcast_in_dim3A_14 = vector.broadcast %broadcast_in_dim3A : vector<1x1x128xi1> to vector<16x32x128xi1>
    %broadcast_in_dim3A_15 = vector.broadcast %jit3A : f32 to vector<16x32x128xf32>
    %select_n3A = arith.select %broadcast_in_dim3A_14, %get3A_13, %broadcast_in_dim3A_15 : vector<16x32x128xi1>, vector<16x32x128xf32>
    %swap3A_16 = arith.constant 0 : index
    %swap3A_17 = arith.constant 96 : index
    %swap3A_18 = arith.constant 0 : index
    %swap3A_19 = vector.load %arg4[%swap3A_16, %swap3A_17, %swap3A_18] : memref<16x128x128xf32, #tpu.memory_space<vmem>>, vector<16x32x128xf32>
    tpu.vector_store %arg4[%swap3A_16, %swap3A_17, %swap3A_18], %select_n3A {strides = array<i32>} : memref<16x128x128xf32, #tpu.memory_space<vmem>>, vector<16x32x128xf32>,
    %scan3A = arith.constant 0 : i32
    %scan3A_20 = arith.constant 32 : i32
    %scan3A_21 = arith.addi %scan3A, %scan3A_20 : i32
    %scan3A_22 = arith.constant 1 : i32
    scf.for %scan3A_200 = %scan3A to %scan3A_21 step %scan3A_22  : i32 {
      %get3A_201 = arith.constant 0 : index
      %get3A_202 = arith.constant 96 : index
      %get3A_203 = arith.constant 0 : index
      %get3A_204 = vector.load %arg4[%get3A_201, %get3A_202, %get3A_203] : memref<16x128x128xf32, #tpu.memory_space<vmem>>, vector<16x32x128xf32>
      %sub3A_205 = arith.constant 31 : i32
      %sub3A_206 = arith.subi %sub3A_205, %scan3A_200 : i32
      %add3A_207 = arith.constant 96 : i32
      %add3A_208 = arith.addi %add3A_207, %sub3A_206 : i32
      %eq3A_209 = vector.broadcast %add3A_208 : i32 to vector<1x1x128xi32>
      %eq3A_210 = arith.cmpi eq, %iota3A_6, %eq3A_209 : vector<1x1x128xi32>
      %eq3A_211 = vector.broadcast %sub3A_206 : i32 to vector<1x32x1xi32>
      %eq3A_212 = arith.cmpi eq, %iota3A_7, %eq3A_211 : vector<1x32x1xi32>
      %jit3A_213 = arith.constant 0.000000e+00 : f32
      %broadcast_in_dim3A_214 = vector.shape_cast %eq3A_212 : vector<1x32x1xi1> to vector<1x32x1xi1>
      %broadcast_in_dim3A_215 = vector.broadcast %broadcast_in_dim3A_214 : vector<1x32x1xi1> to vector<16x32x128xi1>
      %broadcast_in_dim3A_216 = vector.broadcast %jit3A_213 : f32 to vector<16x32x128xf32>
      %select_n3A_217 = arith.select %broadcast_in_dim3A_215, %get3A_204, %broadcast_in_dim3A_216 : vector<16x32x128xi1>, vector<16x32x128xf32>
      %reduce_sum3A_218 = arith.constant dense<0.000000e+00> : vector<16x128xf32>
      %reduce_sum3A_219 = vector.multi_reduction <add>, %select_n3A_217, %reduce_sum3A_218 [1] : vector<16x32x128xf32> to vector<16x128xf32>
      %broadcast_in_dim3A_220 = vector.shape_cast %reduce_sum3A_219 : vector<16x128xf32> to vector<16x1x128xf32>
      %jit3A_221 = arith.constant 0.000000e+00 : f32
      %broadcast_in_dim3A_222 = vector.shape_cast %eq3A_210 : vector<1x1x128xi1> to vector<1x1x128xi1>
      %broadcast_in_dim3A_223 = vector.broadcast %broadcast_in_dim3A_222 : vector<1x1x128xi1> to vector<16x1x128xi1>
      %broadcast_in_dim3A_224 = vector.broadcast %jit3A_221 : f32 to vector<16x1x128xf32>
      %select_n3A_225 = arith.select %broadcast_in_dim3A_223, %broadcast_in_dim3A_220, %broadcast_in_dim3A_224 : vector<16x1x128xi1>, vector<16x1x128xf32>
      %reduce_sum3A_226 = arith.constant dense<0.000000e+00> : vector<16x1xf32>
      %reduce_sum3A_227 = vector.multi_reduction <add>, %select_n3A_225, %reduce_sum3A_226 [2] : vector<16x1x128xf32> to vector<16x1xf32>
      %broadcast_in_dim3A_228 = vector.shape_cast %reduce_sum3A_227 : vector<16x1xf32> to vector<16x1x1xf32>
      %rsqrt3A = math.rsqrt %broadcast_in_dim3A_228 : vector<16x1x1xf32>
      %le3A = vector.broadcast %add3A_208 : i32 to vector<1x1x128xi32>
      %le3A_229 = arith.cmpi sle, %iota3A_6, %le3A : vector<1x1x128xi32>
      %mul3A = vector.broadcast %rsqrt3A : vector<16x1x1xf32> to vector<16x1x128xf32>
      %mul3A_230 = arith.mulf %broadcast_in_dim3A_220, %mul3A : vector<16x1x128xf32>
      %jit3A_231 = arith.constant 0.000000e+00 : f32
      %broadcast_in_dim3A_232 = vector.shape_cast %le3A_229 : vector<1x1x128xi1> to vector<1x1x128xi1>
      %broadcast_in_dim3A_233 = vector.broadcast %broadcast_in_dim3A_232 : vector<1x1x128xi1> to vector<16x1x128xi1>
      %broadcast_in_dim3A_234 = vector.broadcast %jit3A_231 : f32 to vector<16x1x128xf32>
      %select_n3A_235 = arith.select %broadcast_in_dim3A_233, %mul3A_230, %broadcast_in_dim3A_234 : vector<16x1x128xi1>, vector<16x1x128xf32>
      %jit3A_236 = arith.constant 0.000000e+00 : f32
      %broadcast_in_dim3A_237 = vector.shape_cast %eq3A_210 : vector<1x1x128xi1> to vector<1x1x128xi1>
      %broadcast_in_dim3A_238 = vector.broadcast %broadcast_in_dim3A_237 : vector<1x1x128xi1> to vector<16x32x128xi1>
      %broadcast_in_dim3A_239 = vector.broadcast %jit3A_236 : f32 to vector<16x32x128xf32>
      %select_n3A_240 = arith.select %broadcast_in_dim3A_238, %get3A_204, %broadcast_in_dim3A_239 : vector<16x32x128xi1>, vector<16x32x128xf32>
      %reduce_sum3A_241 = arith.constant dense<0.000000e+00> : vector<16x32xf32>
      %reduce_sum3A_242 = vector.multi_reduction <add>, %select_n3A_240, %reduce_sum3A_241 [2] : vector<16x32x128xf32> to vector<16x32xf32>
      %broadcast_in_dim3A_243 = vector.shape_cast %reduce_sum3A_242 : vector<16x32xf32> to vector<16x32x1xf32>
      %lt3A_244 = vector.broadcast %sub3A_206 : i32 to vector<1x32x1xi32>
      %lt3A_245 = arith.cmpi slt, %iota3A_7, %lt3A_244 : vector<1x32x1xi32>
      %mul3A_246 = vector.broadcast %rsqrt3A : vector<16x1x1xf32> to vector<16x32x1xf32>
      %mul3A_247 = arith.mulf %broadcast_in_dim3A_243, %mul3A_246 : vector<16x32x1xf32>
      %jit3A_248 = arith.constant 0.000000e+00 : f32
      %broadcast_in_dim3A_249 = vector.shape_cast %lt3A_245 : vector<1x32x1xi1> to vector<1x32x1xi1>
      %broadcast_in_dim3A_250 = vector.broadcast %broadcast_in_dim3A_249 : vector<1x32x1xi1> to vector<16x32x1xi1>
      %broadcast_in_dim3A_251 = vector.broadcast %jit3A_248 : f32 to vector<16x32x1xf32>
      %select_n3A_252 = arith.select %broadcast_in_dim3A_250, %mul3A_247, %broadcast_in_dim3A_251 : vector<16x32x1xi1>, vector<16x32x1xf32>
      %mul3A_253 = vector.broadcast %select_n3A_252 : vector<16x32x1xf32> to vector<16x32x128xf32>
      %mul3A_254 = vector.broadcast %select_n3A_235 : vector<16x1x128xf32> to vector<16x32x128xf32>
      %mul3A_255 = arith.mulf %mul3A_253, %mul3A_254 : vector<16x32x128xf32>
      %sub3A_256 = arith.subf %get3A_204, %mul3A_255 : vector<16x32x128xf32>
      %broadcast_in_dim3A_257 = vector.shape_cast %eq3A_212 : vector<1x32x1xi1> to vector<1x32x1xi1>
      %broadcast_in_dim3A_258 = vector.broadcast %broadcast_in_dim3A_257 : vector<1x32x1xi1> to vector<16x32x128xi1>
      %broadcast_in_dim3A_259 = vector.shape_cast %select_n3A_235 : vector<16x1x128xf32> to vector<16x1x128xf32>
      %broadcast_in_dim3A_260 = vector.broadcast %broadcast_in_dim3A_259 : vector<16x1x128xf32> to vector<16x32x128xf32>
      %select_n3A_261 = arith.select %broadcast_in_dim3A_258, %broadcast_in_dim3A_260, %sub3A_256 : vector<16x32x128xi1>, vector<16x32x128xf32>
      %swap3A_262 = arith.constant 0 : index
      %swap3A_263 = arith.constant 96 : index
      %swap3A_264 = arith.constant 0 : index
      %swap3A_265 = vector.load %arg4[%swap3A_262, %swap3A_263, %swap3A_264] : memref<16x128x128xf32, #tpu.memory_space<vmem>>, vector<16x32x128xf32>
      tpu.vector_store %arg4[%swap3A_262, %swap3A_263, %swap3A_264], %select_n3A_261 {strides = array<i32>} : memref<16x128x128xf32, #tpu.memory_space<vmem>>, vector<16x32x128xf32>,
    }
    %scan3A_23 = arith.constant 32 : i32
    %get3A_24 = arith.constant 0 : index
    %get3A_25 = arith.constant 96 : index
    %get3A_26 = arith.constant 0 : index
    %get3A_27 = vector.load %arg4[%get3A_24, %get3A_25, %get3A_26] : memref<16x128x128xf32, #tpu.memory_space<vmem>>, vector<16x32x128xf32>
    %get3A_28 = arith.constant 0 : index
    %get3A_29 = arith.constant 0 : index
    %get3A_30 = arith.constant 0 : index
    %get3A_31 = vector.load %arg3[%get3A_28, %get3A_29, %get3A_30] : memref<16x128x128xf32, #tpu.memory_space<vmem>>, vector<16x128x96xf32>
    %slice3A = vector.extract_strided_slice %get3A_27 {offsets = [0, 0, 0], sizes = [16, 32, 96], strides = [1, 1, 1]} : vector<16x32x128xf32> to vector<16x32x96xf32>
    %dot_general3A = arith.constant dense<0.000000e+00> : vector<16x128x96xf32>
    %dot_general3A_32 = tpu.matmul %get3A_27, %slice3A, %dot_general3A {dimension_numbers = #tpu.dot_dimension_numbers<[1], [1], [2], [2], [0, 0, 0, 2, 1, 2], [0], [0]>, precision = #tpu.contract_precision<fp32>, transpose_lhs_hint = false} : vector<16x32x128xf32>, vector<16x32x96xf32>, vector<16x128x96xf32> -> vector<16x128x96xf32>
    %sub3A = arith.subf %get3A_31, %dot_general3A_32 : vector<16x128x96xf32>
    %swap3A_33 = arith.constant 0 : index
    %swap3A_34 = arith.constant 0 : index
    %swap3A_35 = arith.constant 0 : index
    %swap3A_36 = vector.load %arg3[%swap3A_33, %swap3A_34, %swap3A_35] : memref<16x128x128xf32, #tpu.memory_space<vmem>>, vector<16x128x96xf32>
    tpu.vector_store %arg3[%swap3A_33, %swap3A_34, %swap3A_35], %sub3A {strides = array<i32>} : memref<16x128x128xf32, #tpu.memory_space<vmem>>, vector<16x128x96xf32>,
    %lt3A_37 = arith.constant 96 : i32
    %lt3A_38 = vector.broadcast %lt3A_37 : i32 to vector<1x1x128xi32>
    %lt3A_39 = arith.cmpi slt, %iota3A_6, %lt3A_38 : vector<1x1x128xi32>
    %get3A_40 = arith.constant 0 : index
    %get3A_41 = arith.constant 64 : index
    %get3A_42 = arith.constant 0 : index
    %get3A_43 = vector.load %arg3[%get3A_40, %get3A_41, %get3A_42] : memref<16x128x128xf32, #tpu.memory_space<vmem>>, vector<16x32x128xf32>
    %jit3A_44 = arith.constant 0.000000e+00 : f32
    %broadcast_in_dim3A_45 = vector.shape_cast %lt3A_39 : vector<1x1x128xi1> to vector<1x1x128xi1>
    %broadcast_in_dim3A_46 = vector.broadcast %broadcast_in_dim3A_45 : vector<1x1x128xi1> to vector<16x32x128xi1>
    %broadcast_in_dim3A_47 = vector.broadcast %jit3A_44 : f32 to vector<16x32x128xf32>
    %select_n3A_48 = arith.select %broadcast_in_dim3A_46, %get3A_43, %broadcast_in_dim3A_47 : vector<16x32x128xi1>, vector<16x32x128xf32>
    %swap3A_49 = arith.constant 0 : index
    %swap3A_50 = arith.constant 64 : index
    %swap3A_51 = arith.constant 0 : index
    %swap3A_52 = vector.load %arg4[%swap3A_49, %swap3A_50, %swap3A_51] : memref<16x128x128xf32, #tpu.memory_space<vmem>>, vector<16x32x128xf32>
    tpu.vector_store %arg4[%swap3A_49, %swap3A_50, %swap3A_51], %select_n3A_48 {strides = array<i32>} : memref<16x128x128xf32, #tpu.memory_space<vmem>>, vector<16x32x128xf32>,
    %scan3A_53 = arith.constant 0 : i32
    %scan3A_54 = arith.constant 32 : i32
    %scan3A_55 = arith.addi %scan3A_53, %scan3A_54 : i32
    %scan3A_56 = arith.constant 1 : i32
    scf.for %scan3A_200 = %scan3A_53 to %scan3A_55 step %scan3A_56  : i32 {
      %get3A_201 = arith.constant 0 : index
      %get3A_202 = arith.constant 64 : index
      %get3A_203 = arith.constant 0 : index
      %get3A_204 = vector.load %arg4[%get3A_201, %get3A_202, %get3A_203] : memref<16x128x128xf32, #tpu.memory_space<vmem>>, vector<16x32x128xf32>
      %sub3A_205 = arith.constant 31 : i32
      %sub3A_206 = arith.subi %sub3A_205, %scan3A_200 : i32
      %add3A_207 = arith.constant 64 : i32
      %add3A_208 = arith.addi %add3A_207, %sub3A_206 : i32
      %eq3A_209 = vector.broadcast %add3A_208 : i32 to vector<1x1x128xi32>
      %eq3A_210 = arith.cmpi eq, %iota3A_6, %eq3A_209 : vector<1x1x128xi32>
      %eq3A_211 = vector.broadcast %sub3A_206 : i32 to vector<1x32x1xi32>
      %eq3A_212 = arith.cmpi eq, %iota3A_7, %eq3A_211 : vector<1x32x1xi32>
      %jit3A_213 = arith.constant 0.000000e+00 : f32
      %broadcast_in_dim3A_214 = vector.shape_cast %eq3A_212 : vector<1x32x1xi1> to vector<1x32x1xi1>
      %broadcast_in_dim3A_215 = vector.broadcast %broadcast_in_dim3A_214 : vector<1x32x1xi1> to vector<16x32x128xi1>
      %broadcast_in_dim3A_216 = vector.broadcast %jit3A_213 : f32 to vector<16x32x128xf32>
      %select_n3A_217 = arith.select %broadcast_in_dim3A_215, %get3A_204, %broadcast_in_dim3A_216 : vector<16x32x128xi1>, vector<16x32x128xf32>
      %reduce_sum3A_218 = arith.constant dense<0.000000e+00> : vector<16x128xf32>
      %reduce_sum3A_219 = vector.multi_reduction <add>, %select_n3A_217, %reduce_sum3A_218 [1] : vector<16x32x128xf32> to vector<16x128xf32>
      %broadcast_in_dim3A_220 = vector.shape_cast %reduce_sum3A_219 : vector<16x128xf32> to vector<16x1x128xf32>
      %jit3A_221 = arith.constant 0.000000e+00 : f32
      %broadcast_in_dim3A_222 = vector.shape_cast %eq3A_210 : vector<1x1x128xi1> to vector<1x1x128xi1>
      %broadcast_in_dim3A_223 = vector.broadcast %broadcast_in_dim3A_222 : vector<1x1x128xi1> to vector<16x1x128xi1>
      %broadcast_in_dim3A_224 = vector.broadcast %jit3A_221 : f32 to vector<16x1x128xf32>
      %select_n3A_225 = arith.select %broadcast_in_dim3A_223, %broadcast_in_dim3A_220, %broadcast_in_dim3A_224 : vector<16x1x128xi1>, vector<16x1x128xf32>
      %reduce_sum3A_226 = arith.constant dense<0.000000e+00> : vector<16x1xf32>
      %reduce_sum3A_227 = vector.multi_reduction <add>, %select_n3A_225, %reduce_sum3A_226 [2] : vector<16x1x128xf32> to vector<16x1xf32>
      %broadcast_in_dim3A_228 = vector.shape_cast %reduce_sum3A_227 : vector<16x1xf32> to vector<16x1x1xf32>
      %rsqrt3A = math.rsqrt %broadcast_in_dim3A_228 : vector<16x1x1xf32>
      %le3A = vector.broadcast %add3A_208 : i32 to vector<1x1x128xi32>
      %le3A_229 = arith.cmpi sle, %iota3A_6, %le3A : vector<1x1x128xi32>
      %mul3A = vector.broadcast %rsqrt3A : vector<16x1x1xf32> to vector<16x1x128xf32>
      %mul3A_230 = arith.mulf %broadcast_in_dim3A_220, %mul3A : vector<16x1x128xf32>
      %jit3A_231 = arith.constant 0.000000e+00 : f32
      %broadcast_in_dim3A_232 = vector.shape_cast %le3A_229 : vector<1x1x128xi1> to vector<1x1x128xi1>
      %broadcast_in_dim3A_233 = vector.broadcast %broadcast_in_dim3A_232 : vector<1x1x128xi1> to vector<16x1x128xi1>
      %broadcast_in_dim3A_234 = vector.broadcast %jit3A_231 : f32 to vector<16x1x128xf32>
      %select_n3A_235 = arith.select %broadcast_in_dim3A_233, %mul3A_230, %broadcast_in_dim3A_234 : vector<16x1x128xi1>, vector<16x1x128xf32>
      %jit3A_236 = arith.constant 0.000000e+00 : f32
      %broadcast_in_dim3A_237 = vector.shape_cast %eq3A_210 : vector<1x1x128xi1> to vector<1x1x128xi1>
      %broadcast_in_dim3A_238 = vector.broadcast %broadcast_in_dim3A_237 : vector<1x1x128xi1> to vector<16x32x128xi1>
      %broadcast_in_dim3A_239 = vector.broadcast %jit3A_236 : f32 to vector<16x32x128xf32>
      %select_n3A_240 = arith.select %broadcast_in_dim3A_238, %get3A_204, %broadcast_in_dim3A_239 : vector<16x32x128xi1>, vector<16x32x128xf32>
      %reduce_sum3A_241 = arith.constant dense<0.000000e+00> : vector<16x32xf32>
      %reduce_sum3A_242 = vector.multi_reduction <add>, %select_n3A_240, %reduce_sum3A_241 [2] : vector<16x32x128xf32> to vector<16x32xf32>
      %broadcast_in_dim3A_243 = vector.shape_cast %reduce_sum3A_242 : vector<16x32xf32> to vector<16x32x1xf32>
      %lt3A_244 = vector.broadcast %sub3A_206 : i32 to vector<1x32x1xi32>
      %lt3A_245 = arith.cmpi slt, %iota3A_7, %lt3A_244 : vector<1x32x1xi32>
      %mul3A_246 = vector.broadcast %rsqrt3A : vector<16x1x1xf32> to vector<16x32x1xf32>
      %mul3A_247 = arith.mulf %broadcast_in_dim3A_243, %mul3A_246 : vector<16x32x1xf32>
      %jit3A_248 = arith.constant 0.000000e+00 : f32
      %broadcast_in_dim3A_249 = vector.shape_cast %lt3A_245 : vector<1x32x1xi1> to vector<1x32x1xi1>
      %broadcast_in_dim3A_250 = vector.broadcast %broadcast_in_dim3A_249 : vector<1x32x1xi1> to vector<16x32x1xi1>
      %broadcast_in_dim3A_251 = vector.broadcast %jit3A_248 : f32 to vector<16x32x1xf32>
      %select_n3A_252 = arith.select %broadcast_in_dim3A_250, %mul3A_247, %broadcast_in_dim3A_251 : vector<16x32x1xi1>, vector<16x32x1xf32>
      %mul3A_253 = vector.broadcast %select_n3A_252 : vector<16x32x1xf32> to vector<16x32x128xf32>
      %mul3A_254 = vector.broadcast %select_n3A_235 : vector<16x1x128xf32> to vector<16x32x128xf32>
      %mul3A_255 = arith.mulf %mul3A_253, %mul3A_254 : vector<16x32x128xf32>
      %sub3A_256 = arith.subf %get3A_204, %mul3A_255 : vector<16x32x128xf32>
      %broadcast_in_dim3A_257 = vector.shape_cast %eq3A_212 : vector<1x32x1xi1> to vector<1x32x1xi1>
      %broadcast_in_dim3A_258 = vector.broadcast %broadcast_in_dim3A_257 : vector<1x32x1xi1> to vector<16x32x128xi1>
      %broadcast_in_dim3A_259 = vector.shape_cast %select_n3A_235 : vector<16x1x128xf32> to vector<16x1x128xf32>
      %broadcast_in_dim3A_260 = vector.broadcast %broadcast_in_dim3A_259 : vector<16x1x128xf32> to vector<16x32x128xf32>
      %select_n3A_261 = arith.select %broadcast_in_dim3A_258, %broadcast_in_dim3A_260, %sub3A_256 : vector<16x32x128xi1>, vector<16x32x128xf32>
      %swap3A_262 = arith.constant 0 : index
      %swap3A_263 = arith.constant 64 : index
      %swap3A_264 = arith.constant 0 : index
      %swap3A_265 = vector.load %arg4[%swap3A_262, %swap3A_263, %swap3A_264] : memref<16x128x128xf32, #tpu.memory_space<vmem>>, vector<16x32x128xf32>
      tpu.vector_store %arg4[%swap3A_262, %swap3A_263, %swap3A_264], %select_n3A_261 {strides = array<i32>} : memref<16x128x128xf32, #tpu.memory_space<vmem>>, vector<16x32x128xf32>,
    }
    %scan3A_57 = arith.constant 32 : i32
    %get3A_58 = arith.constant 0 : index
    %get3A_59 = arith.constant 64 : index
    %get3A_60 = arith.constant 0 : index
    %get3A_61 = vector.load %arg4[%get3A_58, %get3A_59, %get3A_60] : memref<16x128x128xf32, #tpu.memory_space<vmem>>, vector<16x32x128xf32>
    %get3A_62 = arith.constant 0 : index
    %get3A_63 = arith.constant 0 : index
    %get3A_64 = arith.constant 0 : index
    %get3A_65 = vector.load %arg3[%get3A_62, %get3A_63, %get3A_64] : memref<16x128x128xf32, #tpu.memory_space<vmem>>, vector<16x128x64xf32>
    %slice3A_66 = vector.extract_strided_slice %get3A_61 {offsets = [0, 0, 0], sizes = [16, 32, 64], strides = [1, 1, 1]} : vector<16x32x128xf32> to vector<16x32x64xf32>
    %dot_general3A_67 = arith.constant dense<0.000000e+00> : vector<16x128x64xf32>
    %dot_general3A_68 = tpu.matmul %get3A_61, %slice3A_66, %dot_general3A_67 {dimension_numbers = #tpu.dot_dimension_numbers<[1], [1], [2], [2], [0, 0, 0, 2, 1, 2], [0], [0]>, precision = #tpu.contract_precision<fp32>, transpose_lhs_hint = false} : vector<16x32x128xf32>, vector<16x32x64xf32>, vector<16x128x64xf32> -> vector<16x128x64xf32>
    %sub3A_69 = arith.subf %get3A_65, %dot_general3A_68 : vector<16x128x64xf32>
    %swap3A_70 = arith.constant 0 : index
    %swap3A_71 = arith.constant 0 : index
    %swap3A_72 = arith.constant 0 : index
    %swap3A_73 = vector.load %arg3[%swap3A_70, %swap3A_71, %swap3A_72] : memref<16x128x128xf32, #tpu.memory_space<vmem>>, vector<16x128x64xf32>
    tpu.vector_store %arg3[%swap3A_70, %swap3A_71, %swap3A_72], %sub3A_69 {strides = array<i32>} : memref<16x128x128xf32, #tpu.memory_space<vmem>>, vector<16x128x64xf32>,
    %lt3A_74 = arith.constant 64 : i32
    %lt3A_75 = vector.broadcast %lt3A_74 : i32 to vector<1x1x128xi32>
    %lt3A_76 = arith.cmpi slt, %iota3A_6, %lt3A_75 : vector<1x1x128xi32>
    %get3A_77 = arith.constant 0 : index
    %get3A_78 = arith.constant 32 : index
    %get3A_79 = arith.constant 0 : index
    %get3A_80 = vector.load %arg3[%get3A_77, %get3A_78, %get3A_79] : memref<16x128x128xf32, #tpu.memory_space<vmem>>, vector<16x32x128xf32>
    %jit3A_81 = arith.constant 0.000000e+00 : f32
    %broadcast_in_dim3A_82 = vector.shape_cast %lt3A_76 : vector<1x1x128xi1> to vector<1x1x128xi1>
    %broadcast_in_dim3A_83 = vector.broadcast %broadcast_in_dim3A_82 : vector<1x1x128xi1> to vector<16x32x128xi1>
    %broadcast_in_dim3A_84 = vector.broadcast %jit3A_81 : f32 to vector<16x32x128xf32>
    %select_n3A_85 = arith.select %broadcast_in_dim3A_83, %get3A_80, %broadcast_in_dim3A_84 : vector<16x32x128xi1>, vector<16x32x128xf32>
    %swap3A_86 = arith.constant 0 : index
    %swap3A_87 = arith.constant 32 : index
    %swap3A_88 = arith.constant 0 : index
    %swap3A_89 = vector.load %arg4[%swap3A_86, %swap3A_87, %swap3A_88] : memref<16x128x128xf32, #tpu.memory_space<vmem>>, vector<16x32x128xf32>
    tpu.vector_store %arg4[%swap3A_86, %swap3A_87, %swap3A_88], %select_n3A_85 {strides = array<i32>} : memref<16x128x128xf32, #tpu.memory_space<vmem>>, vector<16x32x128xf32>,
    %scan3A_90 = arith.constant 0 : i32
    %scan3A_91 = arith.constant 32 : i32
    %scan3A_92 = arith.addi %scan3A_90, %scan3A_91 : i32
    %scan3A_93 = arith.constant 1 : i32
    scf.for %scan3A_200 = %scan3A_90 to %scan3A_92 step %scan3A_93  : i32 {
      %get3A_201 = arith.constant 0 : index
      %get3A_202 = arith.constant 32 : index
      %get3A_203 = arith.constant 0 : index
      %get3A_204 = vector.load %arg4[%get3A_201, %get3A_202, %get3A_203] : memref<16x128x128xf32, #tpu.memory_space<vmem>>, vector<16x32x128xf32>
      %sub3A_205 = arith.constant 31 : i32
      %sub3A_206 = arith.subi %sub3A_205, %scan3A_200 : i32
      %add3A_207 = arith.constant 32 : i32
      %add3A_208 = arith.addi %add3A_207, %sub3A_206 : i32
      %eq3A_209 = vector.broadcast %add3A_208 : i32 to vector<1x1x128xi32>
      %eq3A_210 = arith.cmpi eq, %iota3A_6, %eq3A_209 : vector<1x1x128xi32>
      %eq3A_211 = vector.broadcast %sub3A_206 : i32 to vector<1x32x1xi32>
      %eq3A_212 = arith.cmpi eq, %iota3A_7, %eq3A_211 : vector<1x32x1xi32>
      %jit3A_213 = arith.constant 0.000000e+00 : f32
      %broadcast_in_dim3A_214 = vector.shape_cast %eq3A_212 : vector<1x32x1xi1> to vector<1x32x1xi1>
      %broadcast_in_dim3A_215 = vector.broadcast %broadcast_in_dim3A_214 : vector<1x32x1xi1> to vector<16x32x128xi1>
      %broadcast_in_dim3A_216 = vector.broadcast %jit3A_213 : f32 to vector<16x32x128xf32>
      %select_n3A_217 = arith.select %broadcast_in_dim3A_215, %get3A_204, %broadcast_in_dim3A_216 : vector<16x32x128xi1>, vector<16x32x128xf32>
      %reduce_sum3A_218 = arith.constant dense<0.000000e+00> : vector<16x128xf32>
      %reduce_sum3A_219 = vector.multi_reduction <add>, %select_n3A_217, %reduce_sum3A_218 [1] : vector<16x32x128xf32> to vector<16x128xf32>
      %broadcast_in_dim3A_220 = vector.shape_cast %reduce_sum3A_219 : vector<16x128xf32> to vector<16x1x128xf32>
      %jit3A_221 = arith.constant 0.000000e+00 : f32
      %broadcast_in_dim3A_222 = vector.shape_cast %eq3A_210 : vector<1x1x128xi1> to vector<1x1x128xi1>
      %broadcast_in_dim3A_223 = vector.broadcast %broadcast_in_dim3A_222 : vector<1x1x128xi1> to vector<16x1x128xi1>
      %broadcast_in_dim3A_224 = vector.broadcast %jit3A_221 : f32 to vector<16x1x128xf32>
      %select_n3A_225 = arith.select %broadcast_in_dim3A_223, %broadcast_in_dim3A_220, %broadcast_in_dim3A_224 : vector<16x1x128xi1>, vector<16x1x128xf32>
      %reduce_sum3A_226 = arith.constant dense<0.000000e+00> : vector<16x1xf32>
      %reduce_sum3A_227 = vector.multi_reduction <add>, %select_n3A_225, %reduce_sum3A_226 [2] : vector<16x1x128xf32> to vector<16x1xf32>
      %broadcast_in_dim3A_228 = vector.shape_cast %reduce_sum3A_227 : vector<16x1xf32> to vector<16x1x1xf32>
      %rsqrt3A = math.rsqrt %broadcast_in_dim3A_228 : vector<16x1x1xf32>
      %le3A = vector.broadcast %add3A_208 : i32 to vector<1x1x128xi32>
      %le3A_229 = arith.cmpi sle, %iota3A_6, %le3A : vector<1x1x128xi32>
      %mul3A = vector.broadcast %rsqrt3A : vector<16x1x1xf32> to vector<16x1x128xf32>
      %mul3A_230 = arith.mulf %broadcast_in_dim3A_220, %mul3A : vector<16x1x128xf32>
      %jit3A_231 = arith.constant 0.000000e+00 : f32
      %broadcast_in_dim3A_232 = vector.shape_cast %le3A_229 : vector<1x1x128xi1> to vector<1x1x128xi1>
      %broadcast_in_dim3A_233 = vector.broadcast %broadcast_in_dim3A_232 : vector<1x1x128xi1> to vector<16x1x128xi1>
      %broadcast_in_dim3A_234 = vector.broadcast %jit3A_231 : f32 to vector<16x1x128xf32>
      %select_n3A_235 = arith.select %broadcast_in_dim3A_233, %mul3A_230, %broadcast_in_dim3A_234 : vector<16x1x128xi1>, vector<16x1x128xf32>
      %jit3A_236 = arith.constant 0.000000e+00 : f32
      %broadcast_in_dim3A_237 = vector.shape_cast %eq3A_210 : vector<1x1x128xi1> to vector<1x1x128xi1>
      %broadcast_in_dim3A_238 = vector.broadcast %broadcast_in_dim3A_237 : vector<1x1x128xi1> to vector<16x32x128xi1>
      %broadcast_in_dim3A_239 = vector.broadcast %jit3A_236 : f32 to vector<16x32x128xf32>
      %select_n3A_240 = arith.select %broadcast_in_dim3A_238, %get3A_204, %broadcast_in_dim3A_239 : vector<16x32x128xi1>, vector<16x32x128xf32>
      %reduce_sum3A_241 = arith.constant dense<0.000000e+00> : vector<16x32xf32>
      %reduce_sum3A_242 = vector.multi_reduction <add>, %select_n3A_240, %reduce_sum3A_241 [2] : vector<16x32x128xf32> to vector<16x32xf32>
      %broadcast_in_dim3A_243 = vector.shape_cast %reduce_sum3A_242 : vector<16x32xf32> to vector<16x32x1xf32>
      %lt3A_244 = vector.broadcast %sub3A_206 : i32 to vector<1x32x1xi32>
      %lt3A_245 = arith.cmpi slt, %iota3A_7, %lt3A_244 : vector<1x32x1xi32>
      %mul3A_246 = vector.broadcast %rsqrt3A : vector<16x1x1xf32> to vector<16x32x1xf32>
      %mul3A_247 = arith.mulf %broadcast_in_dim3A_243, %mul3A_246 : vector<16x32x1xf32>
      %jit3A_248 = arith.constant 0.000000e+00 : f32
      %broadcast_in_dim3A_249 = vector.shape_cast %lt3A_245 : vector<1x32x1xi1> to vector<1x32x1xi1>
      %broadcast_in_dim3A_250 = vector.broadcast %broadcast_in_dim3A_249 : vector<1x32x1xi1> to vector<16x32x1xi1>
      %broadcast_in_dim3A_251 = vector.broadcast %jit3A_248 : f32 to vector<16x32x1xf32>
      %select_n3A_252 = arith.select %broadcast_in_dim3A_250, %mul3A_247, %broadcast_in_dim3A_251 : vector<16x32x1xi1>, vector<16x32x1xf32>
      %mul3A_253 = vector.broadcast %select_n3A_252 : vector<16x32x1xf32> to vector<16x32x128xf32>
      %mul3A_254 = vector.broadcast %select_n3A_235 : vector<16x1x128xf32> to vector<16x32x128xf32>
      %mul3A_255 = arith.mulf %mul3A_253, %mul3A_254 : vector<16x32x128xf32>
      %sub3A_256 = arith.subf %get3A_204, %mul3A_255 : vector<16x32x128xf32>
      %broadcast_in_dim3A_257 = vector.shape_cast %eq3A_212 : vector<1x32x1xi1> to vector<1x32x1xi1>
      %broadcast_in_dim3A_258 = vector.broadcast %broadcast_in_dim3A_257 : vector<1x32x1xi1> to vector<16x32x128xi1>
      %broadcast_in_dim3A_259 = vector.shape_cast %select_n3A_235 : vector<16x1x128xf32> to vector<16x1x128xf32>
      %broadcast_in_dim3A_260 = vector.broadcast %broadcast_in_dim3A_259 : vector<16x1x128xf32> to vector<16x32x128xf32>
      %select_n3A_261 = arith.select %broadcast_in_dim3A_258, %broadcast_in_dim3A_260, %sub3A_256 : vector<16x32x128xi1>, vector<16x32x128xf32>
      %swap3A_262 = arith.constant 0 : index
      %swap3A_263 = arith.constant 32 : index
      %swap3A_264 = arith.constant 0 : index
      %swap3A_265 = vector.load %arg4[%swap3A_262, %swap3A_263, %swap3A_264] : memref<16x128x128xf32, #tpu.memory_space<vmem>>, vector<16x32x128xf32>
      tpu.vector_store %arg4[%swap3A_262, %swap3A_263, %swap3A_264], %select_n3A_261 {strides = array<i32>} : memref<16x128x128xf32, #tpu.memory_space<vmem>>, vector<16x32x128xf32>,
    }
    %scan3A_94 = arith.constant 32 : i32
    %get3A_95 = arith.constant 0 : index
    %get3A_96 = arith.constant 32 : index
    %get3A_97 = arith.constant 0 : index
    %get3A_98 = vector.load %arg4[%get3A_95, %get3A_96, %get3A_97] : memref<16x128x128xf32, #tpu.memory_space<vmem>>, vector<16x32x128xf32>
    %get3A_99 = arith.constant 0 : index
    %get3A_100 = arith.constant 0 : index
    %get3A_101 = arith.constant 0 : index
    %get3A_102 = vector.load %arg3[%get3A_99, %get3A_100, %get3A_101] : memref<16x128x128xf32, #tpu.memory_space<vmem>>, vector<16x128x32xf32>
    %slice3A_103 = vector.extract_strided_slice %get3A_98 {offsets = [0, 0, 0], sizes = [16, 32, 32], strides = [1, 1, 1]} : vector<16x32x128xf32> to vector<16x32x32xf32>
    %dot_general3A_104 = arith.constant dense<0.000000e+00> : vector<16x128x32xf32>
    %dot_general3A_105 = tpu.matmul %get3A_98, %slice3A_103, %dot_general3A_104 {dimension_numbers = #tpu.dot_dimension_numbers<[1], [1], [2], [2], [0, 0, 0, 2, 1, 2], [0], [0]>, precision = #tpu.contract_precision<fp32>, transpose_lhs_hint = false} : vector<16x32x128xf32>, vector<16x32x32xf32>, vector<16x128x32xf32> -> vector<16x128x32xf32>
    %sub3A_106 = arith.subf %get3A_102, %dot_general3A_105 : vector<16x128x32xf32>
    %swap3A_107 = arith.constant 0 : index
    %swap3A_108 = arith.constant 0 : index
    %swap3A_109 = arith.constant 0 : index
    %swap3A_110 = vector.load %arg3[%swap3A_107, %swap3A_108, %swap3A_109] : memref<16x128x128xf32, #tpu.memory_space<vmem>>, vector<16x128x32xf32>
    tpu.vector_store %arg3[%swap3A_107, %swap3A_108, %swap3A_109], %sub3A_106 {strides = array<i32>} : memref<16x128x128xf32, #tpu.memory_space<vmem>>, vector<16x128x32xf32>,
    %lt3A_111 = arith.constant 32 : i32
    %lt3A_112 = vector.broadcast %lt3A_111 : i32 to vector<1x1x128xi32>
    %lt3A_113 = arith.cmpi slt, %iota3A_6, %lt3A_112 : vector<1x1x128xi32>
    %get3A_114 = arith.constant 0 : index
    %get3A_115 = arith.constant 0 : index
    %get3A_116 = arith.constant 0 : index
    %get3A_117 = vector.load %arg3[%get3A_114, %get3A_115, %get3A_116] : memref<16x128x128xf32, #tpu.memory_space<vmem>>, vector<16x32x128xf32>
    %jit3A_118 = arith.constant 0.000000e+00 : f32
    %broadcast_in_dim3A_119 = vector.shape_cast %lt3A_113 : vector<1x1x128xi1> to vector<1x1x128xi1>
    %broadcast_in_dim3A_120 = vector.broadcast %broadcast_in_dim3A_119 : vector<1x1x128xi1> to vector<16x32x128xi1>
    %broadcast_in_dim3A_121 = vector.broadcast %jit3A_118 : f32 to vector<16x32x128xf32>
    %select_n3A_122 = arith.select %broadcast_in_dim3A_120, %get3A_117, %broadcast_in_dim3A_121 : vector<16x32x128xi1>, vector<16x32x128xf32>
    %swap3A_123 = arith.constant 0 : index
    %swap3A_124 = arith.constant 0 : index
    %swap3A_125 = arith.constant 0 : index
    %swap3A_126 = vector.load %arg4[%swap3A_123, %swap3A_124, %swap3A_125] : memref<16x128x128xf32, #tpu.memory_space<vmem>>, vector<16x32x128xf32>
    tpu.vector_store %arg4[%swap3A_123, %swap3A_124, %swap3A_125], %select_n3A_122 {strides = array<i32>} : memref<16x128x128xf32, #tpu.memory_space<vmem>>, vector<16x32x128xf32>,
    %scan3A_127 = arith.constant 0 : i32
    %scan3A_128 = arith.constant 32 : i32
    %scan3A_129 = arith.addi %scan3A_127, %scan3A_128 : i32
    %scan3A_130 = arith.constant 1 : i32
    scf.for %scan3A_200 = %scan3A_127 to %scan3A_129 step %scan3A_130  : i32 {
      %get3A_201 = arith.constant 0 : index
      %get3A_202 = arith.constant 0 : index
      %get3A_203 = arith.constant 0 : index
      %get3A_204 = vector.load %arg4[%get3A_201, %get3A_202, %get3A_203] : memref<16x128x128xf32, #tpu.memory_space<vmem>>, vector<16x32x128xf32>
      %sub3A_205 = arith.constant 31 : i32
      %sub3A_206 = arith.subi %sub3A_205, %scan3A_200 : i32
      %add3A_207 = arith.constant 0 : i32
      %add3A_208 = arith.addi %add3A_207, %sub3A_206 : i32
      %eq3A_209 = vector.broadcast %add3A_208 : i32 to vector<1x1x128xi32>
      %eq3A_210 = arith.cmpi eq, %iota3A_6, %eq3A_209 : vector<1x1x128xi32>
      %eq3A_211 = vector.broadcast %sub3A_206 : i32 to vector<1x32x1xi32>
      %eq3A_212 = arith.cmpi eq, %iota3A_7, %eq3A_211 : vector<1x32x1xi32>
      %jit3A_213 = arith.constant 0.000000e+00 : f32
      %broadcast_in_dim3A_214 = vector.shape_cast %eq3A_212 : vector<1x32x1xi1> to vector<1x32x1xi1>
      %broadcast_in_dim3A_215 = vector.broadcast %broadcast_in_dim3A_214 : vector<1x32x1xi1> to vector<16x32x128xi1>
      %broadcast_in_dim3A_216 = vector.broadcast %jit3A_213 : f32 to vector<16x32x128xf32>
      %select_n3A_217 = arith.select %broadcast_in_dim3A_215, %get3A_204, %broadcast_in_dim3A_216 : vector<16x32x128xi1>, vector<16x32x128xf32>
      %reduce_sum3A_218 = arith.constant dense<0.000000e+00> : vector<16x128xf32>
      %reduce_sum3A_219 = vector.multi_reduction <add>, %select_n3A_217, %reduce_sum3A_218 [1] : vector<16x32x128xf32> to vector<16x128xf32>
      %broadcast_in_dim3A_220 = vector.shape_cast %reduce_sum3A_219 : vector<16x128xf32> to vector<16x1x128xf32>
      %jit3A_221 = arith.constant 0.000000e+00 : f32
      %broadcast_in_dim3A_222 = vector.shape_cast %eq3A_210 : vector<1x1x128xi1> to vector<1x1x128xi1>
      %broadcast_in_dim3A_223 = vector.broadcast %broadcast_in_dim3A_222 : vector<1x1x128xi1> to vector<16x1x128xi1>
      %broadcast_in_dim3A_224 = vector.broadcast %jit3A_221 : f32 to vector<16x1x128xf32>
      %select_n3A_225 = arith.select %broadcast_in_dim3A_223, %broadcast_in_dim3A_220, %broadcast_in_dim3A_224 : vector<16x1x128xi1>, vector<16x1x128xf32>
      %reduce_sum3A_226 = arith.constant dense<0.000000e+00> : vector<16x1xf32>
      %reduce_sum3A_227 = vector.multi_reduction <add>, %select_n3A_225, %reduce_sum3A_226 [2] : vector<16x1x128xf32> to vector<16x1xf32>
      %broadcast_in_dim3A_228 = vector.shape_cast %reduce_sum3A_227 : vector<16x1xf32> to vector<16x1x1xf32>
      %rsqrt3A = math.rsqrt %broadcast_in_dim3A_228 : vector<16x1x1xf32>
      %le3A = vector.broadcast %add3A_208 : i32 to vector<1x1x128xi32>
      %le3A_229 = arith.cmpi sle, %iota3A_6, %le3A : vector<1x1x128xi32>
      %mul3A = vector.broadcast %rsqrt3A : vector<16x1x1xf32> to vector<16x1x128xf32>
      %mul3A_230 = arith.mulf %broadcast_in_dim3A_220, %mul3A : vector<16x1x128xf32>
      %jit3A_231 = arith.constant 0.000000e+00 : f32
      %broadcast_in_dim3A_232 = vector.shape_cast %le3A_229 : vector<1x1x128xi1> to vector<1x1x128xi1>
      %broadcast_in_dim3A_233 = vector.broadcast %broadcast_in_dim3A_232 : vector<1x1x128xi1> to vector<16x1x128xi1>
      %broadcast_in_dim3A_234 = vector.broadcast %jit3A_231 : f32 to vector<16x1x128xf32>
      %select_n3A_235 = arith.select %broadcast_in_dim3A_233, %mul3A_230, %broadcast_in_dim3A_234 : vector<16x1x128xi1>, vector<16x1x128xf32>
      %jit3A_236 = arith.constant 0.000000e+00 : f32
      %broadcast_in_dim3A_237 = vector.shape_cast %eq3A_210 : vector<1x1x128xi1> to vector<1x1x128xi1>
      %broadcast_in_dim3A_238 = vector.broadcast %broadcast_in_dim3A_237 : vector<1x1x128xi1> to vector<16x32x128xi1>
      %broadcast_in_dim3A_239 = vector.broadcast %jit3A_236 : f32 to vector<16x32x128xf32>
      %select_n3A_240 = arith.select %broadcast_in_dim3A_238, %get3A_204, %broadcast_in_dim3A_239 : vector<16x32x128xi1>, vector<16x32x128xf32>
      %reduce_sum3A_241 = arith.constant dense<0.000000e+00> : vector<16x32xf32>
      %reduce_sum3A_242 = vector.multi_reduction <add>, %select_n3A_240, %reduce_sum3A_241 [2] : vector<16x32x128xf32> to vector<16x32xf32>
      %broadcast_in_dim3A_243 = vector.shape_cast %reduce_sum3A_242 : vector<16x32xf32> to vector<16x32x1xf32>
      %lt3A_244 = vector.broadcast %sub3A_206 : i32 to vector<1x32x1xi32>
      %lt3A_245 = arith.cmpi slt, %iota3A_7, %lt3A_244 : vector<1x32x1xi32>
      %mul3A_246 = vector.broadcast %rsqrt3A : vector<16x1x1xf32> to vector<16x32x1xf32>
      %mul3A_247 = arith.mulf %broadcast_in_dim3A_243, %mul3A_246 : vector<16x32x1xf32>
      %jit3A_248 = arith.constant 0.000000e+00 : f32
      %broadcast_in_dim3A_249 = vector.shape_cast %lt3A_245 : vector<1x32x1xi1> to vector<1x32x1xi1>
      %broadcast_in_dim3A_250 = vector.broadcast %broadcast_in_dim3A_249 : vector<1x32x1xi1> to vector<16x32x1xi1>
      %broadcast_in_dim3A_251 = vector.broadcast %jit3A_248 : f32 to vector<16x32x1xf32>
      %select_n3A_252 = arith.select %broadcast_in_dim3A_250, %mul3A_247, %broadcast_in_dim3A_251 : vector<16x32x1xi1>, vector<16x32x1xf32>
      %mul3A_253 = vector.broadcast %select_n3A_252 : vector<16x32x1xf32> to vector<16x32x128xf32>
      %mul3A_254 = vector.broadcast %select_n3A_235 : vector<16x1x128xf32> to vector<16x32x128xf32>
      %mul3A_255 = arith.mulf %mul3A_253, %mul3A_254 : vector<16x32x128xf32>
      %sub3A_256 = arith.subf %get3A_204, %mul3A_255 : vector<16x32x128xf32>
      %broadcast_in_dim3A_257 = vector.shape_cast %eq3A_212 : vector<1x32x1xi1> to vector<1x32x1xi1>
      %broadcast_in_dim3A_258 = vector.broadcast %broadcast_in_dim3A_257 : vector<1x32x1xi1> to vector<16x32x128xi1>
      %broadcast_in_dim3A_259 = vector.shape_cast %select_n3A_235 : vector<16x1x128xf32> to vector<16x1x128xf32>
      %broadcast_in_dim3A_260 = vector.broadcast %broadcast_in_dim3A_259 : vector<16x1x128xf32> to vector<16x32x128xf32>
      %select_n3A_261 = arith.select %broadcast_in_dim3A_258, %broadcast_in_dim3A_260, %sub3A_256 : vector<16x32x128xi1>, vector<16x32x128xf32>
      %swap3A_262 = arith.constant 0 : index
      %swap3A_263 = arith.constant 0 : index
      %swap3A_264 = arith.constant 0 : index
      %swap3A_265 = vector.load %arg4[%swap3A_262, %swap3A_263, %swap3A_264] : memref<16x128x128xf32, #tpu.memory_space<vmem>>, vector<16x32x128xf32>
      tpu.vector_store %arg4[%swap3A_262, %swap3A_263, %swap3A_264], %select_n3A_261 {strides = array<i32>} : memref<16x128x128xf32, #tpu.memory_space<vmem>>, vector<16x32x128xf32>,
    }
    %scan3A_131 = arith.constant 32 : i32
    %get3A_132 = arith.constant 0 : index
    %get3A_133 = arith.constant 0 : index
    %get3A_134 = arith.constant 0 : index
    %get3A_135 = vector.load %arg4[%get3A_132, %get3A_133, %get3A_134] : memref<16x128x128xf32, #tpu.memory_space<vmem>>, vector<16x128x128xf32>
    %eq3A = vector.broadcast %iota3A : vector<1x128x1xi32> to vector<1x128x128xi32>
    %eq3A_136 = vector.broadcast %iota3A_6 : vector<1x1x128xi32> to vector<1x128x128xi32>
    %eq3A_137 = arith.cmpi eq, %eq3A, %eq3A_136 : vector<1x128x128xi32>
    %jit3A_138 = arith.constant 1.000000e+00 : f32
    %jit3A_139 = arith.constant 0.000000e+00 : f32
    %broadcast_in_dim3A_140 = vector.broadcast %jit3A_138 : f32 to vector<1x128x128xf32>
    %broadcast_in_dim3A_141 = vector.broadcast %jit3A_139 : f32 to vector<1x128x128xf32>
    %select_n3A_142 = arith.select %eq3A_137, %broadcast_in_dim3A_140, %broadcast_in_dim3A_141 : vector<1x128x128xi1>, vector<1x128x128xf32>
    %eq3A_143 = vector.broadcast %iota3A : vector<1x128x1xi32> to vector<1x128x128xi32>
    %eq3A_144 = vector.broadcast %iota3A_6 : vector<1x1x128xi32> to vector<1x128x128xi32>
    %eq3A_145 = arith.cmpi eq, %eq3A_143, %eq3A_144 : vector<1x128x128xi32>
    %jit3A_146 = arith.constant 0.000000e+00 : f32
    %broadcast_in_dim3A_147 = vector.shape_cast %eq3A_145 : vector<1x128x128xi1> to vector<1x128x128xi1>
    %broadcast_in_dim3A_148 = vector.broadcast %broadcast_in_dim3A_147 : vector<1x128x128xi1> to vector<16x128x128xi1>
    %broadcast_in_dim3A_149 = vector.broadcast %jit3A_146 : f32 to vector<16x128x128xf32>
    %select_n3A_150 = arith.select %broadcast_in_dim3A_148, %get3A_135, %broadcast_in_dim3A_149 : vector<16x128x128xi1>, vector<16x128x128xf32>
    %reduce_sum3A = arith.constant dense<0.000000e+00> : vector<16x128xf32>
    %reduce_sum3A_151 = vector.multi_reduction <add>, %select_n3A_150, %reduce_sum3A [2] : vector<16x128x128xf32> to vector<16x128xf32>
    %broadcast_in_dim3A_152 = vector.shape_cast %reduce_sum3A_151 : vector<16x128xf32> to vector<16x128x1xf32>
    %div3A = vector.broadcast %broadcast_in_dim3A_152 : vector<16x128x1xf32> to vector<16x128x128xf32>
    %div3A_153 = arith.divf %get3A_135, %div3A : vector<16x128x128xf32>
    %sub3A_154 = vector.broadcast %select_n3A_142 : vector<1x128x128xf32> to vector<16x128x128xf32>
    %sub3A_155 = arith.subf %div3A_153, %sub3A_154 : vector<16x128x128xf32>
    %sub3A_156 = vector.broadcast %select_n3A_142 : vector<1x128x128xf32> to vector<16x128x128xf32>
    %sub3A_157 = arith.subf %sub3A_156, %sub3A_155 : vector<16x128x128xf32>
    %dot_general3A_158 = arith.constant dense<0.000000e+00> : vector<16x128x128xf32>
    %dot_general3A_159 = tpu.matmul %sub3A_155, %sub3A_155, %dot_general3A_158 {dimension_numbers = #tpu.dot_dimension_numbers<[2], [1], [1], [2], [0, 0, 0, 1, 1, 2], [0], [0]>, precision = #tpu.contract_precision<fp32>, transpose_lhs_hint = false} : vector<16x128x128xf32>, vector<16x128x128xf32>, vector<16x128x128xf32> -> vector<16x128x128xf32>
    %add3A = vector.broadcast %select_n3A_142 : vector<1x128x128xf32> to vector<16x128x128xf32>
    %add3A_160 = arith.addf %add3A, %dot_general3A_159 : vector<16x128x128xf32>
    %dot_general3A_161 = arith.constant dense<0.000000e+00> : vector<16x128x128xf32>
    %dot_general3A_162 = tpu.matmul %sub3A_157, %add3A_160, %dot_general3A_161 {dimension_numbers = #tpu.dot_dimension_numbers<[2], [1], [1], [2], [0, 0, 0, 1, 1, 2], [0], [0]>, precision = #tpu.contract_precision<fp32>, transpose_lhs_hint = false} : vector<16x128x128xf32>, vector<16x128x128xf32>, vector<16x128x128xf32> -> vector<16x128x128xf32>
    %dot_general3A_163 = arith.constant dense<0.000000e+00> : vector<16x128x128xf32>
    %dot_general3A_164 = tpu.matmul %dot_general3A_159, %dot_general3A_159, %dot_general3A_163 {dimension_numbers = #tpu.dot_dimension_numbers<[2], [1], [1], [2], [0, 0, 0, 1, 1, 2], [0], [0]>, precision = #tpu.contract_precision<fp32>, transpose_lhs_hint = false} : vector<16x128x128xf32>, vector<16x128x128xf32>, vector<16x128x128xf32> -> vector<16x128x128xf32>
    %add3A_165 = vector.broadcast %select_n3A_142 : vector<1x128x128xf32> to vector<16x128x128xf32>
    %add3A_166 = arith.addf %add3A_165, %dot_general3A_164 : vector<16x128x128xf32>
    %dot_general3A_167 = arith.constant dense<0.000000e+00> : vector<16x128x128xf32>
    %dot_general3A_168 = tpu.matmul %dot_general3A_162, %add3A_166, %dot_general3A_167 {dimension_numbers = #tpu.dot_dimension_numbers<[2], [1], [1], [2], [0, 0, 0, 1, 1, 2], [0], [0]>, precision = #tpu.contract_precision<fp32>, transpose_lhs_hint = false} : vector<16x128x128xf32>, vector<16x128x128xf32>, vector<16x128x128xf32> -> vector<16x128x128xf32>
    %dot_general3A_169 = arith.constant dense<0.000000e+00> : vector<16x128x128xf32>
    %dot_general3A_170 = tpu.matmul %dot_general3A_164, %dot_general3A_164, %dot_general3A_169 {dimension_numbers = #tpu.dot_dimension_numbers<[2], [1], [1], [2], [0, 0, 0, 1, 1, 2], [0], [0]>, precision = #tpu.contract_precision<fp32>, transpose_lhs_hint = false} : vector<16x128x128xf32>, vector<16x128x128xf32>, vector<16x128x128xf32> -> vector<16x128x128xf32>
    %add3A_171 = vector.broadcast %select_n3A_142 : vector<1x128x128xf32> to vector<16x128x128xf32>
    %add3A_172 = arith.addf %add3A_171, %dot_general3A_170 : vector<16x128x128xf32>
    %dot_general3A_173 = arith.constant dense<0.000000e+00> : vector<16x128x128xf32>
    %dot_general3A_174 = tpu.matmul %dot_general3A_168, %add3A_172, %dot_general3A_173 {dimension_numbers = #tpu.dot_dimension_numbers<[2], [1], [1], [2], [0, 0, 0, 1, 1, 2], [0], [0]>, precision = #tpu.contract_precision<fp32>, transpose_lhs_hint = false} : vector<16x128x128xf32>, vector<16x128x128xf32>, vector<16x128x128xf32> -> vector<16x128x128xf32>
    %dot_general3A_175 = arith.constant dense<0.000000e+00> : vector<16x128x128xf32>
    %dot_general3A_176 = tpu.matmul %dot_general3A_170, %dot_general3A_170, %dot_general3A_175 {dimension_numbers = #tpu.dot_dimension_numbers<[2], [1], [1], [2], [0, 0, 0, 1, 1, 2], [0], [0]>, precision = #tpu.contract_precision<fp32>, transpose_lhs_hint = false} : vector<16x128x128xf32>, vector<16x128x128xf32>, vector<16x128x128xf32> -> vector<16x128x128xf32>
    %add3A_177 = vector.broadcast %select_n3A_142 : vector<1x128x128xf32> to vector<16x128x128xf32>
    %add3A_178 = arith.addf %add3A_177, %dot_general3A_176 : vector<16x128x128xf32>
    %dot_general3A_179 = arith.constant dense<0.000000e+00> : vector<16x128x128xf32>
    %dot_general3A_180 = tpu.matmul %dot_general3A_174, %add3A_178, %dot_general3A_179 {dimension_numbers = #tpu.dot_dimension_numbers<[2], [1], [1], [2], [0, 0, 0, 1, 1, 2], [0], [0]>, precision = #tpu.contract_precision<fp32>, transpose_lhs_hint = false} : vector<16x128x128xf32>, vector<16x128x128xf32>, vector<16x128x128xf32> -> vector<16x128x128xf32>
    %dot_general3A_181 = arith.constant dense<0.000000e+00> : vector<16x128x128xf32>
    %dot_general3A_182 = tpu.matmul %dot_general3A_176, %dot_general3A_176, %dot_general3A_181 {dimension_numbers = #tpu.dot_dimension_numbers<[2], [1], [1], [2], [0, 0, 0, 1, 1, 2], [0], [0]>, precision = #tpu.contract_precision<fp32>, transpose_lhs_hint = false} : vector<16x128x128xf32>, vector<16x128x128xf32>, vector<16x128x128xf32> -> vector<16x128x128xf32>
    %add3A_183 = vector.broadcast %select_n3A_142 : vector<1x128x128xf32> to vector<16x128x128xf32>
    %add3A_184 = arith.addf %add3A_183, %dot_general3A_182 : vector<16x128x128xf32>
    %dot_general3A_185 = arith.constant dense<0.000000e+00> : vector<16x128x128xf32>
    %dot_general3A_186 = tpu.matmul %dot_general3A_180, %add3A_184, %dot_general3A_185 {dimension_numbers = #tpu.dot_dimension_numbers<[2], [1], [1], [2], [0, 0, 0, 1, 1, 2], [0], [0]>, precision = #tpu.contract_precision<fp32>, transpose_lhs_hint = false} : vector<16x128x128xf32>, vector<16x128x128xf32>, vector<16x128x128xf32> -> vector<16x128x128xf32>
    %dot_general3A_187 = arith.constant dense<0.000000e+00> : vector<16x128x128xf32>
    %dot_general3A_188 = tpu.matmul %dot_general3A_182, %dot_general3A_182, %dot_general3A_187 {dimension_numbers = #tpu.dot_dimension_numbers<[2], [1], [1], [2], [0, 0, 0, 1, 1, 2], [0], [0]>, precision = #tpu.contract_precision<fp32>, transpose_lhs_hint = false} : vector<16x128x128xf32>, vector<16x128x128xf32>, vector<16x128x128xf32> -> vector<16x128x128xf32>
    %add3A_189 = vector.broadcast %select_n3A_142 : vector<1x128x128xf32> to vector<16x128x128xf32>
    %add3A_190 = arith.addf %add3A_189, %dot_general3A_188 : vector<16x128x128xf32>
    %dot_general3A_191 = arith.constant dense<0.000000e+00> : vector<16x128x128xf32>
    %dot_general3A_192 = tpu.matmul %dot_general3A_186, %add3A_190, %dot_general3A_191 {dimension_numbers = #tpu.dot_dimension_numbers<[2], [1], [1], [2], [0, 0, 0, 1, 1, 2], [0], [0]>, precision = #tpu.contract_precision<fp32>, transpose_lhs_hint = false} : vector<16x128x128xf32>, vector<16x128x128xf32>, vector<16x128x128xf32> -> vector<16x128x128xf32>
    %broadcast_in_dim3A_193 = vector.shape_cast %reduce_sum3A_151 : vector<16x128xf32> to vector<16x1x128xf32>
    %div3A_194 = vector.broadcast %broadcast_in_dim3A_193 : vector<16x1x128xf32> to vector<16x128x128xf32>
    %div3A_195 = arith.divf %dot_general3A_192, %div3A_194 : vector<16x128x128xf32>
    %swap3A_196 = arith.constant 0 : index
    %swap3A_197 = arith.constant 0 : index
    %swap3A_198 = arith.constant 0 : index
    %swap3A_199 = vector.load %arg2[%swap3A_196, %swap3A_197, %swap3A_198] : memref<16x128x128xf32, #tpu.memory_space<vmem>>, vector<16x128x128xf32>
    tpu.vector_store %arg2[%swap3A_196, %swap3A_197, %swap3A_198], %div3A_195 {strides = array<i32>} : memref<16x128x128xf32, #tpu.memory_space<vmem>>, vector<16x128x128xf32>,
    return
  }
  func.func @transform_0(%arg0: i32) -> (i32, i32, i32) {
    %c0_i32 = arith.constant 0 : i32
    %c2_i32 = arith.constant 2 : i32
    %c2_i32_0 = arith.constant 2 : i32
    %c0_i32_1 = arith.constant 0 : i32
    return %c0_i32, %c2_i32, %c2_i32_0 : i32, i32, i32
  }
  func.func @transform_1(%arg0: i32) -> (i32, i32, i32) {
    %c0_i32 = arith.constant 0 : i32
    %c0_i32_0 = arith.constant 0 : i32
    %c0_i32_1 = arith.constant 0 : i32
    %c0_i32_2 = arith.constant 0 : i32
    return %c0_i32, %c0_i32_0, %c0_i32_1 : i32, i32, i32
  }
}

module attributes {stable_mosaic.version = 14 : i64} {
  func.func @_panel_update_body(%arg0: i32, %arg1: memref<1x384x384xf32, #tpu.memory_space<vmem>>, %arg2: memref<1x128x128xf32, #tpu.memory_space<vmem>>, %arg3: memref<1x256x128xf32, #tpu.memory_space<vmem>>, %arg4: memref<1x256x256xf32, #tpu.memory_space<vmem>>) attributes {dimension_semantics = [#tpu.dimension_semantics<arbitrary>], iteration_bounds = array<i64: 16>, scalar_prefetch = 0 : i64, scratch_operands = 0 : i64, tpu.core_type = #tpu.core_type<tc>, window_params = [{transform_indices = @transform_0, window_bounds = array<i64: 1, 384, 384>}, {transform_indices = @transform_1, window_bounds = array<i64: 1, 128, 128>}, {transform_indices = @transform_2, window_bounds = array<i64: 1, 256, 128>}, {transform_indices = @transform_3, window_bounds = array<i64: 1, 256, 256>}]} {
    %get3A = arith.constant 0 : index
    %get3A_0 = arith.constant 0 : index
    %get3A_1 = arith.constant 256 : index
    %get3A_2 = vector.load %arg1[%get3A, %get3A_0, %get3A_1] : memref<1x384x384xf32, #tpu.memory_space<vmem>>, vector<1x256x128xf32>
    %get3A_3 = vector.shape_cast %get3A_2 : vector<1x256x128xf32> to vector<256x128xf32>
    %get3A_4 = arith.constant 0 : index
    %get3A_5 = arith.constant 0 : index
    %get3A_6 = arith.constant 0 : index
    %get3A_7 = vector.load %arg2[%get3A_4, %get3A_5, %get3A_6] : memref<1x128x128xf32, #tpu.memory_space<vmem>>, vector<1x128x128xf32>
    %get3A_8 = vector.shape_cast %get3A_7 : vector<1x128x128xf32> to vector<128x128xf32>
    %dot_general3A = arith.constant dense<0.000000e+00> : vector<256x128xf32>
    %dot_general3A_9 = tpu.matmul %get3A_3, %get3A_8, %dot_general3A {dimension_numbers = #tpu.dot_dimension_numbers<[1], [0], [0], [1], [0, 0, 1, 1], [], []>, precision = #tpu.contract_precision<fp32>, transpose_lhs_hint = false} : vector<256x128xf32>, vector<128x128xf32>, vector<256x128xf32> -> vector<256x128xf32>
    %swap3A = arith.constant 0 : index
    %swap3A_10 = arith.constant 0 : index
    %swap3A_11 = arith.constant 0 : index
    %swap3A_12 = vector.load %arg3[%swap3A, %swap3A_10, %swap3A_11] : memref<1x256x128xf32, #tpu.memory_space<vmem>>, vector<1x256x128xf32>
    %swap3A_13 = vector.shape_cast %swap3A_12 : vector<1x256x128xf32> to vector<256x128xf32>
    %swap3A_14 = vector.shape_cast %dot_general3A_9 : vector<256x128xf32> to vector<1x256x128xf32>
    tpu.vector_store %arg3[%swap3A, %swap3A_10, %swap3A_11], %swap3A_14 {strides = array<i32>} : memref<1x256x128xf32, #tpu.memory_space<vmem>>, vector<1x256x128xf32>,
    %get3A_15 = arith.constant 0 : index
    %get3A_16 = arith.constant 0 : index
    %get3A_17 = arith.constant 0 : index
    %get3A_18 = vector.load %arg1[%get3A_15, %get3A_16, %get3A_17] : memref<1x384x384xf32, #tpu.memory_space<vmem>>, vector<1x256x256xf32>
    %get3A_19 = vector.shape_cast %get3A_18 : vector<1x256x256xf32> to vector<256x256xf32>
    %dot_general3A_20 = arith.constant dense<0.000000e+00> : vector<256x256xf32>
    %dot_general3A_21 = tpu.matmul %dot_general3A_9, %dot_general3A_9, %dot_general3A_20 {dimension_numbers = #tpu.dot_dimension_numbers<[1], [1], [0], [0], [0, 0, 1, 0], [], []>, precision = #tpu.contract_precision<fp32>, transpose_lhs_hint = false} : vector<256x128xf32>, vector<256x128xf32>, vector<256x256xf32> -> vector<256x256xf32>
    %sub3A = arith.subf %get3A_19, %dot_general3A_21 : vector<256x256xf32>
    %swap3A_22 = arith.constant 0 : index
    %swap3A_23 = arith.constant 0 : index
    %swap3A_24 = arith.constant 0 : index
    %swap3A_25 = vector.load %arg4[%swap3A_22, %swap3A_23, %swap3A_24] : memref<1x256x256xf32, #tpu.memory_space<vmem>>, vector<1x256x256xf32>
    %swap3A_26 = vector.shape_cast %swap3A_25 : vector<1x256x256xf32> to vector<256x256xf32>
    %swap3A_27 = vector.shape_cast %sub3A : vector<256x256xf32> to vector<1x256x256xf32>
    tpu.vector_store %arg4[%swap3A_22, %swap3A_23, %swap3A_24], %swap3A_27 {strides = array<i32>} : memref<1x256x256xf32, #tpu.memory_space<vmem>>, vector<1x256x256xf32>,
    return
  }
  func.func @transform_0(%arg0: i32) -> (i32, i32, i32) {
    %c0_i32 = arith.constant 0 : i32
    %c0_i32_0 = arith.constant 0 : i32
    %c0_i32_1 = arith.constant 0 : i32
    return %arg0, %c0_i32, %c0_i32_0 : i32, i32, i32
  }
  func.func @transform_1(%arg0: i32) -> (i32, i32, i32) {
    %c0_i32 = arith.constant 0 : i32
    %c0_i32_0 = arith.constant 0 : i32
    %c0_i32_1 = arith.constant 0 : i32
    return %arg0, %c0_i32, %c0_i32_0 : i32, i32, i32
  }
  func.func @transform_2(%arg0: i32) -> (i32, i32, i32) {
    %c0_i32 = arith.constant 0 : i32
    %c0_i32_0 = arith.constant 0 : i32
    %c0_i32_1 = arith.constant 0 : i32
    return %arg0, %c0_i32, %c0_i32_0 : i32, i32, i32
  }
  func.func @transform_3(%arg0: i32) -> (i32, i32, i32) {
    %c0_i32 = arith.constant 0 : i32
    %c0_i32_0 = arith.constant 0 : i32
    %c0_i32_1 = arith.constant 0 : i32
    return %arg0, %c0_i32, %c0_i32_0 : i32, i32, i32
  }
}

module attributes {stable_mosaic.version = 14 : i64} {
  func.func @_diag_factor_body(%arg0: i32, %arg1: memref<16x128x128xf32, #tpu.memory_space<vmem>>, %arg2: memref<16x128x128xf32, #tpu.memory_space<vmem>>, %arg3: memref<16x128x128xf32, #tpu.memory_space<vmem>>, %arg4: memref<16x128x128xf32, #tpu.memory_space<vmem>>) attributes {dimension_semantics = [#tpu.dimension_semantics<arbitrary>], iteration_bounds = array<i64: 1>, scalar_prefetch = 0 : i64, scratch_operands = 2 : i64, tpu.core_type = #tpu.core_type<tc>, window_params = [{transform_indices = @transform_0, window_bounds = array<i64: 16, 128, 128>}, {pipeline_mode = #tpu.pipeline_mode<synchronous>, transform_indices = @transform_1, window_bounds = array<i64: 16, 128, 128>}]} {
    %get3A = arith.constant 0 : index
    %get3A_0 = arith.constant 0 : index
    %get3A_1 = arith.constant 0 : index
    %get3A_2 = vector.load %arg1[%get3A, %get3A_0, %get3A_1] : memref<16x128x128xf32, #tpu.memory_space<vmem>>, vector<16x128x128xf32>
    %swap3A = arith.constant 0 : index
    %swap3A_3 = arith.constant 0 : index
    %swap3A_4 = arith.constant 0 : index
    %swap3A_5 = vector.load %arg3[%swap3A, %swap3A_3, %swap3A_4] : memref<16x128x128xf32, #tpu.memory_space<vmem>>, vector<16x128x128xf32>
    tpu.vector_store %arg3[%swap3A, %swap3A_3, %swap3A_4], %get3A_2 {strides = array<i32>} : memref<16x128x128xf32, #tpu.memory_space<vmem>>, vector<16x128x128xf32>,
    %iota3A = tpu.iota {dimensions = array<i32: 1>} : vector<1x128x1xi32>
    %iota3A_6 = tpu.iota {dimensions = array<i32: 2>} : vector<1x1x128xi32>
    %iota3A_7 = tpu.iota {dimensions = array<i32: 1>} : vector<1x32x1xi32>
    %lt3A = arith.constant 128 : i32
    %lt3A_8 = vector.broadcast %lt3A : i32 to vector<1x1x128xi32>
    %lt3A_9 = arith.cmpi slt, %iota3A_6, %lt3A_8 : vector<1x1x128xi32>
    %get3A_10 = arith.constant 0 : index
    %get3A_11 = arith.constant 96 : index
    %get3A_12 = arith.constant 0 : index
    %get3A_13 = vector.load %arg3[%get3A_10, %get3A_11, %get3A_12] : memref<16x128x128xf32, #tpu.memory_space<vmem>>, vector<16x32x128xf32>
    %jit3A = arith.constant 0.000000e+00 : f32
    %broadcast_in_dim3A = vector.shape_cast %lt3A_9 : vector<1x1x128xi1> to vector<1x1x128xi1>
    %broadcast_in_dim3A_14 = vector.broadcast %broadcast_in_dim3A : vector<1x1x128xi1> to vector<16x32x128xi1>
    %broadcast_in_dim3A_15 = vector.broadcast %jit3A : f32 to vector<16x32x128xf32>
    %select_n3A = arith.select %broadcast_in_dim3A_14, %get3A_13, %broadcast_in_dim3A_15 : vector<16x32x128xi1>, vector<16x32x128xf32>
    %swap3A_16 = arith.constant 0 : index
    %swap3A_17 = arith.constant 96 : index
    %swap3A_18 = arith.constant 0 : index
    %swap3A_19 = vector.load %arg4[%swap3A_16, %swap3A_17, %swap3A_18] : memref<16x128x128xf32, #tpu.memory_space<vmem>>, vector<16x32x128xf32>
    tpu.vector_store %arg4[%swap3A_16, %swap3A_17, %swap3A_18], %select_n3A {strides = array<i32>} : memref<16x128x128xf32, #tpu.memory_space<vmem>>, vector<16x32x128xf32>,
    %scan3A = arith.constant 0 : i32
    %scan3A_20 = arith.constant 32 : i32
    %scan3A_21 = arith.addi %scan3A, %scan3A_20 : i32
    %scan3A_22 = arith.constant 1 : i32
    scf.for %scan3A_200 = %scan3A to %scan3A_21 step %scan3A_22  : i32 {
      %get3A_201 = arith.constant 0 : index
      %get3A_202 = arith.constant 96 : index
      %get3A_203 = arith.constant 0 : index
      %get3A_204 = vector.load %arg4[%get3A_201, %get3A_202, %get3A_203] : memref<16x128x128xf32, #tpu.memory_space<vmem>>, vector<16x32x128xf32>
      %sub3A_205 = arith.constant 31 : i32
      %sub3A_206 = arith.subi %sub3A_205, %scan3A_200 : i32
      %add3A_207 = arith.constant 96 : i32
      %add3A_208 = arith.addi %add3A_207, %sub3A_206 : i32
      %eq3A_209 = vector.broadcast %add3A_208 : i32 to vector<1x1x128xi32>
      %eq3A_210 = arith.cmpi eq, %iota3A_6, %eq3A_209 : vector<1x1x128xi32>
      %eq3A_211 = vector.broadcast %sub3A_206 : i32 to vector<1x32x1xi32>
      %eq3A_212 = arith.cmpi eq, %iota3A_7, %eq3A_211 : vector<1x32x1xi32>
      %jit3A_213 = arith.constant 0.000000e+00 : f32
      %broadcast_in_dim3A_214 = vector.shape_cast %eq3A_212 : vector<1x32x1xi1> to vector<1x32x1xi1>
      %broadcast_in_dim3A_215 = vector.broadcast %broadcast_in_dim3A_214 : vector<1x32x1xi1> to vector<16x32x128xi1>
      %broadcast_in_dim3A_216 = vector.broadcast %jit3A_213 : f32 to vector<16x32x128xf32>
      %select_n3A_217 = arith.select %broadcast_in_dim3A_215, %get3A_204, %broadcast_in_dim3A_216 : vector<16x32x128xi1>, vector<16x32x128xf32>
      %reduce_sum3A_218 = arith.constant dense<0.000000e+00> : vector<16x128xf32>
      %reduce_sum3A_219 = vector.multi_reduction <add>, %select_n3A_217, %reduce_sum3A_218 [1] : vector<16x32x128xf32> to vector<16x128xf32>
      %broadcast_in_dim3A_220 = vector.shape_cast %reduce_sum3A_219 : vector<16x128xf32> to vector<16x1x128xf32>
      %jit3A_221 = arith.constant 0.000000e+00 : f32
      %broadcast_in_dim3A_222 = vector.shape_cast %eq3A_210 : vector<1x1x128xi1> to vector<1x1x128xi1>
      %broadcast_in_dim3A_223 = vector.broadcast %broadcast_in_dim3A_222 : vector<1x1x128xi1> to vector<16x1x128xi1>
      %broadcast_in_dim3A_224 = vector.broadcast %jit3A_221 : f32 to vector<16x1x128xf32>
      %select_n3A_225 = arith.select %broadcast_in_dim3A_223, %broadcast_in_dim3A_220, %broadcast_in_dim3A_224 : vector<16x1x128xi1>, vector<16x1x128xf32>
      %reduce_sum3A_226 = arith.constant dense<0.000000e+00> : vector<16x1xf32>
      %reduce_sum3A_227 = vector.multi_reduction <add>, %select_n3A_225, %reduce_sum3A_226 [2] : vector<16x1x128xf32> to vector<16x1xf32>
      %broadcast_in_dim3A_228 = vector.shape_cast %reduce_sum3A_227 : vector<16x1xf32> to vector<16x1x1xf32>
      %rsqrt3A = math.rsqrt %broadcast_in_dim3A_228 : vector<16x1x1xf32>
      %le3A = vector.broadcast %add3A_208 : i32 to vector<1x1x128xi32>
      %le3A_229 = arith.cmpi sle, %iota3A_6, %le3A : vector<1x1x128xi32>
      %mul3A = vector.broadcast %rsqrt3A : vector<16x1x1xf32> to vector<16x1x128xf32>
      %mul3A_230 = arith.mulf %broadcast_in_dim3A_220, %mul3A : vector<16x1x128xf32>
      %jit3A_231 = arith.constant 0.000000e+00 : f32
      %broadcast_in_dim3A_232 = vector.shape_cast %le3A_229 : vector<1x1x128xi1> to vector<1x1x128xi1>
      %broadcast_in_dim3A_233 = vector.broadcast %broadcast_in_dim3A_232 : vector<1x1x128xi1> to vector<16x1x128xi1>
      %broadcast_in_dim3A_234 = vector.broadcast %jit3A_231 : f32 to vector<16x1x128xf32>
      %select_n3A_235 = arith.select %broadcast_in_dim3A_233, %mul3A_230, %broadcast_in_dim3A_234 : vector<16x1x128xi1>, vector<16x1x128xf32>
      %jit3A_236 = arith.constant 0.000000e+00 : f32
      %broadcast_in_dim3A_237 = vector.shape_cast %eq3A_210 : vector<1x1x128xi1> to vector<1x1x128xi1>
      %broadcast_in_dim3A_238 = vector.broadcast %broadcast_in_dim3A_237 : vector<1x1x128xi1> to vector<16x32x128xi1>
      %broadcast_in_dim3A_239 = vector.broadcast %jit3A_236 : f32 to vector<16x32x128xf32>
      %select_n3A_240 = arith.select %broadcast_in_dim3A_238, %get3A_204, %broadcast_in_dim3A_239 : vector<16x32x128xi1>, vector<16x32x128xf32>
      %reduce_sum3A_241 = arith.constant dense<0.000000e+00> : vector<16x32xf32>
      %reduce_sum3A_242 = vector.multi_reduction <add>, %select_n3A_240, %reduce_sum3A_241 [2] : vector<16x32x128xf32> to vector<16x32xf32>
      %broadcast_in_dim3A_243 = vector.shape_cast %reduce_sum3A_242 : vector<16x32xf32> to vector<16x32x1xf32>
      %lt3A_244 = vector.broadcast %sub3A_206 : i32 to vector<1x32x1xi32>
      %lt3A_245 = arith.cmpi slt, %iota3A_7, %lt3A_244 : vector<1x32x1xi32>
      %mul3A_246 = vector.broadcast %rsqrt3A : vector<16x1x1xf32> to vector<16x32x1xf32>
      %mul3A_247 = arith.mulf %broadcast_in_dim3A_243, %mul3A_246 : vector<16x32x1xf32>
      %jit3A_248 = arith.constant 0.000000e+00 : f32
      %broadcast_in_dim3A_249 = vector.shape_cast %lt3A_245 : vector<1x32x1xi1> to vector<1x32x1xi1>
      %broadcast_in_dim3A_250 = vector.broadcast %broadcast_in_dim3A_249 : vector<1x32x1xi1> to vector<16x32x1xi1>
      %broadcast_in_dim3A_251 = vector.broadcast %jit3A_248 : f32 to vector<16x32x1xf32>
      %select_n3A_252 = arith.select %broadcast_in_dim3A_250, %mul3A_247, %broadcast_in_dim3A_251 : vector<16x32x1xi1>, vector<16x32x1xf32>
      %mul3A_253 = vector.broadcast %select_n3A_252 : vector<16x32x1xf32> to vector<16x32x128xf32>
      %mul3A_254 = vector.broadcast %select_n3A_235 : vector<16x1x128xf32> to vector<16x32x128xf32>
      %mul3A_255 = arith.mulf %mul3A_253, %mul3A_254 : vector<16x32x128xf32>
      %sub3A_256 = arith.subf %get3A_204, %mul3A_255 : vector<16x32x128xf32>
      %broadcast_in_dim3A_257 = vector.shape_cast %eq3A_212 : vector<1x32x1xi1> to vector<1x32x1xi1>
      %broadcast_in_dim3A_258 = vector.broadcast %broadcast_in_dim3A_257 : vector<1x32x1xi1> to vector<16x32x128xi1>
      %broadcast_in_dim3A_259 = vector.shape_cast %select_n3A_235 : vector<16x1x128xf32> to vector<16x1x128xf32>
      %broadcast_in_dim3A_260 = vector.broadcast %broadcast_in_dim3A_259 : vector<16x1x128xf32> to vector<16x32x128xf32>
      %select_n3A_261 = arith.select %broadcast_in_dim3A_258, %broadcast_in_dim3A_260, %sub3A_256 : vector<16x32x128xi1>, vector<16x32x128xf32>
      %swap3A_262 = arith.constant 0 : index
      %swap3A_263 = arith.constant 96 : index
      %swap3A_264 = arith.constant 0 : index
      %swap3A_265 = vector.load %arg4[%swap3A_262, %swap3A_263, %swap3A_264] : memref<16x128x128xf32, #tpu.memory_space<vmem>>, vector<16x32x128xf32>
      tpu.vector_store %arg4[%swap3A_262, %swap3A_263, %swap3A_264], %select_n3A_261 {strides = array<i32>} : memref<16x128x128xf32, #tpu.memory_space<vmem>>, vector<16x32x128xf32>,
    }
    %scan3A_23 = arith.constant 32 : i32
    %get3A_24 = arith.constant 0 : index
    %get3A_25 = arith.constant 96 : index
    %get3A_26 = arith.constant 0 : index
    %get3A_27 = vector.load %arg4[%get3A_24, %get3A_25, %get3A_26] : memref<16x128x128xf32, #tpu.memory_space<vmem>>, vector<16x32x128xf32>
    %get3A_28 = arith.constant 0 : index
    %get3A_29 = arith.constant 0 : index
    %get3A_30 = arith.constant 0 : index
    %get3A_31 = vector.load %arg3[%get3A_28, %get3A_29, %get3A_30] : memref<16x128x128xf32, #tpu.memory_space<vmem>>, vector<16x128x96xf32>
    %slice3A = vector.extract_strided_slice %get3A_27 {offsets = [0, 0, 0], sizes = [16, 32, 96], strides = [1, 1, 1]} : vector<16x32x128xf32> to vector<16x32x96xf32>
    %dot_general3A = arith.constant dense<0.000000e+00> : vector<16x128x96xf32>
    %dot_general3A_32 = tpu.matmul %get3A_27, %slice3A, %dot_general3A {dimension_numbers = #tpu.dot_dimension_numbers<[1], [1], [2], [2], [0, 0, 0, 2, 1, 2], [0], [0]>, precision = #tpu.contract_precision<fp32>, transpose_lhs_hint = false} : vector<16x32x128xf32>, vector<16x32x96xf32>, vector<16x128x96xf32> -> vector<16x128x96xf32>
    %sub3A = arith.subf %get3A_31, %dot_general3A_32 : vector<16x128x96xf32>
    %swap3A_33 = arith.constant 0 : index
    %swap3A_34 = arith.constant 0 : index
    %swap3A_35 = arith.constant 0 : index
    %swap3A_36 = vector.load %arg3[%swap3A_33, %swap3A_34, %swap3A_35] : memref<16x128x128xf32, #tpu.memory_space<vmem>>, vector<16x128x96xf32>
    tpu.vector_store %arg3[%swap3A_33, %swap3A_34, %swap3A_35], %sub3A {strides = array<i32>} : memref<16x128x128xf32, #tpu.memory_space<vmem>>, vector<16x128x96xf32>,
    %lt3A_37 = arith.constant 96 : i32
    %lt3A_38 = vector.broadcast %lt3A_37 : i32 to vector<1x1x128xi32>
    %lt3A_39 = arith.cmpi slt, %iota3A_6, %lt3A_38 : vector<1x1x128xi32>
    %get3A_40 = arith.constant 0 : index
    %get3A_41 = arith.constant 64 : index
    %get3A_42 = arith.constant 0 : index
    %get3A_43 = vector.load %arg3[%get3A_40, %get3A_41, %get3A_42] : memref<16x128x128xf32, #tpu.memory_space<vmem>>, vector<16x32x128xf32>
    %jit3A_44 = arith.constant 0.000000e+00 : f32
    %broadcast_in_dim3A_45 = vector.shape_cast %lt3A_39 : vector<1x1x128xi1> to vector<1x1x128xi1>
    %broadcast_in_dim3A_46 = vector.broadcast %broadcast_in_dim3A_45 : vector<1x1x128xi1> to vector<16x32x128xi1>
    %broadcast_in_dim3A_47 = vector.broadcast %jit3A_44 : f32 to vector<16x32x128xf32>
    %select_n3A_48 = arith.select %broadcast_in_dim3A_46, %get3A_43, %broadcast_in_dim3A_47 : vector<16x32x128xi1>, vector<16x32x128xf32>
    %swap3A_49 = arith.constant 0 : index
    %swap3A_50 = arith.constant 64 : index
    %swap3A_51 = arith.constant 0 : index
    %swap3A_52 = vector.load %arg4[%swap3A_49, %swap3A_50, %swap3A_51] : memref<16x128x128xf32, #tpu.memory_space<vmem>>, vector<16x32x128xf32>
    tpu.vector_store %arg4[%swap3A_49, %swap3A_50, %swap3A_51], %select_n3A_48 {strides = array<i32>} : memref<16x128x128xf32, #tpu.memory_space<vmem>>, vector<16x32x128xf32>,
    %scan3A_53 = arith.constant 0 : i32
    %scan3A_54 = arith.constant 32 : i32
    %scan3A_55 = arith.addi %scan3A_53, %scan3A_54 : i32
    %scan3A_56 = arith.constant 1 : i32
    scf.for %scan3A_200 = %scan3A_53 to %scan3A_55 step %scan3A_56  : i32 {
      %get3A_201 = arith.constant 0 : index
      %get3A_202 = arith.constant 64 : index
      %get3A_203 = arith.constant 0 : index
      %get3A_204 = vector.load %arg4[%get3A_201, %get3A_202, %get3A_203] : memref<16x128x128xf32, #tpu.memory_space<vmem>>, vector<16x32x128xf32>
      %sub3A_205 = arith.constant 31 : i32
      %sub3A_206 = arith.subi %sub3A_205, %scan3A_200 : i32
      %add3A_207 = arith.constant 64 : i32
      %add3A_208 = arith.addi %add3A_207, %sub3A_206 : i32
      %eq3A_209 = vector.broadcast %add3A_208 : i32 to vector<1x1x128xi32>
      %eq3A_210 = arith.cmpi eq, %iota3A_6, %eq3A_209 : vector<1x1x128xi32>
      %eq3A_211 = vector.broadcast %sub3A_206 : i32 to vector<1x32x1xi32>
      %eq3A_212 = arith.cmpi eq, %iota3A_7, %eq3A_211 : vector<1x32x1xi32>
      %jit3A_213 = arith.constant 0.000000e+00 : f32
      %broadcast_in_dim3A_214 = vector.shape_cast %eq3A_212 : vector<1x32x1xi1> to vector<1x32x1xi1>
      %broadcast_in_dim3A_215 = vector.broadcast %broadcast_in_dim3A_214 : vector<1x32x1xi1> to vector<16x32x128xi1>
      %broadcast_in_dim3A_216 = vector.broadcast %jit3A_213 : f32 to vector<16x32x128xf32>
      %select_n3A_217 = arith.select %broadcast_in_dim3A_215, %get3A_204, %broadcast_in_dim3A_216 : vector<16x32x128xi1>, vector<16x32x128xf32>
      %reduce_sum3A_218 = arith.constant dense<0.000000e+00> : vector<16x128xf32>
      %reduce_sum3A_219 = vector.multi_reduction <add>, %select_n3A_217, %reduce_sum3A_218 [1] : vector<16x32x128xf32> to vector<16x128xf32>
      %broadcast_in_dim3A_220 = vector.shape_cast %reduce_sum3A_219 : vector<16x128xf32> to vector<16x1x128xf32>
      %jit3A_221 = arith.constant 0.000000e+00 : f32
      %broadcast_in_dim3A_222 = vector.shape_cast %eq3A_210 : vector<1x1x128xi1> to vector<1x1x128xi1>
      %broadcast_in_dim3A_223 = vector.broadcast %broadcast_in_dim3A_222 : vector<1x1x128xi1> to vector<16x1x128xi1>
      %broadcast_in_dim3A_224 = vector.broadcast %jit3A_221 : f32 to vector<16x1x128xf32>
      %select_n3A_225 = arith.select %broadcast_in_dim3A_223, %broadcast_in_dim3A_220, %broadcast_in_dim3A_224 : vector<16x1x128xi1>, vector<16x1x128xf32>
      %reduce_sum3A_226 = arith.constant dense<0.000000e+00> : vector<16x1xf32>
      %reduce_sum3A_227 = vector.multi_reduction <add>, %select_n3A_225, %reduce_sum3A_226 [2] : vector<16x1x128xf32> to vector<16x1xf32>
      %broadcast_in_dim3A_228 = vector.shape_cast %reduce_sum3A_227 : vector<16x1xf32> to vector<16x1x1xf32>
      %rsqrt3A = math.rsqrt %broadcast_in_dim3A_228 : vector<16x1x1xf32>
      %le3A = vector.broadcast %add3A_208 : i32 to vector<1x1x128xi32>
      %le3A_229 = arith.cmpi sle, %iota3A_6, %le3A : vector<1x1x128xi32>
      %mul3A = vector.broadcast %rsqrt3A : vector<16x1x1xf32> to vector<16x1x128xf32>
      %mul3A_230 = arith.mulf %broadcast_in_dim3A_220, %mul3A : vector<16x1x128xf32>
      %jit3A_231 = arith.constant 0.000000e+00 : f32
      %broadcast_in_dim3A_232 = vector.shape_cast %le3A_229 : vector<1x1x128xi1> to vector<1x1x128xi1>
      %broadcast_in_dim3A_233 = vector.broadcast %broadcast_in_dim3A_232 : vector<1x1x128xi1> to vector<16x1x128xi1>
      %broadcast_in_dim3A_234 = vector.broadcast %jit3A_231 : f32 to vector<16x1x128xf32>
      %select_n3A_235 = arith.select %broadcast_in_dim3A_233, %mul3A_230, %broadcast_in_dim3A_234 : vector<16x1x128xi1>, vector<16x1x128xf32>
      %jit3A_236 = arith.constant 0.000000e+00 : f32
      %broadcast_in_dim3A_237 = vector.shape_cast %eq3A_210 : vector<1x1x128xi1> to vector<1x1x128xi1>
      %broadcast_in_dim3A_238 = vector.broadcast %broadcast_in_dim3A_237 : vector<1x1x128xi1> to vector<16x32x128xi1>
      %broadcast_in_dim3A_239 = vector.broadcast %jit3A_236 : f32 to vector<16x32x128xf32>
      %select_n3A_240 = arith.select %broadcast_in_dim3A_238, %get3A_204, %broadcast_in_dim3A_239 : vector<16x32x128xi1>, vector<16x32x128xf32>
      %reduce_sum3A_241 = arith.constant dense<0.000000e+00> : vector<16x32xf32>
      %reduce_sum3A_242 = vector.multi_reduction <add>, %select_n3A_240, %reduce_sum3A_241 [2] : vector<16x32x128xf32> to vector<16x32xf32>
      %broadcast_in_dim3A_243 = vector.shape_cast %reduce_sum3A_242 : vector<16x32xf32> to vector<16x32x1xf32>
      %lt3A_244 = vector.broadcast %sub3A_206 : i32 to vector<1x32x1xi32>
      %lt3A_245 = arith.cmpi slt, %iota3A_7, %lt3A_244 : vector<1x32x1xi32>
      %mul3A_246 = vector.broadcast %rsqrt3A : vector<16x1x1xf32> to vector<16x32x1xf32>
      %mul3A_247 = arith.mulf %broadcast_in_dim3A_243, %mul3A_246 : vector<16x32x1xf32>
      %jit3A_248 = arith.constant 0.000000e+00 : f32
      %broadcast_in_dim3A_249 = vector.shape_cast %lt3A_245 : vector<1x32x1xi1> to vector<1x32x1xi1>
      %broadcast_in_dim3A_250 = vector.broadcast %broadcast_in_dim3A_249 : vector<1x32x1xi1> to vector<16x32x1xi1>
      %broadcast_in_dim3A_251 = vector.broadcast %jit3A_248 : f32 to vector<16x32x1xf32>
      %select_n3A_252 = arith.select %broadcast_in_dim3A_250, %mul3A_247, %broadcast_in_dim3A_251 : vector<16x32x1xi1>, vector<16x32x1xf32>
      %mul3A_253 = vector.broadcast %select_n3A_252 : vector<16x32x1xf32> to vector<16x32x128xf32>
      %mul3A_254 = vector.broadcast %select_n3A_235 : vector<16x1x128xf32> to vector<16x32x128xf32>
      %mul3A_255 = arith.mulf %mul3A_253, %mul3A_254 : vector<16x32x128xf32>
      %sub3A_256 = arith.subf %get3A_204, %mul3A_255 : vector<16x32x128xf32>
      %broadcast_in_dim3A_257 = vector.shape_cast %eq3A_212 : vector<1x32x1xi1> to vector<1x32x1xi1>
      %broadcast_in_dim3A_258 = vector.broadcast %broadcast_in_dim3A_257 : vector<1x32x1xi1> to vector<16x32x128xi1>
      %broadcast_in_dim3A_259 = vector.shape_cast %select_n3A_235 : vector<16x1x128xf32> to vector<16x1x128xf32>
      %broadcast_in_dim3A_260 = vector.broadcast %broadcast_in_dim3A_259 : vector<16x1x128xf32> to vector<16x32x128xf32>
      %select_n3A_261 = arith.select %broadcast_in_dim3A_258, %broadcast_in_dim3A_260, %sub3A_256 : vector<16x32x128xi1>, vector<16x32x128xf32>
      %swap3A_262 = arith.constant 0 : index
      %swap3A_263 = arith.constant 64 : index
      %swap3A_264 = arith.constant 0 : index
      %swap3A_265 = vector.load %arg4[%swap3A_262, %swap3A_263, %swap3A_264] : memref<16x128x128xf32, #tpu.memory_space<vmem>>, vector<16x32x128xf32>
      tpu.vector_store %arg4[%swap3A_262, %swap3A_263, %swap3A_264], %select_n3A_261 {strides = array<i32>} : memref<16x128x128xf32, #tpu.memory_space<vmem>>, vector<16x32x128xf32>,
    }
    %scan3A_57 = arith.constant 32 : i32
    %get3A_58 = arith.constant 0 : index
    %get3A_59 = arith.constant 64 : index
    %get3A_60 = arith.constant 0 : index
    %get3A_61 = vector.load %arg4[%get3A_58, %get3A_59, %get3A_60] : memref<16x128x128xf32, #tpu.memory_space<vmem>>, vector<16x32x128xf32>
    %get3A_62 = arith.constant 0 : index
    %get3A_63 = arith.constant 0 : index
    %get3A_64 = arith.constant 0 : index
    %get3A_65 = vector.load %arg3[%get3A_62, %get3A_63, %get3A_64] : memref<16x128x128xf32, #tpu.memory_space<vmem>>, vector<16x128x64xf32>
    %slice3A_66 = vector.extract_strided_slice %get3A_61 {offsets = [0, 0, 0], sizes = [16, 32, 64], strides = [1, 1, 1]} : vector<16x32x128xf32> to vector<16x32x64xf32>
    %dot_general3A_67 = arith.constant dense<0.000000e+00> : vector<16x128x64xf32>
    %dot_general3A_68 = tpu.matmul %get3A_61, %slice3A_66, %dot_general3A_67 {dimension_numbers = #tpu.dot_dimension_numbers<[1], [1], [2], [2], [0, 0, 0, 2, 1, 2], [0], [0]>, precision = #tpu.contract_precision<fp32>, transpose_lhs_hint = false} : vector<16x32x128xf32>, vector<16x32x64xf32>, vector<16x128x64xf32> -> vector<16x128x64xf32>
    %sub3A_69 = arith.subf %get3A_65, %dot_general3A_68 : vector<16x128x64xf32>
    %swap3A_70 = arith.constant 0 : index
    %swap3A_71 = arith.constant 0 : index
    %swap3A_72 = arith.constant 0 : index
    %swap3A_73 = vector.load %arg3[%swap3A_70, %swap3A_71, %swap3A_72] : memref<16x128x128xf32, #tpu.memory_space<vmem>>, vector<16x128x64xf32>
    tpu.vector_store %arg3[%swap3A_70, %swap3A_71, %swap3A_72], %sub3A_69 {strides = array<i32>} : memref<16x128x128xf32, #tpu.memory_space<vmem>>, vector<16x128x64xf32>,
    %lt3A_74 = arith.constant 64 : i32
    %lt3A_75 = vector.broadcast %lt3A_74 : i32 to vector<1x1x128xi32>
    %lt3A_76 = arith.cmpi slt, %iota3A_6, %lt3A_75 : vector<1x1x128xi32>
    %get3A_77 = arith.constant 0 : index
    %get3A_78 = arith.constant 32 : index
    %get3A_79 = arith.constant 0 : index
    %get3A_80 = vector.load %arg3[%get3A_77, %get3A_78, %get3A_79] : memref<16x128x128xf32, #tpu.memory_space<vmem>>, vector<16x32x128xf32>
    %jit3A_81 = arith.constant 0.000000e+00 : f32
    %broadcast_in_dim3A_82 = vector.shape_cast %lt3A_76 : vector<1x1x128xi1> to vector<1x1x128xi1>
    %broadcast_in_dim3A_83 = vector.broadcast %broadcast_in_dim3A_82 : vector<1x1x128xi1> to vector<16x32x128xi1>
    %broadcast_in_dim3A_84 = vector.broadcast %jit3A_81 : f32 to vector<16x32x128xf32>
    %select_n3A_85 = arith.select %broadcast_in_dim3A_83, %get3A_80, %broadcast_in_dim3A_84 : vector<16x32x128xi1>, vector<16x32x128xf32>
    %swap3A_86 = arith.constant 0 : index
    %swap3A_87 = arith.constant 32 : index
    %swap3A_88 = arith.constant 0 : index
    %swap3A_89 = vector.load %arg4[%swap3A_86, %swap3A_87, %swap3A_88] : memref<16x128x128xf32, #tpu.memory_space<vmem>>, vector<16x32x128xf32>
    tpu.vector_store %arg4[%swap3A_86, %swap3A_87, %swap3A_88], %select_n3A_85 {strides = array<i32>} : memref<16x128x128xf32, #tpu.memory_space<vmem>>, vector<16x32x128xf32>,
    %scan3A_90 = arith.constant 0 : i32
    %scan3A_91 = arith.constant 32 : i32
    %scan3A_92 = arith.addi %scan3A_90, %scan3A_91 : i32
    %scan3A_93 = arith.constant 1 : i32
    scf.for %scan3A_200 = %scan3A_90 to %scan3A_92 step %scan3A_93  : i32 {
      %get3A_201 = arith.constant 0 : index
      %get3A_202 = arith.constant 32 : index
      %get3A_203 = arith.constant 0 : index
      %get3A_204 = vector.load %arg4[%get3A_201, %get3A_202, %get3A_203] : memref<16x128x128xf32, #tpu.memory_space<vmem>>, vector<16x32x128xf32>
      %sub3A_205 = arith.constant 31 : i32
      %sub3A_206 = arith.subi %sub3A_205, %scan3A_200 : i32
      %add3A_207 = arith.constant 32 : i32
      %add3A_208 = arith.addi %add3A_207, %sub3A_206 : i32
      %eq3A_209 = vector.broadcast %add3A_208 : i32 to vector<1x1x128xi32>
      %eq3A_210 = arith.cmpi eq, %iota3A_6, %eq3A_209 : vector<1x1x128xi32>
      %eq3A_211 = vector.broadcast %sub3A_206 : i32 to vector<1x32x1xi32>
      %eq3A_212 = arith.cmpi eq, %iota3A_7, %eq3A_211 : vector<1x32x1xi32>
      %jit3A_213 = arith.constant 0.000000e+00 : f32
      %broadcast_in_dim3A_214 = vector.shape_cast %eq3A_212 : vector<1x32x1xi1> to vector<1x32x1xi1>
      %broadcast_in_dim3A_215 = vector.broadcast %broadcast_in_dim3A_214 : vector<1x32x1xi1> to vector<16x32x128xi1>
      %broadcast_in_dim3A_216 = vector.broadcast %jit3A_213 : f32 to vector<16x32x128xf32>
      %select_n3A_217 = arith.select %broadcast_in_dim3A_215, %get3A_204, %broadcast_in_dim3A_216 : vector<16x32x128xi1>, vector<16x32x128xf32>
      %reduce_sum3A_218 = arith.constant dense<0.000000e+00> : vector<16x128xf32>
      %reduce_sum3A_219 = vector.multi_reduction <add>, %select_n3A_217, %reduce_sum3A_218 [1] : vector<16x32x128xf32> to vector<16x128xf32>
      %broadcast_in_dim3A_220 = vector.shape_cast %reduce_sum3A_219 : vector<16x128xf32> to vector<16x1x128xf32>
      %jit3A_221 = arith.constant 0.000000e+00 : f32
      %broadcast_in_dim3A_222 = vector.shape_cast %eq3A_210 : vector<1x1x128xi1> to vector<1x1x128xi1>
      %broadcast_in_dim3A_223 = vector.broadcast %broadcast_in_dim3A_222 : vector<1x1x128xi1> to vector<16x1x128xi1>
      %broadcast_in_dim3A_224 = vector.broadcast %jit3A_221 : f32 to vector<16x1x128xf32>
      %select_n3A_225 = arith.select %broadcast_in_dim3A_223, %broadcast_in_dim3A_220, %broadcast_in_dim3A_224 : vector<16x1x128xi1>, vector<16x1x128xf32>
      %reduce_sum3A_226 = arith.constant dense<0.000000e+00> : vector<16x1xf32>
      %reduce_sum3A_227 = vector.multi_reduction <add>, %select_n3A_225, %reduce_sum3A_226 [2] : vector<16x1x128xf32> to vector<16x1xf32>
      %broadcast_in_dim3A_228 = vector.shape_cast %reduce_sum3A_227 : vector<16x1xf32> to vector<16x1x1xf32>
      %rsqrt3A = math.rsqrt %broadcast_in_dim3A_228 : vector<16x1x1xf32>
      %le3A = vector.broadcast %add3A_208 : i32 to vector<1x1x128xi32>
      %le3A_229 = arith.cmpi sle, %iota3A_6, %le3A : vector<1x1x128xi32>
      %mul3A = vector.broadcast %rsqrt3A : vector<16x1x1xf32> to vector<16x1x128xf32>
      %mul3A_230 = arith.mulf %broadcast_in_dim3A_220, %mul3A : vector<16x1x128xf32>
      %jit3A_231 = arith.constant 0.000000e+00 : f32
      %broadcast_in_dim3A_232 = vector.shape_cast %le3A_229 : vector<1x1x128xi1> to vector<1x1x128xi1>
      %broadcast_in_dim3A_233 = vector.broadcast %broadcast_in_dim3A_232 : vector<1x1x128xi1> to vector<16x1x128xi1>
      %broadcast_in_dim3A_234 = vector.broadcast %jit3A_231 : f32 to vector<16x1x128xf32>
      %select_n3A_235 = arith.select %broadcast_in_dim3A_233, %mul3A_230, %broadcast_in_dim3A_234 : vector<16x1x128xi1>, vector<16x1x128xf32>
      %jit3A_236 = arith.constant 0.000000e+00 : f32
      %broadcast_in_dim3A_237 = vector.shape_cast %eq3A_210 : vector<1x1x128xi1> to vector<1x1x128xi1>
      %broadcast_in_dim3A_238 = vector.broadcast %broadcast_in_dim3A_237 : vector<1x1x128xi1> to vector<16x32x128xi1>
      %broadcast_in_dim3A_239 = vector.broadcast %jit3A_236 : f32 to vector<16x32x128xf32>
      %select_n3A_240 = arith.select %broadcast_in_dim3A_238, %get3A_204, %broadcast_in_dim3A_239 : vector<16x32x128xi1>, vector<16x32x128xf32>
      %reduce_sum3A_241 = arith.constant dense<0.000000e+00> : vector<16x32xf32>
      %reduce_sum3A_242 = vector.multi_reduction <add>, %select_n3A_240, %reduce_sum3A_241 [2] : vector<16x32x128xf32> to vector<16x32xf32>
      %broadcast_in_dim3A_243 = vector.shape_cast %reduce_sum3A_242 : vector<16x32xf32> to vector<16x32x1xf32>
      %lt3A_244 = vector.broadcast %sub3A_206 : i32 to vector<1x32x1xi32>
      %lt3A_245 = arith.cmpi slt, %iota3A_7, %lt3A_244 : vector<1x32x1xi32>
      %mul3A_246 = vector.broadcast %rsqrt3A : vector<16x1x1xf32> to vector<16x32x1xf32>
      %mul3A_247 = arith.mulf %broadcast_in_dim3A_243, %mul3A_246 : vector<16x32x1xf32>
      %jit3A_248 = arith.constant 0.000000e+00 : f32
      %broadcast_in_dim3A_249 = vector.shape_cast %lt3A_245 : vector<1x32x1xi1> to vector<1x32x1xi1>
      %broadcast_in_dim3A_250 = vector.broadcast %broadcast_in_dim3A_249 : vector<1x32x1xi1> to vector<16x32x1xi1>
      %broadcast_in_dim3A_251 = vector.broadcast %jit3A_248 : f32 to vector<16x32x1xf32>
      %select_n3A_252 = arith.select %broadcast_in_dim3A_250, %mul3A_247, %broadcast_in_dim3A_251 : vector<16x32x1xi1>, vector<16x32x1xf32>
      %mul3A_253 = vector.broadcast %select_n3A_252 : vector<16x32x1xf32> to vector<16x32x128xf32>
      %mul3A_254 = vector.broadcast %select_n3A_235 : vector<16x1x128xf32> to vector<16x32x128xf32>
      %mul3A_255 = arith.mulf %mul3A_253, %mul3A_254 : vector<16x32x128xf32>
      %sub3A_256 = arith.subf %get3A_204, %mul3A_255 : vector<16x32x128xf32>
      %broadcast_in_dim3A_257 = vector.shape_cast %eq3A_212 : vector<1x32x1xi1> to vector<1x32x1xi1>
      %broadcast_in_dim3A_258 = vector.broadcast %broadcast_in_dim3A_257 : vector<1x32x1xi1> to vector<16x32x128xi1>
      %broadcast_in_dim3A_259 = vector.shape_cast %select_n3A_235 : vector<16x1x128xf32> to vector<16x1x128xf32>
      %broadcast_in_dim3A_260 = vector.broadcast %broadcast_in_dim3A_259 : vector<16x1x128xf32> to vector<16x32x128xf32>
      %select_n3A_261 = arith.select %broadcast_in_dim3A_258, %broadcast_in_dim3A_260, %sub3A_256 : vector<16x32x128xi1>, vector<16x32x128xf32>
      %swap3A_262 = arith.constant 0 : index
      %swap3A_263 = arith.constant 32 : index
      %swap3A_264 = arith.constant 0 : index
      %swap3A_265 = vector.load %arg4[%swap3A_262, %swap3A_263, %swap3A_264] : memref<16x128x128xf32, #tpu.memory_space<vmem>>, vector<16x32x128xf32>
      tpu.vector_store %arg4[%swap3A_262, %swap3A_263, %swap3A_264], %select_n3A_261 {strides = array<i32>} : memref<16x128x128xf32, #tpu.memory_space<vmem>>, vector<16x32x128xf32>,
    }
    %scan3A_94 = arith.constant 32 : i32
    %get3A_95 = arith.constant 0 : index
    %get3A_96 = arith.constant 32 : index
    %get3A_97 = arith.constant 0 : index
    %get3A_98 = vector.load %arg4[%get3A_95, %get3A_96, %get3A_97] : memref<16x128x128xf32, #tpu.memory_space<vmem>>, vector<16x32x128xf32>
    %get3A_99 = arith.constant 0 : index
    %get3A_100 = arith.constant 0 : index
    %get3A_101 = arith.constant 0 : index
    %get3A_102 = vector.load %arg3[%get3A_99, %get3A_100, %get3A_101] : memref<16x128x128xf32, #tpu.memory_space<vmem>>, vector<16x128x32xf32>
    %slice3A_103 = vector.extract_strided_slice %get3A_98 {offsets = [0, 0, 0], sizes = [16, 32, 32], strides = [1, 1, 1]} : vector<16x32x128xf32> to vector<16x32x32xf32>
    %dot_general3A_104 = arith.constant dense<0.000000e+00> : vector<16x128x32xf32>
    %dot_general3A_105 = tpu.matmul %get3A_98, %slice3A_103, %dot_general3A_104 {dimension_numbers = #tpu.dot_dimension_numbers<[1], [1], [2], [2], [0, 0, 0, 2, 1, 2], [0], [0]>, precision = #tpu.contract_precision<fp32>, transpose_lhs_hint = false} : vector<16x32x128xf32>, vector<16x32x32xf32>, vector<16x128x32xf32> -> vector<16x128x32xf32>
    %sub3A_106 = arith.subf %get3A_102, %dot_general3A_105 : vector<16x128x32xf32>
    %swap3A_107 = arith.constant 0 : index
    %swap3A_108 = arith.constant 0 : index
    %swap3A_109 = arith.constant 0 : index
    %swap3A_110 = vector.load %arg3[%swap3A_107, %swap3A_108, %swap3A_109] : memref<16x128x128xf32, #tpu.memory_space<vmem>>, vector<16x128x32xf32>
    tpu.vector_store %arg3[%swap3A_107, %swap3A_108, %swap3A_109], %sub3A_106 {strides = array<i32>} : memref<16x128x128xf32, #tpu.memory_space<vmem>>, vector<16x128x32xf32>,
    %lt3A_111 = arith.constant 32 : i32
    %lt3A_112 = vector.broadcast %lt3A_111 : i32 to vector<1x1x128xi32>
    %lt3A_113 = arith.cmpi slt, %iota3A_6, %lt3A_112 : vector<1x1x128xi32>
    %get3A_114 = arith.constant 0 : index
    %get3A_115 = arith.constant 0 : index
    %get3A_116 = arith.constant 0 : index
    %get3A_117 = vector.load %arg3[%get3A_114, %get3A_115, %get3A_116] : memref<16x128x128xf32, #tpu.memory_space<vmem>>, vector<16x32x128xf32>
    %jit3A_118 = arith.constant 0.000000e+00 : f32
    %broadcast_in_dim3A_119 = vector.shape_cast %lt3A_113 : vector<1x1x128xi1> to vector<1x1x128xi1>
    %broadcast_in_dim3A_120 = vector.broadcast %broadcast_in_dim3A_119 : vector<1x1x128xi1> to vector<16x32x128xi1>
    %broadcast_in_dim3A_121 = vector.broadcast %jit3A_118 : f32 to vector<16x32x128xf32>
    %select_n3A_122 = arith.select %broadcast_in_dim3A_120, %get3A_117, %broadcast_in_dim3A_121 : vector<16x32x128xi1>, vector<16x32x128xf32>
    %swap3A_123 = arith.constant 0 : index
    %swap3A_124 = arith.constant 0 : index
    %swap3A_125 = arith.constant 0 : index
    %swap3A_126 = vector.load %arg4[%swap3A_123, %swap3A_124, %swap3A_125] : memref<16x128x128xf32, #tpu.memory_space<vmem>>, vector<16x32x128xf32>
    tpu.vector_store %arg4[%swap3A_123, %swap3A_124, %swap3A_125], %select_n3A_122 {strides = array<i32>} : memref<16x128x128xf32, #tpu.memory_space<vmem>>, vector<16x32x128xf32>,
    %scan3A_127 = arith.constant 0 : i32
    %scan3A_128 = arith.constant 32 : i32
    %scan3A_129 = arith.addi %scan3A_127, %scan3A_128 : i32
    %scan3A_130 = arith.constant 1 : i32
    scf.for %scan3A_200 = %scan3A_127 to %scan3A_129 step %scan3A_130  : i32 {
      %get3A_201 = arith.constant 0 : index
      %get3A_202 = arith.constant 0 : index
      %get3A_203 = arith.constant 0 : index
      %get3A_204 = vector.load %arg4[%get3A_201, %get3A_202, %get3A_203] : memref<16x128x128xf32, #tpu.memory_space<vmem>>, vector<16x32x128xf32>
      %sub3A_205 = arith.constant 31 : i32
      %sub3A_206 = arith.subi %sub3A_205, %scan3A_200 : i32
      %add3A_207 = arith.constant 0 : i32
      %add3A_208 = arith.addi %add3A_207, %sub3A_206 : i32
      %eq3A_209 = vector.broadcast %add3A_208 : i32 to vector<1x1x128xi32>
      %eq3A_210 = arith.cmpi eq, %iota3A_6, %eq3A_209 : vector<1x1x128xi32>
      %eq3A_211 = vector.broadcast %sub3A_206 : i32 to vector<1x32x1xi32>
      %eq3A_212 = arith.cmpi eq, %iota3A_7, %eq3A_211 : vector<1x32x1xi32>
      %jit3A_213 = arith.constant 0.000000e+00 : f32
      %broadcast_in_dim3A_214 = vector.shape_cast %eq3A_212 : vector<1x32x1xi1> to vector<1x32x1xi1>
      %broadcast_in_dim3A_215 = vector.broadcast %broadcast_in_dim3A_214 : vector<1x32x1xi1> to vector<16x32x128xi1>
      %broadcast_in_dim3A_216 = vector.broadcast %jit3A_213 : f32 to vector<16x32x128xf32>
      %select_n3A_217 = arith.select %broadcast_in_dim3A_215, %get3A_204, %broadcast_in_dim3A_216 : vector<16x32x128xi1>, vector<16x32x128xf32>
      %reduce_sum3A_218 = arith.constant dense<0.000000e+00> : vector<16x128xf32>
      %reduce_sum3A_219 = vector.multi_reduction <add>, %select_n3A_217, %reduce_sum3A_218 [1] : vector<16x32x128xf32> to vector<16x128xf32>
      %broadcast_in_dim3A_220 = vector.shape_cast %reduce_sum3A_219 : vector<16x128xf32> to vector<16x1x128xf32>
      %jit3A_221 = arith.constant 0.000000e+00 : f32
      %broadcast_in_dim3A_222 = vector.shape_cast %eq3A_210 : vector<1x1x128xi1> to vector<1x1x128xi1>
      %broadcast_in_dim3A_223 = vector.broadcast %broadcast_in_dim3A_222 : vector<1x1x128xi1> to vector<16x1x128xi1>
      %broadcast_in_dim3A_224 = vector.broadcast %jit3A_221 : f32 to vector<16x1x128xf32>
      %select_n3A_225 = arith.select %broadcast_in_dim3A_223, %broadcast_in_dim3A_220, %broadcast_in_dim3A_224 : vector<16x1x128xi1>, vector<16x1x128xf32>
      %reduce_sum3A_226 = arith.constant dense<0.000000e+00> : vector<16x1xf32>
      %reduce_sum3A_227 = vector.multi_reduction <add>, %select_n3A_225, %reduce_sum3A_226 [2] : vector<16x1x128xf32> to vector<16x1xf32>
      %broadcast_in_dim3A_228 = vector.shape_cast %reduce_sum3A_227 : vector<16x1xf32> to vector<16x1x1xf32>
      %rsqrt3A = math.rsqrt %broadcast_in_dim3A_228 : vector<16x1x1xf32>
      %le3A = vector.broadcast %add3A_208 : i32 to vector<1x1x128xi32>
      %le3A_229 = arith.cmpi sle, %iota3A_6, %le3A : vector<1x1x128xi32>
      %mul3A = vector.broadcast %rsqrt3A : vector<16x1x1xf32> to vector<16x1x128xf32>
      %mul3A_230 = arith.mulf %broadcast_in_dim3A_220, %mul3A : vector<16x1x128xf32>
      %jit3A_231 = arith.constant 0.000000e+00 : f32
      %broadcast_in_dim3A_232 = vector.shape_cast %le3A_229 : vector<1x1x128xi1> to vector<1x1x128xi1>
      %broadcast_in_dim3A_233 = vector.broadcast %broadcast_in_dim3A_232 : vector<1x1x128xi1> to vector<16x1x128xi1>
      %broadcast_in_dim3A_234 = vector.broadcast %jit3A_231 : f32 to vector<16x1x128xf32>
      %select_n3A_235 = arith.select %broadcast_in_dim3A_233, %mul3A_230, %broadcast_in_dim3A_234 : vector<16x1x128xi1>, vector<16x1x128xf32>
      %jit3A_236 = arith.constant 0.000000e+00 : f32
      %broadcast_in_dim3A_237 = vector.shape_cast %eq3A_210 : vector<1x1x128xi1> to vector<1x1x128xi1>
      %broadcast_in_dim3A_238 = vector.broadcast %broadcast_in_dim3A_237 : vector<1x1x128xi1> to vector<16x32x128xi1>
      %broadcast_in_dim3A_239 = vector.broadcast %jit3A_236 : f32 to vector<16x32x128xf32>
      %select_n3A_240 = arith.select %broadcast_in_dim3A_238, %get3A_204, %broadcast_in_dim3A_239 : vector<16x32x128xi1>, vector<16x32x128xf32>
      %reduce_sum3A_241 = arith.constant dense<0.000000e+00> : vector<16x32xf32>
      %reduce_sum3A_242 = vector.multi_reduction <add>, %select_n3A_240, %reduce_sum3A_241 [2] : vector<16x32x128xf32> to vector<16x32xf32>
      %broadcast_in_dim3A_243 = vector.shape_cast %reduce_sum3A_242 : vector<16x32xf32> to vector<16x32x1xf32>
      %lt3A_244 = vector.broadcast %sub3A_206 : i32 to vector<1x32x1xi32>
      %lt3A_245 = arith.cmpi slt, %iota3A_7, %lt3A_244 : vector<1x32x1xi32>
      %mul3A_246 = vector.broadcast %rsqrt3A : vector<16x1x1xf32> to vector<16x32x1xf32>
      %mul3A_247 = arith.mulf %broadcast_in_dim3A_243, %mul3A_246 : vector<16x32x1xf32>
      %jit3A_248 = arith.constant 0.000000e+00 : f32
      %broadcast_in_dim3A_249 = vector.shape_cast %lt3A_245 : vector<1x32x1xi1> to vector<1x32x1xi1>
      %broadcast_in_dim3A_250 = vector.broadcast %broadcast_in_dim3A_249 : vector<1x32x1xi1> to vector<16x32x1xi1>
      %broadcast_in_dim3A_251 = vector.broadcast %jit3A_248 : f32 to vector<16x32x1xf32>
      %select_n3A_252 = arith.select %broadcast_in_dim3A_250, %mul3A_247, %broadcast_in_dim3A_251 : vector<16x32x1xi1>, vector<16x32x1xf32>
      %mul3A_253 = vector.broadcast %select_n3A_252 : vector<16x32x1xf32> to vector<16x32x128xf32>
      %mul3A_254 = vector.broadcast %select_n3A_235 : vector<16x1x128xf32> to vector<16x32x128xf32>
      %mul3A_255 = arith.mulf %mul3A_253, %mul3A_254 : vector<16x32x128xf32>
      %sub3A_256 = arith.subf %get3A_204, %mul3A_255 : vector<16x32x128xf32>
      %broadcast_in_dim3A_257 = vector.shape_cast %eq3A_212 : vector<1x32x1xi1> to vector<1x32x1xi1>
      %broadcast_in_dim3A_258 = vector.broadcast %broadcast_in_dim3A_257 : vector<1x32x1xi1> to vector<16x32x128xi1>
      %broadcast_in_dim3A_259 = vector.shape_cast %select_n3A_235 : vector<16x1x128xf32> to vector<16x1x128xf32>
      %broadcast_in_dim3A_260 = vector.broadcast %broadcast_in_dim3A_259 : vector<16x1x128xf32> to vector<16x32x128xf32>
      %select_n3A_261 = arith.select %broadcast_in_dim3A_258, %broadcast_in_dim3A_260, %sub3A_256 : vector<16x32x128xi1>, vector<16x32x128xf32>
      %swap3A_262 = arith.constant 0 : index
      %swap3A_263 = arith.constant 0 : index
      %swap3A_264 = arith.constant 0 : index
      %swap3A_265 = vector.load %arg4[%swap3A_262, %swap3A_263, %swap3A_264] : memref<16x128x128xf32, #tpu.memory_space<vmem>>, vector<16x32x128xf32>
      tpu.vector_store %arg4[%swap3A_262, %swap3A_263, %swap3A_264], %select_n3A_261 {strides = array<i32>} : memref<16x128x128xf32, #tpu.memory_space<vmem>>, vector<16x32x128xf32>,
    }
    %scan3A_131 = arith.constant 32 : i32
    %get3A_132 = arith.constant 0 : index
    %get3A_133 = arith.constant 0 : index
    %get3A_134 = arith.constant 0 : index
    %get3A_135 = vector.load %arg4[%get3A_132, %get3A_133, %get3A_134] : memref<16x128x128xf32, #tpu.memory_space<vmem>>, vector<16x128x128xf32>
    %eq3A = vector.broadcast %iota3A : vector<1x128x1xi32> to vector<1x128x128xi32>
    %eq3A_136 = vector.broadcast %iota3A_6 : vector<1x1x128xi32> to vector<1x128x128xi32>
    %eq3A_137 = arith.cmpi eq, %eq3A, %eq3A_136 : vector<1x128x128xi32>
    %jit3A_138 = arith.constant 1.000000e+00 : f32
    %jit3A_139 = arith.constant 0.000000e+00 : f32
    %broadcast_in_dim3A_140 = vector.broadcast %jit3A_138 : f32 to vector<1x128x128xf32>
    %broadcast_in_dim3A_141 = vector.broadcast %jit3A_139 : f32 to vector<1x128x128xf32>
    %select_n3A_142 = arith.select %eq3A_137, %broadcast_in_dim3A_140, %broadcast_in_dim3A_141 : vector<1x128x128xi1>, vector<1x128x128xf32>
    %eq3A_143 = vector.broadcast %iota3A : vector<1x128x1xi32> to vector<1x128x128xi32>
    %eq3A_144 = vector.broadcast %iota3A_6 : vector<1x1x128xi32> to vector<1x128x128xi32>
    %eq3A_145 = arith.cmpi eq, %eq3A_143, %eq3A_144 : vector<1x128x128xi32>
    %jit3A_146 = arith.constant 0.000000e+00 : f32
    %broadcast_in_dim3A_147 = vector.shape_cast %eq3A_145 : vector<1x128x128xi1> to vector<1x128x128xi1>
    %broadcast_in_dim3A_148 = vector.broadcast %broadcast_in_dim3A_147 : vector<1x128x128xi1> to vector<16x128x128xi1>
    %broadcast_in_dim3A_149 = vector.broadcast %jit3A_146 : f32 to vector<16x128x128xf32>
    %select_n3A_150 = arith.select %broadcast_in_dim3A_148, %get3A_135, %broadcast_in_dim3A_149 : vector<16x128x128xi1>, vector<16x128x128xf32>
    %reduce_sum3A = arith.constant dense<0.000000e+00> : vector<16x128xf32>
    %reduce_sum3A_151 = vector.multi_reduction <add>, %select_n3A_150, %reduce_sum3A [2] : vector<16x128x128xf32> to vector<16x128xf32>
    %broadcast_in_dim3A_152 = vector.shape_cast %reduce_sum3A_151 : vector<16x128xf32> to vector<16x128x1xf32>
    %div3A = vector.broadcast %broadcast_in_dim3A_152 : vector<16x128x1xf32> to vector<16x128x128xf32>
    %div3A_153 = arith.divf %get3A_135, %div3A : vector<16x128x128xf32>
    %sub3A_154 = vector.broadcast %select_n3A_142 : vector<1x128x128xf32> to vector<16x128x128xf32>
    %sub3A_155 = arith.subf %div3A_153, %sub3A_154 : vector<16x128x128xf32>
    %sub3A_156 = vector.broadcast %select_n3A_142 : vector<1x128x128xf32> to vector<16x128x128xf32>
    %sub3A_157 = arith.subf %sub3A_156, %sub3A_155 : vector<16x128x128xf32>
    %dot_general3A_158 = arith.constant dense<0.000000e+00> : vector<16x128x128xf32>
    %dot_general3A_159 = tpu.matmul %sub3A_155, %sub3A_155, %dot_general3A_158 {dimension_numbers = #tpu.dot_dimension_numbers<[2], [1], [1], [2], [0, 0, 0, 1, 1, 2], [0], [0]>, precision = #tpu.contract_precision<fp32>, transpose_lhs_hint = false} : vector<16x128x128xf32>, vector<16x128x128xf32>, vector<16x128x128xf32> -> vector<16x128x128xf32>
    %add3A = vector.broadcast %select_n3A_142 : vector<1x128x128xf32> to vector<16x128x128xf32>
    %add3A_160 = arith.addf %add3A, %dot_general3A_159 : vector<16x128x128xf32>
    %dot_general3A_161 = arith.constant dense<0.000000e+00> : vector<16x128x128xf32>
    %dot_general3A_162 = tpu.matmul %sub3A_157, %add3A_160, %dot_general3A_161 {dimension_numbers = #tpu.dot_dimension_numbers<[2], [1], [1], [2], [0, 0, 0, 1, 1, 2], [0], [0]>, precision = #tpu.contract_precision<fp32>, transpose_lhs_hint = false} : vector<16x128x128xf32>, vector<16x128x128xf32>, vector<16x128x128xf32> -> vector<16x128x128xf32>
    %dot_general3A_163 = arith.constant dense<0.000000e+00> : vector<16x128x128xf32>
    %dot_general3A_164 = tpu.matmul %dot_general3A_159, %dot_general3A_159, %dot_general3A_163 {dimension_numbers = #tpu.dot_dimension_numbers<[2], [1], [1], [2], [0, 0, 0, 1, 1, 2], [0], [0]>, precision = #tpu.contract_precision<fp32>, transpose_lhs_hint = false} : vector<16x128x128xf32>, vector<16x128x128xf32>, vector<16x128x128xf32> -> vector<16x128x128xf32>
    %add3A_165 = vector.broadcast %select_n3A_142 : vector<1x128x128xf32> to vector<16x128x128xf32>
    %add3A_166 = arith.addf %add3A_165, %dot_general3A_164 : vector<16x128x128xf32>
    %dot_general3A_167 = arith.constant dense<0.000000e+00> : vector<16x128x128xf32>
    %dot_general3A_168 = tpu.matmul %dot_general3A_162, %add3A_166, %dot_general3A_167 {dimension_numbers = #tpu.dot_dimension_numbers<[2], [1], [1], [2], [0, 0, 0, 1, 1, 2], [0], [0]>, precision = #tpu.contract_precision<fp32>, transpose_lhs_hint = false} : vector<16x128x128xf32>, vector<16x128x128xf32>, vector<16x128x128xf32> -> vector<16x128x128xf32>
    %dot_general3A_169 = arith.constant dense<0.000000e+00> : vector<16x128x128xf32>
    %dot_general3A_170 = tpu.matmul %dot_general3A_164, %dot_general3A_164, %dot_general3A_169 {dimension_numbers = #tpu.dot_dimension_numbers<[2], [1], [1], [2], [0, 0, 0, 1, 1, 2], [0], [0]>, precision = #tpu.contract_precision<fp32>, transpose_lhs_hint = false} : vector<16x128x128xf32>, vector<16x128x128xf32>, vector<16x128x128xf32> -> vector<16x128x128xf32>
    %add3A_171 = vector.broadcast %select_n3A_142 : vector<1x128x128xf32> to vector<16x128x128xf32>
    %add3A_172 = arith.addf %add3A_171, %dot_general3A_170 : vector<16x128x128xf32>
    %dot_general3A_173 = arith.constant dense<0.000000e+00> : vector<16x128x128xf32>
    %dot_general3A_174 = tpu.matmul %dot_general3A_168, %add3A_172, %dot_general3A_173 {dimension_numbers = #tpu.dot_dimension_numbers<[2], [1], [1], [2], [0, 0, 0, 1, 1, 2], [0], [0]>, precision = #tpu.contract_precision<fp32>, transpose_lhs_hint = false} : vector<16x128x128xf32>, vector<16x128x128xf32>, vector<16x128x128xf32> -> vector<16x128x128xf32>
    %dot_general3A_175 = arith.constant dense<0.000000e+00> : vector<16x128x128xf32>
    %dot_general3A_176 = tpu.matmul %dot_general3A_170, %dot_general3A_170, %dot_general3A_175 {dimension_numbers = #tpu.dot_dimension_numbers<[2], [1], [1], [2], [0, 0, 0, 1, 1, 2], [0], [0]>, precision = #tpu.contract_precision<fp32>, transpose_lhs_hint = false} : vector<16x128x128xf32>, vector<16x128x128xf32>, vector<16x128x128xf32> -> vector<16x128x128xf32>
    %add3A_177 = vector.broadcast %select_n3A_142 : vector<1x128x128xf32> to vector<16x128x128xf32>
    %add3A_178 = arith.addf %add3A_177, %dot_general3A_176 : vector<16x128x128xf32>
    %dot_general3A_179 = arith.constant dense<0.000000e+00> : vector<16x128x128xf32>
    %dot_general3A_180 = tpu.matmul %dot_general3A_174, %add3A_178, %dot_general3A_179 {dimension_numbers = #tpu.dot_dimension_numbers<[2], [1], [1], [2], [0, 0, 0, 1, 1, 2], [0], [0]>, precision = #tpu.contract_precision<fp32>, transpose_lhs_hint = false} : vector<16x128x128xf32>, vector<16x128x128xf32>, vector<16x128x128xf32> -> vector<16x128x128xf32>
    %dot_general3A_181 = arith.constant dense<0.000000e+00> : vector<16x128x128xf32>
    %dot_general3A_182 = tpu.matmul %dot_general3A_176, %dot_general3A_176, %dot_general3A_181 {dimension_numbers = #tpu.dot_dimension_numbers<[2], [1], [1], [2], [0, 0, 0, 1, 1, 2], [0], [0]>, precision = #tpu.contract_precision<fp32>, transpose_lhs_hint = false} : vector<16x128x128xf32>, vector<16x128x128xf32>, vector<16x128x128xf32> -> vector<16x128x128xf32>
    %add3A_183 = vector.broadcast %select_n3A_142 : vector<1x128x128xf32> to vector<16x128x128xf32>
    %add3A_184 = arith.addf %add3A_183, %dot_general3A_182 : vector<16x128x128xf32>
    %dot_general3A_185 = arith.constant dense<0.000000e+00> : vector<16x128x128xf32>
    %dot_general3A_186 = tpu.matmul %dot_general3A_180, %add3A_184, %dot_general3A_185 {dimension_numbers = #tpu.dot_dimension_numbers<[2], [1], [1], [2], [0, 0, 0, 1, 1, 2], [0], [0]>, precision = #tpu.contract_precision<fp32>, transpose_lhs_hint = false} : vector<16x128x128xf32>, vector<16x128x128xf32>, vector<16x128x128xf32> -> vector<16x128x128xf32>
    %dot_general3A_187 = arith.constant dense<0.000000e+00> : vector<16x128x128xf32>
    %dot_general3A_188 = tpu.matmul %dot_general3A_182, %dot_general3A_182, %dot_general3A_187 {dimension_numbers = #tpu.dot_dimension_numbers<[2], [1], [1], [2], [0, 0, 0, 1, 1, 2], [0], [0]>, precision = #tpu.contract_precision<fp32>, transpose_lhs_hint = false} : vector<16x128x128xf32>, vector<16x128x128xf32>, vector<16x128x128xf32> -> vector<16x128x128xf32>
    %add3A_189 = vector.broadcast %select_n3A_142 : vector<1x128x128xf32> to vector<16x128x128xf32>
    %add3A_190 = arith.addf %add3A_189, %dot_general3A_188 : vector<16x128x128xf32>
    %dot_general3A_191 = arith.constant dense<0.000000e+00> : vector<16x128x128xf32>
    %dot_general3A_192 = tpu.matmul %dot_general3A_186, %add3A_190, %dot_general3A_191 {dimension_numbers = #tpu.dot_dimension_numbers<[2], [1], [1], [2], [0, 0, 0, 1, 1, 2], [0], [0]>, precision = #tpu.contract_precision<fp32>, transpose_lhs_hint = false} : vector<16x128x128xf32>, vector<16x128x128xf32>, vector<16x128x128xf32> -> vector<16x128x128xf32>
    %broadcast_in_dim3A_193 = vector.shape_cast %reduce_sum3A_151 : vector<16x128xf32> to vector<16x1x128xf32>
    %div3A_194 = vector.broadcast %broadcast_in_dim3A_193 : vector<16x1x128xf32> to vector<16x128x128xf32>
    %div3A_195 = arith.divf %dot_general3A_192, %div3A_194 : vector<16x128x128xf32>
    %swap3A_196 = arith.constant 0 : index
    %swap3A_197 = arith.constant 0 : index
    %swap3A_198 = arith.constant 0 : index
    %swap3A_199 = vector.load %arg2[%swap3A_196, %swap3A_197, %swap3A_198] : memref<16x128x128xf32, #tpu.memory_space<vmem>>, vector<16x128x128xf32>
    tpu.vector_store %arg2[%swap3A_196, %swap3A_197, %swap3A_198], %div3A_195 {strides = array<i32>} : memref<16x128x128xf32, #tpu.memory_space<vmem>>, vector<16x128x128xf32>,
    return
  }
  func.func @transform_0(%arg0: i32) -> (i32, i32, i32) {
    %c0_i32 = arith.constant 0 : i32
    %c1_i32 = arith.constant 1 : i32
    %c1_i32_0 = arith.constant 1 : i32
    %c0_i32_1 = arith.constant 0 : i32
    return %c0_i32, %c1_i32, %c1_i32_0 : i32, i32, i32
  }
  func.func @transform_1(%arg0: i32) -> (i32, i32, i32) {
    %c0_i32 = arith.constant 0 : i32
    %c0_i32_0 = arith.constant 0 : i32
    %c0_i32_1 = arith.constant 0 : i32
    %c0_i32_2 = arith.constant 0 : i32
    return %c0_i32, %c0_i32_0, %c0_i32_1 : i32, i32, i32
  }
}

module attributes {stable_mosaic.version = 14 : i64} {
  func.func @_panel_update_body(%arg0: i32, %arg1: memref<1x256x256xf32, #tpu.memory_space<vmem>>, %arg2: memref<1x128x128xf32, #tpu.memory_space<vmem>>, %arg3: memref<1x128x128xf32, #tpu.memory_space<vmem>>, %arg4: memref<1x128x128xf32, #tpu.memory_space<vmem>>) attributes {dimension_semantics = [#tpu.dimension_semantics<arbitrary>], iteration_bounds = array<i64: 16>, scalar_prefetch = 0 : i64, scratch_operands = 0 : i64, tpu.core_type = #tpu.core_type<tc>, window_params = [{transform_indices = @transform_0, window_bounds = array<i64: 1, 256, 256>}, {transform_indices = @transform_1, window_bounds = array<i64: 1, 128, 128>}, {transform_indices = @transform_2, window_bounds = array<i64: 1, 128, 128>}, {transform_indices = @transform_3, window_bounds = array<i64: 1, 128, 128>}]} {
    %get3A = arith.constant 0 : index
    %get3A_0 = arith.constant 0 : index
    %get3A_1 = arith.constant 128 : index
    %get3A_2 = vector.load %arg1[%get3A, %get3A_0, %get3A_1] : memref<1x256x256xf32, #tpu.memory_space<vmem>>, vector<1x128x128xf32>
    %get3A_3 = vector.shape_cast %get3A_2 : vector<1x128x128xf32> to vector<128x128xf32>
    %get3A_4 = arith.constant 0 : index
    %get3A_5 = arith.constant 0 : index
    %get3A_6 = arith.constant 0 : index
    %get3A_7 = vector.load %arg2[%get3A_4, %get3A_5, %get3A_6] : memref<1x128x128xf32, #tpu.memory_space<vmem>>, vector<1x128x128xf32>
    %get3A_8 = vector.shape_cast %get3A_7 : vector<1x128x128xf32> to vector<128x128xf32>
    %dot_general3A = arith.constant dense<0.000000e+00> : vector<128x128xf32>
    %dot_general3A_9 = tpu.matmul %get3A_3, %get3A_8, %dot_general3A {dimension_numbers = #tpu.dot_dimension_numbers<[1], [0], [0], [1], [0, 0, 1, 1], [], []>, precision = #tpu.contract_precision<fp32>, transpose_lhs_hint = false} : vector<128x128xf32>, vector<128x128xf32>, vector<128x128xf32> -> vector<128x128xf32>
    %swap3A = arith.constant 0 : index
    %swap3A_10 = arith.constant 0 : index
    %swap3A_11 = arith.constant 0 : index
    %swap3A_12 = vector.load %arg3[%swap3A, %swap3A_10, %swap3A_11] : memref<1x128x128xf32, #tpu.memory_space<vmem>>, vector<1x128x128xf32>
    %swap3A_13 = vector.shape_cast %swap3A_12 : vector<1x128x128xf32> to vector<128x128xf32>
    %swap3A_14 = vector.shape_cast %dot_general3A_9 : vector<128x128xf32> to vector<1x128x128xf32>
    tpu.vector_store %arg3[%swap3A, %swap3A_10, %swap3A_11], %swap3A_14 {strides = array<i32>} : memref<1x128x128xf32, #tpu.memory_space<vmem>>, vector<1x128x128xf32>,
    %get3A_15 = arith.constant 0 : index
    %get3A_16 = arith.constant 0 : index
    %get3A_17 = arith.constant 0 : index
    %get3A_18 = vector.load %arg1[%get3A_15, %get3A_16, %get3A_17] : memref<1x256x256xf32, #tpu.memory_space<vmem>>, vector<1x128x128xf32>
    %get3A_19 = vector.shape_cast %get3A_18 : vector<1x128x128xf32> to vector<128x128xf32>
    %dot_general3A_20 = arith.constant dense<0.000000e+00> : vector<128x128xf32>
    %dot_general3A_21 = tpu.matmul %dot_general3A_9, %dot_general3A_9, %dot_general3A_20 {dimension_numbers = #tpu.dot_dimension_numbers<[1], [1], [0], [0], [0, 0, 1, 0], [], []>, precision = #tpu.contract_precision<fp32>, transpose_lhs_hint = false} : vector<128x128xf32>, vector<128x128xf32>, vector<128x128xf32> -> vector<128x128xf32>
    %sub3A = arith.subf %get3A_19, %dot_general3A_21 : vector<128x128xf32>
    %swap3A_22 = arith.constant 0 : index
    %swap3A_23 = arith.constant 0 : index
    %swap3A_24 = arith.constant 0 : index
    %swap3A_25 = vector.load %arg4[%swap3A_22, %swap3A_23, %swap3A_24] : memref<1x128x128xf32, #tpu.memory_space<vmem>>, vector<1x128x128xf32>
    %swap3A_26 = vector.shape_cast %swap3A_25 : vector<1x128x128xf32> to vector<128x128xf32>
    %swap3A_27 = vector.shape_cast %sub3A : vector<128x128xf32> to vector<1x128x128xf32>
    tpu.vector_store %arg4[%swap3A_22, %swap3A_23, %swap3A_24], %swap3A_27 {strides = array<i32>} : memref<1x128x128xf32, #tpu.memory_space<vmem>>, vector<1x128x128xf32>,
    return
  }
  func.func @transform_0(%arg0: i32) -> (i32, i32, i32) {
    %c0_i32 = arith.constant 0 : i32
    %c0_i32_0 = arith.constant 0 : i32
    %c0_i32_1 = arith.constant 0 : i32
    return %arg0, %c0_i32, %c0_i32_0 : i32, i32, i32
  }
  func.func @transform_1(%arg0: i32) -> (i32, i32, i32) {
    %c0_i32 = arith.constant 0 : i32
    %c0_i32_0 = arith.constant 0 : i32
    %c0_i32_1 = arith.constant 0 : i32
    return %arg0, %c0_i32, %c0_i32_0 : i32, i32, i32
  }
  func.func @transform_2(%arg0: i32) -> (i32, i32, i32) {
    %c0_i32 = arith.constant 0 : i32
    %c0_i32_0 = arith.constant 0 : i32
    %c0_i32_1 = arith.constant 0 : i32
    return %arg0, %c0_i32, %c0_i32_0 : i32, i32, i32
  }
  func.func @transform_3(%arg0: i32) -> (i32, i32, i32) {
    %c0_i32 = arith.constant 0 : i32
    %c0_i32_0 = arith.constant 0 : i32
    %c0_i32_1 = arith.constant 0 : i32
    return %arg0, %c0_i32, %c0_i32_0 : i32, i32, i32
  }
}

module attributes {stable_mosaic.version = 14 : i64} {
  func.func @_diag_factor_body(%arg0: i32, %arg1: memref<16x128x128xf32, #tpu.memory_space<vmem>>, %arg2: memref<16x128x128xf32, #tpu.memory_space<vmem>>, %arg3: memref<16x128x128xf32, #tpu.memory_space<vmem>>, %arg4: memref<16x128x128xf32, #tpu.memory_space<vmem>>) attributes {dimension_semantics = [#tpu.dimension_semantics<arbitrary>], iteration_bounds = array<i64: 1>, scalar_prefetch = 0 : i64, scratch_operands = 2 : i64, tpu.core_type = #tpu.core_type<tc>, window_params = [{pipeline_mode = #tpu.pipeline_mode<synchronous>, transform_indices = @transform_0, window_bounds = array<i64: 16, 128, 128>}, {pipeline_mode = #tpu.pipeline_mode<synchronous>, transform_indices = @transform_1, window_bounds = array<i64: 16, 128, 128>}]} {
    %get3A = arith.constant 0 : index
    %get3A_0 = arith.constant 0 : index
    %get3A_1 = arith.constant 0 : index
    %get3A_2 = vector.load %arg1[%get3A, %get3A_0, %get3A_1] : memref<16x128x128xf32, #tpu.memory_space<vmem>>, vector<16x128x128xf32>
    %swap3A = arith.constant 0 : index
    %swap3A_3 = arith.constant 0 : index
    %swap3A_4 = arith.constant 0 : index
    %swap3A_5 = vector.load %arg3[%swap3A, %swap3A_3, %swap3A_4] : memref<16x128x128xf32, #tpu.memory_space<vmem>>, vector<16x128x128xf32>
    tpu.vector_store %arg3[%swap3A, %swap3A_3, %swap3A_4], %get3A_2 {strides = array<i32>} : memref<16x128x128xf32, #tpu.memory_space<vmem>>, vector<16x128x128xf32>,
    %iota3A = tpu.iota {dimensions = array<i32: 1>} : vector<1x128x1xi32>
    %iota3A_6 = tpu.iota {dimensions = array<i32: 2>} : vector<1x1x128xi32>
    %iota3A_7 = tpu.iota {dimensions = array<i32: 1>} : vector<1x32x1xi32>
    %lt3A = arith.constant 128 : i32
    %lt3A_8 = vector.broadcast %lt3A : i32 to vector<1x1x128xi32>
    %lt3A_9 = arith.cmpi slt, %iota3A_6, %lt3A_8 : vector<1x1x128xi32>
    %get3A_10 = arith.constant 0 : index
    %get3A_11 = arith.constant 96 : index
    %get3A_12 = arith.constant 0 : index
    %get3A_13 = vector.load %arg3[%get3A_10, %get3A_11, %get3A_12] : memref<16x128x128xf32, #tpu.memory_space<vmem>>, vector<16x32x128xf32>
    %jit3A = arith.constant 0.000000e+00 : f32
    %broadcast_in_dim3A = vector.shape_cast %lt3A_9 : vector<1x1x128xi1> to vector<1x1x128xi1>
    %broadcast_in_dim3A_14 = vector.broadcast %broadcast_in_dim3A : vector<1x1x128xi1> to vector<16x32x128xi1>
    %broadcast_in_dim3A_15 = vector.broadcast %jit3A : f32 to vector<16x32x128xf32>
    %select_n3A = arith.select %broadcast_in_dim3A_14, %get3A_13, %broadcast_in_dim3A_15 : vector<16x32x128xi1>, vector<16x32x128xf32>
    %swap3A_16 = arith.constant 0 : index
    %swap3A_17 = arith.constant 96 : index
    %swap3A_18 = arith.constant 0 : index
    %swap3A_19 = vector.load %arg4[%swap3A_16, %swap3A_17, %swap3A_18] : memref<16x128x128xf32, #tpu.memory_space<vmem>>, vector<16x32x128xf32>
    tpu.vector_store %arg4[%swap3A_16, %swap3A_17, %swap3A_18], %select_n3A {strides = array<i32>} : memref<16x128x128xf32, #tpu.memory_space<vmem>>, vector<16x32x128xf32>,
    %scan3A = arith.constant 0 : i32
    %scan3A_20 = arith.constant 32 : i32
    %scan3A_21 = arith.addi %scan3A, %scan3A_20 : i32
    %scan3A_22 = arith.constant 1 : i32
    scf.for %scan3A_200 = %scan3A to %scan3A_21 step %scan3A_22  : i32 {
      %get3A_201 = arith.constant 0 : index
      %get3A_202 = arith.constant 96 : index
      %get3A_203 = arith.constant 0 : index
      %get3A_204 = vector.load %arg4[%get3A_201, %get3A_202, %get3A_203] : memref<16x128x128xf32, #tpu.memory_space<vmem>>, vector<16x32x128xf32>
      %sub3A_205 = arith.constant 31 : i32
      %sub3A_206 = arith.subi %sub3A_205, %scan3A_200 : i32
      %add3A_207 = arith.constant 96 : i32
      %add3A_208 = arith.addi %add3A_207, %sub3A_206 : i32
      %eq3A_209 = vector.broadcast %add3A_208 : i32 to vector<1x1x128xi32>
      %eq3A_210 = arith.cmpi eq, %iota3A_6, %eq3A_209 : vector<1x1x128xi32>
      %eq3A_211 = vector.broadcast %sub3A_206 : i32 to vector<1x32x1xi32>
      %eq3A_212 = arith.cmpi eq, %iota3A_7, %eq3A_211 : vector<1x32x1xi32>
      %jit3A_213 = arith.constant 0.000000e+00 : f32
      %broadcast_in_dim3A_214 = vector.shape_cast %eq3A_212 : vector<1x32x1xi1> to vector<1x32x1xi1>
      %broadcast_in_dim3A_215 = vector.broadcast %broadcast_in_dim3A_214 : vector<1x32x1xi1> to vector<16x32x128xi1>
      %broadcast_in_dim3A_216 = vector.broadcast %jit3A_213 : f32 to vector<16x32x128xf32>
      %select_n3A_217 = arith.select %broadcast_in_dim3A_215, %get3A_204, %broadcast_in_dim3A_216 : vector<16x32x128xi1>, vector<16x32x128xf32>
      %reduce_sum3A_218 = arith.constant dense<0.000000e+00> : vector<16x128xf32>
      %reduce_sum3A_219 = vector.multi_reduction <add>, %select_n3A_217, %reduce_sum3A_218 [1] : vector<16x32x128xf32> to vector<16x128xf32>
      %broadcast_in_dim3A_220 = vector.shape_cast %reduce_sum3A_219 : vector<16x128xf32> to vector<16x1x128xf32>
      %jit3A_221 = arith.constant 0.000000e+00 : f32
      %broadcast_in_dim3A_222 = vector.shape_cast %eq3A_210 : vector<1x1x128xi1> to vector<1x1x128xi1>
      %broadcast_in_dim3A_223 = vector.broadcast %broadcast_in_dim3A_222 : vector<1x1x128xi1> to vector<16x1x128xi1>
      %broadcast_in_dim3A_224 = vector.broadcast %jit3A_221 : f32 to vector<16x1x128xf32>
      %select_n3A_225 = arith.select %broadcast_in_dim3A_223, %broadcast_in_dim3A_220, %broadcast_in_dim3A_224 : vector<16x1x128xi1>, vector<16x1x128xf32>
      %reduce_sum3A_226 = arith.constant dense<0.000000e+00> : vector<16x1xf32>
      %reduce_sum3A_227 = vector.multi_reduction <add>, %select_n3A_225, %reduce_sum3A_226 [2] : vector<16x1x128xf32> to vector<16x1xf32>
      %broadcast_in_dim3A_228 = vector.shape_cast %reduce_sum3A_227 : vector<16x1xf32> to vector<16x1x1xf32>
      %rsqrt3A = math.rsqrt %broadcast_in_dim3A_228 : vector<16x1x1xf32>
      %le3A = vector.broadcast %add3A_208 : i32 to vector<1x1x128xi32>
      %le3A_229 = arith.cmpi sle, %iota3A_6, %le3A : vector<1x1x128xi32>
      %mul3A = vector.broadcast %rsqrt3A : vector<16x1x1xf32> to vector<16x1x128xf32>
      %mul3A_230 = arith.mulf %broadcast_in_dim3A_220, %mul3A : vector<16x1x128xf32>
      %jit3A_231 = arith.constant 0.000000e+00 : f32
      %broadcast_in_dim3A_232 = vector.shape_cast %le3A_229 : vector<1x1x128xi1> to vector<1x1x128xi1>
      %broadcast_in_dim3A_233 = vector.broadcast %broadcast_in_dim3A_232 : vector<1x1x128xi1> to vector<16x1x128xi1>
      %broadcast_in_dim3A_234 = vector.broadcast %jit3A_231 : f32 to vector<16x1x128xf32>
      %select_n3A_235 = arith.select %broadcast_in_dim3A_233, %mul3A_230, %broadcast_in_dim3A_234 : vector<16x1x128xi1>, vector<16x1x128xf32>
      %jit3A_236 = arith.constant 0.000000e+00 : f32
      %broadcast_in_dim3A_237 = vector.shape_cast %eq3A_210 : vector<1x1x128xi1> to vector<1x1x128xi1>
      %broadcast_in_dim3A_238 = vector.broadcast %broadcast_in_dim3A_237 : vector<1x1x128xi1> to vector<16x32x128xi1>
      %broadcast_in_dim3A_239 = vector.broadcast %jit3A_236 : f32 to vector<16x32x128xf32>
      %select_n3A_240 = arith.select %broadcast_in_dim3A_238, %get3A_204, %broadcast_in_dim3A_239 : vector<16x32x128xi1>, vector<16x32x128xf32>
      %reduce_sum3A_241 = arith.constant dense<0.000000e+00> : vector<16x32xf32>
      %reduce_sum3A_242 = vector.multi_reduction <add>, %select_n3A_240, %reduce_sum3A_241 [2] : vector<16x32x128xf32> to vector<16x32xf32>
      %broadcast_in_dim3A_243 = vector.shape_cast %reduce_sum3A_242 : vector<16x32xf32> to vector<16x32x1xf32>
      %lt3A_244 = vector.broadcast %sub3A_206 : i32 to vector<1x32x1xi32>
      %lt3A_245 = arith.cmpi slt, %iota3A_7, %lt3A_244 : vector<1x32x1xi32>
      %mul3A_246 = vector.broadcast %rsqrt3A : vector<16x1x1xf32> to vector<16x32x1xf32>
      %mul3A_247 = arith.mulf %broadcast_in_dim3A_243, %mul3A_246 : vector<16x32x1xf32>
      %jit3A_248 = arith.constant 0.000000e+00 : f32
      %broadcast_in_dim3A_249 = vector.shape_cast %lt3A_245 : vector<1x32x1xi1> to vector<1x32x1xi1>
      %broadcast_in_dim3A_250 = vector.broadcast %broadcast_in_dim3A_249 : vector<1x32x1xi1> to vector<16x32x1xi1>
      %broadcast_in_dim3A_251 = vector.broadcast %jit3A_248 : f32 to vector<16x32x1xf32>
      %select_n3A_252 = arith.select %broadcast_in_dim3A_250, %mul3A_247, %broadcast_in_dim3A_251 : vector<16x32x1xi1>, vector<16x32x1xf32>
      %mul3A_253 = vector.broadcast %select_n3A_252 : vector<16x32x1xf32> to vector<16x32x128xf32>
      %mul3A_254 = vector.broadcast %select_n3A_235 : vector<16x1x128xf32> to vector<16x32x128xf32>
      %mul3A_255 = arith.mulf %mul3A_253, %mul3A_254 : vector<16x32x128xf32>
      %sub3A_256 = arith.subf %get3A_204, %mul3A_255 : vector<16x32x128xf32>
      %broadcast_in_dim3A_257 = vector.shape_cast %eq3A_212 : vector<1x32x1xi1> to vector<1x32x1xi1>
      %broadcast_in_dim3A_258 = vector.broadcast %broadcast_in_dim3A_257 : vector<1x32x1xi1> to vector<16x32x128xi1>
      %broadcast_in_dim3A_259 = vector.shape_cast %select_n3A_235 : vector<16x1x128xf32> to vector<16x1x128xf32>
      %broadcast_in_dim3A_260 = vector.broadcast %broadcast_in_dim3A_259 : vector<16x1x128xf32> to vector<16x32x128xf32>
      %select_n3A_261 = arith.select %broadcast_in_dim3A_258, %broadcast_in_dim3A_260, %sub3A_256 : vector<16x32x128xi1>, vector<16x32x128xf32>
      %swap3A_262 = arith.constant 0 : index
      %swap3A_263 = arith.constant 96 : index
      %swap3A_264 = arith.constant 0 : index
      %swap3A_265 = vector.load %arg4[%swap3A_262, %swap3A_263, %swap3A_264] : memref<16x128x128xf32, #tpu.memory_space<vmem>>, vector<16x32x128xf32>
      tpu.vector_store %arg4[%swap3A_262, %swap3A_263, %swap3A_264], %select_n3A_261 {strides = array<i32>} : memref<16x128x128xf32, #tpu.memory_space<vmem>>, vector<16x32x128xf32>,
    }
    %scan3A_23 = arith.constant 32 : i32
    %get3A_24 = arith.constant 0 : index
    %get3A_25 = arith.constant 96 : index
    %get3A_26 = arith.constant 0 : index
    %get3A_27 = vector.load %arg4[%get3A_24, %get3A_25, %get3A_26] : memref<16x128x128xf32, #tpu.memory_space<vmem>>, vector<16x32x128xf32>
    %get3A_28 = arith.constant 0 : index
    %get3A_29 = arith.constant 0 : index
    %get3A_30 = arith.constant 0 : index
    %get3A_31 = vector.load %arg3[%get3A_28, %get3A_29, %get3A_30] : memref<16x128x128xf32, #tpu.memory_space<vmem>>, vector<16x128x96xf32>
    %slice3A = vector.extract_strided_slice %get3A_27 {offsets = [0, 0, 0], sizes = [16, 32, 96], strides = [1, 1, 1]} : vector<16x32x128xf32> to vector<16x32x96xf32>
    %dot_general3A = arith.constant dense<0.000000e+00> : vector<16x128x96xf32>
    %dot_general3A_32 = tpu.matmul %get3A_27, %slice3A, %dot_general3A {dimension_numbers = #tpu.dot_dimension_numbers<[1], [1], [2], [2], [0, 0, 0, 2, 1, 2], [0], [0]>, precision = #tpu.contract_precision<fp32>, transpose_lhs_hint = false} : vector<16x32x128xf32>, vector<16x32x96xf32>, vector<16x128x96xf32> -> vector<16x128x96xf32>
    %sub3A = arith.subf %get3A_31, %dot_general3A_32 : vector<16x128x96xf32>
    %swap3A_33 = arith.constant 0 : index
    %swap3A_34 = arith.constant 0 : index
    %swap3A_35 = arith.constant 0 : index
    %swap3A_36 = vector.load %arg3[%swap3A_33, %swap3A_34, %swap3A_35] : memref<16x128x128xf32, #tpu.memory_space<vmem>>, vector<16x128x96xf32>
    tpu.vector_store %arg3[%swap3A_33, %swap3A_34, %swap3A_35], %sub3A {strides = array<i32>} : memref<16x128x128xf32, #tpu.memory_space<vmem>>, vector<16x128x96xf32>,
    %lt3A_37 = arith.constant 96 : i32
    %lt3A_38 = vector.broadcast %lt3A_37 : i32 to vector<1x1x128xi32>
    %lt3A_39 = arith.cmpi slt, %iota3A_6, %lt3A_38 : vector<1x1x128xi32>
    %get3A_40 = arith.constant 0 : index
    %get3A_41 = arith.constant 64 : index
    %get3A_42 = arith.constant 0 : index
    %get3A_43 = vector.load %arg3[%get3A_40, %get3A_41, %get3A_42] : memref<16x128x128xf32, #tpu.memory_space<vmem>>, vector<16x32x128xf32>
    %jit3A_44 = arith.constant 0.000000e+00 : f32
    %broadcast_in_dim3A_45 = vector.shape_cast %lt3A_39 : vector<1x1x128xi1> to vector<1x1x128xi1>
    %broadcast_in_dim3A_46 = vector.broadcast %broadcast_in_dim3A_45 : vector<1x1x128xi1> to vector<16x32x128xi1>
    %broadcast_in_dim3A_47 = vector.broadcast %jit3A_44 : f32 to vector<16x32x128xf32>
    %select_n3A_48 = arith.select %broadcast_in_dim3A_46, %get3A_43, %broadcast_in_dim3A_47 : vector<16x32x128xi1>, vector<16x32x128xf32>
    %swap3A_49 = arith.constant 0 : index
    %swap3A_50 = arith.constant 64 : index
    %swap3A_51 = arith.constant 0 : index
    %swap3A_52 = vector.load %arg4[%swap3A_49, %swap3A_50, %swap3A_51] : memref<16x128x128xf32, #tpu.memory_space<vmem>>, vector<16x32x128xf32>
    tpu.vector_store %arg4[%swap3A_49, %swap3A_50, %swap3A_51], %select_n3A_48 {strides = array<i32>} : memref<16x128x128xf32, #tpu.memory_space<vmem>>, vector<16x32x128xf32>,
    %scan3A_53 = arith.constant 0 : i32
    %scan3A_54 = arith.constant 32 : i32
    %scan3A_55 = arith.addi %scan3A_53, %scan3A_54 : i32
    %scan3A_56 = arith.constant 1 : i32
    scf.for %scan3A_200 = %scan3A_53 to %scan3A_55 step %scan3A_56  : i32 {
      %get3A_201 = arith.constant 0 : index
      %get3A_202 = arith.constant 64 : index
      %get3A_203 = arith.constant 0 : index
      %get3A_204 = vector.load %arg4[%get3A_201, %get3A_202, %get3A_203] : memref<16x128x128xf32, #tpu.memory_space<vmem>>, vector<16x32x128xf32>
      %sub3A_205 = arith.constant 31 : i32
      %sub3A_206 = arith.subi %sub3A_205, %scan3A_200 : i32
      %add3A_207 = arith.constant 64 : i32
      %add3A_208 = arith.addi %add3A_207, %sub3A_206 : i32
      %eq3A_209 = vector.broadcast %add3A_208 : i32 to vector<1x1x128xi32>
      %eq3A_210 = arith.cmpi eq, %iota3A_6, %eq3A_209 : vector<1x1x128xi32>
      %eq3A_211 = vector.broadcast %sub3A_206 : i32 to vector<1x32x1xi32>
      %eq3A_212 = arith.cmpi eq, %iota3A_7, %eq3A_211 : vector<1x32x1xi32>
      %jit3A_213 = arith.constant 0.000000e+00 : f32
      %broadcast_in_dim3A_214 = vector.shape_cast %eq3A_212 : vector<1x32x1xi1> to vector<1x32x1xi1>
      %broadcast_in_dim3A_215 = vector.broadcast %broadcast_in_dim3A_214 : vector<1x32x1xi1> to vector<16x32x128xi1>
      %broadcast_in_dim3A_216 = vector.broadcast %jit3A_213 : f32 to vector<16x32x128xf32>
      %select_n3A_217 = arith.select %broadcast_in_dim3A_215, %get3A_204, %broadcast_in_dim3A_216 : vector<16x32x128xi1>, vector<16x32x128xf32>
      %reduce_sum3A_218 = arith.constant dense<0.000000e+00> : vector<16x128xf32>
      %reduce_sum3A_219 = vector.multi_reduction <add>, %select_n3A_217, %reduce_sum3A_218 [1] : vector<16x32x128xf32> to vector<16x128xf32>
      %broadcast_in_dim3A_220 = vector.shape_cast %reduce_sum3A_219 : vector<16x128xf32> to vector<16x1x128xf32>
      %jit3A_221 = arith.constant 0.000000e+00 : f32
      %broadcast_in_dim3A_222 = vector.shape_cast %eq3A_210 : vector<1x1x128xi1> to vector<1x1x128xi1>
      %broadcast_in_dim3A_223 = vector.broadcast %broadcast_in_dim3A_222 : vector<1x1x128xi1> to vector<16x1x128xi1>
      %broadcast_in_dim3A_224 = vector.broadcast %jit3A_221 : f32 to vector<16x1x128xf32>
      %select_n3A_225 = arith.select %broadcast_in_dim3A_223, %broadcast_in_dim3A_220, %broadcast_in_dim3A_224 : vector<16x1x128xi1>, vector<16x1x128xf32>
      %reduce_sum3A_226 = arith.constant dense<0.000000e+00> : vector<16x1xf32>
      %reduce_sum3A_227 = vector.multi_reduction <add>, %select_n3A_225, %reduce_sum3A_226 [2] : vector<16x1x128xf32> to vector<16x1xf32>
      %broadcast_in_dim3A_228 = vector.shape_cast %reduce_sum3A_227 : vector<16x1xf32> to vector<16x1x1xf32>
      %rsqrt3A = math.rsqrt %broadcast_in_dim3A_228 : vector<16x1x1xf32>
      %le3A = vector.broadcast %add3A_208 : i32 to vector<1x1x128xi32>
      %le3A_229 = arith.cmpi sle, %iota3A_6, %le3A : vector<1x1x128xi32>
      %mul3A = vector.broadcast %rsqrt3A : vector<16x1x1xf32> to vector<16x1x128xf32>
      %mul3A_230 = arith.mulf %broadcast_in_dim3A_220, %mul3A : vector<16x1x128xf32>
      %jit3A_231 = arith.constant 0.000000e+00 : f32
      %broadcast_in_dim3A_232 = vector.shape_cast %le3A_229 : vector<1x1x128xi1> to vector<1x1x128xi1>
      %broadcast_in_dim3A_233 = vector.broadcast %broadcast_in_dim3A_232 : vector<1x1x128xi1> to vector<16x1x128xi1>
      %broadcast_in_dim3A_234 = vector.broadcast %jit3A_231 : f32 to vector<16x1x128xf32>
      %select_n3A_235 = arith.select %broadcast_in_dim3A_233, %mul3A_230, %broadcast_in_dim3A_234 : vector<16x1x128xi1>, vector<16x1x128xf32>
      %jit3A_236 = arith.constant 0.000000e+00 : f32
      %broadcast_in_dim3A_237 = vector.shape_cast %eq3A_210 : vector<1x1x128xi1> to vector<1x1x128xi1>
      %broadcast_in_dim3A_238 = vector.broadcast %broadcast_in_dim3A_237 : vector<1x1x128xi1> to vector<16x32x128xi1>
      %broadcast_in_dim3A_239 = vector.broadcast %jit3A_236 : f32 to vector<16x32x128xf32>
      %select_n3A_240 = arith.select %broadcast_in_dim3A_238, %get3A_204, %broadcast_in_dim3A_239 : vector<16x32x128xi1>, vector<16x32x128xf32>
      %reduce_sum3A_241 = arith.constant dense<0.000000e+00> : vector<16x32xf32>
      %reduce_sum3A_242 = vector.multi_reduction <add>, %select_n3A_240, %reduce_sum3A_241 [2] : vector<16x32x128xf32> to vector<16x32xf32>
      %broadcast_in_dim3A_243 = vector.shape_cast %reduce_sum3A_242 : vector<16x32xf32> to vector<16x32x1xf32>
      %lt3A_244 = vector.broadcast %sub3A_206 : i32 to vector<1x32x1xi32>
      %lt3A_245 = arith.cmpi slt, %iota3A_7, %lt3A_244 : vector<1x32x1xi32>
      %mul3A_246 = vector.broadcast %rsqrt3A : vector<16x1x1xf32> to vector<16x32x1xf32>
      %mul3A_247 = arith.mulf %broadcast_in_dim3A_243, %mul3A_246 : vector<16x32x1xf32>
      %jit3A_248 = arith.constant 0.000000e+00 : f32
      %broadcast_in_dim3A_249 = vector.shape_cast %lt3A_245 : vector<1x32x1xi1> to vector<1x32x1xi1>
      %broadcast_in_dim3A_250 = vector.broadcast %broadcast_in_dim3A_249 : vector<1x32x1xi1> to vector<16x32x1xi1>
      %broadcast_in_dim3A_251 = vector.broadcast %jit3A_248 : f32 to vector<16x32x1xf32>
      %select_n3A_252 = arith.select %broadcast_in_dim3A_250, %mul3A_247, %broadcast_in_dim3A_251 : vector<16x32x1xi1>, vector<16x32x1xf32>
      %mul3A_253 = vector.broadcast %select_n3A_252 : vector<16x32x1xf32> to vector<16x32x128xf32>
      %mul3A_254 = vector.broadcast %select_n3A_235 : vector<16x1x128xf32> to vector<16x32x128xf32>
      %mul3A_255 = arith.mulf %mul3A_253, %mul3A_254 : vector<16x32x128xf32>
      %sub3A_256 = arith.subf %get3A_204, %mul3A_255 : vector<16x32x128xf32>
      %broadcast_in_dim3A_257 = vector.shape_cast %eq3A_212 : vector<1x32x1xi1> to vector<1x32x1xi1>
      %broadcast_in_dim3A_258 = vector.broadcast %broadcast_in_dim3A_257 : vector<1x32x1xi1> to vector<16x32x128xi1>
      %broadcast_in_dim3A_259 = vector.shape_cast %select_n3A_235 : vector<16x1x128xf32> to vector<16x1x128xf32>
      %broadcast_in_dim3A_260 = vector.broadcast %broadcast_in_dim3A_259 : vector<16x1x128xf32> to vector<16x32x128xf32>
      %select_n3A_261 = arith.select %broadcast_in_dim3A_258, %broadcast_in_dim3A_260, %sub3A_256 : vector<16x32x128xi1>, vector<16x32x128xf32>
      %swap3A_262 = arith.constant 0 : index
      %swap3A_263 = arith.constant 64 : index
      %swap3A_264 = arith.constant 0 : index
      %swap3A_265 = vector.load %arg4[%swap3A_262, %swap3A_263, %swap3A_264] : memref<16x128x128xf32, #tpu.memory_space<vmem>>, vector<16x32x128xf32>
      tpu.vector_store %arg4[%swap3A_262, %swap3A_263, %swap3A_264], %select_n3A_261 {strides = array<i32>} : memref<16x128x128xf32, #tpu.memory_space<vmem>>, vector<16x32x128xf32>,
    }
    %scan3A_57 = arith.constant 32 : i32
    %get3A_58 = arith.constant 0 : index
    %get3A_59 = arith.constant 64 : index
    %get3A_60 = arith.constant 0 : index
    %get3A_61 = vector.load %arg4[%get3A_58, %get3A_59, %get3A_60] : memref<16x128x128xf32, #tpu.memory_space<vmem>>, vector<16x32x128xf32>
    %get3A_62 = arith.constant 0 : index
    %get3A_63 = arith.constant 0 : index
    %get3A_64 = arith.constant 0 : index
    %get3A_65 = vector.load %arg3[%get3A_62, %get3A_63, %get3A_64] : memref<16x128x128xf32, #tpu.memory_space<vmem>>, vector<16x128x64xf32>
    %slice3A_66 = vector.extract_strided_slice %get3A_61 {offsets = [0, 0, 0], sizes = [16, 32, 64], strides = [1, 1, 1]} : vector<16x32x128xf32> to vector<16x32x64xf32>
    %dot_general3A_67 = arith.constant dense<0.000000e+00> : vector<16x128x64xf32>
    %dot_general3A_68 = tpu.matmul %get3A_61, %slice3A_66, %dot_general3A_67 {dimension_numbers = #tpu.dot_dimension_numbers<[1], [1], [2], [2], [0, 0, 0, 2, 1, 2], [0], [0]>, precision = #tpu.contract_precision<fp32>, transpose_lhs_hint = false} : vector<16x32x128xf32>, vector<16x32x64xf32>, vector<16x128x64xf32> -> vector<16x128x64xf32>
    %sub3A_69 = arith.subf %get3A_65, %dot_general3A_68 : vector<16x128x64xf32>
    %swap3A_70 = arith.constant 0 : index
    %swap3A_71 = arith.constant 0 : index
    %swap3A_72 = arith.constant 0 : index
    %swap3A_73 = vector.load %arg3[%swap3A_70, %swap3A_71, %swap3A_72] : memref<16x128x128xf32, #tpu.memory_space<vmem>>, vector<16x128x64xf32>
    tpu.vector_store %arg3[%swap3A_70, %swap3A_71, %swap3A_72], %sub3A_69 {strides = array<i32>} : memref<16x128x128xf32, #tpu.memory_space<vmem>>, vector<16x128x64xf32>,
    %lt3A_74 = arith.constant 64 : i32
    %lt3A_75 = vector.broadcast %lt3A_74 : i32 to vector<1x1x128xi32>
    %lt3A_76 = arith.cmpi slt, %iota3A_6, %lt3A_75 : vector<1x1x128xi32>
    %get3A_77 = arith.constant 0 : index
    %get3A_78 = arith.constant 32 : index
    %get3A_79 = arith.constant 0 : index
    %get3A_80 = vector.load %arg3[%get3A_77, %get3A_78, %get3A_79] : memref<16x128x128xf32, #tpu.memory_space<vmem>>, vector<16x32x128xf32>
    %jit3A_81 = arith.constant 0.000000e+00 : f32
    %broadcast_in_dim3A_82 = vector.shape_cast %lt3A_76 : vector<1x1x128xi1> to vector<1x1x128xi1>
    %broadcast_in_dim3A_83 = vector.broadcast %broadcast_in_dim3A_82 : vector<1x1x128xi1> to vector<16x32x128xi1>
    %broadcast_in_dim3A_84 = vector.broadcast %jit3A_81 : f32 to vector<16x32x128xf32>
    %select_n3A_85 = arith.select %broadcast_in_dim3A_83, %get3A_80, %broadcast_in_dim3A_84 : vector<16x32x128xi1>, vector<16x32x128xf32>
    %swap3A_86 = arith.constant 0 : index
    %swap3A_87 = arith.constant 32 : index
    %swap3A_88 = arith.constant 0 : index
    %swap3A_89 = vector.load %arg4[%swap3A_86, %swap3A_87, %swap3A_88] : memref<16x128x128xf32, #tpu.memory_space<vmem>>, vector<16x32x128xf32>
    tpu.vector_store %arg4[%swap3A_86, %swap3A_87, %swap3A_88], %select_n3A_85 {strides = array<i32>} : memref<16x128x128xf32, #tpu.memory_space<vmem>>, vector<16x32x128xf32>,
    %scan3A_90 = arith.constant 0 : i32
    %scan3A_91 = arith.constant 32 : i32
    %scan3A_92 = arith.addi %scan3A_90, %scan3A_91 : i32
    %scan3A_93 = arith.constant 1 : i32
    scf.for %scan3A_200 = %scan3A_90 to %scan3A_92 step %scan3A_93  : i32 {
      %get3A_201 = arith.constant 0 : index
      %get3A_202 = arith.constant 32 : index
      %get3A_203 = arith.constant 0 : index
      %get3A_204 = vector.load %arg4[%get3A_201, %get3A_202, %get3A_203] : memref<16x128x128xf32, #tpu.memory_space<vmem>>, vector<16x32x128xf32>
      %sub3A_205 = arith.constant 31 : i32
      %sub3A_206 = arith.subi %sub3A_205, %scan3A_200 : i32
      %add3A_207 = arith.constant 32 : i32
      %add3A_208 = arith.addi %add3A_207, %sub3A_206 : i32
      %eq3A_209 = vector.broadcast %add3A_208 : i32 to vector<1x1x128xi32>
      %eq3A_210 = arith.cmpi eq, %iota3A_6, %eq3A_209 : vector<1x1x128xi32>
      %eq3A_211 = vector.broadcast %sub3A_206 : i32 to vector<1x32x1xi32>
      %eq3A_212 = arith.cmpi eq, %iota3A_7, %eq3A_211 : vector<1x32x1xi32>
      %jit3A_213 = arith.constant 0.000000e+00 : f32
      %broadcast_in_dim3A_214 = vector.shape_cast %eq3A_212 : vector<1x32x1xi1> to vector<1x32x1xi1>
      %broadcast_in_dim3A_215 = vector.broadcast %broadcast_in_dim3A_214 : vector<1x32x1xi1> to vector<16x32x128xi1>
      %broadcast_in_dim3A_216 = vector.broadcast %jit3A_213 : f32 to vector<16x32x128xf32>
      %select_n3A_217 = arith.select %broadcast_in_dim3A_215, %get3A_204, %broadcast_in_dim3A_216 : vector<16x32x128xi1>, vector<16x32x128xf32>
      %reduce_sum3A_218 = arith.constant dense<0.000000e+00> : vector<16x128xf32>
      %reduce_sum3A_219 = vector.multi_reduction <add>, %select_n3A_217, %reduce_sum3A_218 [1] : vector<16x32x128xf32> to vector<16x128xf32>
      %broadcast_in_dim3A_220 = vector.shape_cast %reduce_sum3A_219 : vector<16x128xf32> to vector<16x1x128xf32>
      %jit3A_221 = arith.constant 0.000000e+00 : f32
      %broadcast_in_dim3A_222 = vector.shape_cast %eq3A_210 : vector<1x1x128xi1> to vector<1x1x128xi1>
      %broadcast_in_dim3A_223 = vector.broadcast %broadcast_in_dim3A_222 : vector<1x1x128xi1> to vector<16x1x128xi1>
      %broadcast_in_dim3A_224 = vector.broadcast %jit3A_221 : f32 to vector<16x1x128xf32>
      %select_n3A_225 = arith.select %broadcast_in_dim3A_223, %broadcast_in_dim3A_220, %broadcast_in_dim3A_224 : vector<16x1x128xi1>, vector<16x1x128xf32>
      %reduce_sum3A_226 = arith.constant dense<0.000000e+00> : vector<16x1xf32>
      %reduce_sum3A_227 = vector.multi_reduction <add>, %select_n3A_225, %reduce_sum3A_226 [2] : vector<16x1x128xf32> to vector<16x1xf32>
      %broadcast_in_dim3A_228 = vector.shape_cast %reduce_sum3A_227 : vector<16x1xf32> to vector<16x1x1xf32>
      %rsqrt3A = math.rsqrt %broadcast_in_dim3A_228 : vector<16x1x1xf32>
      %le3A = vector.broadcast %add3A_208 : i32 to vector<1x1x128xi32>
      %le3A_229 = arith.cmpi sle, %iota3A_6, %le3A : vector<1x1x128xi32>
      %mul3A = vector.broadcast %rsqrt3A : vector<16x1x1xf32> to vector<16x1x128xf32>
      %mul3A_230 = arith.mulf %broadcast_in_dim3A_220, %mul3A : vector<16x1x128xf32>
      %jit3A_231 = arith.constant 0.000000e+00 : f32
      %broadcast_in_dim3A_232 = vector.shape_cast %le3A_229 : vector<1x1x128xi1> to vector<1x1x128xi1>
      %broadcast_in_dim3A_233 = vector.broadcast %broadcast_in_dim3A_232 : vector<1x1x128xi1> to vector<16x1x128xi1>
      %broadcast_in_dim3A_234 = vector.broadcast %jit3A_231 : f32 to vector<16x1x128xf32>
      %select_n3A_235 = arith.select %broadcast_in_dim3A_233, %mul3A_230, %broadcast_in_dim3A_234 : vector<16x1x128xi1>, vector<16x1x128xf32>
      %jit3A_236 = arith.constant 0.000000e+00 : f32
      %broadcast_in_dim3A_237 = vector.shape_cast %eq3A_210 : vector<1x1x128xi1> to vector<1x1x128xi1>
      %broadcast_in_dim3A_238 = vector.broadcast %broadcast_in_dim3A_237 : vector<1x1x128xi1> to vector<16x32x128xi1>
      %broadcast_in_dim3A_239 = vector.broadcast %jit3A_236 : f32 to vector<16x32x128xf32>
      %select_n3A_240 = arith.select %broadcast_in_dim3A_238, %get3A_204, %broadcast_in_dim3A_239 : vector<16x32x128xi1>, vector<16x32x128xf32>
      %reduce_sum3A_241 = arith.constant dense<0.000000e+00> : vector<16x32xf32>
      %reduce_sum3A_242 = vector.multi_reduction <add>, %select_n3A_240, %reduce_sum3A_241 [2] : vector<16x32x128xf32> to vector<16x32xf32>
      %broadcast_in_dim3A_243 = vector.shape_cast %reduce_sum3A_242 : vector<16x32xf32> to vector<16x32x1xf32>
      %lt3A_244 = vector.broadcast %sub3A_206 : i32 to vector<1x32x1xi32>
      %lt3A_245 = arith.cmpi slt, %iota3A_7, %lt3A_244 : vector<1x32x1xi32>
      %mul3A_246 = vector.broadcast %rsqrt3A : vector<16x1x1xf32> to vector<16x32x1xf32>
      %mul3A_247 = arith.mulf %broadcast_in_dim3A_243, %mul3A_246 : vector<16x32x1xf32>
      %jit3A_248 = arith.constant 0.000000e+00 : f32
      %broadcast_in_dim3A_249 = vector.shape_cast %lt3A_245 : vector<1x32x1xi1> to vector<1x32x1xi1>
      %broadcast_in_dim3A_250 = vector.broadcast %broadcast_in_dim3A_249 : vector<1x32x1xi1> to vector<16x32x1xi1>
      %broadcast_in_dim3A_251 = vector.broadcast %jit3A_248 : f32 to vector<16x32x1xf32>
      %select_n3A_252 = arith.select %broadcast_in_dim3A_250, %mul3A_247, %broadcast_in_dim3A_251 : vector<16x32x1xi1>, vector<16x32x1xf32>
      %mul3A_253 = vector.broadcast %select_n3A_252 : vector<16x32x1xf32> to vector<16x32x128xf32>
      %mul3A_254 = vector.broadcast %select_n3A_235 : vector<16x1x128xf32> to vector<16x32x128xf32>
      %mul3A_255 = arith.mulf %mul3A_253, %mul3A_254 : vector<16x32x128xf32>
      %sub3A_256 = arith.subf %get3A_204, %mul3A_255 : vector<16x32x128xf32>
      %broadcast_in_dim3A_257 = vector.shape_cast %eq3A_212 : vector<1x32x1xi1> to vector<1x32x1xi1>
      %broadcast_in_dim3A_258 = vector.broadcast %broadcast_in_dim3A_257 : vector<1x32x1xi1> to vector<16x32x128xi1>
      %broadcast_in_dim3A_259 = vector.shape_cast %select_n3A_235 : vector<16x1x128xf32> to vector<16x1x128xf32>
      %broadcast_in_dim3A_260 = vector.broadcast %broadcast_in_dim3A_259 : vector<16x1x128xf32> to vector<16x32x128xf32>
      %select_n3A_261 = arith.select %broadcast_in_dim3A_258, %broadcast_in_dim3A_260, %sub3A_256 : vector<16x32x128xi1>, vector<16x32x128xf32>
      %swap3A_262 = arith.constant 0 : index
      %swap3A_263 = arith.constant 32 : index
      %swap3A_264 = arith.constant 0 : index
      %swap3A_265 = vector.load %arg4[%swap3A_262, %swap3A_263, %swap3A_264] : memref<16x128x128xf32, #tpu.memory_space<vmem>>, vector<16x32x128xf32>
      tpu.vector_store %arg4[%swap3A_262, %swap3A_263, %swap3A_264], %select_n3A_261 {strides = array<i32>} : memref<16x128x128xf32, #tpu.memory_space<vmem>>, vector<16x32x128xf32>,
    }
    %scan3A_94 = arith.constant 32 : i32
    %get3A_95 = arith.constant 0 : index
    %get3A_96 = arith.constant 32 : index
    %get3A_97 = arith.constant 0 : index
    %get3A_98 = vector.load %arg4[%get3A_95, %get3A_96, %get3A_97] : memref<16x128x128xf32, #tpu.memory_space<vmem>>, vector<16x32x128xf32>
    %get3A_99 = arith.constant 0 : index
    %get3A_100 = arith.constant 0 : index
    %get3A_101 = arith.constant 0 : index
    %get3A_102 = vector.load %arg3[%get3A_99, %get3A_100, %get3A_101] : memref<16x128x128xf32, #tpu.memory_space<vmem>>, vector<16x128x32xf32>
    %slice3A_103 = vector.extract_strided_slice %get3A_98 {offsets = [0, 0, 0], sizes = [16, 32, 32], strides = [1, 1, 1]} : vector<16x32x128xf32> to vector<16x32x32xf32>
    %dot_general3A_104 = arith.constant dense<0.000000e+00> : vector<16x128x32xf32>
    %dot_general3A_105 = tpu.matmul %get3A_98, %slice3A_103, %dot_general3A_104 {dimension_numbers = #tpu.dot_dimension_numbers<[1], [1], [2], [2], [0, 0, 0, 2, 1, 2], [0], [0]>, precision = #tpu.contract_precision<fp32>, transpose_lhs_hint = false} : vector<16x32x128xf32>, vector<16x32x32xf32>, vector<16x128x32xf32> -> vector<16x128x32xf32>
    %sub3A_106 = arith.subf %get3A_102, %dot_general3A_105 : vector<16x128x32xf32>
    %swap3A_107 = arith.constant 0 : index
    %swap3A_108 = arith.constant 0 : index
    %swap3A_109 = arith.constant 0 : index
    %swap3A_110 = vector.load %arg3[%swap3A_107, %swap3A_108, %swap3A_109] : memref<16x128x128xf32, #tpu.memory_space<vmem>>, vector<16x128x32xf32>
    tpu.vector_store %arg3[%swap3A_107, %swap3A_108, %swap3A_109], %sub3A_106 {strides = array<i32>} : memref<16x128x128xf32, #tpu.memory_space<vmem>>, vector<16x128x32xf32>,
    %lt3A_111 = arith.constant 32 : i32
    %lt3A_112 = vector.broadcast %lt3A_111 : i32 to vector<1x1x128xi32>
    %lt3A_113 = arith.cmpi slt, %iota3A_6, %lt3A_112 : vector<1x1x128xi32>
    %get3A_114 = arith.constant 0 : index
    %get3A_115 = arith.constant 0 : index
    %get3A_116 = arith.constant 0 : index
    %get3A_117 = vector.load %arg3[%get3A_114, %get3A_115, %get3A_116] : memref<16x128x128xf32, #tpu.memory_space<vmem>>, vector<16x32x128xf32>
    %jit3A_118 = arith.constant 0.000000e+00 : f32
    %broadcast_in_dim3A_119 = vector.shape_cast %lt3A_113 : vector<1x1x128xi1> to vector<1x1x128xi1>
    %broadcast_in_dim3A_120 = vector.broadcast %broadcast_in_dim3A_119 : vector<1x1x128xi1> to vector<16x32x128xi1>
    %broadcast_in_dim3A_121 = vector.broadcast %jit3A_118 : f32 to vector<16x32x128xf32>
    %select_n3A_122 = arith.select %broadcast_in_dim3A_120, %get3A_117, %broadcast_in_dim3A_121 : vector<16x32x128xi1>, vector<16x32x128xf32>
    %swap3A_123 = arith.constant 0 : index
    %swap3A_124 = arith.constant 0 : index
    %swap3A_125 = arith.constant 0 : index
    %swap3A_126 = vector.load %arg4[%swap3A_123, %swap3A_124, %swap3A_125] : memref<16x128x128xf32, #tpu.memory_space<vmem>>, vector<16x32x128xf32>
    tpu.vector_store %arg4[%swap3A_123, %swap3A_124, %swap3A_125], %select_n3A_122 {strides = array<i32>} : memref<16x128x128xf32, #tpu.memory_space<vmem>>, vector<16x32x128xf32>,
    %scan3A_127 = arith.constant 0 : i32
    %scan3A_128 = arith.constant 32 : i32
    %scan3A_129 = arith.addi %scan3A_127, %scan3A_128 : i32
    %scan3A_130 = arith.constant 1 : i32
    scf.for %scan3A_200 = %scan3A_127 to %scan3A_129 step %scan3A_130  : i32 {
      %get3A_201 = arith.constant 0 : index
      %get3A_202 = arith.constant 0 : index
      %get3A_203 = arith.constant 0 : index
      %get3A_204 = vector.load %arg4[%get3A_201, %get3A_202, %get3A_203] : memref<16x128x128xf32, #tpu.memory_space<vmem>>, vector<16x32x128xf32>
      %sub3A_205 = arith.constant 31 : i32
      %sub3A_206 = arith.subi %sub3A_205, %scan3A_200 : i32
      %add3A_207 = arith.constant 0 : i32
      %add3A_208 = arith.addi %add3A_207, %sub3A_206 : i32
      %eq3A_209 = vector.broadcast %add3A_208 : i32 to vector<1x1x128xi32>
      %eq3A_210 = arith.cmpi eq, %iota3A_6, %eq3A_209 : vector<1x1x128xi32>
      %eq3A_211 = vector.broadcast %sub3A_206 : i32 to vector<1x32x1xi32>
      %eq3A_212 = arith.cmpi eq, %iota3A_7, %eq3A_211 : vector<1x32x1xi32>
      %jit3A_213 = arith.constant 0.000000e+00 : f32
      %broadcast_in_dim3A_214 = vector.shape_cast %eq3A_212 : vector<1x32x1xi1> to vector<1x32x1xi1>
      %broadcast_in_dim3A_215 = vector.broadcast %broadcast_in_dim3A_214 : vector<1x32x1xi1> to vector<16x32x128xi1>
      %broadcast_in_dim3A_216 = vector.broadcast %jit3A_213 : f32 to vector<16x32x128xf32>
      %select_n3A_217 = arith.select %broadcast_in_dim3A_215, %get3A_204, %broadcast_in_dim3A_216 : vector<16x32x128xi1>, vector<16x32x128xf32>
      %reduce_sum3A_218 = arith.constant dense<0.000000e+00> : vector<16x128xf32>
      %reduce_sum3A_219 = vector.multi_reduction <add>, %select_n3A_217, %reduce_sum3A_218 [1] : vector<16x32x128xf32> to vector<16x128xf32>
      %broadcast_in_dim3A_220 = vector.shape_cast %reduce_sum3A_219 : vector<16x128xf32> to vector<16x1x128xf32>
      %jit3A_221 = arith.constant 0.000000e+00 : f32
      %broadcast_in_dim3A_222 = vector.shape_cast %eq3A_210 : vector<1x1x128xi1> to vector<1x1x128xi1>
      %broadcast_in_dim3A_223 = vector.broadcast %broadcast_in_dim3A_222 : vector<1x1x128xi1> to vector<16x1x128xi1>
      %broadcast_in_dim3A_224 = vector.broadcast %jit3A_221 : f32 to vector<16x1x128xf32>
      %select_n3A_225 = arith.select %broadcast_in_dim3A_223, %broadcast_in_dim3A_220, %broadcast_in_dim3A_224 : vector<16x1x128xi1>, vector<16x1x128xf32>
      %reduce_sum3A_226 = arith.constant dense<0.000000e+00> : vector<16x1xf32>
      %reduce_sum3A_227 = vector.multi_reduction <add>, %select_n3A_225, %reduce_sum3A_226 [2] : vector<16x1x128xf32> to vector<16x1xf32>
      %broadcast_in_dim3A_228 = vector.shape_cast %reduce_sum3A_227 : vector<16x1xf32> to vector<16x1x1xf32>
      %rsqrt3A = math.rsqrt %broadcast_in_dim3A_228 : vector<16x1x1xf32>
      %le3A = vector.broadcast %add3A_208 : i32 to vector<1x1x128xi32>
      %le3A_229 = arith.cmpi sle, %iota3A_6, %le3A : vector<1x1x128xi32>
      %mul3A = vector.broadcast %rsqrt3A : vector<16x1x1xf32> to vector<16x1x128xf32>
      %mul3A_230 = arith.mulf %broadcast_in_dim3A_220, %mul3A : vector<16x1x128xf32>
      %jit3A_231 = arith.constant 0.000000e+00 : f32
      %broadcast_in_dim3A_232 = vector.shape_cast %le3A_229 : vector<1x1x128xi1> to vector<1x1x128xi1>
      %broadcast_in_dim3A_233 = vector.broadcast %broadcast_in_dim3A_232 : vector<1x1x128xi1> to vector<16x1x128xi1>
      %broadcast_in_dim3A_234 = vector.broadcast %jit3A_231 : f32 to vector<16x1x128xf32>
      %select_n3A_235 = arith.select %broadcast_in_dim3A_233, %mul3A_230, %broadcast_in_dim3A_234 : vector<16x1x128xi1>, vector<16x1x128xf32>
      %jit3A_236 = arith.constant 0.000000e+00 : f32
      %broadcast_in_dim3A_237 = vector.shape_cast %eq3A_210 : vector<1x1x128xi1> to vector<1x1x128xi1>
      %broadcast_in_dim3A_238 = vector.broadcast %broadcast_in_dim3A_237 : vector<1x1x128xi1> to vector<16x32x128xi1>
      %broadcast_in_dim3A_239 = vector.broadcast %jit3A_236 : f32 to vector<16x32x128xf32>
      %select_n3A_240 = arith.select %broadcast_in_dim3A_238, %get3A_204, %broadcast_in_dim3A_239 : vector<16x32x128xi1>, vector<16x32x128xf32>
      %reduce_sum3A_241 = arith.constant dense<0.000000e+00> : vector<16x32xf32>
      %reduce_sum3A_242 = vector.multi_reduction <add>, %select_n3A_240, %reduce_sum3A_241 [2] : vector<16x32x128xf32> to vector<16x32xf32>
      %broadcast_in_dim3A_243 = vector.shape_cast %reduce_sum3A_242 : vector<16x32xf32> to vector<16x32x1xf32>
      %lt3A_244 = vector.broadcast %sub3A_206 : i32 to vector<1x32x1xi32>
      %lt3A_245 = arith.cmpi slt, %iota3A_7, %lt3A_244 : vector<1x32x1xi32>
      %mul3A_246 = vector.broadcast %rsqrt3A : vector<16x1x1xf32> to vector<16x32x1xf32>
      %mul3A_247 = arith.mulf %broadcast_in_dim3A_243, %mul3A_246 : vector<16x32x1xf32>
      %jit3A_248 = arith.constant 0.000000e+00 : f32
      %broadcast_in_dim3A_249 = vector.shape_cast %lt3A_245 : vector<1x32x1xi1> to vector<1x32x1xi1>
      %broadcast_in_dim3A_250 = vector.broadcast %broadcast_in_dim3A_249 : vector<1x32x1xi1> to vector<16x32x1xi1>
      %broadcast_in_dim3A_251 = vector.broadcast %jit3A_248 : f32 to vector<16x32x1xf32>
      %select_n3A_252 = arith.select %broadcast_in_dim3A_250, %mul3A_247, %broadcast_in_dim3A_251 : vector<16x32x1xi1>, vector<16x32x1xf32>
      %mul3A_253 = vector.broadcast %select_n3A_252 : vector<16x32x1xf32> to vector<16x32x128xf32>
      %mul3A_254 = vector.broadcast %select_n3A_235 : vector<16x1x128xf32> to vector<16x32x128xf32>
      %mul3A_255 = arith.mulf %mul3A_253, %mul3A_254 : vector<16x32x128xf32>
      %sub3A_256 = arith.subf %get3A_204, %mul3A_255 : vector<16x32x128xf32>
      %broadcast_in_dim3A_257 = vector.shape_cast %eq3A_212 : vector<1x32x1xi1> to vector<1x32x1xi1>
      %broadcast_in_dim3A_258 = vector.broadcast %broadcast_in_dim3A_257 : vector<1x32x1xi1> to vector<16x32x128xi1>
      %broadcast_in_dim3A_259 = vector.shape_cast %select_n3A_235 : vector<16x1x128xf32> to vector<16x1x128xf32>
      %broadcast_in_dim3A_260 = vector.broadcast %broadcast_in_dim3A_259 : vector<16x1x128xf32> to vector<16x32x128xf32>
      %select_n3A_261 = arith.select %broadcast_in_dim3A_258, %broadcast_in_dim3A_260, %sub3A_256 : vector<16x32x128xi1>, vector<16x32x128xf32>
      %swap3A_262 = arith.constant 0 : index
      %swap3A_263 = arith.constant 0 : index
      %swap3A_264 = arith.constant 0 : index
      %swap3A_265 = vector.load %arg4[%swap3A_262, %swap3A_263, %swap3A_264] : memref<16x128x128xf32, #tpu.memory_space<vmem>>, vector<16x32x128xf32>
      tpu.vector_store %arg4[%swap3A_262, %swap3A_263, %swap3A_264], %select_n3A_261 {strides = array<i32>} : memref<16x128x128xf32, #tpu.memory_space<vmem>>, vector<16x32x128xf32>,
    }
    %scan3A_131 = arith.constant 32 : i32
    %get3A_132 = arith.constant 0 : index
    %get3A_133 = arith.constant 0 : index
    %get3A_134 = arith.constant 0 : index
    %get3A_135 = vector.load %arg4[%get3A_132, %get3A_133, %get3A_134] : memref<16x128x128xf32, #tpu.memory_space<vmem>>, vector<16x128x128xf32>
    %eq3A = vector.broadcast %iota3A : vector<1x128x1xi32> to vector<1x128x128xi32>
    %eq3A_136 = vector.broadcast %iota3A_6 : vector<1x1x128xi32> to vector<1x128x128xi32>
    %eq3A_137 = arith.cmpi eq, %eq3A, %eq3A_136 : vector<1x128x128xi32>
    %jit3A_138 = arith.constant 1.000000e+00 : f32
    %jit3A_139 = arith.constant 0.000000e+00 : f32
    %broadcast_in_dim3A_140 = vector.broadcast %jit3A_138 : f32 to vector<1x128x128xf32>
    %broadcast_in_dim3A_141 = vector.broadcast %jit3A_139 : f32 to vector<1x128x128xf32>
    %select_n3A_142 = arith.select %eq3A_137, %broadcast_in_dim3A_140, %broadcast_in_dim3A_141 : vector<1x128x128xi1>, vector<1x128x128xf32>
    %eq3A_143 = vector.broadcast %iota3A : vector<1x128x1xi32> to vector<1x128x128xi32>
    %eq3A_144 = vector.broadcast %iota3A_6 : vector<1x1x128xi32> to vector<1x128x128xi32>
    %eq3A_145 = arith.cmpi eq, %eq3A_143, %eq3A_144 : vector<1x128x128xi32>
    %jit3A_146 = arith.constant 0.000000e+00 : f32
    %broadcast_in_dim3A_147 = vector.shape_cast %eq3A_145 : vector<1x128x128xi1> to vector<1x128x128xi1>
    %broadcast_in_dim3A_148 = vector.broadcast %broadcast_in_dim3A_147 : vector<1x128x128xi1> to vector<16x128x128xi1>
    %broadcast_in_dim3A_149 = vector.broadcast %jit3A_146 : f32 to vector<16x128x128xf32>
    %select_n3A_150 = arith.select %broadcast_in_dim3A_148, %get3A_135, %broadcast_in_dim3A_149 : vector<16x128x128xi1>, vector<16x128x128xf32>
    %reduce_sum3A = arith.constant dense<0.000000e+00> : vector<16x128xf32>
    %reduce_sum3A_151 = vector.multi_reduction <add>, %select_n3A_150, %reduce_sum3A [2] : vector<16x128x128xf32> to vector<16x128xf32>
    %broadcast_in_dim3A_152 = vector.shape_cast %reduce_sum3A_151 : vector<16x128xf32> to vector<16x128x1xf32>
    %div3A = vector.broadcast %broadcast_in_dim3A_152 : vector<16x128x1xf32> to vector<16x128x128xf32>
    %div3A_153 = arith.divf %get3A_135, %div3A : vector<16x128x128xf32>
    %sub3A_154 = vector.broadcast %select_n3A_142 : vector<1x128x128xf32> to vector<16x128x128xf32>
    %sub3A_155 = arith.subf %div3A_153, %sub3A_154 : vector<16x128x128xf32>
    %sub3A_156 = vector.broadcast %select_n3A_142 : vector<1x128x128xf32> to vector<16x128x128xf32>
    %sub3A_157 = arith.subf %sub3A_156, %sub3A_155 : vector<16x128x128xf32>
    %dot_general3A_158 = arith.constant dense<0.000000e+00> : vector<16x128x128xf32>
    %dot_general3A_159 = tpu.matmul %sub3A_155, %sub3A_155, %dot_general3A_158 {dimension_numbers = #tpu.dot_dimension_numbers<[2], [1], [1], [2], [0, 0, 0, 1, 1, 2], [0], [0]>, precision = #tpu.contract_precision<fp32>, transpose_lhs_hint = false} : vector<16x128x128xf32>, vector<16x128x128xf32>, vector<16x128x128xf32> -> vector<16x128x128xf32>
    %add3A = vector.broadcast %select_n3A_142 : vector<1x128x128xf32> to vector<16x128x128xf32>
    %add3A_160 = arith.addf %add3A, %dot_general3A_159 : vector<16x128x128xf32>
    %dot_general3A_161 = arith.constant dense<0.000000e+00> : vector<16x128x128xf32>
    %dot_general3A_162 = tpu.matmul %sub3A_157, %add3A_160, %dot_general3A_161 {dimension_numbers = #tpu.dot_dimension_numbers<[2], [1], [1], [2], [0, 0, 0, 1, 1, 2], [0], [0]>, precision = #tpu.contract_precision<fp32>, transpose_lhs_hint = false} : vector<16x128x128xf32>, vector<16x128x128xf32>, vector<16x128x128xf32> -> vector<16x128x128xf32>
    %dot_general3A_163 = arith.constant dense<0.000000e+00> : vector<16x128x128xf32>
    %dot_general3A_164 = tpu.matmul %dot_general3A_159, %dot_general3A_159, %dot_general3A_163 {dimension_numbers = #tpu.dot_dimension_numbers<[2], [1], [1], [2], [0, 0, 0, 1, 1, 2], [0], [0]>, precision = #tpu.contract_precision<fp32>, transpose_lhs_hint = false} : vector<16x128x128xf32>, vector<16x128x128xf32>, vector<16x128x128xf32> -> vector<16x128x128xf32>
    %add3A_165 = vector.broadcast %select_n3A_142 : vector<1x128x128xf32> to vector<16x128x128xf32>
    %add3A_166 = arith.addf %add3A_165, %dot_general3A_164 : vector<16x128x128xf32>
    %dot_general3A_167 = arith.constant dense<0.000000e+00> : vector<16x128x128xf32>
    %dot_general3A_168 = tpu.matmul %dot_general3A_162, %add3A_166, %dot_general3A_167 {dimension_numbers = #tpu.dot_dimension_numbers<[2], [1], [1], [2], [0, 0, 0, 1, 1, 2], [0], [0]>, precision = #tpu.contract_precision<fp32>, transpose_lhs_hint = false} : vector<16x128x128xf32>, vector<16x128x128xf32>, vector<16x128x128xf32> -> vector<16x128x128xf32>
    %dot_general3A_169 = arith.constant dense<0.000000e+00> : vector<16x128x128xf32>
    %dot_general3A_170 = tpu.matmul %dot_general3A_164, %dot_general3A_164, %dot_general3A_169 {dimension_numbers = #tpu.dot_dimension_numbers<[2], [1], [1], [2], [0, 0, 0, 1, 1, 2], [0], [0]>, precision = #tpu.contract_precision<fp32>, transpose_lhs_hint = false} : vector<16x128x128xf32>, vector<16x128x128xf32>, vector<16x128x128xf32> -> vector<16x128x128xf32>
    %add3A_171 = vector.broadcast %select_n3A_142 : vector<1x128x128xf32> to vector<16x128x128xf32>
    %add3A_172 = arith.addf %add3A_171, %dot_general3A_170 : vector<16x128x128xf32>
    %dot_general3A_173 = arith.constant dense<0.000000e+00> : vector<16x128x128xf32>
    %dot_general3A_174 = tpu.matmul %dot_general3A_168, %add3A_172, %dot_general3A_173 {dimension_numbers = #tpu.dot_dimension_numbers<[2], [1], [1], [2], [0, 0, 0, 1, 1, 2], [0], [0]>, precision = #tpu.contract_precision<fp32>, transpose_lhs_hint = false} : vector<16x128x128xf32>, vector<16x128x128xf32>, vector<16x128x128xf32> -> vector<16x128x128xf32>
    %dot_general3A_175 = arith.constant dense<0.000000e+00> : vector<16x128x128xf32>
    %dot_general3A_176 = tpu.matmul %dot_general3A_170, %dot_general3A_170, %dot_general3A_175 {dimension_numbers = #tpu.dot_dimension_numbers<[2], [1], [1], [2], [0, 0, 0, 1, 1, 2], [0], [0]>, precision = #tpu.contract_precision<fp32>, transpose_lhs_hint = false} : vector<16x128x128xf32>, vector<16x128x128xf32>, vector<16x128x128xf32> -> vector<16x128x128xf32>
    %add3A_177 = vector.broadcast %select_n3A_142 : vector<1x128x128xf32> to vector<16x128x128xf32>
    %add3A_178 = arith.addf %add3A_177, %dot_general3A_176 : vector<16x128x128xf32>
    %dot_general3A_179 = arith.constant dense<0.000000e+00> : vector<16x128x128xf32>
    %dot_general3A_180 = tpu.matmul %dot_general3A_174, %add3A_178, %dot_general3A_179 {dimension_numbers = #tpu.dot_dimension_numbers<[2], [1], [1], [2], [0, 0, 0, 1, 1, 2], [0], [0]>, precision = #tpu.contract_precision<fp32>, transpose_lhs_hint = false} : vector<16x128x128xf32>, vector<16x128x128xf32>, vector<16x128x128xf32> -> vector<16x128x128xf32>
    %dot_general3A_181 = arith.constant dense<0.000000e+00> : vector<16x128x128xf32>
    %dot_general3A_182 = tpu.matmul %dot_general3A_176, %dot_general3A_176, %dot_general3A_181 {dimension_numbers = #tpu.dot_dimension_numbers<[2], [1], [1], [2], [0, 0, 0, 1, 1, 2], [0], [0]>, precision = #tpu.contract_precision<fp32>, transpose_lhs_hint = false} : vector<16x128x128xf32>, vector<16x128x128xf32>, vector<16x128x128xf32> -> vector<16x128x128xf32>
    %add3A_183 = vector.broadcast %select_n3A_142 : vector<1x128x128xf32> to vector<16x128x128xf32>
    %add3A_184 = arith.addf %add3A_183, %dot_general3A_182 : vector<16x128x128xf32>
    %dot_general3A_185 = arith.constant dense<0.000000e+00> : vector<16x128x128xf32>
    %dot_general3A_186 = tpu.matmul %dot_general3A_180, %add3A_184, %dot_general3A_185 {dimension_numbers = #tpu.dot_dimension_numbers<[2], [1], [1], [2], [0, 0, 0, 1, 1, 2], [0], [0]>, precision = #tpu.contract_precision<fp32>, transpose_lhs_hint = false} : vector<16x128x128xf32>, vector<16x128x128xf32>, vector<16x128x128xf32> -> vector<16x128x128xf32>
    %dot_general3A_187 = arith.constant dense<0.000000e+00> : vector<16x128x128xf32>
    %dot_general3A_188 = tpu.matmul %dot_general3A_182, %dot_general3A_182, %dot_general3A_187 {dimension_numbers = #tpu.dot_dimension_numbers<[2], [1], [1], [2], [0, 0, 0, 1, 1, 2], [0], [0]>, precision = #tpu.contract_precision<fp32>, transpose_lhs_hint = false} : vector<16x128x128xf32>, vector<16x128x128xf32>, vector<16x128x128xf32> -> vector<16x128x128xf32>
    %add3A_189 = vector.broadcast %select_n3A_142 : vector<1x128x128xf32> to vector<16x128x128xf32>
    %add3A_190 = arith.addf %add3A_189, %dot_general3A_188 : vector<16x128x128xf32>
    %dot_general3A_191 = arith.constant dense<0.000000e+00> : vector<16x128x128xf32>
    %dot_general3A_192 = tpu.matmul %dot_general3A_186, %add3A_190, %dot_general3A_191 {dimension_numbers = #tpu.dot_dimension_numbers<[2], [1], [1], [2], [0, 0, 0, 1, 1, 2], [0], [0]>, precision = #tpu.contract_precision<fp32>, transpose_lhs_hint = false} : vector<16x128x128xf32>, vector<16x128x128xf32>, vector<16x128x128xf32> -> vector<16x128x128xf32>
    %broadcast_in_dim3A_193 = vector.shape_cast %reduce_sum3A_151 : vector<16x128xf32> to vector<16x1x128xf32>
    %div3A_194 = vector.broadcast %broadcast_in_dim3A_193 : vector<16x1x128xf32> to vector<16x128x128xf32>
    %div3A_195 = arith.divf %dot_general3A_192, %div3A_194 : vector<16x128x128xf32>
    %swap3A_196 = arith.constant 0 : index
    %swap3A_197 = arith.constant 0 : index
    %swap3A_198 = arith.constant 0 : index
    %swap3A_199 = vector.load %arg2[%swap3A_196, %swap3A_197, %swap3A_198] : memref<16x128x128xf32, #tpu.memory_space<vmem>>, vector<16x128x128xf32>
    tpu.vector_store %arg2[%swap3A_196, %swap3A_197, %swap3A_198], %div3A_195 {strides = array<i32>} : memref<16x128x128xf32, #tpu.memory_space<vmem>>, vector<16x128x128xf32>,
    return
  }
  func.func @transform_0(%arg0: i32) -> (i32, i32, i32) {
    %c0_i32 = arith.constant 0 : i32
    %c0_i32_0 = arith.constant 0 : i32
    %c0_i32_1 = arith.constant 0 : i32
    %c0_i32_2 = arith.constant 0 : i32
    return %c0_i32, %c0_i32_0, %c0_i32_1 : i32, i32, i32
  }
  func.func @transform_1(%arg0: i32) -> (i32, i32, i32) {
    %c0_i32 = arith.constant 0 : i32
    %c0_i32_0 = arith.constant 0 : i32
    %c0_i32_1 = arith.constant 0 : i32
    %c0_i32_2 = arith.constant 0 : i32
    return %c0_i32, %c0_i32_0, %c0_i32_1 : i32, i32, i32
  }
}

module attributes {stable_mosaic.version = 14 : i64} {
  func.func @_solve_logits_body(%arg0: i32, %arg1: memref<1x128x128xf32, #tpu.memory_space<vmem>>, %arg2: memref<1x256x128xf32, #tpu.memory_space<vmem>>, %arg3: memref<1x384x128xf32, #tpu.memory_space<vmem>>, %arg4: memref<1x512x128xf32, #tpu.memory_space<vmem>>, %arg5: memref<1x640x128xf32, #tpu.memory_space<vmem>>, %arg6: memref<1x768x128xf32, #tpu.memory_space<vmem>>, %arg7: memref<1x896x128xf32, #tpu.memory_space<vmem>>, %arg8: memref<1x128x128xf32, #tpu.memory_space<vmem>>, %arg9: memref<1x128x128xf32, #tpu.memory_space<vmem>>, %arg10: memref<1x128x128xf32, #tpu.memory_space<vmem>>, %arg11: memref<1x128x128xf32, #tpu.memory_space<vmem>>, %arg12: memref<1x128x128xf32, #tpu.memory_space<vmem>>, %arg13: memref<1x128x128xf32, #tpu.memory_space<vmem>>, %arg14: memref<1x128x128xf32, #tpu.memory_space<vmem>>, %arg15: memref<1x128x128xf32, #tpu.memory_space<vmem>>, %arg16: memref<1x1x1024xf32, #tpu.memory_space<vmem>>, %arg17: memref<1x1x1024xf32, #tpu.memory_space<vmem>>, %arg18: memref<1x1x1024xf32, #tpu.memory_space<vmem>>, %arg19: memref<1x1x128xf32, #tpu.memory_space<vmem>>) attributes {dimension_semantics = [#tpu.dimension_semantics<arbitrary>], iteration_bounds = array<i64: 16>, scalar_prefetch = 0 : i64, scratch_operands = 0 : i64, tpu.core_type = #tpu.core_type<tc>, window_params = [{transform_indices = @transform_0, window_bounds = array<i64: 1, 128, 128>}, {transform_indices = @transform_1, window_bounds = array<i64: 1, 256, 128>}, {transform_indices = @transform_2, window_bounds = array<i64: 1, 384, 128>}, {transform_indices = @transform_3, window_bounds = array<i64: 1, 512, 128>}, {transform_indices = @transform_4, window_bounds = array<i64: 1, 640, 128>}, {transform_indices = @transform_5, window_bounds = array<i64: 1, 768, 128>}, {transform_indices = @transform_6, window_bounds = array<i64: 1, 896, 128>}, {transform_indices = @transform_7, window_bounds = array<i64: 1, 128, 128>}, {transform_indices = @transform_8, window_bounds = array<i64: 1, 128, 128>}, {transform_indices = @transform_9, window_bounds = array<i64: 1, 128, 128>}, {transform_indices = @transform_10, window_bounds = array<i64: 1, 128, 128>}, {transform_indices = @transform_11, window_bounds = array<i64: 1, 128, 128>}, {transform_indices = @transform_12, window_bounds = array<i64: 1, 128, 128>}, {transform_indices = @transform_13, window_bounds = array<i64: 1, 128, 128>}, {transform_indices = @transform_14, window_bounds = array<i64: 1, 128, 128>}, {transform_indices = @transform_15, window_bounds = array<i64: 1, 1, 1024>}, {transform_indices = @transform_16, window_bounds = array<i64: 1, 1, 1024>}, {transform_indices = @transform_17, window_bounds = array<i64: 1, 1, 1024>}, {transform_indices = @transform_18, window_bounds = array<i64: 1, 1, 128>}]} {
    %get3A = arith.constant 0 : index
    %get3A_0 = arith.constant 0 : index
    %get3A_1 = arith.constant 0 : index
    %get3A_2 = vector.load %arg16[%get3A, %get3A_0, %get3A_1] : memref<1x1x1024xf32, #tpu.memory_space<vmem>>, vector<1x1x128xf32>
    %get3A_3 = vector.shape_cast %get3A_2 : vector<1x1x128xf32> to vector<1x128xf32>
    %get3A_4 = arith.constant 0 : index
    %get3A_5 = arith.constant 0 : index
    %get3A_6 = arith.constant 0 : index
    %get3A_7 = vector.load %arg8[%get3A_4, %get3A_5, %get3A_6] : memref<1x128x128xf32, #tpu.memory_space<vmem>>, vector<1x128x128xf32>
    %get3A_8 = vector.shape_cast %get3A_7 : vector<1x128x128xf32> to vector<128x128xf32>
    %dot_general3A = arith.constant dense<0.000000e+00> : vector<1x128xf32>
    %dot_general3A_9 = tpu.matmul %get3A_3, %get3A_8, %dot_general3A {dimension_numbers = #tpu.dot_dimension_numbers<[1], [1], [0], [0], [0, 0, 1, 0], [], []>, precision = #tpu.contract_precision<fp32>, transpose_lhs_hint = false} : vector<1x128xf32>, vector<128x128xf32>, vector<1x128xf32> -> vector<1x128xf32>
    %get3A_10 = arith.constant 0 : index
    %get3A_11 = arith.constant 0 : index
    %get3A_12 = arith.constant 128 : index
    %get3A_13 = vector.load %arg16[%get3A_10, %get3A_11, %get3A_12] : memref<1x1x1024xf32, #tpu.memory_space<vmem>>, vector<1x1x128xf32>
    %get3A_14 = vector.shape_cast %get3A_13 : vector<1x1x128xf32> to vector<1x128xf32>
    %get3A_15 = arith.constant 0 : index
    %get3A_16 = arith.constant 0 : index
    %get3A_17 = arith.constant 0 : index
    %get3A_18 = vector.load %arg1[%get3A_15, %get3A_16, %get3A_17] : memref<1x128x128xf32, #tpu.memory_space<vmem>>, vector<1x128x128xf32>
    %get3A_19 = vector.shape_cast %get3A_18 : vector<1x128x128xf32> to vector<128x128xf32>
    %dot_general3A_20 = arith.constant dense<0.000000e+00> : vector<1x128xf32>
    %dot_general3A_21 = tpu.matmul %dot_general3A_9, %get3A_19, %dot_general3A_20 {dimension_numbers = #tpu.dot_dimension_numbers<[1], [0], [0], [1], [0, 0, 1, 1], [], []>, precision = #tpu.contract_precision<fp32>, transpose_lhs_hint = false} : vector<1x128xf32>, vector<128x128xf32>, vector<1x128xf32> -> vector<1x128xf32>
    %sub3A = arith.subf %get3A_14, %dot_general3A_21 : vector<1x128xf32>
    %get3A_22 = arith.constant 0 : index
    %get3A_23 = arith.constant 0 : index
    %get3A_24 = arith.constant 0 : index
    %get3A_25 = vector.load %arg9[%get3A_22, %get3A_23, %get3A_24] : memref<1x128x128xf32, #tpu.memory_space<vmem>>, vector<1x128x128xf32>
    %get3A_26 = vector.shape_cast %get3A_25 : vector<1x128x128xf32> to vector<128x128xf32>
    %dot_general3A_27 = arith.constant dense<0.000000e+00> : vector<1x128xf32>
    %dot_general3A_28 = tpu.matmul %sub3A, %get3A_26, %dot_general3A_27 {dimension_numbers = #tpu.dot_dimension_numbers<[1], [1], [0], [0], [0, 0, 1, 0], [], []>, precision = #tpu.contract_precision<fp32>, transpose_lhs_hint = false} : vector<1x128xf32>, vector<128x128xf32>, vector<1x128xf32> -> vector<1x128xf32>
    %get3A_29 = arith.constant 0 : index
    %get3A_30 = arith.constant 0 : index
    %get3A_31 = arith.constant 256 : index
    %get3A_32 = vector.load %arg16[%get3A_29, %get3A_30, %get3A_31] : memref<1x1x1024xf32, #tpu.memory_space<vmem>>, vector<1x1x128xf32>
    %get3A_33 = vector.shape_cast %get3A_32 : vector<1x1x128xf32> to vector<1x128xf32>
    %get3A_34 = arith.constant 0 : index
    %get3A_35 = arith.constant 0 : index
    %get3A_36 = arith.constant 0 : index
    %get3A_37 = vector.load %arg2[%get3A_34, %get3A_35, %get3A_36] : memref<1x256x128xf32, #tpu.memory_space<vmem>>, vector<1x128x128xf32>
    %get3A_38 = vector.shape_cast %get3A_37 : vector<1x128x128xf32> to vector<128x128xf32>
    %dot_general3A_39 = arith.constant dense<0.000000e+00> : vector<1x128xf32>
    %dot_general3A_40 = tpu.matmul %dot_general3A_9, %get3A_38, %dot_general3A_39 {dimension_numbers = #tpu.dot_dimension_numbers<[1], [0], [0], [1], [0, 0, 1, 1], [], []>, precision = #tpu.contract_precision<fp32>, transpose_lhs_hint = false} : vector<1x128xf32>, vector<128x128xf32>, vector<1x128xf32> -> vector<1x128xf32>
    %sub3A_41 = arith.subf %get3A_33, %dot_general3A_40 : vector<1x128xf32>
    %get3A_42 = arith.constant 0 : index
    %get3A_43 = arith.constant 128 : index
    %get3A_44 = arith.constant 0 : index
    %get3A_45 = vector.load %arg2[%get3A_42, %get3A_43, %get3A_44] : memref<1x256x128xf32, #tpu.memory_space<vmem>>, vector<1x128x128xf32>
    %get3A_46 = vector.shape_cast %get3A_45 : vector<1x128x128xf32> to vector<128x128xf32>
    %dot_general3A_47 = arith.constant dense<0.000000e+00> : vector<1x128xf32>
    %dot_general3A_48 = tpu.matmul %dot_general3A_28, %get3A_46, %dot_general3A_47 {dimension_numbers = #tpu.dot_dimension_numbers<[1], [0], [0], [1], [0, 0, 1, 1], [], []>, precision = #tpu.contract_precision<fp32>, transpose_lhs_hint = false} : vector<1x128xf32>, vector<128x128xf32>, vector<1x128xf32> -> vector<1x128xf32>
    %sub3A_49 = arith.subf %sub3A_41, %dot_general3A_48 : vector<1x128xf32>
    %get3A_50 = arith.constant 0 : index
    %get3A_51 = arith.constant 0 : index
    %get3A_52 = arith.constant 0 : index
    %get3A_53 = vector.load %arg10[%get3A_50, %get3A_51, %get3A_52] : memref<1x128x128xf32, #tpu.memory_space<vmem>>, vector<1x128x128xf32>
    %get3A_54 = vector.shape_cast %get3A_53 : vector<1x128x128xf32> to vector<128x128xf32>
    %dot_general3A_55 = arith.constant dense<0.000000e+00> : vector<1x128xf32>
    %dot_general3A_56 = tpu.matmul %sub3A_49, %get3A_54, %dot_general3A_55 {dimension_numbers = #tpu.dot_dimension_numbers<[1], [1], [0], [0], [0, 0, 1, 0], [], []>, precision = #tpu.contract_precision<fp32>, transpose_lhs_hint = false} : vector<1x128xf32>, vector<128x128xf32>, vector<1x128xf32> -> vector<1x128xf32>
    %get3A_57 = arith.constant 0 : index
    %get3A_58 = arith.constant 0 : index
    %get3A_59 = arith.constant 384 : index
    %get3A_60 = vector.load %arg16[%get3A_57, %get3A_58, %get3A_59] : memref<1x1x1024xf32, #tpu.memory_space<vmem>>, vector<1x1x128xf32>
    %get3A_61 = vector.shape_cast %get3A_60 : vector<1x1x128xf32> to vector<1x128xf32>
    %get3A_62 = arith.constant 0 : index
    %get3A_63 = arith.constant 0 : index
    %get3A_64 = arith.constant 0 : index
    %get3A_65 = vector.load %arg3[%get3A_62, %get3A_63, %get3A_64] : memref<1x384x128xf32, #tpu.memory_space<vmem>>, vector<1x128x128xf32>
    %get3A_66 = vector.shape_cast %get3A_65 : vector<1x128x128xf32> to vector<128x128xf32>
    %dot_general3A_67 = arith.constant dense<0.000000e+00> : vector<1x128xf32>
    %dot_general3A_68 = tpu.matmul %dot_general3A_9, %get3A_66, %dot_general3A_67 {dimension_numbers = #tpu.dot_dimension_numbers<[1], [0], [0], [1], [0, 0, 1, 1], [], []>, precision = #tpu.contract_precision<fp32>, transpose_lhs_hint = false} : vector<1x128xf32>, vector<128x128xf32>, vector<1x128xf32> -> vector<1x128xf32>
    %sub3A_69 = arith.subf %get3A_61, %dot_general3A_68 : vector<1x128xf32>
    %get3A_70 = arith.constant 0 : index
    %get3A_71 = arith.constant 128 : index
    %get3A_72 = arith.constant 0 : index
    %get3A_73 = vector.load %arg3[%get3A_70, %get3A_71, %get3A_72] : memref<1x384x128xf32, #tpu.memory_space<vmem>>, vector<1x128x128xf32>
    %get3A_74 = vector.shape_cast %get3A_73 : vector<1x128x128xf32> to vector<128x128xf32>
    %dot_general3A_75 = arith.constant dense<0.000000e+00> : vector<1x128xf32>
    %dot_general3A_76 = tpu.matmul %dot_general3A_28, %get3A_74, %dot_general3A_75 {dimension_numbers = #tpu.dot_dimension_numbers<[1], [0], [0], [1], [0, 0, 1, 1], [], []>, precision = #tpu.contract_precision<fp32>, transpose_lhs_hint = false} : vector<1x128xf32>, vector<128x128xf32>, vector<1x128xf32> -> vector<1x128xf32>
    %sub3A_77 = arith.subf %sub3A_69, %dot_general3A_76 : vector<1x128xf32>
    %get3A_78 = arith.constant 0 : index
    %get3A_79 = arith.constant 256 : index
    %get3A_80 = arith.constant 0 : index
    %get3A_81 = vector.load %arg3[%get3A_78, %get3A_79, %get3A_80] : memref<1x384x128xf32, #tpu.memory_space<vmem>>, vector<1x128x128xf32>
    %get3A_82 = vector.shape_cast %get3A_81 : vector<1x128x128xf32> to vector<128x128xf32>
    %dot_general3A_83 = arith.constant dense<0.000000e+00> : vector<1x128xf32>
    %dot_general3A_84 = tpu.matmul %dot_general3A_56, %get3A_82, %dot_general3A_83 {dimension_numbers = #tpu.dot_dimension_numbers<[1], [0], [0], [1], [0, 0, 1, 1], [], []>, precision = #tpu.contract_precision<fp32>, transpose_lhs_hint = false} : vector<1x128xf32>, vector<128x128xf32>, vector<1x128xf32> -> vector<1x128xf32>
    %sub3A_85 = arith.subf %sub3A_77, %dot_general3A_84 : vector<1x128xf32>
    %get3A_86 = arith.constant 0 : index
    %get3A_87 = arith.constant 0 : index
    %get3A_88 = arith.constant 0 : index
    %get3A_89 = vector.load %arg11[%get3A_86, %get3A_87, %get3A_88] : memref<1x128x128xf32, #tpu.memory_space<vmem>>, vector<1x128x128xf32>
    %get3A_90 = vector.shape_cast %get3A_89 : vector<1x128x128xf32> to vector<128x128xf32>
    %dot_general3A_91 = arith.constant dense<0.000000e+00> : vector<1x128xf32>
    %dot_general3A_92 = tpu.matmul %sub3A_85, %get3A_90, %dot_general3A_91 {dimension_numbers = #tpu.dot_dimension_numbers<[1], [1], [0], [0], [0, 0, 1, 0], [], []>, precision = #tpu.contract_precision<fp32>, transpose_lhs_hint = false} : vector<1x128xf32>, vector<128x128xf32>, vector<1x128xf32> -> vector<1x128xf32>
    %get3A_93 = arith.constant 0 : index
    %get3A_94 = arith.constant 0 : index
    %get3A_95 = arith.constant 512 : index
    %get3A_96 = vector.load %arg16[%get3A_93, %get3A_94, %get3A_95] : memref<1x1x1024xf32, #tpu.memory_space<vmem>>, vector<1x1x128xf32>
    %get3A_97 = vector.shape_cast %get3A_96 : vector<1x1x128xf32> to vector<1x128xf32>
    %get3A_98 = arith.constant 0 : index
    %get3A_99 = arith.constant 0 : index
    %get3A_100 = arith.constant 0 : index
    %get3A_101 = vector.load %arg4[%get3A_98, %get3A_99, %get3A_100] : memref<1x512x128xf32, #tpu.memory_space<vmem>>, vector<1x128x128xf32>
    %get3A_102 = vector.shape_cast %get3A_101 : vector<1x128x128xf32> to vector<128x128xf32>
    %dot_general3A_103 = arith.constant dense<0.000000e+00> : vector<1x128xf32>
    %dot_general3A_104 = tpu.matmul %dot_general3A_9, %get3A_102, %dot_general3A_103 {dimension_numbers = #tpu.dot_dimension_numbers<[1], [0], [0], [1], [0, 0, 1, 1], [], []>, precision = #tpu.contract_precision<fp32>, transpose_lhs_hint = false} : vector<1x128xf32>, vector<128x128xf32>, vector<1x128xf32> -> vector<1x128xf32>
    %sub3A_105 = arith.subf %get3A_97, %dot_general3A_104 : vector<1x128xf32>
    %get3A_106 = arith.constant 0 : index
    %get3A_107 = arith.constant 128 : index
    %get3A_108 = arith.constant 0 : index
    %get3A_109 = vector.load %arg4[%get3A_106, %get3A_107, %get3A_108] : memref<1x512x128xf32, #tpu.memory_space<vmem>>, vector<1x128x128xf32>
    %get3A_110 = vector.shape_cast %get3A_109 : vector<1x128x128xf32> to vector<128x128xf32>
    %dot_general3A_111 = arith.constant dense<0.000000e+00> : vector<1x128xf32>
    %dot_general3A_112 = tpu.matmul %dot_general3A_28, %get3A_110, %dot_general3A_111 {dimension_numbers = #tpu.dot_dimension_numbers<[1], [0], [0], [1], [0, 0, 1, 1], [], []>, precision = #tpu.contract_precision<fp32>, transpose_lhs_hint = false} : vector<1x128xf32>, vector<128x128xf32>, vector<1x128xf32> -> vector<1x128xf32>
    %sub3A_113 = arith.subf %sub3A_105, %dot_general3A_112 : vector<1x128xf32>
    %get3A_114 = arith.constant 0 : index
    %get3A_115 = arith.constant 256 : index
    %get3A_116 = arith.constant 0 : index
    %get3A_117 = vector.load %arg4[%get3A_114, %get3A_115, %get3A_116] : memref<1x512x128xf32, #tpu.memory_space<vmem>>, vector<1x128x128xf32>
    %get3A_118 = vector.shape_cast %get3A_117 : vector<1x128x128xf32> to vector<128x128xf32>
    %dot_general3A_119 = arith.constant dense<0.000000e+00> : vector<1x128xf32>
    %dot_general3A_120 = tpu.matmul %dot_general3A_56, %get3A_118, %dot_general3A_119 {dimension_numbers = #tpu.dot_dimension_numbers<[1], [0], [0], [1], [0, 0, 1, 1], [], []>, precision = #tpu.contract_precision<fp32>, transpose_lhs_hint = false} : vector<1x128xf32>, vector<128x128xf32>, vector<1x128xf32> -> vector<1x128xf32>
    %sub3A_121 = arith.subf %sub3A_113, %dot_general3A_120 : vector<1x128xf32>
    %get3A_122 = arith.constant 0 : index
    %get3A_123 = arith.constant 384 : index
    %get3A_124 = arith.constant 0 : index
    %get3A_125 = vector.load %arg4[%get3A_122, %get3A_123, %get3A_124] : memref<1x512x128xf32, #tpu.memory_space<vmem>>, vector<1x128x128xf32>
    %get3A_126 = vector.shape_cast %get3A_125 : vector<1x128x128xf32> to vector<128x128xf32>
    %dot_general3A_127 = arith.constant dense<0.000000e+00> : vector<1x128xf32>
    %dot_general3A_128 = tpu.matmul %dot_general3A_92, %get3A_126, %dot_general3A_127 {dimension_numbers = #tpu.dot_dimension_numbers<[1], [0], [0], [1], [0, 0, 1, 1], [], []>, precision = #tpu.contract_precision<fp32>, transpose_lhs_hint = false} : vector<1x128xf32>, vector<128x128xf32>, vector<1x128xf32> -> vector<1x128xf32>
    %sub3A_129 = arith.subf %sub3A_121, %dot_general3A_128 : vector<1x128xf32>
    %get3A_130 = arith.constant 0 : index
    %get3A_131 = arith.constant 0 : index
    %get3A_132 = arith.constant 0 : index
    %get3A_133 = vector.load %arg12[%get3A_130, %get3A_131, %get3A_132] : memref<1x128x128xf32, #tpu.memory_space<vmem>>, vector<1x128x128xf32>
    %get3A_134 = vector.shape_cast %get3A_133 : vector<1x128x128xf32> to vector<128x128xf32>
    %dot_general3A_135 = arith.constant dense<0.000000e+00> : vector<1x128xf32>
    %dot_general3A_136 = tpu.matmul %sub3A_129, %get3A_134, %dot_general3A_135 {dimension_numbers = #tpu.dot_dimension_numbers<[1], [1], [0], [0], [0, 0, 1, 0], [], []>, precision = #tpu.contract_precision<fp32>, transpose_lhs_hint = false} : vector<1x128xf32>, vector<128x128xf32>, vector<1x128xf32> -> vector<1x128xf32>
    %get3A_137 = arith.constant 0 : index
    %get3A_138 = arith.constant 0 : index
    %get3A_139 = arith.constant 640 : index
    %get3A_140 = vector.load %arg16[%get3A_137, %get3A_138, %get3A_139] : memref<1x1x1024xf32, #tpu.memory_space<vmem>>, vector<1x1x128xf32>
    %get3A_141 = vector.shape_cast %get3A_140 : vector<1x1x128xf32> to vector<1x128xf32>
    %get3A_142 = arith.constant 0 : index
    %get3A_143 = arith.constant 0 : index
    %get3A_144 = arith.constant 0 : index
    %get3A_145 = vector.load %arg5[%get3A_142, %get3A_143, %get3A_144] : memref<1x640x128xf32, #tpu.memory_space<vmem>>, vector<1x128x128xf32>
    %get3A_146 = vector.shape_cast %get3A_145 : vector<1x128x128xf32> to vector<128x128xf32>
    %dot_general3A_147 = arith.constant dense<0.000000e+00> : vector<1x128xf32>
    %dot_general3A_148 = tpu.matmul %dot_general3A_9, %get3A_146, %dot_general3A_147 {dimension_numbers = #tpu.dot_dimension_numbers<[1], [0], [0], [1], [0, 0, 1, 1], [], []>, precision = #tpu.contract_precision<fp32>, transpose_lhs_hint = false} : vector<1x128xf32>, vector<128x128xf32>, vector<1x128xf32> -> vector<1x128xf32>
    %sub3A_149 = arith.subf %get3A_141, %dot_general3A_148 : vector<1x128xf32>
    %get3A_150 = arith.constant 0 : index
    %get3A_151 = arith.constant 128 : index
    %get3A_152 = arith.constant 0 : index
    %get3A_153 = vector.load %arg5[%get3A_150, %get3A_151, %get3A_152] : memref<1x640x128xf32, #tpu.memory_space<vmem>>, vector<1x128x128xf32>
    %get3A_154 = vector.shape_cast %get3A_153 : vector<1x128x128xf32> to vector<128x128xf32>
    %dot_general3A_155 = arith.constant dense<0.000000e+00> : vector<1x128xf32>
    %dot_general3A_156 = tpu.matmul %dot_general3A_28, %get3A_154, %dot_general3A_155 {dimension_numbers = #tpu.dot_dimension_numbers<[1], [0], [0], [1], [0, 0, 1, 1], [], []>, precision = #tpu.contract_precision<fp32>, transpose_lhs_hint = false} : vector<1x128xf32>, vector<128x128xf32>, vector<1x128xf32> -> vector<1x128xf32>
    %sub3A_157 = arith.subf %sub3A_149, %dot_general3A_156 : vector<1x128xf32>
    %get3A_158 = arith.constant 0 : index
    %get3A_159 = arith.constant 256 : index
    %get3A_160 = arith.constant 0 : index
    %get3A_161 = vector.load %arg5[%get3A_158, %get3A_159, %get3A_160] : memref<1x640x128xf32, #tpu.memory_space<vmem>>, vector<1x128x128xf32>
    %get3A_162 = vector.shape_cast %get3A_161 : vector<1x128x128xf32> to vector<128x128xf32>
    %dot_general3A_163 = arith.constant dense<0.000000e+00> : vector<1x128xf32>
    %dot_general3A_164 = tpu.matmul %dot_general3A_56, %get3A_162, %dot_general3A_163 {dimension_numbers = #tpu.dot_dimension_numbers<[1], [0], [0], [1], [0, 0, 1, 1], [], []>, precision = #tpu.contract_precision<fp32>, transpose_lhs_hint = false} : vector<1x128xf32>, vector<128x128xf32>, vector<1x128xf32> -> vector<1x128xf32>
    %sub3A_165 = arith.subf %sub3A_157, %dot_general3A_164 : vector<1x128xf32>
    %get3A_166 = arith.constant 0 : index
    %get3A_167 = arith.constant 384 : index
    %get3A_168 = arith.constant 0 : index
    %get3A_169 = vector.load %arg5[%get3A_166, %get3A_167, %get3A_168] : memref<1x640x128xf32, #tpu.memory_space<vmem>>, vector<1x128x128xf32>
    %get3A_170 = vector.shape_cast %get3A_169 : vector<1x128x128xf32> to vector<128x128xf32>
    %dot_general3A_171 = arith.constant dense<0.000000e+00> : vector<1x128xf32>
    %dot_general3A_172 = tpu.matmul %dot_general3A_92, %get3A_170, %dot_general3A_171 {dimension_numbers = #tpu.dot_dimension_numbers<[1], [0], [0], [1], [0, 0, 1, 1], [], []>, precision = #tpu.contract_precision<fp32>, transpose_lhs_hint = false} : vector<1x128xf32>, vector<128x128xf32>, vector<1x128xf32> -> vector<1x128xf32>
    %sub3A_173 = arith.subf %sub3A_165, %dot_general3A_172 : vector<1x128xf32>
    %get3A_174 = arith.constant 0 : index
    %get3A_175 = arith.constant 512 : index
    %get3A_176 = arith.constant 0 : index
    %get3A_177 = vector.load %arg5[%get3A_174, %get3A_175, %get3A_176] : memref<1x640x128xf32, #tpu.memory_space<vmem>>, vector<1x128x128xf32>
    %get3A_178 = vector.shape_cast %get3A_177 : vector<1x128x128xf32> to vector<128x128xf32>
    %dot_general3A_179 = arith.constant dense<0.000000e+00> : vector<1x128xf32>
    %dot_general3A_180 = tpu.matmul %dot_general3A_136, %get3A_178, %dot_general3A_179 {dimension_numbers = #tpu.dot_dimension_numbers<[1], [0], [0], [1], [0, 0, 1, 1], [], []>, precision = #tpu.contract_precision<fp32>, transpose_lhs_hint = false} : vector<1x128xf32>, vector<128x128xf32>, vector<1x128xf32> -> vector<1x128xf32>
    %sub3A_181 = arith.subf %sub3A_173, %dot_general3A_180 : vector<1x128xf32>
    %get3A_182 = arith.constant 0 : index
    %get3A_183 = arith.constant 0 : index
    %get3A_184 = arith.constant 0 : index
    %get3A_185 = vector.load %arg13[%get3A_182, %get3A_183, %get3A_184] : memref<1x128x128xf32, #tpu.memory_space<vmem>>, vector<1x128x128xf32>
    %get3A_186 = vector.shape_cast %get3A_185 : vector<1x128x128xf32> to vector<128x128xf32>
    %dot_general3A_187 = arith.constant dense<0.000000e+00> : vector<1x128xf32>
    %dot_general3A_188 = tpu.matmul %sub3A_181, %get3A_186, %dot_general3A_187 {dimension_numbers = #tpu.dot_dimension_numbers<[1], [1], [0], [0], [0, 0, 1, 0], [], []>, precision = #tpu.contract_precision<fp32>, transpose_lhs_hint = false} : vector<1x128xf32>, vector<128x128xf32>, vector<1x128xf32> -> vector<1x128xf32>
    %get3A_189 = arith.constant 0 : index
    %get3A_190 = arith.constant 0 : index
    %get3A_191 = arith.constant 768 : index
    %get3A_192 = vector.load %arg16[%get3A_189, %get3A_190, %get3A_191] : memref<1x1x1024xf32, #tpu.memory_space<vmem>>, vector<1x1x128xf32>
    %get3A_193 = vector.shape_cast %get3A_192 : vector<1x1x128xf32> to vector<1x128xf32>
    %get3A_194 = arith.constant 0 : index
    %get3A_195 = arith.constant 0 : index
    %get3A_196 = arith.constant 0 : index
    %get3A_197 = vector.load %arg6[%get3A_194, %get3A_195, %get3A_196] : memref<1x768x128xf32, #tpu.memory_space<vmem>>, vector<1x128x128xf32>
    %get3A_198 = vector.shape_cast %get3A_197 : vector<1x128x128xf32> to vector<128x128xf32>
    %dot_general3A_199 = arith.constant dense<0.000000e+00> : vector<1x128xf32>
    %dot_general3A_200 = tpu.matmul %dot_general3A_9, %get3A_198, %dot_general3A_199 {dimension_numbers = #tpu.dot_dimension_numbers<[1], [0], [0], [1], [0, 0, 1, 1], [], []>, precision = #tpu.contract_precision<fp32>, transpose_lhs_hint = false} : vector<1x128xf32>, vector<128x128xf32>, vector<1x128xf32> -> vector<1x128xf32>
    %sub3A_201 = arith.subf %get3A_193, %dot_general3A_200 : vector<1x128xf32>
    %get3A_202 = arith.constant 0 : index
    %get3A_203 = arith.constant 128 : index
    %get3A_204 = arith.constant 0 : index
    %get3A_205 = vector.load %arg6[%get3A_202, %get3A_203, %get3A_204] : memref<1x768x128xf32, #tpu.memory_space<vmem>>, vector<1x128x128xf32>
    %get3A_206 = vector.shape_cast %get3A_205 : vector<1x128x128xf32> to vector<128x128xf32>
    %dot_general3A_207 = arith.constant dense<0.000000e+00> : vector<1x128xf32>
    %dot_general3A_208 = tpu.matmul %dot_general3A_28, %get3A_206, %dot_general3A_207 {dimension_numbers = #tpu.dot_dimension_numbers<[1], [0], [0], [1], [0, 0, 1, 1], [], []>, precision = #tpu.contract_precision<fp32>, transpose_lhs_hint = false} : vector<1x128xf32>, vector<128x128xf32>, vector<1x128xf32> -> vector<1x128xf32>
    %sub3A_209 = arith.subf %sub3A_201, %dot_general3A_208 : vector<1x128xf32>
    %get3A_210 = arith.constant 0 : index
    %get3A_211 = arith.constant 256 : index
    %get3A_212 = arith.constant 0 : index
    %get3A_213 = vector.load %arg6[%get3A_210, %get3A_211, %get3A_212] : memref<1x768x128xf32, #tpu.memory_space<vmem>>, vector<1x128x128xf32>
    %get3A_214 = vector.shape_cast %get3A_213 : vector<1x128x128xf32> to vector<128x128xf32>
    %dot_general3A_215 = arith.constant dense<0.000000e+00> : vector<1x128xf32>
    %dot_general3A_216 = tpu.matmul %dot_general3A_56, %get3A_214, %dot_general3A_215 {dimension_numbers = #tpu.dot_dimension_numbers<[1], [0], [0], [1], [0, 0, 1, 1], [], []>, precision = #tpu.contract_precision<fp32>, transpose_lhs_hint = false} : vector<1x128xf32>, vector<128x128xf32>, vector<1x128xf32> -> vector<1x128xf32>
    %sub3A_217 = arith.subf %sub3A_209, %dot_general3A_216 : vector<1x128xf32>
    %get3A_218 = arith.constant 0 : index
    %get3A_219 = arith.constant 384 : index
    %get3A_220 = arith.constant 0 : index
    %get3A_221 = vector.load %arg6[%get3A_218, %get3A_219, %get3A_220] : memref<1x768x128xf32, #tpu.memory_space<vmem>>, vector<1x128x128xf32>
    %get3A_222 = vector.shape_cast %get3A_221 : vector<1x128x128xf32> to vector<128x128xf32>
    %dot_general3A_223 = arith.constant dense<0.000000e+00> : vector<1x128xf32>
    %dot_general3A_224 = tpu.matmul %dot_general3A_92, %get3A_222, %dot_general3A_223 {dimension_numbers = #tpu.dot_dimension_numbers<[1], [0], [0], [1], [0, 0, 1, 1], [], []>, precision = #tpu.contract_precision<fp32>, transpose_lhs_hint = false} : vector<1x128xf32>, vector<128x128xf32>, vector<1x128xf32> -> vector<1x128xf32>
    %sub3A_225 = arith.subf %sub3A_217, %dot_general3A_224 : vector<1x128xf32>
    %get3A_226 = arith.constant 0 : index
    %get3A_227 = arith.constant 512 : index
    %get3A_228 = arith.constant 0 : index
    %get3A_229 = vector.load %arg6[%get3A_226, %get3A_227, %get3A_228] : memref<1x768x128xf32, #tpu.memory_space<vmem>>, vector<1x128x128xf32>
    %get3A_230 = vector.shape_cast %get3A_229 : vector<1x128x128xf32> to vector<128x128xf32>
    %dot_general3A_231 = arith.constant dense<0.000000e+00> : vector<1x128xf32>
    %dot_general3A_232 = tpu.matmul %dot_general3A_136, %get3A_230, %dot_general3A_231 {dimension_numbers = #tpu.dot_dimension_numbers<[1], [0], [0], [1], [0, 0, 1, 1], [], []>, precision = #tpu.contract_precision<fp32>, transpose_lhs_hint = false} : vector<1x128xf32>, vector<128x128xf32>, vector<1x128xf32> -> vector<1x128xf32>
    %sub3A_233 = arith.subf %sub3A_225, %dot_general3A_232 : vector<1x128xf32>
    %get3A_234 = arith.constant 0 : index
    %get3A_235 = arith.constant 640 : index
    %get3A_236 = arith.constant 0 : index
    %get3A_237 = vector.load %arg6[%get3A_234, %get3A_235, %get3A_236] : memref<1x768x128xf32, #tpu.memory_space<vmem>>, vector<1x128x128xf32>
    %get3A_238 = vector.shape_cast %get3A_237 : vector<1x128x128xf32> to vector<128x128xf32>
    %dot_general3A_239 = arith.constant dense<0.000000e+00> : vector<1x128xf32>
    %dot_general3A_240 = tpu.matmul %dot_general3A_188, %get3A_238, %dot_general3A_239 {dimension_numbers = #tpu.dot_dimension_numbers<[1], [0], [0], [1], [0, 0, 1, 1], [], []>, precision = #tpu.contract_precision<fp32>, transpose_lhs_hint = false} : vector<1x128xf32>, vector<128x128xf32>, vector<1x128xf32> -> vector<1x128xf32>
    %sub3A_241 = arith.subf %sub3A_233, %dot_general3A_240 : vector<1x128xf32>
    %get3A_242 = arith.constant 0 : index
    %get3A_243 = arith.constant 0 : index
    %get3A_244 = arith.constant 0 : index
    %get3A_245 = vector.load %arg14[%get3A_242, %get3A_243, %get3A_244] : memref<1x128x128xf32, #tpu.memory_space<vmem>>, vector<1x128x128xf32>
    %get3A_246 = vector.shape_cast %get3A_245 : vector<1x128x128xf32> to vector<128x128xf32>
    %dot_general3A_247 = arith.constant dense<0.000000e+00> : vector<1x128xf32>
    %dot_general3A_248 = tpu.matmul %sub3A_241, %get3A_246, %dot_general3A_247 {dimension_numbers = #tpu.dot_dimension_numbers<[1], [1], [0], [0], [0, 0, 1, 0], [], []>, precision = #tpu.contract_precision<fp32>, transpose_lhs_hint = false} : vector<1x128xf32>, vector<128x128xf32>, vector<1x128xf32> -> vector<1x128xf32>
    %get3A_249 = arith.constant 0 : index
    %get3A_250 = arith.constant 0 : index
    %get3A_251 = arith.constant 896 : index
    %get3A_252 = vector.load %arg16[%get3A_249, %get3A_250, %get3A_251] : memref<1x1x1024xf32, #tpu.memory_space<vmem>>, vector<1x1x128xf32>
    %get3A_253 = vector.shape_cast %get3A_252 : vector<1x1x128xf32> to vector<1x128xf32>
    %get3A_254 = arith.constant 0 : index
    %get3A_255 = arith.constant 0 : index
    %get3A_256 = arith.constant 0 : index
    %get3A_257 = vector.load %arg7[%get3A_254, %get3A_255, %get3A_256] : memref<1x896x128xf32, #tpu.memory_space<vmem>>, vector<1x128x128xf32>
    %get3A_258 = vector.shape_cast %get3A_257 : vector<1x128x128xf32> to vector<128x128xf32>
    %dot_general3A_259 = arith.constant dense<0.000000e+00> : vector<1x128xf32>
    %dot_general3A_260 = tpu.matmul %dot_general3A_9, %get3A_258, %dot_general3A_259 {dimension_numbers = #tpu.dot_dimension_numbers<[1], [0], [0], [1], [0, 0, 1, 1], [], []>, precision = #tpu.contract_precision<fp32>, transpose_lhs_hint = false} : vector<1x128xf32>, vector<128x128xf32>, vector<1x128xf32> -> vector<1x128xf32>
    %sub3A_261 = arith.subf %get3A_253, %dot_general3A_260 : vector<1x128xf32>
    %get3A_262 = arith.constant 0 : index
    %get3A_263 = arith.constant 128 : index
    %get3A_264 = arith.constant 0 : index
    %get3A_265 = vector.load %arg7[%get3A_262, %get3A_263, %get3A_264] : memref<1x896x128xf32, #tpu.memory_space<vmem>>, vector<1x128x128xf32>
    %get3A_266 = vector.shape_cast %get3A_265 : vector<1x128x128xf32> to vector<128x128xf32>
    %dot_general3A_267 = arith.constant dense<0.000000e+00> : vector<1x128xf32>
    %dot_general3A_268 = tpu.matmul %dot_general3A_28, %get3A_266, %dot_general3A_267 {dimension_numbers = #tpu.dot_dimension_numbers<[1], [0], [0], [1], [0, 0, 1, 1], [], []>, precision = #tpu.contract_precision<fp32>, transpose_lhs_hint = false} : vector<1x128xf32>, vector<128x128xf32>, vector<1x128xf32> -> vector<1x128xf32>
    %sub3A_269 = arith.subf %sub3A_261, %dot_general3A_268 : vector<1x128xf32>
    %get3A_270 = arith.constant 0 : index
    %get3A_271 = arith.constant 256 : index
    %get3A_272 = arith.constant 0 : index
    %get3A_273 = vector.load %arg7[%get3A_270, %get3A_271, %get3A_272] : memref<1x896x128xf32, #tpu.memory_space<vmem>>, vector<1x128x128xf32>
    %get3A_274 = vector.shape_cast %get3A_273 : vector<1x128x128xf32> to vector<128x128xf32>
    %dot_general3A_275 = arith.constant dense<0.000000e+00> : vector<1x128xf32>
    %dot_general3A_276 = tpu.matmul %dot_general3A_56, %get3A_274, %dot_general3A_275 {dimension_numbers = #tpu.dot_dimension_numbers<[1], [0], [0], [1], [0, 0, 1, 1], [], []>, precision = #tpu.contract_precision<fp32>, transpose_lhs_hint = false} : vector<1x128xf32>, vector<128x128xf32>, vector<1x128xf32> -> vector<1x128xf32>
    %sub3A_277 = arith.subf %sub3A_269, %dot_general3A_276 : vector<1x128xf32>
    %get3A_278 = arith.constant 0 : index
    %get3A_279 = arith.constant 384 : index
    %get3A_280 = arith.constant 0 : index
    %get3A_281 = vector.load %arg7[%get3A_278, %get3A_279, %get3A_280] : memref<1x896x128xf32, #tpu.memory_space<vmem>>, vector<1x128x128xf32>
    %get3A_282 = vector.shape_cast %get3A_281 : vector<1x128x128xf32> to vector<128x128xf32>
    %dot_general3A_283 = arith.constant dense<0.000000e+00> : vector<1x128xf32>
    %dot_general3A_284 = tpu.matmul %dot_general3A_92, %get3A_282, %dot_general3A_283 {dimension_numbers = #tpu.dot_dimension_numbers<[1], [0], [0], [1], [0, 0, 1, 1], [], []>, precision = #tpu.contract_precision<fp32>, transpose_lhs_hint = false} : vector<1x128xf32>, vector<128x128xf32>, vector<1x128xf32> -> vector<1x128xf32>
    %sub3A_285 = arith.subf %sub3A_277, %dot_general3A_284 : vector<1x128xf32>
    %get3A_286 = arith.constant 0 : index
    %get3A_287 = arith.constant 512 : index
    %get3A_288 = arith.constant 0 : index
    %get3A_289 = vector.load %arg7[%get3A_286, %get3A_287, %get3A_288] : memref<1x896x128xf32, #tpu.memory_space<vmem>>, vector<1x128x128xf32>
    %get3A_290 = vector.shape_cast %get3A_289 : vector<1x128x128xf32> to vector<128x128xf32>
    %dot_general3A_291 = arith.constant dense<0.000000e+00> : vector<1x128xf32>
    %dot_general3A_292 = tpu.matmul %dot_general3A_136, %get3A_290, %dot_general3A_291 {dimension_numbers = #tpu.dot_dimension_numbers<[1], [0], [0], [1], [0, 0, 1, 1], [], []>, precision = #tpu.contract_precision<fp32>, transpose_lhs_hint = false} : vector<1x128xf32>, vector<128x128xf32>, vector<1x128xf32> -> vector<1x128xf32>
    %sub3A_293 = arith.subf %sub3A_285, %dot_general3A_292 : vector<1x128xf32>
    %get3A_294 = arith.constant 0 : index
    %get3A_295 = arith.constant 640 : index
    %get3A_296 = arith.constant 0 : index
    %get3A_297 = vector.load %arg7[%get3A_294, %get3A_295, %get3A_296] : memref<1x896x128xf32, #tpu.memory_space<vmem>>, vector<1x128x128xf32>
    %get3A_298 = vector.shape_cast %get3A_297 : vector<1x128x128xf32> to vector<128x128xf32>
    %dot_general3A_299 = arith.constant dense<0.000000e+00> : vector<1x128xf32>
    %dot_general3A_300 = tpu.matmul %dot_general3A_188, %get3A_298, %dot_general3A_299 {dimension_numbers = #tpu.dot_dimension_numbers<[1], [0], [0], [1], [0, 0, 1, 1], [], []>, precision = #tpu.contract_precision<fp32>, transpose_lhs_hint = false} : vector<1x128xf32>, vector<128x128xf32>, vector<1x128xf32> -> vector<1x128xf32>
    %sub3A_301 = arith.subf %sub3A_293, %dot_general3A_300 : vector<1x128xf32>
    %get3A_302 = arith.constant 0 : index
    %get3A_303 = arith.constant 768 : index
    %get3A_304 = arith.constant 0 : index
    %get3A_305 = vector.load %arg7[%get3A_302, %get3A_303, %get3A_304] : memref<1x896x128xf32, #tpu.memory_space<vmem>>, vector<1x128x128xf32>
    %get3A_306 = vector.shape_cast %get3A_305 : vector<1x128x128xf32> to vector<128x128xf32>
    %dot_general3A_307 = arith.constant dense<0.000000e+00> : vector<1x128xf32>
    %dot_general3A_308 = tpu.matmul %dot_general3A_248, %get3A_306, %dot_general3A_307 {dimension_numbers = #tpu.dot_dimension_numbers<[1], [0], [0], [1], [0, 0, 1, 1], [], []>, precision = #tpu.contract_precision<fp32>, transpose_lhs_hint = false} : vector<1x128xf32>, vector<128x128xf32>, vector<1x128xf32> -> vector<1x128xf32>
    %sub3A_309 = arith.subf %sub3A_301, %dot_general3A_308 : vector<1x128xf32>
    %get3A_310 = arith.constant 0 : index
    %get3A_311 = arith.constant 0 : index
    %get3A_312 = arith.constant 0 : index
    %get3A_313 = vector.load %arg15[%get3A_310, %get3A_311, %get3A_312] : memref<1x128x128xf32, #tpu.memory_space<vmem>>, vector<1x128x128xf32>
    %get3A_314 = vector.shape_cast %get3A_313 : vector<1x128x128xf32> to vector<128x128xf32>
    %dot_general3A_315 = arith.constant dense<0.000000e+00> : vector<1x128xf32>
    %dot_general3A_316 = tpu.matmul %sub3A_309, %get3A_314, %dot_general3A_315 {dimension_numbers = #tpu.dot_dimension_numbers<[1], [1], [0], [0], [0, 0, 1, 0], [], []>, precision = #tpu.contract_precision<fp32>, transpose_lhs_hint = false} : vector<1x128xf32>, vector<128x128xf32>, vector<1x128xf32> -> vector<1x128xf32>
    %get3A_317 = arith.constant 0 : index
    %get3A_318 = arith.constant 0 : index
    %get3A_319 = arith.constant 0 : index
    %get3A_320 = vector.load %arg18[%get3A_317, %get3A_318, %get3A_319] : memref<1x1x1024xf32, #tpu.memory_space<vmem>>, vector<1x1x1024xf32>
    %get3A_321 = vector.shape_cast %get3A_320 : vector<1x1x1024xf32> to vector<1x1024xf32>
    %get3A_322 = arith.constant 0 : index
    %get3A_323 = arith.constant 0 : index
    %get3A_324 = arith.constant 0 : index
    %get3A_325 = vector.load %arg17[%get3A_322, %get3A_323, %get3A_324] : memref<1x1x1024xf32, #tpu.memory_space<vmem>>, vector<1x1x1024xf32>
    %get3A_326 = vector.shape_cast %get3A_325 : vector<1x1x1024xf32> to vector<1x1024xf32>
    %mul3A = arith.mulf %get3A_321, %get3A_326 : vector<1x1024xf32>
    %reduce_sum3A = vector.shape_cast %mul3A : vector<1x1024xf32> to vector<1x1x1024xf32>
    %reduce_sum3A_327 = arith.constant dense<0.000000e+00> : vector<1xf32>
    %reduce_sum3A_328 = vector.multi_reduction <add>, %reduce_sum3A, %reduce_sum3A_327 [1, 2] : vector<1x1x1024xf32> to vector<1xf32>
    %reduce_sum3A_329 = vector.shape_cast %reduce_sum3A_328 : vector<1xf32> to vector<1x1x1xf32>
    %reduce_sum3A_330 = vector.extract %reduce_sum3A_329[0, 0, 0] : f32 from vector<1x1x1xf32>
    %get3A_331 = arith.constant 0 : index
    %get3A_332 = arith.constant 0 : index
    %get3A_333 = arith.constant 0 : index
    %get3A_334 = vector.load %arg18[%get3A_331, %get3A_332, %get3A_333] : memref<1x1x1024xf32, #tpu.memory_space<vmem>>, vector<1x1x128xf32>
    %get3A_335 = vector.shape_cast %get3A_334 : vector<1x1x128xf32> to vector<1x128xf32>
    %mul3A_336 = arith.mulf %get3A_335, %dot_general3A_9 : vector<1x128xf32>
    %reduce_sum3A_337 = vector.shape_cast %mul3A_336 : vector<1x128xf32> to vector<1x1x128xf32>
    %reduce_sum3A_338 = arith.constant dense<0.000000e+00> : vector<1xf32>
    %reduce_sum3A_339 = vector.multi_reduction <add>, %reduce_sum3A_337, %reduce_sum3A_338 [1, 2] : vector<1x1x128xf32> to vector<1xf32>
    %reduce_sum3A_340 = vector.shape_cast %reduce_sum3A_339 : vector<1xf32> to vector<1x1x1xf32>
    %reduce_sum3A_341 = vector.extract %reduce_sum3A_340[0, 0, 0] : f32 from vector<1x1x1xf32>
    %add3A = arith.addf %reduce_sum3A_330, %reduce_sum3A_341 : f32
    %get3A_342 = arith.constant 0 : index
    %get3A_343 = arith.constant 0 : index
    %get3A_344 = arith.constant 128 : index
    %get3A_345 = vector.load %arg18[%get3A_342, %get3A_343, %get3A_344] : memref<1x1x1024xf32, #tpu.memory_space<vmem>>, vector<1x1x128xf32>
    %get3A_346 = vector.shape_cast %get3A_345 : vector<1x1x128xf32> to vector<1x128xf32>
    %mul3A_347 = arith.mulf %get3A_346, %dot_general3A_28 : vector<1x128xf32>
    %reduce_sum3A_348 = vector.shape_cast %mul3A_347 : vector<1x128xf32> to vector<1x1x128xf32>
    %reduce_sum3A_349 = arith.constant dense<0.000000e+00> : vector<1xf32>
    %reduce_sum3A_350 = vector.multi_reduction <add>, %reduce_sum3A_348, %reduce_sum3A_349 [1, 2] : vector<1x1x128xf32> to vector<1xf32>
    %reduce_sum3A_351 = vector.shape_cast %reduce_sum3A_350 : vector<1xf32> to vector<1x1x1xf32>
    %reduce_sum3A_352 = vector.extract %reduce_sum3A_351[0, 0, 0] : f32 from vector<1x1x1xf32>
    %add3A_353 = arith.addf %add3A, %reduce_sum3A_352 : f32
    %get3A_354 = arith.constant 0 : index
    %get3A_355 = arith.constant 0 : index
    %get3A_356 = arith.constant 256 : index
    %get3A_357 = vector.load %arg18[%get3A_354, %get3A_355, %get3A_356] : memref<1x1x1024xf32, #tpu.memory_space<vmem>>, vector<1x1x128xf32>
    %get3A_358 = vector.shape_cast %get3A_357 : vector<1x1x128xf32> to vector<1x128xf32>
    %mul3A_359 = arith.mulf %get3A_358, %dot_general3A_56 : vector<1x128xf32>
    %reduce_sum3A_360 = vector.shape_cast %mul3A_359 : vector<1x128xf32> to vector<1x1x128xf32>
    %reduce_sum3A_361 = arith.constant dense<0.000000e+00> : vector<1xf32>
    %reduce_sum3A_362 = vector.multi_reduction <add>, %reduce_sum3A_360, %reduce_sum3A_361 [1, 2] : vector<1x1x128xf32> to vector<1xf32>
    %reduce_sum3A_363 = vector.shape_cast %reduce_sum3A_362 : vector<1xf32> to vector<1x1x1xf32>
    %reduce_sum3A_364 = vector.extract %reduce_sum3A_363[0, 0, 0] : f32 from vector<1x1x1xf32>
    %add3A_365 = arith.addf %add3A_353, %reduce_sum3A_364 : f32
    %get3A_366 = arith.constant 0 : index
    %get3A_367 = arith.constant 0 : index
    %get3A_368 = arith.constant 384 : index
    %get3A_369 = vector.load %arg18[%get3A_366, %get3A_367, %get3A_368] : memref<1x1x1024xf32, #tpu.memory_space<vmem>>, vector<1x1x128xf32>
    %get3A_370 = vector.shape_cast %get3A_369 : vector<1x1x128xf32> to vector<1x128xf32>
    %mul3A_371 = arith.mulf %get3A_370, %dot_general3A_92 : vector<1x128xf32>
    %reduce_sum3A_372 = vector.shape_cast %mul3A_371 : vector<1x128xf32> to vector<1x1x128xf32>
    %reduce_sum3A_373 = arith.constant dense<0.000000e+00> : vector<1xf32>
    %reduce_sum3A_374 = vector.multi_reduction <add>, %reduce_sum3A_372, %reduce_sum3A_373 [1, 2] : vector<1x1x128xf32> to vector<1xf32>
    %reduce_sum3A_375 = vector.shape_cast %reduce_sum3A_374 : vector<1xf32> to vector<1x1x1xf32>
    %reduce_sum3A_376 = vector.extract %reduce_sum3A_375[0, 0, 0] : f32 from vector<1x1x1xf32>
    %add3A_377 = arith.addf %add3A_365, %reduce_sum3A_376 : f32
    %get3A_378 = arith.constant 0 : index
    %get3A_379 = arith.constant 0 : index
    %get3A_380 = arith.constant 512 : index
    %get3A_381 = vector.load %arg18[%get3A_378, %get3A_379, %get3A_380] : memref<1x1x1024xf32, #tpu.memory_space<vmem>>, vector<1x1x128xf32>
    %get3A_382 = vector.shape_cast %get3A_381 : vector<1x1x128xf32> to vector<1x128xf32>
    %mul3A_383 = arith.mulf %get3A_382, %dot_general3A_136 : vector<1x128xf32>
    %reduce_sum3A_384 = vector.shape_cast %mul3A_383 : vector<1x128xf32> to vector<1x1x128xf32>
    %reduce_sum3A_385 = arith.constant dense<0.000000e+00> : vector<1xf32>
    %reduce_sum3A_386 = vector.multi_reduction <add>, %reduce_sum3A_384, %reduce_sum3A_385 [1, 2] : vector<1x1x128xf32> to vector<1xf32>
    %reduce_sum3A_387 = vector.shape_cast %reduce_sum3A_386 : vector<1xf32> to vector<1x1x1xf32>
    %reduce_sum3A_388 = vector.extract %reduce_sum3A_387[0, 0, 0] : f32 from vector<1x1x1xf32>
    %add3A_389 = arith.addf %add3A_377, %reduce_sum3A_388 : f32
    %get3A_390 = arith.constant 0 : index
    %get3A_391 = arith.constant 0 : index
    %get3A_392 = arith.constant 640 : index
    %get3A_393 = vector.load %arg18[%get3A_390, %get3A_391, %get3A_392] : memref<1x1x1024xf32, #tpu.memory_space<vmem>>, vector<1x1x128xf32>
    %get3A_394 = vector.shape_cast %get3A_393 : vector<1x1x128xf32> to vector<1x128xf32>
    %mul3A_395 = arith.mulf %get3A_394, %dot_general3A_188 : vector<1x128xf32>
    %reduce_sum3A_396 = vector.shape_cast %mul3A_395 : vector<1x128xf32> to vector<1x1x128xf32>
    %reduce_sum3A_397 = arith.constant dense<0.000000e+00> : vector<1xf32>
    %reduce_sum3A_398 = vector.multi_reduction <add>, %reduce_sum3A_396, %reduce_sum3A_397 [1, 2] : vector<1x1x128xf32> to vector<1xf32>
    %reduce_sum3A_399 = vector.shape_cast %reduce_sum3A_398 : vector<1xf32> to vector<1x1x1xf32>
    %reduce_sum3A_400 = vector.extract %reduce_sum3A_399[0, 0, 0] : f32 from vector<1x1x1xf32>
    %add3A_401 = arith.addf %add3A_389, %reduce_sum3A_400 : f32
    %get3A_402 = arith.constant 0 : index
    %get3A_403 = arith.constant 0 : index
    %get3A_404 = arith.constant 768 : index
    %get3A_405 = vector.load %arg18[%get3A_402, %get3A_403, %get3A_404] : memref<1x1x1024xf32, #tpu.memory_space<vmem>>, vector<1x1x128xf32>
    %get3A_406 = vector.shape_cast %get3A_405 : vector<1x1x128xf32> to vector<1x128xf32>
    %mul3A_407 = arith.mulf %get3A_406, %dot_general3A_248 : vector<1x128xf32>
    %reduce_sum3A_408 = vector.shape_cast %mul3A_407 : vector<1x128xf32> to vector<1x1x128xf32>
    %reduce_sum3A_409 = arith.constant dense<0.000000e+00> : vector<1xf32>
    %reduce_sum3A_410 = vector.multi_reduction <add>, %reduce_sum3A_408, %reduce_sum3A_409 [1, 2] : vector<1x1x128xf32> to vector<1xf32>
    %reduce_sum3A_411 = vector.shape_cast %reduce_sum3A_410 : vector<1xf32> to vector<1x1x1xf32>
    %reduce_sum3A_412 = vector.extract %reduce_sum3A_411[0, 0, 0] : f32 from vector<1x1x1xf32>
    %add3A_413 = arith.addf %add3A_401, %reduce_sum3A_412 : f32
    %get3A_414 = arith.constant 0 : index
    %get3A_415 = arith.constant 0 : index
    %get3A_416 = arith.constant 896 : index
    %get3A_417 = vector.load %arg18[%get3A_414, %get3A_415, %get3A_416] : memref<1x1x1024xf32, #tpu.memory_space<vmem>>, vector<1x1x128xf32>
    %get3A_418 = vector.shape_cast %get3A_417 : vector<1x1x128xf32> to vector<1x128xf32>
    %mul3A_419 = arith.mulf %get3A_418, %dot_general3A_316 : vector<1x128xf32>
    %reduce_sum3A_420 = vector.shape_cast %mul3A_419 : vector<1x128xf32> to vector<1x1x128xf32>
    %reduce_sum3A_421 = arith.constant dense<0.000000e+00> : vector<1xf32>
    %reduce_sum3A_422 = vector.multi_reduction <add>, %reduce_sum3A_420, %reduce_sum3A_421 [1, 2] : vector<1x1x128xf32> to vector<1xf32>
    %reduce_sum3A_423 = vector.shape_cast %reduce_sum3A_422 : vector<1xf32> to vector<1x1x1xf32>
    %reduce_sum3A_424 = vector.extract %reduce_sum3A_423[0, 0, 0] : f32 from vector<1x1x1xf32>
    %add3A_425 = arith.addf %add3A_413, %reduce_sum3A_424 : f32
    %neg3A = arith.constant 0.000000e+00 : f32
    %neg3A_426 = arith.subf %neg3A, %add3A_425 : f32
    %exp3A = math.exp %neg3A_426 : f32
    %add3A_427 = arith.constant 1.000000e+00 : f32
    %add3A_428 = arith.addf %add3A_427, %exp3A : f32
    %div3A = arith.constant 1.000000e+00 : f32
    %div3A_429 = arith.divf %div3A, %add3A_428 : f32
    %broadcast_in_dim3A = vector.broadcast %div3A_429 : f32 to vector<1x1x128xf32>
    %swap3A = arith.constant 0 : index
    %swap3A_430 = arith.constant 0 : index
    %swap3A_431 = arith.constant 0 : index
    %swap3A_432 = vector.load %arg19[%swap3A, %swap3A_430, %swap3A_431] : memref<1x1x128xf32, #tpu.memory_space<vmem>>, vector<1x1x128xf32>
    tpu.vector_store %arg19[%swap3A, %swap3A_430, %swap3A_431], %broadcast_in_dim3A {strides = array<i32>} : memref<1x1x128xf32, #tpu.memory_space<vmem>>, vector<1x1x128xf32>,
    return
  }
  func.func @transform_0(%arg0: i32) -> (i32, i32, i32) {
    %c0_i32 = arith.constant 0 : i32
    %c0_i32_0 = arith.constant 0 : i32
    %c0_i32_1 = arith.constant 0 : i32
    return %arg0, %c0_i32, %c0_i32_0 : i32, i32, i32
  }
  func.func @transform_1(%arg0: i32) -> (i32, i32, i32) {
    %c0_i32 = arith.constant 0 : i32
    %c0_i32_0 = arith.constant 0 : i32
    %c0_i32_1 = arith.constant 0 : i32
    return %arg0, %c0_i32, %c0_i32_0 : i32, i32, i32
  }
  func.func @transform_2(%arg0: i32) -> (i32, i32, i32) {
    %c0_i32 = arith.constant 0 : i32
    %c0_i32_0 = arith.constant 0 : i32
    %c0_i32_1 = arith.constant 0 : i32
    return %arg0, %c0_i32, %c0_i32_0 : i32, i32, i32
  }
  func.func @transform_3(%arg0: i32) -> (i32, i32, i32) {
    %c0_i32 = arith.constant 0 : i32
    %c0_i32_0 = arith.constant 0 : i32
    %c0_i32_1 = arith.constant 0 : i32
    return %arg0, %c0_i32, %c0_i32_0 : i32, i32, i32
  }
  func.func @transform_4(%arg0: i32) -> (i32, i32, i32) {
    %c0_i32 = arith.constant 0 : i32
    %c0_i32_0 = arith.constant 0 : i32
    %c0_i32_1 = arith.constant 0 : i32
    return %arg0, %c0_i32, %c0_i32_0 : i32, i32, i32
  }
  func.func @transform_5(%arg0: i32) -> (i32, i32, i32) {
    %c0_i32 = arith.constant 0 : i32
    %c0_i32_0 = arith.constant 0 : i32
    %c0_i32_1 = arith.constant 0 : i32
    return %arg0, %c0_i32, %c0_i32_0 : i32, i32, i32
  }
  func.func @transform_6(%arg0: i32) -> (i32, i32, i32) {
    %c0_i32 = arith.constant 0 : i32
    %c0_i32_0 = arith.constant 0 : i32
    %c0_i32_1 = arith.constant 0 : i32
    return %arg0, %c0_i32, %c0_i32_0 : i32, i32, i32
  }
  func.func @transform_7(%arg0: i32) -> (i32, i32, i32) {
    %c0_i32 = arith.constant 0 : i32
    %c0_i32_0 = arith.constant 0 : i32
    %c0_i32_1 = arith.constant 0 : i32
    return %arg0, %c0_i32, %c0_i32_0 : i32, i32, i32
  }
  func.func @transform_8(%arg0: i32) -> (i32, i32, i32) {
    %c0_i32 = arith.constant 0 : i32
    %c0_i32_0 = arith.constant 0 : i32
    %c0_i32_1 = arith.constant 0 : i32
    return %arg0, %c0_i32, %c0_i32_0 : i32, i32, i32
  }
  func.func @transform_9(%arg0: i32) -> (i32, i32, i32) {
    %c0_i32 = arith.constant 0 : i32
    %c0_i32_0 = arith.constant 0 : i32
    %c0_i32_1 = arith.constant 0 : i32
    return %arg0, %c0_i32, %c0_i32_0 : i32, i32, i32
  }
  func.func @transform_10(%arg0: i32) -> (i32, i32, i32) {
    %c0_i32 = arith.constant 0 : i32
    %c0_i32_0 = arith.constant 0 : i32
    %c0_i32_1 = arith.constant 0 : i32
    return %arg0, %c0_i32, %c0_i32_0 : i32, i32, i32
  }
  func.func @transform_11(%arg0: i32) -> (i32, i32, i32) {
    %c0_i32 = arith.constant 0 : i32
    %c0_i32_0 = arith.constant 0 : i32
    %c0_i32_1 = arith.constant 0 : i32
    return %arg0, %c0_i32, %c0_i32_0 : i32, i32, i32
  }
  func.func @transform_12(%arg0: i32) -> (i32, i32, i32) {
    %c0_i32 = arith.constant 0 : i32
    %c0_i32_0 = arith.constant 0 : i32
    %c0_i32_1 = arith.constant 0 : i32
    return %arg0, %c0_i32, %c0_i32_0 : i32, i32, i32
  }
  func.func @transform_13(%arg0: i32) -> (i32, i32, i32) {
    %c0_i32 = arith.constant 0 : i32
    %c0_i32_0 = arith.constant 0 : i32
    %c0_i32_1 = arith.constant 0 : i32
    return %arg0, %c0_i32, %c0_i32_0 : i32, i32, i32
  }
  func.func @transform_14(%arg0: i32) -> (i32, i32, i32) {
    %c0_i32 = arith.constant 0 : i32
    %c0_i32_0 = arith.constant 0 : i32
    %c0_i32_1 = arith.constant 0 : i32
    return %arg0, %c0_i32, %c0_i32_0 : i32, i32, i32
  }
  func.func @transform_15(%arg0: i32) -> (i32, i32, i32) {
    %c0_i32 = arith.constant 0 : i32
    %c0_i32_0 = arith.constant 0 : i32
    %c0_i32_1 = arith.constant 0 : i32
    return %arg0, %c0_i32, %c0_i32_0 : i32, i32, i32
  }
  func.func @transform_16(%arg0: i32) -> (i32, i32, i32) {
    %c0_i32 = arith.constant 0 : i32
    %c0_i32_0 = arith.constant 0 : i32
    %c0_i32_1 = arith.constant 0 : i32
    return %arg0, %c0_i32, %c0_i32_0 : i32, i32, i32
  }
  func.func @transform_17(%arg0: i32) -> (i32, i32, i32) {
    %c0_i32 = arith.constant 0 : i32
    %c0_i32_0 = arith.constant 0 : i32
    %c0_i32_1 = arith.constant 0 : i32
    return %arg0, %c0_i32, %c0_i32_0 : i32, i32, i32
  }
  func.func @transform_18(%arg0: i32) -> (i32, i32, i32) {
    %c0_i32 = arith.constant 0 : i32
    %c0_i32_0 = arith.constant 0 : i32
    %c0_i32_1 = arith.constant 0 : i32
    return %arg0, %c0_i32, %c0_i32_0 : i32, i32, i32
  }
}

</mosaic_0001>

<sc_bundles>
// kernel: kernel.19.cloned.1.call-start
scs
__scs_entry_jumppad:
0x0: {  	(pc) =	sbr.rel $0x88, $3  }
0x1: {  	(tag) =	ssettag $0x0;
	lr =	simm.s32 $0x1  }
0x2: {  	[smem:$0x3F9D] =	sst lr;
	_ =	strace $0xD0000000  }
0x3: {  	_ = 	snop  }
0x4: {  	_ = 	snop  }
0x5: {  	_ = 	snop  }
0x6: {  	_ = 	snop  }
0x7: {  	_ = 	snop  }
__scs_overlays_trampoline_lowered:
0x8: {  	[smem:$0x3FAC] =	sst s0  }
0x9: {  	[smem:$0x3FAD] =	sst s1  }
0xa: {  	[smem:$0x3FAE] =	sst s2  }
0xb: {  	[smem:$0x3FAF] =	sst s3  }
0xc: {  	[smem:$0x3FB0] =	sst s4  }
0xd: {  	[smem:$0x3FB1] =	sst s5  }
0xe: {  	[smem:$0x3FB2] =	sst s6  }
0xf: {  	[smem:$0x3FB3] =	sst s7  }
0x10: {  	[smem:$0x3FB4] =	sst s8  }
0x11: {  	[smem:$0x3FB5] =	sst s9;
	s0 =	simm.s32 @!p0 $0x0  }
0x12: {  	s1 =	sld [smem:$0x3F9B];
	s0 =	simm.s32 @p0 $0x1  }
0x13: {  	[smem:$0x3FB6] =	sst s0;
	s0 =	simm.s32 @!p1 $0x0  }
0x14: {  	s2 =	sld [smem:$0x3F9A];
	s0 =	simm.s32 @p1 $0x1  }
0x15: {  	[smem:$0x3FB7] =	sst s0;
	s0 =	simm.s32 @!p2 $0x0  }
0x16: {  	s3 =	sld [smem:$0x3FDB];
	s0 =	simm.s32 @p2 $0x1  }
0x17: {  	s4 =	simm.s32 $0x1BF5;
	[smem:$0x3FB9] =	sst s0  }
0x18: {  	s0 =	sld [smem:$0x3F9C];
	_ =	swait.ge [sflag:s4], $0x0  }
0x19: {  	s7 =	sld [smem:$0x3F9D]  }
0x1a: {  	s8 =	sadd.s32 $0xFFFFE003, lr  }
0x1b: {  	s9 =	sadd.s32 $0xFFFFFEF7, lr;
	s5 =	simm.s32 $0xFFFFFFFF;
	p2 =	slt.u32 s8, $0xFFFFF086  }
0x1c: {  	p1 =	slt.u32 s9, $0xF7A;
	s5 =	simm.s32 @!p2 $0x0  }
0x1d: {  	s5 =	simm.s32 @p1 $0x1;
	p0 =	seq.s32 s7, s2  }
0x1e: {  	s7 =	smul.u32 @!p0 $0xF7A, s2;
	p2 =	seq.s32 @!p0 s5, $0x0  }
0x1f: {  	s9 =	smul.u32 $0xF7A, s1;
	s8 =	simm.s32 @!p0 $0x1BF5;
	p2 =	por !p2, p0  }
0x20: {  	[sflag:s8] =	ssyncset.s32 @!p0 $0xFFFFF086;
	s6 =	sadd.s32 @!p0 s3, s7;
	s7 =	simm.s32 @!p0 $0x108  }
0x21: {  	s3 =	sadd.s32 s3, s9;
	s6 =	sadd.s32 @!p0 $0x88, s6;
	s7 =	simm.s32 @p2 $0x1082  }
0x22: {  	[simem:s7], [sflag:s8] =	dma.local @!p0 [hbm:s6], $0xF7A  }
0x23: {  	s9 =	sor.u32 $0xD0000000, s2;
	s6 =	simm.s32 $0x108;
	_ =	swait.ge @!p0 [sflag:s8], $0x0  }
0x24: {  	s3 =	sadd.s32 $0x88, s3;
	s6 =	simm.s32 @!p1 $0x1082;
	[sflag:s4] =	ssyncset.s32 $0xFFFFF086  }
0x25: {  	[simem:s6], [sflag:s4] =	dma.local [hbm:s3], $0xF7A  }
0x26: {  	[smem:$0x3F9D] =	sst s1;
	(tag) =	ssettag s2;
	_ =	strace s9  }
0x27: {  	s1 =	sld [smem:$0x3FAD]  }
0x28: {  	s2 =	sld [smem:$0x3FAE]  }
0x29: {  	s4 =	sld [smem:$0x3FB0]  }
0x2a: {  	p0 =	seq.s32 s5, $0x0;
	s5 =	sld [smem:$0x3FB1]  }
0x2b: {  	s6 =	sld [smem:$0x3FB2]  }
0x2c: {  	s7 =	sld [smem:$0x3FB3]  }
0x2d: {  	s3 =	simm.s32 $0x108;
	s8 =	sld [smem:$0x3FB4]  }
0x2e: {  	s3 =	simm.s32 @!p0 $0x1082;
	s9 =	sld [smem:$0x3FB5]  }
0x2f: {  	lr =	sadd.s32 s0, s3;
	s0 =	sld [smem:$0x3FAC]  }
0x30: {  	s3 =	sld [smem:$0x3FAF]  }
0x31: {  	[smem:$0x3FB8] =	sst s10  }
0x32: {  	s10 =	sld [smem:$0x3FB6];
	_ =	sdelay $0x3  }
0x33: {  	p0 =	seq.s32 s10, $0x1;
	s10 =	sld [smem:$0x3FB8];
	_ =	sdelay $0x3  }
0x34: {  	[smem:$0x3FB8] =	sst s10  }
0x35: {  	s10 =	sld [smem:$0x3FB7];
	_ =	sdelay $0x3  }
0x36: {  	p1 =	seq.s32 s10, $0x1;
	s10 =	sld [smem:$0x3FB8];
	_ =	sdelay $0x3  }
0x37: {  	[smem:$0x3FB8] =	sst s10  }
0x38: {  	s10 =	sld [smem:$0x3FB9]  }
0x39: {  	_ = 	snop;
	(pc) =	sbr.ind lr, $3  }
0x3a: {  	_ = 	snop  }
0x3b: {  	_ = 	snop  }
0x3c: {  	p2 =	seq.s32 s10, $0x1;
	s10 =	sld [smem:$0x3FB8]  }
0x3d: {  	_ =	shalt  }
0x3e: {  	_ =	shalt  }
0x3f: {  	_ =	shalt  }
0x40: {  	_ =	shalt  }
0x41: {  	_ =	shalt  }
0x42: {  	_ =	shalt  }
0x43: {  	_ =	shalt  }
0x44: {  	_ =	shalt  }
0x45: {  	_ =	shalt  }
0x46: {  	_ =	shalt  }
0x47: {  	_ =	shalt  }
0x48: {  	_ =	shalt  }
0x49: {  	_ =	shalt  }
0x4a: {  	_ =	shalt  }
0x4b: {  	_ =	shalt  }
0x4c: {  	_ =	shalt  }
0x4d: {  	_ =	shalt  }
0x4e: {  	_ =	shalt  }
0x4f: {  	_ =	shalt  }
0x50: {  	_ =	shalt  }
0x51: {  	_ =	shalt  }
0x52: {  	_ =	shalt  }
0x53: {  	_ =	shalt  }
0x54: {  	_ =	shalt  }
0x55: {  	_ =	shalt  }
0x56: {  	_ =	shalt  }
0x57: {  	_ =	shalt  }
0x58: {  	_ =	shalt  }
0x59: {  	_ =	shalt  }
0x5a: {  	_ =	shalt  }
0x5b: {  	_ =	shalt  }
0x5c: {  	_ =	shalt  }
0x5d: {  	_ =	shalt  }
0x5e: {  	_ =	shalt  }
0x5f: {  	_ =	shalt  }
0x60: {  	_ =	shalt  }
0x61: {  	_ =	shalt  }
0x62: {  	_ =	shalt  }
0x63: {  	_ =	shalt  }
0x64: {  	_ =	shalt  }
0x65: {  	_ =	shalt  }
0x66: {  	_ =	shalt  }
0x67: {  	_ =	shalt  }
0x68: {  	_ =	shalt  }
0x69: {  	_ =	shalt  }
0x6a: {  	_ =	shalt  }
0x6b: {  	_ =	shalt  }
0x6c: {  	_ =	shalt  }
0x6d: {  	_ =	shalt  }
0x6e: {  	_ =	shalt  }
0x6f: {  	_ =	shalt  }
0x70: {  	_ =	shalt  }
0x71: {  	_ =	shalt  }
0x72: {  	_ =	shalt  }
0x73: {  	_ =	shalt  }
0x74: {  	_ =	shalt  }
0x75: {  	_ =	shalt  }
0x76: {  	_ =	shalt  }
0x77: {  	_ =	shalt  }
0x78: {  	_ =	shalt  }
0x79: {  	_ =	shalt  }
0x7a: {  	_ =	shalt  }
0x7b: {  	_ =	shalt  }
0x7c: {  	_ =	shalt  }
0x7d: {  	_ =	shalt  }
0x7e: {  	_ =	shalt  }
0x7f: {  	_ =	shalt  }
0x80: {  	_ =	shalt  }
0x81: {  	_ =	shalt  }
0x82: {  	_ =	shalt  }
0x83: {  	_ =	shalt  }
0x84: {  	_ =	shalt  }
0x85: {  	_ =	shalt  }
0x86: {  	_ =	shalt  }
0x87: {  	_ =	shalt  }
.Lfunc_end0:
.L_simem_size_0:
called_computation_lowered:
.L_overlay_start_0:
0x88: {  	s2 =	sld [smem:$0x3FD9]  }
0x89: {  	s3 =	sld [smem:$0x3FFE];
	_ =	sdelay $0x1  }
0x8a: {  	s1 =	srdreg.scid  }
0x8b: {  	s0 =	sand.u32 $0x1, s1  }
0x8c: {  	s17 =	sshll.u32 s0, $0xA;
	s2 =	sadd.s32 s3, s2  }
0x8d: {  	s2 =	sadd.s32 s2, s17  }
0x8e: {  	[smem:$0x3FC4] =	sst s2  }
0x8f: {  	_ = 	snop  }
0x90: {  	s2 =	sld [smem:$0x3FD0];
	(tm) =	ssettm $0x1  }
0x91: {  	s18 =	sld [smem:$0x3FFB];
	_ =	sdelay $0x3  }
0x92: {  	_ =	strace s18  }
0x93: {  	s3 =	sld [smem:$0x3FFC];
	_ =	sdelay $0x3  }
0x94: {  	_ =	strace s3  }
0x95: {  	s3 =	sld [smem:$0x3FFD];
	_ =	sdelay $0x3  }
0x96: {  	_ =	strace s3  }
0x97: {  	_ =	strace $0x8FFFFFFF  }
0x98: {  	s19 =	sld [smem:$0x3FDB];
	_ =	sdelay $0x1  }
0x99: {  	s4 =	simm.s32 $_scs_section_size  }
0x9a: {  	s5 =	simm.s32 $_size__tile_overlayer_lowered;
	s6 =	simm.s32 $_tile_overlayer_lowered  }
0x9b: {  	s22 =	simm.s32 $0x1BFF;
	s21 =	sshll.u32 s6, $0x1;
	s3 =	sadd.s32 s4, s19  }
0x9c: {  	s7 =	simm.s32 $0x0;
	s20 =	sshll.u32 s5, $0x1;
	s5 =	sadd.s32 s21, s3  }
0x9d: {  	[timem:s7], [sflag:s22] =	dma.local [hbm:s5], s20  }
0x9e: {  	_ =	swait.ge [sflag:s22], s20  }
0x9f: {  	s4 =	ssub.s32 $0x0, s20;
	[sflag:s22] =	ssyncset.done $0x0  }
0xa0: {  	[sflag:s22] =	ssyncadd.s32 s4;
	_ =	sdelay $0x1  }
0xa1: {  	s23 =	simm.s32 $0x1B8B  }
0xa2: {  	_ =	swait.ge [sflag:s23], $0x1  }
0xa3: {  	[sflag:s23] =	ssyncset.done $0x0  }
0xa4: {  	s25 =	simm.s32 $0x1B8E;
	s24 =	sld [smem:$0x3FFE];
	[sflag:s23] =	ssyncadd.s32 $0xFFFFFFFF  }
0xa5: {  	s26 =	simm.s32 $execute0_lowered;
	[smem:$0x3FD2] =	sst s25  }
0xa6: {  	s5 =	sshll.u32 s26, $0x1;
	_ =	strace $0x80000046;
	[dreg:$0x1] =	wrdreg $0xFFFFFFFF  }
0xa7: {  	s28 =	simm.s32 $_size_execute0_lowered;
	s3 =	sadd.s32 s3, s5;
	[dreg:$0x0] =	wrdreg $0x0  }
0xa8: {  	s5 =	sshll.u32 s28, $0x1;
	[dreg:$0x2] =	wrdreg s3  }
0xa9: {  	[dreg:$0x3] =	wrdreg s5  }
0xaa: {  	[dreg:$0x4] =	wrdreg $0xC0  }
0xab: {  	_ =	task [dreg:s7], $0x5FFFF  }
0xac: {  	[dreg:$0x1] =	wrdreg $0xFFFFFFFF  }
0xad: {  	[dreg:$0x0] =	wrdreg $0x60  }
0xae: {  	[dreg:$0x2] =	wrdreg s24  }
0xaf: {  	[dreg:$0x3] =	wrdreg s2  }
0xb0: {  	[dreg:$0x4] =	wrdreg $0x9  }
0xb1: {  	_ =	task.clear_ibuf [dreg:s7], $0x5FFFF;
	_ =	strace $0x90000046  }
0xb2: {  	s29 =	simm.s32 $0x9;
	_ =	strace $0x80000048  }
0xb3: {  	_ =	swait.ge [sflag:s29], $0x1  }
0xb4: {  	[sflag:s29] =	ssyncadd.s32 $0xFFFFFFFF  }
0xb5: {  	_ =	strace $0x90000048  }
0xb6: {  	_ =	sfence  }
0xb7: {  	s30 =	sld [smem:$0x0];
	_ =	sdelay $0x2  }
0xb8: {  	s31 =	sshll.u32 s1, $0xD;
	s1 =	sshrl.u32 s1, $0x2  }
0xb9: {  	s3 =	sand.u32 $0x4000, s31;
	s1 =	sadd.s32 s1, s30  }
0xba: {  	s0 =	sor.u32 s3, s0;
	s1 =	sshll.u32 s1, $0x11  }
0xbb: {  	s0 =	sor.u32 s1, s0  }
0xbc: {  	s0 =	sadd.s32 $0x8F2B, s0  }
0xbd: {  	[sflag:s0] =	ssyncadd.remote.s32 $0x1  }
0xbe: {  	_ =	sfence.sel $0xFFFF  }
0xbf: {  	[dreg:$0x0] =	wrdreg $0xFFFFFFFF;
	(pc) =	sbr.abs _section_cstart, $3  }
0xc0: {  	[dreg:$0x1] =	wrdreg $0xFFFFFFFF  }
0xc1: {  	_ =	task.clear_ibuf [dreg:s7], $0x2FFFF;
	_ =	strace $0x9FFFFFFF  }
0xc2: {  	(tm) =	ssettm $0x7FFFFFFF  }
0xc3: {  	_ =	shalt  }
tec
execute0_lowered:
.L_overlay_start_1:
0x0: {  	(tag) =	ssettag $0x1  }
0x1: {  	s0 =	srdreg.scid  }
0x2: {  	s4 =	sand.u32 $0x1, s0;
	s0 =	stileid.u32  }
0x3: {  	s5 =	sor.u32 s0, s4  }
0x4: {  	p0 =	sne.s32 s5, $0x0  }
.Ltmp0:
0x5: {  	_ = 	snop;
	(pc) =	sbr.rel @p0 .LBB2_3-.Ltmp0, $4  }
0x6: {  	_ = 	snop  }
0x7: {  	s3 =	rddreg [dreg:$0x0]  }
0x8: {  	s2 =	rddreg [dreg:$0x1]  }
0x9: {  	s1 =	rddreg [dreg:$0x2];
	_ =	strace $0x80000047  }
0xa: {  	vm0 =	vmmov $0x1;
	v0 =	vimm.s32 $0x0;
	v1 =	vimm.f32 $0.0e+00  }
0xb: {  	s4 =	ssub.s32 $0x2, s4;
	vm7 =	vcmask $0x2B30;
	vm8 =	vcmask $0x3F30;
	vm9 =	vcmask $0x2F34  }
0xc: {  	s3 =	sadd.s32 $0x2800, s3;
	vm10 =	vcmask $0x3F34;
	vm11 =	vcmask $0x3338;
	vm12 =	vcmask $0x3F38;
	s6 =	simm.s32 $0x1;
	s5 =	sshrl.u32 s4, $0x1  }
0xd: {  	s7 =	simm.s32 $0x80;
	vm13 =	vcmask $0x373C;
	vm14 =	vcmask $0x3F3C;
	vm15 =	vmmov $0x7fff;
	s4 =	ssub.s32 s4, s5;
	s5 =	simm.s32 $0x0  }
.LBB2_2:
0xe: {  	[tilespmem:s5], [sflag:$0x1] =	stream.linear.gather [hbm4b:s3+s5], $0x80, $0x38;
	[tilespmem:$0x100] =	vst v63  }
0xf: {  	_ =	swait.ge [sflag:s6], $0x80  }
0x10: {  	[sflag:s6] =	ssyncset.done $0x0  }
0x11: {  	[sflag:s6] =	ssyncadd.s32 $0xFFFFFF80  }
0x12: {  	v2 =	vld [tilespmem:$0x0];
	_ =	sdelay $0x4  }
0x13: {  	v3 =	vnsel vm0, $0x0, v2  }
0x14: {  	(xrf2) =	vadd.scan.msk.f32 $0xffff, v3  }
0x15: {  	vm1 =	vcmask $0x308  }
0x16: {  	v3 =	vsel vm1, $0x0, v2;
	vm1 =	vcmask $0x70C  }
0x17: {  	(xrf2) =	vadd.scan.msk.f32 $0xffff, v3;
	v3 =	vsel vm1, $0x0, v2;
	vm1 =	vcmask $0xB10  }
0x18: {  	(xrf2) =	vadd.scan.msk.f32 $0xffff, v3;
	v3 =	vsel vm1, $0x0, v2;
	vm1 =	vcmask $0xF14  }
0x19: {  	(xrf2) =	vadd.scan.msk.f32 $0xffff, v3;
	v3 =	vsel vm1, $0x0, v2  }
0x1a: {  	(xrf2) =	vadd.scan.msk.f32 $0xffff, v3;
	_ =	sdelay $0x3  }
0x1b: {  	v4, _, _ =	vpop (xrf2)  }
0x1c: {  	vm2 =	vcmask $0x171C;
	v3 =	vbroadcast v4, $0xF  }
0x1d: {  	vm3 =	vcmask $0x3F04;
	vm4 =	vcmask $0x3F08;
	vm1 =	vcmask $0x1318  }
0x1e: {  	vm5 =	vcmask $0x3F14;
	v5 =	vsel vm1, $0x0, v2;
	v41, _, _ =	vpop (xrf2);
	vm1 =	veq.f32 v3, v2  }
0x1f: {  	v4 =	vbroadcast v41, $0xF;
	v43, _, _ =	vpop (xrf2);
	vm1 =	vmand vm1, vm3;
	vm3 =	vcmask $0x1B20  }
0x20: {  	v42 =	vsel vm2, $0x0, v2;
	(xrf2) =	vadd.scan.msk.f32 $0xffff, v5;
	vm2 =	vgt.f32 v3, v2;
	v45, _, _ =	vpop (xrf2);
	v3 =	vsel vm3, $0x0, v2  }
0x21: {  	(xrf2) =	vadd.scan.msk.f32 $0xffff, v42;
	v7, _, _ =	vpop (xrf2);
	vm1 =	vmor vm2, vm1;
	vm2 =	veq.f32 v4, v2;
	vm3 =	vcmask $0x1F24  }
0x22: {  	v7 =	vbroadcast v7, $0xF;
	(xrf2) =	vadd.scan.msk.f32 $0xffff, v3;
	v3 =	vsel vm3, $0x0, v2;
	vm3 =	vgt.f32 v4, v2  }
0x23: {  	vm2 =	vmand vm2, vm4;
	vm4 =	vcmask $0x2328;
	v4 =	vbroadcast v43, $0xF  }
0x24: {  	(xrf2) =	vadd.scan.msk.f32 $0xffff, v3;
	v3 =	vsel vm4, $0x0, v2;
	vm2 =	vmor vm3, vm2;
	vm3 =	vcmask $0x272C  }
0x25: {  	v44 =	vsel vm1, $0x1, v0;
	vm4 =	vgt.f32 v7, v2;
	(xrf2) =	vadd.scan.msk.f32 $0xffff, v3;
	v3 =	vsel vm3, $0x0, v2  }
0x26: {  	v6 =	vsel vm2, $0x1, v0;
	vm1 =	vgt.f32 v4, v2;
	vm2 =	veq.f32 v4, v2  }
0x27: {  	vm3 =	vcmask $0x3F0C;
	v4 =	vbroadcast v45, $0xF;
	(xrf2) =	vadd.scan.msk.f32 $0xffff, v3;
	v3 =	vsel vm7, $0x0, v2  }
0x28: {  	vm2 =	vmand vm2, vm3;
	vm3 =	vcmask $0x3F10;
	(xrf2) =	vadd.scan.msk.f32 $0xffff, v3;
	v3 =	vsel vm9, $0x0, v2  }
0x29: {  	vm1 =	vmor vm1, vm2;
	vm2 =	vgt.f32 v4, v2;
	(xrf2) =	vadd.scan.msk.f32 $0xffff, v3;
	v3 =	vsel vm11, $0x0, v2  }
0x2a: {  	v8 =	vsel vm1, $0x1, v0;
	vm1 =	veq.f32 v4, v2;
	(xrf2) =	vadd.scan.msk.f32 $0xffff, v3;
	v3 =	vsel vm13, $0x0, v2  }
0x2b: {  	v46, _, _ =	vpop (xrf2);
	vm1 =	vmand vm1, vm3;
	vm3 =	veq.f32 v7, v2;
	(xrf2) =	vadd.scan.msk.f32 $0xffff, v3;
	v3 =	vsel vm15, $0x0, v2  }
0x2c: {  	v4 =	vbroadcast v46, $0xF;
	vm3 =	vmand vm3, vm5;
	vm1 =	vmor vm2, vm1  }
0x2d: {  	(xrf2) =	vadd.scan.msk.f32 $0xffff, v3;
	vm2 =	vmor vm4, vm3;
	v10 =	vsel vm1, $0x1, v0  }
0x2e: {  	vm4 =	vcmask $0x3F18;
	v11 =	vsel vm2, $0x1, v0;
	vm2 =	veq.f32 v4, v2;
	v3, _, _ =	vpop (xrf2)  }
0x2f: {  	vm1 =	vgt.f32 v4, v2;
	vm2 =	vmand vm2, vm4;
	v47, _, _ =	vpop (xrf2);
	v3 =	vbroadcast v3, $0xF  }
0x30: {  	vm6 =	vcmask $0x3F2C;
	vm5 =	vcmask $0x3F1C;
	vm1 =	vmor vm1, vm2;
	v9, _, _ =	vpop (xrf2)  }
0x31: {  	v48 =	vbroadcast v47, $0xF;
	v14 =	vsel vm1, $0x1, v0;
	v12, _, _ =	vpop (xrf2);
	vm3 =	veq.f32 v3, v2  }
0x32: {  	vm4 =	vgt.f32 v3, v2;
	v50 =	vbroadcast v9, $0xF;
	v49, _, _ =	vpop (xrf2);
	vm3 =	vmand vm3, vm5  }
0x33: {  	vm5 =	vcmask $0x3F20;
	v3, _, _ =	vpop (xrf2);
	vm2 =	vmor vm4, vm3;
	vm3 =	veq.f32 v48, v2  }
0x34: {  	v12 =	vbroadcast v12, $0xF;
	vm4 =	vgt.f32 v48, v2;
	v13, _, _ =	vpop (xrf2);
	vm3 =	vmand vm3, vm5  }
0x35: {  	v52 =	vbroadcast v49, $0xF;
	v15 =	vsel vm2, $0x1, v0;
	v51, _, _ =	vpop (xrf2);
	vm1 =	vmor vm4, vm3  }
0x36: {  	vm3 =	vcmask $0x3F24;
	v16, _, _ =	vpop (xrf2);
	v17 =	vsel vm1, $0x1, v0;
	vm1 =	veq.f32 v50, v2  }
0x37: {  	vm2 =	vgt.f32 v50, v2;
	vm4 =	vcmask $0x3F28;
	vm1 =	vmand vm1, vm3;
	v53, _, _ =	vpop (xrf2)  }
0x38: {  	vm1 =	vmor vm2, vm1;
	vm2 =	veq.f32 v12, v2;
	v7 =	vbroadcast v53, $0xF  }
0x39: {  	v3 =	vbroadcast v3, $0xF;
	vm2 =	vmand vm2, vm4;
	vm4 =	veq.f32 v52, v2  }
0x3a: {  	vm5 =	vgt.f32 v52, v2;
	vm4 =	vmand vm4, vm6;
	vm6 =	vgt.f32 v7, v2  }
0x3b: {  	v58 =	vbroadcast v13, $0xF;
	v59 =	vbroadcast v51, $0xF;
	v54 =	vsel vm6, $0x1, v0  }
0x3c: {  	vm3 =	vgt.f32 v12, v2;
	v62 =	vbroadcast v16, $0xF;
	v4 =	vadd.s32 v54, v6  }
0x3d: {  	v55 =	vsel vm1, $0x1, v0;
	vm1 =	veq.f32 v3, v2;
	v4 =	vadd.s32 v44, v4  }
0x3e: {  	vm2 =	vmor vm3, vm2;
	vm3 =	vmor vm5, vm4;
	v4 =	vadd.s32 v8, v4  }
0x3f: {  	v56 =	vsel vm2, $0x1, v0;
	vm2 =	vgt.f32 v3, v2;
	v3 =	vadd.s32 v10, v4  }
0x40: {  	vm1 =	vmand vm1, vm8;
	v57 =	vsel vm3, $0x1, v0;
	v3 =	vadd.s32 v11, v3  }
0x41: {  	vm1 =	vmor vm2, vm1;
	vm2 =	veq.f32 v58, v2;
	v3 =	vadd.s32 v14, v3  }
0x42: {  	vm3 =	vgt.f32 v58, v2;
	vm2 =	vmand vm2, vm10;
	v3 =	vadd.s32 v15, v3  }
0x43: {  	v60 =	vsel vm1, $0x1, v0;
	vm1 =	veq.f32 v59, v2;
	v3 =	vadd.s32 v17, v3  }
0x44: {  	vm2 =	vmor vm3, vm2;
	vm1 =	vmand vm1, vm12;
	v3 =	vadd.s32 v55, v3  }
0x45: {  	v61 =	vsel vm2, $0x1, v0;
	vm2 =	vgt.f32 v59, v2;
	v3 =	vadd.s32 v56, v3  }
0x46: {  	vm1 =	vmor vm2, vm1;
	vm2 =	veq.f32 v62, v2;
	v3 =	vadd.s32 v57, v3  }
0x47: {  	vm3 =	vgt.f32 v62, v2;
	vm2 =	vmand vm2, vm14;
	v2 =	vadd.s32 v60, v3  }
0x48: {  	v3 =	vsel vm1, $0x1, v0;
	vm1 =	vmor vm3, vm2;
	v2 =	vadd.s32 v61, v2  }
0x49: {  	v63 =	vsel vm1, $0x1, v0;
	v2 =	vadd.s32 v3, v2  }
0x4a: {  	v2 =	vadd.s32 v63, v2  }
0x4b: {  	vm1 =	vlt.u32 v2, $0x8  }
0x4c: {  	p0 =	sne.s32 s4, $0x1;
	v2 =	vsel vm1, $0x3F800000, v1  }
.Ltmp1:
0x4d: {  	[tilespmem:$0x80] =	vst v2;
	(pc) =	sbr.rel @p0 .LBB2_2-.Ltmp1, $4  }
0x4e: {  	[hbm4b:s2+s5] =	stream.linear.scatter [tilespmem:s7], [sflag:$0x1], $0x80, $0x38;
	[tilespmem:$0x100] =	vst v63  }
0x4f: {  	_ =	swait.ge [sflag:s6], $0x80  }
0x50: {  	[sflag:s6] =	ssyncset.done $0x0  }
0x51: {  	s4 =	sadd.s32 $0xFFFFFFFF, s4;
	[sflag:s6] =	ssyncadd.s32 $0xFFFFFF80  }
.LBB2_3:
0x52: {  	_ =	sfence.sel $0x180000  }
0x53: {  	[bflag:$0x0] =	sbarrier.arrive $0xFFFF  }
0x54: {  	p0 =	sne.s32 s0, $0x0;
	_ =	strace $0x90000047  }
0x55: {  	s0 =	sadd.s32 @!p0 $0x100000, s1;
	[bflag:$0x2] =	sbarrier.arrive $0xFFFF  }
0x56: {  	[sflag:s0] =	ssyncadd.tile.s32 @!p0 $0x1;
	_ =	shalt  }
.Lfunc_end2:
_tile_overlayer_lowered:
.L_overlay_start_2:
0x57: {  	(tag) =	ssettag $0x2  }
0x58: {  	s0 =	rddreg [dreg:$0x0];
	s2 =	stileid.u32  }
0x59: {  	s1 =	rddreg [dreg:$0x1];
	p0 =	sne.s32 s2, $0x0  }
0x5a: {  	s3 =	rddreg [dreg:$0x2];
	[bflag:$0x3] =	sbarrier.arrive $0xFFFF;
	s2 =	simm.s32 @!p0 $0x1C01  }
0x5b: {  	[timem:s3], [sflag:s2] =	dma.local @!p0 [hbm:s0], s1  }
0x5c: {  	s0 =	simm.s32 @!p0 $0x1  }
0x5d: {  	_ =	swait.ge @!p0 [sflag:s0], s1  }
0x5e: {  	s1 =	ssub.s32 @!p0 $0x0, s1;
	[sflag:s0] =	ssyncset.done @!p0 $0x0  }
0x5f: {  	[sflag:s0] =	ssyncadd.s32 @!p0 s1  }
0x60: {  	[bflag:$0x3] =	sbarrier.arrive $0xFFFF  }
0x61: {  	_ =	shalt  }

</sc_bundles>
